<compile_context>
chip_gen: v7x
topology: tpu7x:2x2x1
jax: 0.10.2.dev20260603
libtpu: 0.0.44.dev20260713+nightly
codegen_flags: <defaults>
</compile_context>

<pallas_src>
import functools

import jax
import jax.numpy as jnp
from jax import lax
from jax.experimental import pallas as pl
from jax.experimental.pallas import tpu as pltpu
import jax.experimental.pallas.tpu_sc as plsc

V = 1000
VP = 1024
E = 256
H = 1024
G = 4 * H
C = 2
B = 4
T = 2048
N = B * T


_PROJ_BM = 128


def _proj_body(emb_ref, w_ref, b_ref, out_ref):
    p = jnp.dot(emb_ref[...], w_ref[...], preferred_element_type=jnp.float32)
    par = lax.broadcasted_iota(jnp.int32, (_PROJ_BM, 1), 0) % 2
    even = p[:, :G] + b_ref[0:1, :]
    odd = p[:, G:] + b_ref[1:2, :]
    out_ref[...] = jnp.where(par == 0, even, odd)


def _proj_table(emb_p, wih_cat, bias2):
    return pl.pallas_call(
        _proj_body,
        grid=(VP // _PROJ_BM,),
        in_specs=[
            pl.BlockSpec((_PROJ_BM, E), lambda i: (i, 0)),
            pl.BlockSpec((E, C * G), lambda i: (0, 0)),
            pl.BlockSpec((C, G), lambda i: (0, 0)),
        ],
        out_specs=pl.BlockSpec((_PROJ_BM, G), lambda i: (i, 0)),
        out_shape=jax.ShapeDtypeStruct((VP, G), jnp.float32),
    )(emb_p, wih_cat, bias2)



_NW = 32
_ROWS_PER_W = N // _NW
_CH = 8
_NCH = _ROWS_PER_W // _CH


def _sc_gather(table, idx):
    mesh = plsc.VectorSubcoreMesh(core_axis_name="c", subcore_axis_name="s")

    @functools.partial(
        pl.kernel,
        out_type=jax.ShapeDtypeStruct((N, G), jnp.float32),
        mesh=mesh,
        scratch_types=[
            pltpu.VMEM((_ROWS_PER_W,), jnp.int32),
            pltpu.VMEM((_CH, G), jnp.float32),
            pltpu.VMEM((_CH, G), jnp.float32),
            pltpu.SemaphoreType.DMA,
            pltpu.SemaphoreType.DMA,
        ],
    )
    def gather_k(table_hbm, idx_hbm, out_hbm, idx_v, rows0, rows1, sem0, sem1):
        wid = lax.axis_index("s") * 2 + lax.axis_index("c")
        base = wid * _ROWS_PER_W
        pltpu.sync_copy(idx_hbm.at[pl.ds(base, _ROWS_PER_W)], idx_v)
        bufs = (rows0, rows1)
        sems = (sem0, sem1)

        def start(k):
            pltpu.make_async_copy(
                table_hbm.at[idx_v.at[pl.ds(k * _CH, _CH)]],
                bufs[k % 2], sems[k % 2]).start()

        start(0)
        for k in range(_NCH):
            if k + 1 < _NCH:
                start(k + 1)
            pltpu.make_async_copy(
                table_hbm.at[idx_v.at[pl.ds(k * _CH, _CH)]],
                bufs[k % 2], sems[k % 2]).wait()
            pltpu.sync_copy(bufs[k % 2],
                            out_hbm.at[pl.ds(base + k * _CH, _CH)])

    return gather_k(table, idx)



_TCH = 128


def _rec_body(cm_ref, ih_ref, whh_ref, hs_ref, h_ref, c_ref):
    blk = pl.program_id(0)

    @pl.when(blk == 0)
    def _():
        h_ref[...] = jnp.zeros((B, H), jnp.float32)
        c_ref[...] = jnp.zeros((B, H), jnp.float32)

    def one_step(tt, h, c):
        ih = ih_ref[tt]
        hh = jnp.dot(h.astype(jnp.bfloat16), whh_ref[...],
                     preferred_element_type=jnp.float32)
        m = cm_ref[tt]
        g = ih + jnp.where(m > 0.5, hh[:, G:], hh[:, :G])
        i = jax.nn.sigmoid(g[:, 0 * H:1 * H])
        f = jax.nn.sigmoid(g[:, 1 * H:2 * H])
        gg = jnp.tanh(g[:, 2 * H:3 * H])
        o = jax.nn.sigmoid(g[:, 3 * H:4 * H])
        c2 = f * c + i * gg
        h2 = o * jnp.tanh(c2)
        hs_ref[tt] = h2.astype(jnp.bfloat16)
        return h2, c2

    def step(u, carry):
        h, c = carry
        for k in range(8):
            h, c = one_step(8 * u + k, h, c)
        return (h, c)

    h, c = lax.fori_loop(0, _TCH // 8, step, (h_ref[...], c_ref[...]))
    h_ref[...] = h
    c_ref[...] = c


def _recurrence(cellf, ih3, whh_b):
    return pl.pallas_call(
        _rec_body,
        grid=(T // _TCH,),
        in_specs=[
            pl.BlockSpec((_TCH, B, 1), lambda i: (i, 0, 0)),
            pl.BlockSpec((_TCH, B, G), lambda i: (i, 0, 0)),
            pl.BlockSpec((H, C * G), lambda i: (0, 0)),
        ],
        out_specs=pl.BlockSpec((_TCH, B, H), lambda i: (i, 0, 0)),
        out_shape=jax.ShapeDtypeStruct((T, B, H), jnp.bfloat16),
        scratch_shapes=[
            pltpu.VMEM((B, H), jnp.float32),
            pltpu.VMEM((B, H), jnp.float32),
        ],
        compiler_params=pltpu.CompilerParams(
            vmem_limit_bytes=112 * 1024 * 1024,
        ),
    )(cellf, ih3, whh_b)



_DEC_BM = 512


def _dec_body(h_ref, w_ref, b_ref, out_ref):
    d = jnp.dot(h_ref[...], w_ref[...], preferred_element_type=jnp.float32)
    d = d + b_ref[...]
    mx = jnp.max(d, axis=1, keepdims=True)
    z = d - mx
    s = jnp.sum(jnp.exp(z), axis=1, keepdims=True)
    out_ref[...] = (z - jnp.log(s))[:, :V]


def _decoder(hs2, w_p, b_p):
    return pl.pallas_call(
        _dec_body,
        grid=(N // _DEC_BM,),
        in_specs=[
            pl.BlockSpec((_DEC_BM, H), lambda i: (i, 0)),
            pl.BlockSpec((H, VP), lambda i: (0, 0)),
            pl.BlockSpec((1, VP), lambda i: (0, 0)),
        ],
        out_specs=pl.BlockSpec((_DEC_BM, V), lambda i: (i, 0)),
        out_shape=jax.ShapeDtypeStruct((N, V), jnp.float32),
    )(hs2, w_p, b_p)




def kernel(x, emb_table, W_ih, W_hh, b_ih, b_hh, W_out, b_out):
    wih_cat = jnp.concatenate([W_ih[0].T, W_ih[1].T], axis=1)
    bias2 = b_ih + b_hh
    emb_p = jnp.pad(emb_table, ((0, VP - V), (0, 0)))

    proj = _proj_table(emb_p, wih_cat, bias2)

    idx = x.T.reshape(-1).astype(jnp.int32)
    ih = _sc_gather(proj, idx)

    whh_cat = jnp.concatenate([W_hh[0].T, W_hh[1].T], axis=1)
    cellm = (x % 2).astype(jnp.float32).T.reshape(T, B, 1)
    hs = _recurrence(cellm, ih.reshape(T, B, G),
                     whh_cat.astype(jnp.bfloat16))

    hs2 = hs.transpose(1, 0, 2).reshape(N, H)
    w_p = jnp.pad(W_out, ((0, VP - V), (0, 0))).T.astype(jnp.bfloat16)
    b_p = jnp.pad(b_out, (0, VP - V), constant_values=-1e30).reshape(1, VP)
    return _decoder(hs2, w_p, b_p)

# --- scband reference (transcript-rebuilt; emitter-appended) ---
"""Pipeline reference for scband-lstmlanguage-model2-88691074663186 (READ-ONLY COPY).

The authoritative reference and input builder live on the scoring server;
editing this copy changes nothing except your own understanding.
"""

import jax, jax.numpy as jnp
import numpy as np

V = 1000
E = 256
H = 1024
B = 4
T = 2048
C = 2

def setup_inputs(seed: int = 0):
    key = jax.random.key(seed)
    ks = jax.random.split(key, 6)
    x = jax.random.randint(ks[0], (B, T), 0, V)
    emb_table = jax.random.normal(ks[1], (V, E), dtype=jnp.float32) * 0.02
    W_ih = jax.random.normal(ks[2], (C, 4 * H, E), dtype=jnp.float32) * (1.0 / np.sqrt(E))
    W_hh = jax.random.normal(ks[3], (C, 4 * H, H), dtype=jnp.float32) * (1.0 / np.sqrt(H))
    b_ih = jnp.zeros((C, 4 * H), dtype=jnp.float32)
    b_hh = jnp.zeros((C, 4 * H), dtype=jnp.float32)
    W_out = jax.random.normal(ks[4], (V, H), dtype=jnp.float32) * (1.0 / np.sqrt(H))
    b_out = jnp.zeros((V,), dtype=jnp.float32)
    return {"x": x, "emb_table": emb_table, "W_ih": W_ih, "W_hh": W_hh, "b_ih": b_ih, "b_hh": b_hh, "W_out": W_out, "b_out": b_out}

def _mlstm(x, embedded, W_ih, W_hh, b_ih, b_hh):
    Bx, Tx = x.shape
    Hh = W_hh.shape[2]
    Cc = W_ih.shape[0]
    # paren_mLSTM: each token is routed to one of num_cells LSTM cells based on
    # its vocab assignment (default: token_id % num_cells); hidden/cell state is shared.
    cell_ids = jnp.mod(x, Cc)
    onehot = jax.nn.one_hot(cell_ids, Cc, dtype=embedded.dtype)  # [B, T, C]

    def step(carry, inputs):
        h, c = carry
        e_t, oh_t = inputs  # [B, E], [B, C]
        gates = (jnp.einsum('be,cge->cbg', e_t, W_ih) + b_ih[:, None, :]
                 + jnp.einsum('bh,cgh->cbg', h, W_hh) + b_hh[:, None, :])  # [C, B, 4H]
        g = jnp.einsum('cbg,bc->bg', gates, oh_t)  # select per-sample cell
        i = jax.nn.sigmoid(g[:, 0 * Hh:1 * Hh])
        f = jax.nn.sigmoid(g[:, 1 * Hh:2 * Hh])
        gg = jnp.tanh(g[:, 2 * Hh:3 * Hh])
        o = jax.nn.sigmoid(g[:, 3 * Hh:4 * Hh])
        c_new = f * c + i * gg
        h_new = o * jnp.tanh(c_new)
        return (h_new, c_new), h_new

    h0 = jnp.zeros((Bx, Hh), dtype=embedded.dtype)
    c0 = jnp.zeros((Bx, Hh), dtype=embedded.dtype)
    (hT, cT), hs = jax.lax.scan(step, (h0, c0), (jnp.swapaxes(embedded, 0, 1), jnp.swapaxes(onehot, 0, 1)))
    return jnp.swapaxes(hs, 0, 1), (hT, cT)

def reference(x, emb_table, W_ih, W_hh, b_ih, b_hh, W_out, b_out):
    embedded = jnp.take(emb_table, x, axis=0)  # [B, T, E]
    lstm_output, hdn = _mlstm(x, embedded, W_ih, W_hh, b_ih, b_hh)  # [B, T, H]
    reshaped = lstm_output.reshape(-1, lstm_output.shape[2])  # [B*T, H]
    decoded = reshaped @ W_out.T + b_out  # [B*T, V]
    logits = jax.nn.log_softmax(decoded, axis=1)
    return logits

if __name__ == "__main__":
    import jax
    _d = setup_inputs()
    print(jax.jit(kernel)(*tuple(_d.values())))

</pallas_src>

<mosaic_0001>
#map = affine_map<(d0, d1) -> (0, 0)>
#map1 = affine_map<(d0, d1) -> (0)>
module attributes {stable_mosaic.version = 14 : i64} {
  func.func @gather_k(%arg0: i32, %arg1: i32, %arg2: memref<1024x4096xf32, #tpu.memory_space<hbm>>, %arg3: memref<8192xi32, #tpu.memory_space<hbm>>, %arg4: memref<8192x4096xf32, #tpu.memory_space<hbm>>, %arg5: memref<256xi32, #tpu.memory_space<vmem>>, %arg6: memref<8x4096xf32, #tpu.memory_space<vmem>>, %arg7: memref<8x4096xf32, #tpu.memory_space<vmem>>, %arg8: memref<!tpu.dma_semaphore, #tpu.memory_space<semaphore_mem>>, %arg9: memref<!tpu.dma_semaphore, #tpu.memory_space<semaphore_mem>>) attributes {dimension_semantics = [#tpu.dimension_semantics<core_parallel>, #tpu.dimension_semantics<subcore_parallel>], iteration_bounds = array<i64: 2, 16>, scalar_prefetch = 0 : i64, scratch_operands = 5 : i64, tpu.core_type = #tpu.core_type<sc_vector_subcore>, window_params = [{transform_indices = #map}, {transform_indices = #map1}, {transform_indices = #map}]} {
    %mul3A = arith.constant 2 : i32
    %mul3A_0 = arith.muli %arg1, %mul3A : i32
    %add3A = arith.addi %mul3A_0, %arg0 : i32
    %mul3A_1 = arith.constant 256 : i32
    %mul3A_2 = arith.muli %add3A, %mul3A_1 : i32
    "tpu.region"() ({
      %run_scoped3A = tpu.sem_alloc : memref<!tpu.dma_semaphore, #tpu.memory_space<semaphore_mem>>
      %dma_start3A_385 = tpu.memref_slice %arg3[%mul3A_2] : memref<8192xi32, #tpu.memory_space<hbm>> -> memref<256xi32, #tpu.memory_space<hbm>>
      %dma_start3A_386 = tpu.memref_slice %arg3[%mul3A_2] : memref<8192xi32, #tpu.memory_space<hbm>> -> memref<256xi32, #tpu.memory_space<hbm>>
      tpu.enqueue_dma source(%dma_start3A_386 : memref<256xi32, #tpu.memory_space<hbm>>) target(%arg5 : memref<256xi32, #tpu.memory_space<vmem>>) target_semaphore(%run_scoped3A : memref<!tpu.dma_semaphore, #tpu.memory_space<semaphore_mem>>)
      %dma_wait3A_387 = tpu.memref_slice %arg3[%mul3A_2] : memref<8192xi32, #tpu.memory_space<hbm>> -> memref<256xi32, #tpu.memory_space<hbm>>
      %dma_wait3A_388 = tpu.memref_slice %arg3[%mul3A_2] : memref<8192xi32, #tpu.memory_space<hbm>> -> memref<256xi32, #tpu.memory_space<hbm>>
      tpu.wait_dma2 semaphore(%run_scoped3A : memref<!tpu.dma_semaphore, #tpu.memory_space<semaphore_mem>>) src(%dma_wait3A_388 : memref<256xi32, #tpu.memory_space<hbm>>) dst(%arg5 : memref<256xi32, #tpu.memory_space<vmem>>)
      tpu.yield
    }) : () -> ()
    %dma_start3A = arith.constant 0 : i32
    %dma_start3A_3 = tpu.memref_slice %arg5[%dma_start3A] : memref<256xi32, #tpu.memory_space<vmem>> -> memref<8xi32, #tpu.memory_space<vmem>>
    %dma_start3A_4 = arith.constant 0 : i32
    %dma_start3A_5 = arith.constant 0 : i32
    %dma_start3A_6 = tpu.memref_slice %arg2[%dma_start3A_4, %dma_start3A_5] : memref<1024x4096xf32, #tpu.memory_space<hbm>> -> memref<1024x4096xf32, #tpu.memory_space<hbm>>
    tpu.enqueue_indirect_dma source(%dma_start3A_6 : memref<1024x4096xf32, #tpu.memory_space<hbm>>) target(%arg6 : memref<8x4096xf32, #tpu.memory_space<vmem>>) offsets(%dma_start3A_3 : memref<8xi32, #tpu.memory_space<vmem>>) semaphore(%arg8 : memref<!tpu.dma_semaphore, #tpu.memory_space<semaphore_mem>>)
    %dma_start3A_7 = arith.constant 8 : i32
    %dma_start3A_8 = tpu.memref_slice %arg5[%dma_start3A_7] : memref<256xi32, #tpu.memory_space<vmem>> -> memref<8xi32, #tpu.memory_space<vmem>>
    %dma_start3A_9 = arith.constant 0 : i32
    %dma_start3A_10 = arith.constant 0 : i32
    %dma_start3A_11 = tpu.memref_slice %arg2[%dma_start3A_9, %dma_start3A_10] : memref<1024x4096xf32, #tpu.memory_space<hbm>> -> memref<1024x4096xf32, #tpu.memory_space<hbm>>
    tpu.enqueue_indirect_dma source(%dma_start3A_11 : memref<1024x4096xf32, #tpu.memory_space<hbm>>) target(%arg7 : memref<8x4096xf32, #tpu.memory_space<vmem>>) offsets(%dma_start3A_8 : memref<8xi32, #tpu.memory_space<vmem>>) semaphore(%arg9 : memref<!tpu.dma_semaphore, #tpu.memory_space<semaphore_mem>>)
    %dma_wait3A = arith.constant 0 : i32
    %dma_wait3A_12 = tpu.memref_slice %arg5[%dma_wait3A] : memref<256xi32, #tpu.memory_space<vmem>> -> memref<8xi32, #tpu.memory_space<vmem>>
    %dma_wait3A_13 = arith.constant 0 : i32
    %dma_wait3A_14 = arith.constant 0 : i32
    %dma_wait3A_15 = tpu.memref_slice %arg2[%dma_wait3A_13, %dma_wait3A_14] : memref<1024x4096xf32, #tpu.memory_space<hbm>> -> memref<1024x4096xf32, #tpu.memory_space<hbm>>
    tpu.wait_indirect_dma semaphore(%arg8 : memref<!tpu.dma_semaphore, #tpu.memory_space<semaphore_mem>>) src(%dma_wait3A_15 : memref<1024x4096xf32, #tpu.memory_space<hbm>>) dst(%arg6 : memref<8x4096xf32, #tpu.memory_space<vmem>>)
    %add3A_16 = arith.constant 0 : i32
    %add3A_17 = arith.addi %mul3A_2, %add3A_16 : i32
    "tpu.region"() ({
      %run_scoped3A = tpu.sem_alloc : memref<!tpu.dma_semaphore, #tpu.memory_space<semaphore_mem>>
      %dma_start3A_385 = arith.constant 0 : i32
      %dma_start3A_386 = tpu.memref_slice %arg4[%add3A_17, %dma_start3A_385] : memref<8192x4096xf32, #tpu.memory_space<hbm>> -> memref<8x4096xf32, #tpu.memory_space<hbm>>
      %dma_start3A_387 = arith.constant 0 : i32
      %dma_start3A_388 = tpu.memref_slice %arg4[%add3A_17, %dma_start3A_387] : memref<8192x4096xf32, #tpu.memory_space<hbm>> -> memref<8x4096xf32, #tpu.memory_space<hbm>>
      tpu.enqueue_dma source(%arg6 : memref<8x4096xf32, #tpu.memory_space<vmem>>) target(%dma_start3A_388 : memref<8x4096xf32, #tpu.memory_space<hbm>>) target_semaphore(%run_scoped3A : memref<!tpu.dma_semaphore, #tpu.memory_space<semaphore_mem>>)
      %dma_wait3A_389 = arith.constant 0 : i32
      %dma_wait3A_390 = tpu.memref_slice %arg4[%add3A_17, %dma_wait3A_389] : memref<8192x4096xf32, #tpu.memory_space<hbm>> -> memref<8x4096xf32, #tpu.memory_space<hbm>>
      %dma_wait3A_391 = arith.constant 0 : i32
      %dma_wait3A_392 = tpu.memref_slice %arg4[%add3A_17, %dma_wait3A_391] : memref<8192x4096xf32, #tpu.memory_space<hbm>> -> memref<8x4096xf32, #tpu.memory_space<hbm>>
      tpu.wait_dma2 semaphore(%run_scoped3A : memref<!tpu.dma_semaphore, #tpu.memory_space<semaphore_mem>>) src(%arg6 : memref<8x4096xf32, #tpu.memory_space<vmem>>) dst(%dma_wait3A_392 : memref<8x4096xf32, #tpu.memory_space<hbm>>)
      tpu.yield
    }) : () -> ()
    %dma_start3A_18 = arith.constant 16 : i32
    %dma_start3A_19 = tpu.memref_slice %arg5[%dma_start3A_18] : memref<256xi32, #tpu.memory_space<vmem>> -> memref<8xi32, #tpu.memory_space<vmem>>
    %dma_start3A_20 = arith.constant 0 : i32
    %dma_start3A_21 = arith.constant 0 : i32
    %dma_start3A_22 = tpu.memref_slice %arg2[%dma_start3A_20, %dma_start3A_21] : memref<1024x4096xf32, #tpu.memory_space<hbm>> -> memref<1024x4096xf32, #tpu.memory_space<hbm>>
    tpu.enqueue_indirect_dma source(%dma_start3A_22 : memref<1024x4096xf32, #tpu.memory_space<hbm>>) target(%arg6 : memref<8x4096xf32, #tpu.memory_space<vmem>>) offsets(%dma_start3A_19 : memref<8xi32, #tpu.memory_space<vmem>>) semaphore(%arg8 : memref<!tpu.dma_semaphore, #tpu.memory_space<semaphore_mem>>)
    %dma_wait3A_23 = arith.constant 8 : i32
    %dma_wait3A_24 = tpu.memref_slice %arg5[%dma_wait3A_23] : memref<256xi32, #tpu.memory_space<vmem>> -> memref<8xi32, #tpu.memory_space<vmem>>
    %dma_wait3A_25 = arith.constant 0 : i32
    %dma_wait3A_26 = arith.constant 0 : i32
    %dma_wait3A_27 = tpu.memref_slice %arg2[%dma_wait3A_25, %dma_wait3A_26] : memref<1024x4096xf32, #tpu.memory_space<hbm>> -> memref<1024x4096xf32, #tpu.memory_space<hbm>>
    tpu.wait_indirect_dma semaphore(%arg9 : memref<!tpu.dma_semaphore, #tpu.memory_space<semaphore_mem>>) src(%dma_wait3A_27 : memref<1024x4096xf32, #tpu.memory_space<hbm>>) dst(%arg7 : memref<8x4096xf32, #tpu.memory_space<vmem>>)
    %add3A_28 = arith.constant 8 : i32
    %add3A_29 = arith.addi %mul3A_2, %add3A_28 : i32
    "tpu.region"() ({
      %run_scoped3A = tpu.sem_alloc : memref<!tpu.dma_semaphore, #tpu.memory_space<semaphore_mem>>
      %dma_start3A_385 = arith.constant 0 : i32
      %dma_start3A_386 = tpu.memref_slice %arg4[%add3A_29, %dma_start3A_385] : memref<8192x4096xf32, #tpu.memory_space<hbm>> -> memref<8x4096xf32, #tpu.memory_space<hbm>>
      %dma_start3A_387 = arith.constant 0 : i32
      %dma_start3A_388 = tpu.memref_slice %arg4[%add3A_29, %dma_start3A_387] : memref<8192x4096xf32, #tpu.memory_space<hbm>> -> memref<8x4096xf32, #tpu.memory_space<hbm>>
      tpu.enqueue_dma source(%arg7 : memref<8x4096xf32, #tpu.memory_space<vmem>>) target(%dma_start3A_388 : memref<8x4096xf32, #tpu.memory_space<hbm>>) target_semaphore(%run_scoped3A : memref<!tpu.dma_semaphore, #tpu.memory_space<semaphore_mem>>)
      %dma_wait3A_389 = arith.constant 0 : i32
      %dma_wait3A_390 = tpu.memref_slice %arg4[%add3A_29, %dma_wait3A_389] : memref<8192x4096xf32, #tpu.memory_space<hbm>> -> memref<8x4096xf32, #tpu.memory_space<hbm>>
      %dma_wait3A_391 = arith.constant 0 : i32
      %dma_wait3A_392 = tpu.memref_slice %arg4[%add3A_29, %dma_wait3A_391] : memref<8192x4096xf32, #tpu.memory_space<hbm>> -> memref<8x4096xf32, #tpu.memory_space<hbm>>
      tpu.wait_dma2 semaphore(%run_scoped3A : memref<!tpu.dma_semaphore, #tpu.memory_space<semaphore_mem>>) src(%arg7 : memref<8x4096xf32, #tpu.memory_space<vmem>>) dst(%dma_wait3A_392 : memref<8x4096xf32, #tpu.memory_space<hbm>>)
      tpu.yield
    }) : () -> ()
    %dma_start3A_30 = arith.constant 24 : i32
    %dma_start3A_31 = tpu.memref_slice %arg5[%dma_start3A_30] : memref<256xi32, #tpu.memory_space<vmem>> -> memref<8xi32, #tpu.memory_space<vmem>>
    %dma_start3A_32 = arith.constant 0 : i32
    %dma_start3A_33 = arith.constant 0 : i32
    %dma_start3A_34 = tpu.memref_slice %arg2[%dma_start3A_32, %dma_start3A_33] : memref<1024x4096xf32, #tpu.memory_space<hbm>> -> memref<1024x4096xf32, #tpu.memory_space<hbm>>
    tpu.enqueue_indirect_dma source(%dma_start3A_34 : memref<1024x4096xf32, #tpu.memory_space<hbm>>) target(%arg7 : memref<8x4096xf32, #tpu.memory_space<vmem>>) offsets(%dma_start3A_31 : memref<8xi32, #tpu.memory_space<vmem>>) semaphore(%arg9 : memref<!tpu.dma_semaphore, #tpu.memory_space<semaphore_mem>>)
    %dma_wait3A_35 = arith.constant 16 : i32
    %dma_wait3A_36 = tpu.memref_slice %arg5[%dma_wait3A_35] : memref<256xi32, #tpu.memory_space<vmem>> -> memref<8xi32, #tpu.memory_space<vmem>>
    %dma_wait3A_37 = arith.constant 0 : i32
    %dma_wait3A_38 = arith.constant 0 : i32
    %dma_wait3A_39 = tpu.memref_slice %arg2[%dma_wait3A_37, %dma_wait3A_38] : memref<1024x4096xf32, #tpu.memory_space<hbm>> -> memref<1024x4096xf32, #tpu.memory_space<hbm>>
    tpu.wait_indirect_dma semaphore(%arg8 : memref<!tpu.dma_semaphore, #tpu.memory_space<semaphore_mem>>) src(%dma_wait3A_39 : memref<1024x4096xf32, #tpu.memory_space<hbm>>) dst(%arg6 : memref<8x4096xf32, #tpu.memory_space<vmem>>)
    %add3A_40 = arith.constant 16 : i32
    %add3A_41 = arith.addi %mul3A_2, %add3A_40 : i32
    "tpu.region"() ({
      %run_scoped3A = tpu.sem_alloc : memref<!tpu.dma_semaphore, #tpu.memory_space<semaphore_mem>>
      %dma_start3A_385 = arith.constant 0 : i32
      %dma_start3A_386 = tpu.memref_slice %arg4[%add3A_41, %dma_start3A_385] : memref<8192x4096xf32, #tpu.memory_space<hbm>> -> memref<8x4096xf32, #tpu.memory_space<hbm>>
      %dma_start3A_387 = arith.constant 0 : i32
      %dma_start3A_388 = tpu.memref_slice %arg4[%add3A_41, %dma_start3A_387] : memref<8192x4096xf32, #tpu.memory_space<hbm>> -> memref<8x4096xf32, #tpu.memory_space<hbm>>
      tpu.enqueue_dma source(%arg6 : memref<8x4096xf32, #tpu.memory_space<vmem>>) target(%dma_start3A_388 : memref<8x4096xf32, #tpu.memory_space<hbm>>) target_semaphore(%run_scoped3A : memref<!tpu.dma_semaphore, #tpu.memory_space<semaphore_mem>>)
      %dma_wait3A_389 = arith.constant 0 : i32
      %dma_wait3A_390 = tpu.memref_slice %arg4[%add3A_41, %dma_wait3A_389] : memref<8192x4096xf32, #tpu.memory_space<hbm>> -> memref<8x4096xf32, #tpu.memory_space<hbm>>
      %dma_wait3A_391 = arith.constant 0 : i32
      %dma_wait3A_392 = tpu.memref_slice %arg4[%add3A_41, %dma_wait3A_391] : memref<8192x4096xf32, #tpu.memory_space<hbm>> -> memref<8x4096xf32, #tpu.memory_space<hbm>>
      tpu.wait_dma2 semaphore(%run_scoped3A : memref<!tpu.dma_semaphore, #tpu.memory_space<semaphore_mem>>) src(%arg6 : memref<8x4096xf32, #tpu.memory_space<vmem>>) dst(%dma_wait3A_392 : memref<8x4096xf32, #tpu.memory_space<hbm>>)
      tpu.yield
    }) : () -> ()
    %dma_start3A_42 = arith.constant 32 : i32
    %dma_start3A_43 = tpu.memref_slice %arg5[%dma_start3A_42] : memref<256xi32, #tpu.memory_space<vmem>> -> memref<8xi32, #tpu.memory_space<vmem>>
    %dma_start3A_44 = arith.constant 0 : i32
    %dma_start3A_45 = arith.constant 0 : i32
    %dma_start3A_46 = tpu.memref_slice %arg2[%dma_start3A_44, %dma_start3A_45] : memref<1024x4096xf32, #tpu.memory_space<hbm>> -> memref<1024x4096xf32, #tpu.memory_space<hbm>>
    tpu.enqueue_indirect_dma source(%dma_start3A_46 : memref<1024x4096xf32, #tpu.memory_space<hbm>>) target(%arg6 : memref<8x4096xf32, #tpu.memory_space<vmem>>) offsets(%dma_start3A_43 : memref<8xi32, #tpu.memory_space<vmem>>) semaphore(%arg8 : memref<!tpu.dma_semaphore, #tpu.memory_space<semaphore_mem>>)
    %dma_wait3A_47 = arith.constant 24 : i32
    %dma_wait3A_48 = tpu.memref_slice %arg5[%dma_wait3A_47] : memref<256xi32, #tpu.memory_space<vmem>> -> memref<8xi32, #tpu.memory_space<vmem>>
    %dma_wait3A_49 = arith.constant 0 : i32
    %dma_wait3A_50 = arith.constant 0 : i32
    %dma_wait3A_51 = tpu.memref_slice %arg2[%dma_wait3A_49, %dma_wait3A_50] : memref<1024x4096xf32, #tpu.memory_space<hbm>> -> memref<1024x4096xf32, #tpu.memory_space<hbm>>
    tpu.wait_indirect_dma semaphore(%arg9 : memref<!tpu.dma_semaphore, #tpu.memory_space<semaphore_mem>>) src(%dma_wait3A_51 : memref<1024x4096xf32, #tpu.memory_space<hbm>>) dst(%arg7 : memref<8x4096xf32, #tpu.memory_space<vmem>>)
    %add3A_52 = arith.constant 24 : i32
    %add3A_53 = arith.addi %mul3A_2, %add3A_52 : i32
    "tpu.region"() ({
      %run_scoped3A = tpu.sem_alloc : memref<!tpu.dma_semaphore, #tpu.memory_space<semaphore_mem>>
      %dma_start3A_385 = arith.constant 0 : i32
      %dma_start3A_386 = tpu.memref_slice %arg4[%add3A_53, %dma_start3A_385] : memref<8192x4096xf32, #tpu.memory_space<hbm>> -> memref<8x4096xf32, #tpu.memory_space<hbm>>
      %dma_start3A_387 = arith.constant 0 : i32
      %dma_start3A_388 = tpu.memref_slice %arg4[%add3A_53, %dma_start3A_387] : memref<8192x4096xf32, #tpu.memory_space<hbm>> -> memref<8x4096xf32, #tpu.memory_space<hbm>>
      tpu.enqueue_dma source(%arg7 : memref<8x4096xf32, #tpu.memory_space<vmem>>) target(%dma_start3A_388 : memref<8x4096xf32, #tpu.memory_space<hbm>>) target_semaphore(%run_scoped3A : memref<!tpu.dma_semaphore, #tpu.memory_space<semaphore_mem>>)
      %dma_wait3A_389 = arith.constant 0 : i32
      %dma_wait3A_390 = tpu.memref_slice %arg4[%add3A_53, %dma_wait3A_389] : memref<8192x4096xf32, #tpu.memory_space<hbm>> -> memref<8x4096xf32, #tpu.memory_space<hbm>>
      %dma_wait3A_391 = arith.constant 0 : i32
      %dma_wait3A_392 = tpu.memref_slice %arg4[%add3A_53, %dma_wait3A_391] : memref<8192x4096xf32, #tpu.memory_space<hbm>> -> memref<8x4096xf32, #tpu.memory_space<hbm>>
      tpu.wait_dma2 semaphore(%run_scoped3A : memref<!tpu.dma_semaphore, #tpu.memory_space<semaphore_mem>>) src(%arg7 : memref<8x4096xf32, #tpu.memory_space<vmem>>) dst(%dma_wait3A_392 : memref<8x4096xf32, #tpu.memory_space<hbm>>)
      tpu.yield
    }) : () -> ()
    %dma_start3A_54 = arith.constant 40 : i32
    %dma_start3A_55 = tpu.memref_slice %arg5[%dma_start3A_54] : memref<256xi32, #tpu.memory_space<vmem>> -> memref<8xi32, #tpu.memory_space<vmem>>
    %dma_start3A_56 = arith.constant 0 : i32
    %dma_start3A_57 = arith.constant 0 : i32
    %dma_start3A_58 = tpu.memref_slice %arg2[%dma_start3A_56, %dma_start3A_57] : memref<1024x4096xf32, #tpu.memory_space<hbm>> -> memref<1024x4096xf32, #tpu.memory_space<hbm>>
    tpu.enqueue_indirect_dma source(%dma_start3A_58 : memref<1024x4096xf32, #tpu.memory_space<hbm>>) target(%arg7 : memref<8x4096xf32, #tpu.memory_space<vmem>>) offsets(%dma_start3A_55 : memref<8xi32, #tpu.memory_space<vmem>>) semaphore(%arg9 : memref<!tpu.dma_semaphore, #tpu.memory_space<semaphore_mem>>)
    %dma_wait3A_59 = arith.constant 32 : i32
    %dma_wait3A_60 = tpu.memref_slice %arg5[%dma_wait3A_59] : memref<256xi32, #tpu.memory_space<vmem>> -> memref<8xi32, #tpu.memory_space<vmem>>
    %dma_wait3A_61 = arith.constant 0 : i32
    %dma_wait3A_62 = arith.constant 0 : i32
    %dma_wait3A_63 = tpu.memref_slice %arg2[%dma_wait3A_61, %dma_wait3A_62] : memref<1024x4096xf32, #tpu.memory_space<hbm>> -> memref<1024x4096xf32, #tpu.memory_space<hbm>>
    tpu.wait_indirect_dma semaphore(%arg8 : memref<!tpu.dma_semaphore, #tpu.memory_space<semaphore_mem>>) src(%dma_wait3A_63 : memref<1024x4096xf32, #tpu.memory_space<hbm>>) dst(%arg6 : memref<8x4096xf32, #tpu.memory_space<vmem>>)
    %add3A_64 = arith.constant 32 : i32
    %add3A_65 = arith.addi %mul3A_2, %add3A_64 : i32
    "tpu.region"() ({
      %run_scoped3A = tpu.sem_alloc : memref<!tpu.dma_semaphore, #tpu.memory_space<semaphore_mem>>
      %dma_start3A_385 = arith.constant 0 : i32
      %dma_start3A_386 = tpu.memref_slice %arg4[%add3A_65, %dma_start3A_385] : memref<8192x4096xf32, #tpu.memory_space<hbm>> -> memref<8x4096xf32, #tpu.memory_space<hbm>>
      %dma_start3A_387 = arith.constant 0 : i32
      %dma_start3A_388 = tpu.memref_slice %arg4[%add3A_65, %dma_start3A_387] : memref<8192x4096xf32, #tpu.memory_space<hbm>> -> memref<8x4096xf32, #tpu.memory_space<hbm>>
      tpu.enqueue_dma source(%arg6 : memref<8x4096xf32, #tpu.memory_space<vmem>>) target(%dma_start3A_388 : memref<8x4096xf32, #tpu.memory_space<hbm>>) target_semaphore(%run_scoped3A : memref<!tpu.dma_semaphore, #tpu.memory_space<semaphore_mem>>)
      %dma_wait3A_389 = arith.constant 0 : i32
      %dma_wait3A_390 = tpu.memref_slice %arg4[%add3A_65, %dma_wait3A_389] : memref<8192x4096xf32, #tpu.memory_space<hbm>> -> memref<8x4096xf32, #tpu.memory_space<hbm>>
      %dma_wait3A_391 = arith.constant 0 : i32
      %dma_wait3A_392 = tpu.memref_slice %arg4[%add3A_65, %dma_wait3A_391] : memref<8192x4096xf32, #tpu.memory_space<hbm>> -> memref<8x4096xf32, #tpu.memory_space<hbm>>
      tpu.wait_dma2 semaphore(%run_scoped3A : memref<!tpu.dma_semaphore, #tpu.memory_space<semaphore_mem>>) src(%arg6 : memref<8x4096xf32, #tpu.memory_space<vmem>>) dst(%dma_wait3A_392 : memref<8x4096xf32, #tpu.memory_space<hbm>>)
      tpu.yield
    }) : () -> ()
    %dma_start3A_66 = arith.constant 48 : i32
    %dma_start3A_67 = tpu.memref_slice %arg5[%dma_start3A_66] : memref<256xi32, #tpu.memory_space<vmem>> -> memref<8xi32, #tpu.memory_space<vmem>>
    %dma_start3A_68 = arith.constant 0 : i32
    %dma_start3A_69 = arith.constant 0 : i32
    %dma_start3A_70 = tpu.memref_slice %arg2[%dma_start3A_68, %dma_start3A_69] : memref<1024x4096xf32, #tpu.memory_space<hbm>> -> memref<1024x4096xf32, #tpu.memory_space<hbm>>
    tpu.enqueue_indirect_dma source(%dma_start3A_70 : memref<1024x4096xf32, #tpu.memory_space<hbm>>) target(%arg6 : memref<8x4096xf32, #tpu.memory_space<vmem>>) offsets(%dma_start3A_67 : memref<8xi32, #tpu.memory_space<vmem>>) semaphore(%arg8 : memref<!tpu.dma_semaphore, #tpu.memory_space<semaphore_mem>>)
    %dma_wait3A_71 = arith.constant 40 : i32
    %dma_wait3A_72 = tpu.memref_slice %arg5[%dma_wait3A_71] : memref<256xi32, #tpu.memory_space<vmem>> -> memref<8xi32, #tpu.memory_space<vmem>>
    %dma_wait3A_73 = arith.constant 0 : i32
    %dma_wait3A_74 = arith.constant 0 : i32
    %dma_wait3A_75 = tpu.memref_slice %arg2[%dma_wait3A_73, %dma_wait3A_74] : memref<1024x4096xf32, #tpu.memory_space<hbm>> -> memref<1024x4096xf32, #tpu.memory_space<hbm>>
    tpu.wait_indirect_dma semaphore(%arg9 : memref<!tpu.dma_semaphore, #tpu.memory_space<semaphore_mem>>) src(%dma_wait3A_75 : memref<1024x4096xf32, #tpu.memory_space<hbm>>) dst(%arg7 : memref<8x4096xf32, #tpu.memory_space<vmem>>)
    %add3A_76 = arith.constant 40 : i32
    %add3A_77 = arith.addi %mul3A_2, %add3A_76 : i32
    "tpu.region"() ({
      %run_scoped3A = tpu.sem_alloc : memref<!tpu.dma_semaphore, #tpu.memory_space<semaphore_mem>>
      %dma_start3A_385 = arith.constant 0 : i32
      %dma_start3A_386 = tpu.memref_slice %arg4[%add3A_77, %dma_start3A_385] : memref<8192x4096xf32, #tpu.memory_space<hbm>> -> memref<8x4096xf32, #tpu.memory_space<hbm>>
      %dma_start3A_387 = arith.constant 0 : i32
      %dma_start3A_388 = tpu.memref_slice %arg4[%add3A_77, %dma_start3A_387] : memref<8192x4096xf32, #tpu.memory_space<hbm>> -> memref<8x4096xf32, #tpu.memory_space<hbm>>
      tpu.enqueue_dma source(%arg7 : memref<8x4096xf32, #tpu.memory_space<vmem>>) target(%dma_start3A_388 : memref<8x4096xf32, #tpu.memory_space<hbm>>) target_semaphore(%run_scoped3A : memref<!tpu.dma_semaphore, #tpu.memory_space<semaphore_mem>>)
      %dma_wait3A_389 = arith.constant 0 : i32
      %dma_wait3A_390 = tpu.memref_slice %arg4[%add3A_77, %dma_wait3A_389] : memref<8192x4096xf32, #tpu.memory_space<hbm>> -> memref<8x4096xf32, #tpu.memory_space<hbm>>
      %dma_wait3A_391 = arith.constant 0 : i32
      %dma_wait3A_392 = tpu.memref_slice %arg4[%add3A_77, %dma_wait3A_391] : memref<8192x4096xf32, #tpu.memory_space<hbm>> -> memref<8x4096xf32, #tpu.memory_space<hbm>>
      tpu.wait_dma2 semaphore(%run_scoped3A : memref<!tpu.dma_semaphore, #tpu.memory_space<semaphore_mem>>) src(%arg7 : memref<8x4096xf32, #tpu.memory_space<vmem>>) dst(%dma_wait3A_392 : memref<8x4096xf32, #tpu.memory_space<hbm>>)
      tpu.yield
    }) : () -> ()
    %dma_start3A_78 = arith.constant 56 : i32
    %dma_start3A_79 = tpu.memref_slice %arg5[%dma_start3A_78] : memref<256xi32, #tpu.memory_space<vmem>> -> memref<8xi32, #tpu.memory_space<vmem>>
    %dma_start3A_80 = arith.constant 0 : i32
    %dma_start3A_81 = arith.constant 0 : i32
    %dma_start3A_82 = tpu.memref_slice %arg2[%dma_start3A_80, %dma_start3A_81] : memref<1024x4096xf32, #tpu.memory_space<hbm>> -> memref<1024x4096xf32, #tpu.memory_space<hbm>>
    tpu.enqueue_indirect_dma source(%dma_start3A_82 : memref<1024x4096xf32, #tpu.memory_space<hbm>>) target(%arg7 : memref<8x4096xf32, #tpu.memory_space<vmem>>) offsets(%dma_start3A_79 : memref<8xi32, #tpu.memory_space<vmem>>) semaphore(%arg9 : memref<!tpu.dma_semaphore, #tpu.memory_space<semaphore_mem>>)
    %dma_wait3A_83 = arith.constant 48 : i32
    %dma_wait3A_84 = tpu.memref_slice %arg5[%dma_wait3A_83] : memref<256xi32, #tpu.memory_space<vmem>> -> memref<8xi32, #tpu.memory_space<vmem>>
    %dma_wait3A_85 = arith.constant 0 : i32
    %dma_wait3A_86 = arith.constant 0 : i32
    %dma_wait3A_87 = tpu.memref_slice %arg2[%dma_wait3A_85, %dma_wait3A_86] : memref<1024x4096xf32, #tpu.memory_space<hbm>> -> memref<1024x4096xf32, #tpu.memory_space<hbm>>
    tpu.wait_indirect_dma semaphore(%arg8 : memref<!tpu.dma_semaphore, #tpu.memory_space<semaphore_mem>>) src(%dma_wait3A_87 : memref<1024x4096xf32, #tpu.memory_space<hbm>>) dst(%arg6 : memref<8x4096xf32, #tpu.memory_space<vmem>>)
    %add3A_88 = arith.constant 48 : i32
    %add3A_89 = arith.addi %mul3A_2, %add3A_88 : i32
    "tpu.region"() ({
      %run_scoped3A = tpu.sem_alloc : memref<!tpu.dma_semaphore, #tpu.memory_space<semaphore_mem>>
      %dma_start3A_385 = arith.constant 0 : i32
      %dma_start3A_386 = tpu.memref_slice %arg4[%add3A_89, %dma_start3A_385] : memref<8192x4096xf32, #tpu.memory_space<hbm>> -> memref<8x4096xf32, #tpu.memory_space<hbm>>
      %dma_start3A_387 = arith.constant 0 : i32
      %dma_start3A_388 = tpu.memref_slice %arg4[%add3A_89, %dma_start3A_387] : memref<8192x4096xf32, #tpu.memory_space<hbm>> -> memref<8x4096xf32, #tpu.memory_space<hbm>>
      tpu.enqueue_dma source(%arg6 : memref<8x4096xf32, #tpu.memory_space<vmem>>) target(%dma_start3A_388 : memref<8x4096xf32, #tpu.memory_space<hbm>>) target_semaphore(%run_scoped3A : memref<!tpu.dma_semaphore, #tpu.memory_space<semaphore_mem>>)
      %dma_wait3A_389 = arith.constant 0 : i32
      %dma_wait3A_390 = tpu.memref_slice %arg4[%add3A_89, %dma_wait3A_389] : memref<8192x4096xf32, #tpu.memory_space<hbm>> -> memref<8x4096xf32, #tpu.memory_space<hbm>>
      %dma_wait3A_391 = arith.constant 0 : i32
      %dma_wait3A_392 = tpu.memref_slice %arg4[%add3A_89, %dma_wait3A_391] : memref<8192x4096xf32, #tpu.memory_space<hbm>> -> memref<8x4096xf32, #tpu.memory_space<hbm>>
      tpu.wait_dma2 semaphore(%run_scoped3A : memref<!tpu.dma_semaphore, #tpu.memory_space<semaphore_mem>>) src(%arg6 : memref<8x4096xf32, #tpu.memory_space<vmem>>) dst(%dma_wait3A_392 : memref<8x4096xf32, #tpu.memory_space<hbm>>)
      tpu.yield
    }) : () -> ()
    %dma_start3A_90 = arith.constant 64 : i32
    %dma_start3A_91 = tpu.memref_slice %arg5[%dma_start3A_90] : memref<256xi32, #tpu.memory_space<vmem>> -> memref<8xi32, #tpu.memory_space<vmem>>
    %dma_start3A_92 = arith.constant 0 : i32
    %dma_start3A_93 = arith.constant 0 : i32
    %dma_start3A_94 = tpu.memref_slice %arg2[%dma_start3A_92, %dma_start3A_93] : memref<1024x4096xf32, #tpu.memory_space<hbm>> -> memref<1024x4096xf32, #tpu.memory_space<hbm>>
    tpu.enqueue_indirect_dma source(%dma_start3A_94 : memref<1024x4096xf32, #tpu.memory_space<hbm>>) target(%arg6 : memref<8x4096xf32, #tpu.memory_space<vmem>>) offsets(%dma_start3A_91 : memref<8xi32, #tpu.memory_space<vmem>>) semaphore(%arg8 : memref<!tpu.dma_semaphore, #tpu.memory_space<semaphore_mem>>)
    %dma_wait3A_95 = arith.constant 56 : i32
    %dma_wait3A_96 = tpu.memref_slice %arg5[%dma_wait3A_95] : memref<256xi32, #tpu.memory_space<vmem>> -> memref<8xi32, #tpu.memory_space<vmem>>
    %dma_wait3A_97 = arith.constant 0 : i32
    %dma_wait3A_98 = arith.constant 0 : i32
    %dma_wait3A_99 = tpu.memref_slice %arg2[%dma_wait3A_97, %dma_wait3A_98] : memref<1024x4096xf32, #tpu.memory_space<hbm>> -> memref<1024x4096xf32, #tpu.memory_space<hbm>>
    tpu.wait_indirect_dma semaphore(%arg9 : memref<!tpu.dma_semaphore, #tpu.memory_space<semaphore_mem>>) src(%dma_wait3A_99 : memref<1024x4096xf32, #tpu.memory_space<hbm>>) dst(%arg7 : memref<8x4096xf32, #tpu.memory_space<vmem>>)
    %add3A_100 = arith.constant 56 : i32
    %add3A_101 = arith.addi %mul3A_2, %add3A_100 : i32
    "tpu.region"() ({
      %run_scoped3A = tpu.sem_alloc : memref<!tpu.dma_semaphore, #tpu.memory_space<semaphore_mem>>
      %dma_start3A_385 = arith.constant 0 : i32
      %dma_start3A_386 = tpu.memref_slice %arg4[%add3A_101, %dma_start3A_385] : memref<8192x4096xf32, #tpu.memory_space<hbm>> -> memref<8x4096xf32, #tpu.memory_space<hbm>>
      %dma_start3A_387 = arith.constant 0 : i32
      %dma_start3A_388 = tpu.memref_slice %arg4[%add3A_101, %dma_start3A_387] : memref<8192x4096xf32, #tpu.memory_space<hbm>> -> memref<8x4096xf32, #tpu.memory_space<hbm>>
      tpu.enqueue_dma source(%arg7 : memref<8x4096xf32, #tpu.memory_space<vmem>>) target(%dma_start3A_388 : memref<8x4096xf32, #tpu.memory_space<hbm>>) target_semaphore(%run_scoped3A : memref<!tpu.dma_semaphore, #tpu.memory_space<semaphore_mem>>)
      %dma_wait3A_389 = arith.constant 0 : i32
      %dma_wait3A_390 = tpu.memref_slice %arg4[%add3A_101, %dma_wait3A_389] : memref<8192x4096xf32, #tpu.memory_space<hbm>> -> memref<8x4096xf32, #tpu.memory_space<hbm>>
      %dma_wait3A_391 = arith.constant 0 : i32
      %dma_wait3A_392 = tpu.memref_slice %arg4[%add3A_101, %dma_wait3A_391] : memref<8192x4096xf32, #tpu.memory_space<hbm>> -> memref<8x4096xf32, #tpu.memory_space<hbm>>
      tpu.wait_dma2 semaphore(%run_scoped3A : memref<!tpu.dma_semaphore, #tpu.memory_space<semaphore_mem>>) src(%arg7 : memref<8x4096xf32, #tpu.memory_space<vmem>>) dst(%dma_wait3A_392 : memref<8x4096xf32, #tpu.memory_space<hbm>>)
      tpu.yield
    }) : () -> ()
    %dma_start3A_102 = arith.constant 72 : i32
    %dma_start3A_103 = tpu.memref_slice %arg5[%dma_start3A_102] : memref<256xi32, #tpu.memory_space<vmem>> -> memref<8xi32, #tpu.memory_space<vmem>>
    %dma_start3A_104 = arith.constant 0 : i32
    %dma_start3A_105 = arith.constant 0 : i32
    %dma_start3A_106 = tpu.memref_slice %arg2[%dma_start3A_104, %dma_start3A_105] : memref<1024x4096xf32, #tpu.memory_space<hbm>> -> memref<1024x4096xf32, #tpu.memory_space<hbm>>
    tpu.enqueue_indirect_dma source(%dma_start3A_106 : memref<1024x4096xf32, #tpu.memory_space<hbm>>) target(%arg7 : memref<8x4096xf32, #tpu.memory_space<vmem>>) offsets(%dma_start3A_103 : memref<8xi32, #tpu.memory_space<vmem>>) semaphore(%arg9 : memref<!tpu.dma_semaphore, #tpu.memory_space<semaphore_mem>>)
    %dma_wait3A_107 = arith.constant 64 : i32
    %dma_wait3A_108 = tpu.memref_slice %arg5[%dma_wait3A_107] : memref<256xi32, #tpu.memory_space<vmem>> -> memref<8xi32, #tpu.memory_space<vmem>>
    %dma_wait3A_109 = arith.constant 0 : i32
    %dma_wait3A_110 = arith.constant 0 : i32
    %dma_wait3A_111 = tpu.memref_slice %arg2[%dma_wait3A_109, %dma_wait3A_110] : memref<1024x4096xf32, #tpu.memory_space<hbm>> -> memref<1024x4096xf32, #tpu.memory_space<hbm>>
    tpu.wait_indirect_dma semaphore(%arg8 : memref<!tpu.dma_semaphore, #tpu.memory_space<semaphore_mem>>) src(%dma_wait3A_111 : memref<1024x4096xf32, #tpu.memory_space<hbm>>) dst(%arg6 : memref<8x4096xf32, #tpu.memory_space<vmem>>)
    %add3A_112 = arith.constant 64 : i32
    %add3A_113 = arith.addi %mul3A_2, %add3A_112 : i32
    "tpu.region"() ({
      %run_scoped3A = tpu.sem_alloc : memref<!tpu.dma_semaphore, #tpu.memory_space<semaphore_mem>>
      %dma_start3A_385 = arith.constant 0 : i32
      %dma_start3A_386 = tpu.memref_slice %arg4[%add3A_113, %dma_start3A_385] : memref<8192x4096xf32, #tpu.memory_space<hbm>> -> memref<8x4096xf32, #tpu.memory_space<hbm>>
      %dma_start3A_387 = arith.constant 0 : i32
      %dma_start3A_388 = tpu.memref_slice %arg4[%add3A_113, %dma_start3A_387] : memref<8192x4096xf32, #tpu.memory_space<hbm>> -> memref<8x4096xf32, #tpu.memory_space<hbm>>
      tpu.enqueue_dma source(%arg6 : memref<8x4096xf32, #tpu.memory_space<vmem>>) target(%dma_start3A_388 : memref<8x4096xf32, #tpu.memory_space<hbm>>) target_semaphore(%run_scoped3A : memref<!tpu.dma_semaphore, #tpu.memory_space<semaphore_mem>>)
      %dma_wait3A_389 = arith.constant 0 : i32
      %dma_wait3A_390 = tpu.memref_slice %arg4[%add3A_113, %dma_wait3A_389] : memref<8192x4096xf32, #tpu.memory_space<hbm>> -> memref<8x4096xf32, #tpu.memory_space<hbm>>
      %dma_wait3A_391 = arith.constant 0 : i32
      %dma_wait3A_392 = tpu.memref_slice %arg4[%add3A_113, %dma_wait3A_391] : memref<8192x4096xf32, #tpu.memory_space<hbm>> -> memref<8x4096xf32, #tpu.memory_space<hbm>>
      tpu.wait_dma2 semaphore(%run_scoped3A : memref<!tpu.dma_semaphore, #tpu.memory_space<semaphore_mem>>) src(%arg6 : memref<8x4096xf32, #tpu.memory_space<vmem>>) dst(%dma_wait3A_392 : memref<8x4096xf32, #tpu.memory_space<hbm>>)
      tpu.yield
    }) : () -> ()
    %dma_start3A_114 = arith.constant 80 : i32
    %dma_start3A_115 = tpu.memref_slice %arg5[%dma_start3A_114] : memref<256xi32, #tpu.memory_space<vmem>> -> memref<8xi32, #tpu.memory_space<vmem>>
    %dma_start3A_116 = arith.constant 0 : i32
    %dma_start3A_117 = arith.constant 0 : i32
    %dma_start3A_118 = tpu.memref_slice %arg2[%dma_start3A_116, %dma_start3A_117] : memref<1024x4096xf32, #tpu.memory_space<hbm>> -> memref<1024x4096xf32, #tpu.memory_space<hbm>>
    tpu.enqueue_indirect_dma source(%dma_start3A_118 : memref<1024x4096xf32, #tpu.memory_space<hbm>>) target(%arg6 : memref<8x4096xf32, #tpu.memory_space<vmem>>) offsets(%dma_start3A_115 : memref<8xi32, #tpu.memory_space<vmem>>) semaphore(%arg8 : memref<!tpu.dma_semaphore, #tpu.memory_space<semaphore_mem>>)
    %dma_wait3A_119 = arith.constant 72 : i32
    %dma_wait3A_120 = tpu.memref_slice %arg5[%dma_wait3A_119] : memref<256xi32, #tpu.memory_space<vmem>> -> memref<8xi32, #tpu.memory_space<vmem>>
    %dma_wait3A_121 = arith.constant 0 : i32
    %dma_wait3A_122 = arith.constant 0 : i32
    %dma_wait3A_123 = tpu.memref_slice %arg2[%dma_wait3A_121, %dma_wait3A_122] : memref<1024x4096xf32, #tpu.memory_space<hbm>> -> memref<1024x4096xf32, #tpu.memory_space<hbm>>
    tpu.wait_indirect_dma semaphore(%arg9 : memref<!tpu.dma_semaphore, #tpu.memory_space<semaphore_mem>>) src(%dma_wait3A_123 : memref<1024x4096xf32, #tpu.memory_space<hbm>>) dst(%arg7 : memref<8x4096xf32, #tpu.memory_space<vmem>>)
    %add3A_124 = arith.constant 72 : i32
    %add3A_125 = arith.addi %mul3A_2, %add3A_124 : i32
    "tpu.region"() ({
      %run_scoped3A = tpu.sem_alloc : memref<!tpu.dma_semaphore, #tpu.memory_space<semaphore_mem>>
      %dma_start3A_385 = arith.constant 0 : i32
      %dma_start3A_386 = tpu.memref_slice %arg4[%add3A_125, %dma_start3A_385] : memref<8192x4096xf32, #tpu.memory_space<hbm>> -> memref<8x4096xf32, #tpu.memory_space<hbm>>
      %dma_start3A_387 = arith.constant 0 : i32
      %dma_start3A_388 = tpu.memref_slice %arg4[%add3A_125, %dma_start3A_387] : memref<8192x4096xf32, #tpu.memory_space<hbm>> -> memref<8x4096xf32, #tpu.memory_space<hbm>>
      tpu.enqueue_dma source(%arg7 : memref<8x4096xf32, #tpu.memory_space<vmem>>) target(%dma_start3A_388 : memref<8x4096xf32, #tpu.memory_space<hbm>>) target_semaphore(%run_scoped3A : memref<!tpu.dma_semaphore, #tpu.memory_space<semaphore_mem>>)
      %dma_wait3A_389 = arith.constant 0 : i32
      %dma_wait3A_390 = tpu.memref_slice %arg4[%add3A_125, %dma_wait3A_389] : memref<8192x4096xf32, #tpu.memory_space<hbm>> -> memref<8x4096xf32, #tpu.memory_space<hbm>>
      %dma_wait3A_391 = arith.constant 0 : i32
      %dma_wait3A_392 = tpu.memref_slice %arg4[%add3A_125, %dma_wait3A_391] : memref<8192x4096xf32, #tpu.memory_space<hbm>> -> memref<8x4096xf32, #tpu.memory_space<hbm>>
      tpu.wait_dma2 semaphore(%run_scoped3A : memref<!tpu.dma_semaphore, #tpu.memory_space<semaphore_mem>>) src(%arg7 : memref<8x4096xf32, #tpu.memory_space<vmem>>) dst(%dma_wait3A_392 : memref<8x4096xf32, #tpu.memory_space<hbm>>)
      tpu.yield
    }) : () -> ()
    %dma_start3A_126 = arith.constant 88 : i32
    %dma_start3A_127 = tpu.memref_slice %arg5[%dma_start3A_126] : memref<256xi32, #tpu.memory_space<vmem>> -> memref<8xi32, #tpu.memory_space<vmem>>
    %dma_start3A_128 = arith.constant 0 : i32
    %dma_start3A_129 = arith.constant 0 : i32
    %dma_start3A_130 = tpu.memref_slice %arg2[%dma_start3A_128, %dma_start3A_129] : memref<1024x4096xf32, #tpu.memory_space<hbm>> -> memref<1024x4096xf32, #tpu.memory_space<hbm>>
    tpu.enqueue_indirect_dma source(%dma_start3A_130 : memref<1024x4096xf32, #tpu.memory_space<hbm>>) target(%arg7 : memref<8x4096xf32, #tpu.memory_space<vmem>>) offsets(%dma_start3A_127 : memref<8xi32, #tpu.memory_space<vmem>>) semaphore(%arg9 : memref<!tpu.dma_semaphore, #tpu.memory_space<semaphore_mem>>)
    %dma_wait3A_131 = arith.constant 80 : i32
    %dma_wait3A_132 = tpu.memref_slice %arg5[%dma_wait3A_131] : memref<256xi32, #tpu.memory_space<vmem>> -> memref<8xi32, #tpu.memory_space<vmem>>
    %dma_wait3A_133 = arith.constant 0 : i32
    %dma_wait3A_134 = arith.constant 0 : i32
    %dma_wait3A_135 = tpu.memref_slice %arg2[%dma_wait3A_133, %dma_wait3A_134] : memref<1024x4096xf32, #tpu.memory_space<hbm>> -> memref<1024x4096xf32, #tpu.memory_space<hbm>>
    tpu.wait_indirect_dma semaphore(%arg8 : memref<!tpu.dma_semaphore, #tpu.memory_space<semaphore_mem>>) src(%dma_wait3A_135 : memref<1024x4096xf32, #tpu.memory_space<hbm>>) dst(%arg6 : memref<8x4096xf32, #tpu.memory_space<vmem>>)
    %add3A_136 = arith.constant 80 : i32
    %add3A_137 = arith.addi %mul3A_2, %add3A_136 : i32
    "tpu.region"() ({
      %run_scoped3A = tpu.sem_alloc : memref<!tpu.dma_semaphore, #tpu.memory_space<semaphore_mem>>
      %dma_start3A_385 = arith.constant 0 : i32
      %dma_start3A_386 = tpu.memref_slice %arg4[%add3A_137, %dma_start3A_385] : memref<8192x4096xf32, #tpu.memory_space<hbm>> -> memref<8x4096xf32, #tpu.memory_space<hbm>>
      %dma_start3A_387 = arith.constant 0 : i32
      %dma_start3A_388 = tpu.memref_slice %arg4[%add3A_137, %dma_start3A_387] : memref<8192x4096xf32, #tpu.memory_space<hbm>> -> memref<8x4096xf32, #tpu.memory_space<hbm>>
      tpu.enqueue_dma source(%arg6 : memref<8x4096xf32, #tpu.memory_space<vmem>>) target(%dma_start3A_388 : memref<8x4096xf32, #tpu.memory_space<hbm>>) target_semaphore(%run_scoped3A : memref<!tpu.dma_semaphore, #tpu.memory_space<semaphore_mem>>)
      %dma_wait3A_389 = arith.constant 0 : i32
      %dma_wait3A_390 = tpu.memref_slice %arg4[%add3A_137, %dma_wait3A_389] : memref<8192x4096xf32, #tpu.memory_space<hbm>> -> memref<8x4096xf32, #tpu.memory_space<hbm>>
      %dma_wait3A_391 = arith.constant 0 : i32
      %dma_wait3A_392 = tpu.memref_slice %arg4[%add3A_137, %dma_wait3A_391] : memref<8192x4096xf32, #tpu.memory_space<hbm>> -> memref<8x4096xf32, #tpu.memory_space<hbm>>
      tpu.wait_dma2 semaphore(%run_scoped3A : memref<!tpu.dma_semaphore, #tpu.memory_space<semaphore_mem>>) src(%arg6 : memref<8x4096xf32, #tpu.memory_space<vmem>>) dst(%dma_wait3A_392 : memref<8x4096xf32, #tpu.memory_space<hbm>>)
      tpu.yield
    }) : () -> ()
    %dma_start3A_138 = arith.constant 96 : i32
    %dma_start3A_139 = tpu.memref_slice %arg5[%dma_start3A_138] : memref<256xi32, #tpu.memory_space<vmem>> -> memref<8xi32, #tpu.memory_space<vmem>>
    %dma_start3A_140 = arith.constant 0 : i32
    %dma_start3A_141 = arith.constant 0 : i32
    %dma_start3A_142 = tpu.memref_slice %arg2[%dma_start3A_140, %dma_start3A_141] : memref<1024x4096xf32, #tpu.memory_space<hbm>> -> memref<1024x4096xf32, #tpu.memory_space<hbm>>
    tpu.enqueue_indirect_dma source(%dma_start3A_142 : memref<1024x4096xf32, #tpu.memory_space<hbm>>) target(%arg6 : memref<8x4096xf32, #tpu.memory_space<vmem>>) offsets(%dma_start3A_139 : memref<8xi32, #tpu.memory_space<vmem>>) semaphore(%arg8 : memref<!tpu.dma_semaphore, #tpu.memory_space<semaphore_mem>>)
    %dma_wait3A_143 = arith.constant 88 : i32
    %dma_wait3A_144 = tpu.memref_slice %arg5[%dma_wait3A_143] : memref<256xi32, #tpu.memory_space<vmem>> -> memref<8xi32, #tpu.memory_space<vmem>>
    %dma_wait3A_145 = arith.constant 0 : i32
    %dma_wait3A_146 = arith.constant 0 : i32
    %dma_wait3A_147 = tpu.memref_slice %arg2[%dma_wait3A_145, %dma_wait3A_146] : memref<1024x4096xf32, #tpu.memory_space<hbm>> -> memref<1024x4096xf32, #tpu.memory_space<hbm>>
    tpu.wait_indirect_dma semaphore(%arg9 : memref<!tpu.dma_semaphore, #tpu.memory_space<semaphore_mem>>) src(%dma_wait3A_147 : memref<1024x4096xf32, #tpu.memory_space<hbm>>) dst(%arg7 : memref<8x4096xf32, #tpu.memory_space<vmem>>)
    %add3A_148 = arith.constant 88 : i32
    %add3A_149 = arith.addi %mul3A_2, %add3A_148 : i32
    "tpu.region"() ({
      %run_scoped3A = tpu.sem_alloc : memref<!tpu.dma_semaphore, #tpu.memory_space<semaphore_mem>>
      %dma_start3A_385 = arith.constant 0 : i32
      %dma_start3A_386 = tpu.memref_slice %arg4[%add3A_149, %dma_start3A_385] : memref<8192x4096xf32, #tpu.memory_space<hbm>> -> memref<8x4096xf32, #tpu.memory_space<hbm>>
      %dma_start3A_387 = arith.constant 0 : i32
      %dma_start3A_388 = tpu.memref_slice %arg4[%add3A_149, %dma_start3A_387] : memref<8192x4096xf32, #tpu.memory_space<hbm>> -> memref<8x4096xf32, #tpu.memory_space<hbm>>
      tpu.enqueue_dma source(%arg7 : memref<8x4096xf32, #tpu.memory_space<vmem>>) target(%dma_start3A_388 : memref<8x4096xf32, #tpu.memory_space<hbm>>) target_semaphore(%run_scoped3A : memref<!tpu.dma_semaphore, #tpu.memory_space<semaphore_mem>>)
      %dma_wait3A_389 = arith.constant 0 : i32
      %dma_wait3A_390 = tpu.memref_slice %arg4[%add3A_149, %dma_wait3A_389] : memref<8192x4096xf32, #tpu.memory_space<hbm>> -> memref<8x4096xf32, #tpu.memory_space<hbm>>
      %dma_wait3A_391 = arith.constant 0 : i32
      %dma_wait3A_392 = tpu.memref_slice %arg4[%add3A_149, %dma_wait3A_391] : memref<8192x4096xf32, #tpu.memory_space<hbm>> -> memref<8x4096xf32, #tpu.memory_space<hbm>>
      tpu.wait_dma2 semaphore(%run_scoped3A : memref<!tpu.dma_semaphore, #tpu.memory_space<semaphore_mem>>) src(%arg7 : memref<8x4096xf32, #tpu.memory_space<vmem>>) dst(%dma_wait3A_392 : memref<8x4096xf32, #tpu.memory_space<hbm>>)
      tpu.yield
    }) : () -> ()
    %dma_start3A_150 = arith.constant 104 : i32
    %dma_start3A_151 = tpu.memref_slice %arg5[%dma_start3A_150] : memref<256xi32, #tpu.memory_space<vmem>> -> memref<8xi32, #tpu.memory_space<vmem>>
    %dma_start3A_152 = arith.constant 0 : i32
    %dma_start3A_153 = arith.constant 0 : i32
    %dma_start3A_154 = tpu.memref_slice %arg2[%dma_start3A_152, %dma_start3A_153] : memref<1024x4096xf32, #tpu.memory_space<hbm>> -> memref<1024x4096xf32, #tpu.memory_space<hbm>>
    tpu.enqueue_indirect_dma source(%dma_start3A_154 : memref<1024x4096xf32, #tpu.memory_space<hbm>>) target(%arg7 : memref<8x4096xf32, #tpu.memory_space<vmem>>) offsets(%dma_start3A_151 : memref<8xi32, #tpu.memory_space<vmem>>) semaphore(%arg9 : memref<!tpu.dma_semaphore, #tpu.memory_space<semaphore_mem>>)
    %dma_wait3A_155 = arith.constant 96 : i32
    %dma_wait3A_156 = tpu.memref_slice %arg5[%dma_wait3A_155] : memref<256xi32, #tpu.memory_space<vmem>> -> memref<8xi32, #tpu.memory_space<vmem>>
    %dma_wait3A_157 = arith.constant 0 : i32
    %dma_wait3A_158 = arith.constant 0 : i32
    %dma_wait3A_159 = tpu.memref_slice %arg2[%dma_wait3A_157, %dma_wait3A_158] : memref<1024x4096xf32, #tpu.memory_space<hbm>> -> memref<1024x4096xf32, #tpu.memory_space<hbm>>
    tpu.wait_indirect_dma semaphore(%arg8 : memref<!tpu.dma_semaphore, #tpu.memory_space<semaphore_mem>>) src(%dma_wait3A_159 : memref<1024x4096xf32, #tpu.memory_space<hbm>>) dst(%arg6 : memref<8x4096xf32, #tpu.memory_space<vmem>>)
    %add3A_160 = arith.constant 96 : i32
    %add3A_161 = arith.addi %mul3A_2, %add3A_160 : i32
    "tpu.region"() ({
      %run_scoped3A = tpu.sem_alloc : memref<!tpu.dma_semaphore, #tpu.memory_space<semaphore_mem>>
      %dma_start3A_385 = arith.constant 0 : i32
      %dma_start3A_386 = tpu.memref_slice %arg4[%add3A_161, %dma_start3A_385] : memref<8192x4096xf32, #tpu.memory_space<hbm>> -> memref<8x4096xf32, #tpu.memory_space<hbm>>
      %dma_start3A_387 = arith.constant 0 : i32
      %dma_start3A_388 = tpu.memref_slice %arg4[%add3A_161, %dma_start3A_387] : memref<8192x4096xf32, #tpu.memory_space<hbm>> -> memref<8x4096xf32, #tpu.memory_space<hbm>>
      tpu.enqueue_dma source(%arg6 : memref<8x4096xf32, #tpu.memory_space<vmem>>) target(%dma_start3A_388 : memref<8x4096xf32, #tpu.memory_space<hbm>>) target_semaphore(%run_scoped3A : memref<!tpu.dma_semaphore, #tpu.memory_space<semaphore_mem>>)
      %dma_wait3A_389 = arith.constant 0 : i32
      %dma_wait3A_390 = tpu.memref_slice %arg4[%add3A_161, %dma_wait3A_389] : memref<8192x4096xf32, #tpu.memory_space<hbm>> -> memref<8x4096xf32, #tpu.memory_space<hbm>>
      %dma_wait3A_391 = arith.constant 0 : i32
      %dma_wait3A_392 = tpu.memref_slice %arg4[%add3A_161, %dma_wait3A_391] : memref<8192x4096xf32, #tpu.memory_space<hbm>> -> memref<8x4096xf32, #tpu.memory_space<hbm>>
      tpu.wait_dma2 semaphore(%run_scoped3A : memref<!tpu.dma_semaphore, #tpu.memory_space<semaphore_mem>>) src(%arg6 : memref<8x4096xf32, #tpu.memory_space<vmem>>) dst(%dma_wait3A_392 : memref<8x4096xf32, #tpu.memory_space<hbm>>)
      tpu.yield
    }) : () -> ()
    %dma_start3A_162 = arith.constant 112 : i32
    %dma_start3A_163 = tpu.memref_slice %arg5[%dma_start3A_162] : memref<256xi32, #tpu.memory_space<vmem>> -> memref<8xi32, #tpu.memory_space<vmem>>
    %dma_start3A_164 = arith.constant 0 : i32
    %dma_start3A_165 = arith.constant 0 : i32
    %dma_start3A_166 = tpu.memref_slice %arg2[%dma_start3A_164, %dma_start3A_165] : memref<1024x4096xf32, #tpu.memory_space<hbm>> -> memref<1024x4096xf32, #tpu.memory_space<hbm>>
    tpu.enqueue_indirect_dma source(%dma_start3A_166 : memref<1024x4096xf32, #tpu.memory_space<hbm>>) target(%arg6 : memref<8x4096xf32, #tpu.memory_space<vmem>>) offsets(%dma_start3A_163 : memref<8xi32, #tpu.memory_space<vmem>>) semaphore(%arg8 : memref<!tpu.dma_semaphore, #tpu.memory_space<semaphore_mem>>)
    %dma_wait3A_167 = arith.constant 104 : i32
    %dma_wait3A_168 = tpu.memref_slice %arg5[%dma_wait3A_167] : memref<256xi32, #tpu.memory_space<vmem>> -> memref<8xi32, #tpu.memory_space<vmem>>
    %dma_wait3A_169 = arith.constant 0 : i32
    %dma_wait3A_170 = arith.constant 0 : i32
    %dma_wait3A_171 = tpu.memref_slice %arg2[%dma_wait3A_169, %dma_wait3A_170] : memref<1024x4096xf32, #tpu.memory_space<hbm>> -> memref<1024x4096xf32, #tpu.memory_space<hbm>>
    tpu.wait_indirect_dma semaphore(%arg9 : memref<!tpu.dma_semaphore, #tpu.memory_space<semaphore_mem>>) src(%dma_wait3A_171 : memref<1024x4096xf32, #tpu.memory_space<hbm>>) dst(%arg7 : memref<8x4096xf32, #tpu.memory_space<vmem>>)
    %add3A_172 = arith.constant 104 : i32
    %add3A_173 = arith.addi %mul3A_2, %add3A_172 : i32
    "tpu.region"() ({
      %run_scoped3A = tpu.sem_alloc : memref<!tpu.dma_semaphore, #tpu.memory_space<semaphore_mem>>
      %dma_start3A_385 = arith.constant 0 : i32
      %dma_start3A_386 = tpu.memref_slice %arg4[%add3A_173, %dma_start3A_385] : memref<8192x4096xf32, #tpu.memory_space<hbm>> -> memref<8x4096xf32, #tpu.memory_space<hbm>>
      %dma_start3A_387 = arith.constant 0 : i32
      %dma_start3A_388 = tpu.memref_slice %arg4[%add3A_173, %dma_start3A_387] : memref<8192x4096xf32, #tpu.memory_space<hbm>> -> memref<8x4096xf32, #tpu.memory_space<hbm>>
      tpu.enqueue_dma source(%arg7 : memref<8x4096xf32, #tpu.memory_space<vmem>>) target(%dma_start3A_388 : memref<8x4096xf32, #tpu.memory_space<hbm>>) target_semaphore(%run_scoped3A : memref<!tpu.dma_semaphore, #tpu.memory_space<semaphore_mem>>)
      %dma_wait3A_389 = arith.constant 0 : i32
      %dma_wait3A_390 = tpu.memref_slice %arg4[%add3A_173, %dma_wait3A_389] : memref<8192x4096xf32, #tpu.memory_space<hbm>> -> memref<8x4096xf32, #tpu.memory_space<hbm>>
      %dma_wait3A_391 = arith.constant 0 : i32
      %dma_wait3A_392 = tpu.memref_slice %arg4[%add3A_173, %dma_wait3A_391] : memref<8192x4096xf32, #tpu.memory_space<hbm>> -> memref<8x4096xf32, #tpu.memory_space<hbm>>
      tpu.wait_dma2 semaphore(%run_scoped3A : memref<!tpu.dma_semaphore, #tpu.memory_space<semaphore_mem>>) src(%arg7 : memref<8x4096xf32, #tpu.memory_space<vmem>>) dst(%dma_wait3A_392 : memref<8x4096xf32, #tpu.memory_space<hbm>>)
      tpu.yield
    }) : () -> ()
    %dma_start3A_174 = arith.constant 120 : i32
    %dma_start3A_175 = tpu.memref_slice %arg5[%dma_start3A_174] : memref<256xi32, #tpu.memory_space<vmem>> -> memref<8xi32, #tpu.memory_space<vmem>>
    %dma_start3A_176 = arith.constant 0 : i32
    %dma_start3A_177 = arith.constant 0 : i32
    %dma_start3A_178 = tpu.memref_slice %arg2[%dma_start3A_176, %dma_start3A_177] : memref<1024x4096xf32, #tpu.memory_space<hbm>> -> memref<1024x4096xf32, #tpu.memory_space<hbm>>
    tpu.enqueue_indirect_dma source(%dma_start3A_178 : memref<1024x4096xf32, #tpu.memory_space<hbm>>) target(%arg7 : memref<8x4096xf32, #tpu.memory_space<vmem>>) offsets(%dma_start3A_175 : memref<8xi32, #tpu.memory_space<vmem>>) semaphore(%arg9 : memref<!tpu.dma_semaphore, #tpu.memory_space<semaphore_mem>>)
    %dma_wait3A_179 = arith.constant 112 : i32
    %dma_wait3A_180 = tpu.memref_slice %arg5[%dma_wait3A_179] : memref<256xi32, #tpu.memory_space<vmem>> -> memref<8xi32, #tpu.memory_space<vmem>>
    %dma_wait3A_181 = arith.constant 0 : i32
    %dma_wait3A_182 = arith.constant 0 : i32
    %dma_wait3A_183 = tpu.memref_slice %arg2[%dma_wait3A_181, %dma_wait3A_182] : memref<1024x4096xf32, #tpu.memory_space<hbm>> -> memref<1024x4096xf32, #tpu.memory_space<hbm>>
    tpu.wait_indirect_dma semaphore(%arg8 : memref<!tpu.dma_semaphore, #tpu.memory_space<semaphore_mem>>) src(%dma_wait3A_183 : memref<1024x4096xf32, #tpu.memory_space<hbm>>) dst(%arg6 : memref<8x4096xf32, #tpu.memory_space<vmem>>)
    %add3A_184 = arith.constant 112 : i32
    %add3A_185 = arith.addi %mul3A_2, %add3A_184 : i32
    "tpu.region"() ({
      %run_scoped3A = tpu.sem_alloc : memref<!tpu.dma_semaphore, #tpu.memory_space<semaphore_mem>>
      %dma_start3A_385 = arith.constant 0 : i32
      %dma_start3A_386 = tpu.memref_slice %arg4[%add3A_185, %dma_start3A_385] : memref<8192x4096xf32, #tpu.memory_space<hbm>> -> memref<8x4096xf32, #tpu.memory_space<hbm>>
      %dma_start3A_387 = arith.constant 0 : i32
      %dma_start3A_388 = tpu.memref_slice %arg4[%add3A_185, %dma_start3A_387] : memref<8192x4096xf32, #tpu.memory_space<hbm>> -> memref<8x4096xf32, #tpu.memory_space<hbm>>
      tpu.enqueue_dma source(%arg6 : memref<8x4096xf32, #tpu.memory_space<vmem>>) target(%dma_start3A_388 : memref<8x4096xf32, #tpu.memory_space<hbm>>) target_semaphore(%run_scoped3A : memref<!tpu.dma_semaphore, #tpu.memory_space<semaphore_mem>>)
      %dma_wait3A_389 = arith.constant 0 : i32
      %dma_wait3A_390 = tpu.memref_slice %arg4[%add3A_185, %dma_wait3A_389] : memref<8192x4096xf32, #tpu.memory_space<hbm>> -> memref<8x4096xf32, #tpu.memory_space<hbm>>
      %dma_wait3A_391 = arith.constant 0 : i32
      %dma_wait3A_392 = tpu.memref_slice %arg4[%add3A_185, %dma_wait3A_391] : memref<8192x4096xf32, #tpu.memory_space<hbm>> -> memref<8x4096xf32, #tpu.memory_space<hbm>>
      tpu.wait_dma2 semaphore(%run_scoped3A : memref<!tpu.dma_semaphore, #tpu.memory_space<semaphore_mem>>) src(%arg6 : memref<8x4096xf32, #tpu.memory_space<vmem>>) dst(%dma_wait3A_392 : memref<8x4096xf32, #tpu.memory_space<hbm>>)
      tpu.yield
    }) : () -> ()
    %dma_start3A_186 = arith.constant 128 : i32
    %dma_start3A_187 = tpu.memref_slice %arg5[%dma_start3A_186] : memref<256xi32, #tpu.memory_space<vmem>> -> memref<8xi32, #tpu.memory_space<vmem>>
    %dma_start3A_188 = arith.constant 0 : i32
    %dma_start3A_189 = arith.constant 0 : i32
    %dma_start3A_190 = tpu.memref_slice %arg2[%dma_start3A_188, %dma_start3A_189] : memref<1024x4096xf32, #tpu.memory_space<hbm>> -> memref<1024x4096xf32, #tpu.memory_space<hbm>>
    tpu.enqueue_indirect_dma source(%dma_start3A_190 : memref<1024x4096xf32, #tpu.memory_space<hbm>>) target(%arg6 : memref<8x4096xf32, #tpu.memory_space<vmem>>) offsets(%dma_start3A_187 : memref<8xi32, #tpu.memory_space<vmem>>) semaphore(%arg8 : memref<!tpu.dma_semaphore, #tpu.memory_space<semaphore_mem>>)
    %dma_wait3A_191 = arith.constant 120 : i32
    %dma_wait3A_192 = tpu.memref_slice %arg5[%dma_wait3A_191] : memref<256xi32, #tpu.memory_space<vmem>> -> memref<8xi32, #tpu.memory_space<vmem>>
    %dma_wait3A_193 = arith.constant 0 : i32
    %dma_wait3A_194 = arith.constant 0 : i32
    %dma_wait3A_195 = tpu.memref_slice %arg2[%dma_wait3A_193, %dma_wait3A_194] : memref<1024x4096xf32, #tpu.memory_space<hbm>> -> memref<1024x4096xf32, #tpu.memory_space<hbm>>
    tpu.wait_indirect_dma semaphore(%arg9 : memref<!tpu.dma_semaphore, #tpu.memory_space<semaphore_mem>>) src(%dma_wait3A_195 : memref<1024x4096xf32, #tpu.memory_space<hbm>>) dst(%arg7 : memref<8x4096xf32, #tpu.memory_space<vmem>>)
    %add3A_196 = arith.constant 120 : i32
    %add3A_197 = arith.addi %mul3A_2, %add3A_196 : i32
    "tpu.region"() ({
      %run_scoped3A = tpu.sem_alloc : memref<!tpu.dma_semaphore, #tpu.memory_space<semaphore_mem>>
      %dma_start3A_385 = arith.constant 0 : i32
      %dma_start3A_386 = tpu.memref_slice %arg4[%add3A_197, %dma_start3A_385] : memref<8192x4096xf32, #tpu.memory_space<hbm>> -> memref<8x4096xf32, #tpu.memory_space<hbm>>
      %dma_start3A_387 = arith.constant 0 : i32
      %dma_start3A_388 = tpu.memref_slice %arg4[%add3A_197, %dma_start3A_387] : memref<8192x4096xf32, #tpu.memory_space<hbm>> -> memref<8x4096xf32, #tpu.memory_space<hbm>>
      tpu.enqueue_dma source(%arg7 : memref<8x4096xf32, #tpu.memory_space<vmem>>) target(%dma_start3A_388 : memref<8x4096xf32, #tpu.memory_space<hbm>>) target_semaphore(%run_scoped3A : memref<!tpu.dma_semaphore, #tpu.memory_space<semaphore_mem>>)
      %dma_wait3A_389 = arith.constant 0 : i32
      %dma_wait3A_390 = tpu.memref_slice %arg4[%add3A_197, %dma_wait3A_389] : memref<8192x4096xf32, #tpu.memory_space<hbm>> -> memref<8x4096xf32, #tpu.memory_space<hbm>>
      %dma_wait3A_391 = arith.constant 0 : i32
      %dma_wait3A_392 = tpu.memref_slice %arg4[%add3A_197, %dma_wait3A_391] : memref<8192x4096xf32, #tpu.memory_space<hbm>> -> memref<8x4096xf32, #tpu.memory_space<hbm>>
      tpu.wait_dma2 semaphore(%run_scoped3A : memref<!tpu.dma_semaphore, #tpu.memory_space<semaphore_mem>>) src(%arg7 : memref<8x4096xf32, #tpu.memory_space<vmem>>) dst(%dma_wait3A_392 : memref<8x4096xf32, #tpu.memory_space<hbm>>)
      tpu.yield
    }) : () -> ()
    %dma_start3A_198 = arith.constant 136 : i32
    %dma_start3A_199 = tpu.memref_slice %arg5[%dma_start3A_198] : memref<256xi32, #tpu.memory_space<vmem>> -> memref<8xi32, #tpu.memory_space<vmem>>
    %dma_start3A_200 = arith.constant 0 : i32
    %dma_start3A_201 = arith.constant 0 : i32
    %dma_start3A_202 = tpu.memref_slice %arg2[%dma_start3A_200, %dma_start3A_201] : memref<1024x4096xf32, #tpu.memory_space<hbm>> -> memref<1024x4096xf32, #tpu.memory_space<hbm>>
    tpu.enqueue_indirect_dma source(%dma_start3A_202 : memref<1024x4096xf32, #tpu.memory_space<hbm>>) target(%arg7 : memref<8x4096xf32, #tpu.memory_space<vmem>>) offsets(%dma_start3A_199 : memref<8xi32, #tpu.memory_space<vmem>>) semaphore(%arg9 : memref<!tpu.dma_semaphore, #tpu.memory_space<semaphore_mem>>)
    %dma_wait3A_203 = arith.constant 128 : i32
    %dma_wait3A_204 = tpu.memref_slice %arg5[%dma_wait3A_203] : memref<256xi32, #tpu.memory_space<vmem>> -> memref<8xi32, #tpu.memory_space<vmem>>
    %dma_wait3A_205 = arith.constant 0 : i32
    %dma_wait3A_206 = arith.constant 0 : i32
    %dma_wait3A_207 = tpu.memref_slice %arg2[%dma_wait3A_205, %dma_wait3A_206] : memref<1024x4096xf32, #tpu.memory_space<hbm>> -> memref<1024x4096xf32, #tpu.memory_space<hbm>>
    tpu.wait_indirect_dma semaphore(%arg8 : memref<!tpu.dma_semaphore, #tpu.memory_space<semaphore_mem>>) src(%dma_wait3A_207 : memref<1024x4096xf32, #tpu.memory_space<hbm>>) dst(%arg6 : memref<8x4096xf32, #tpu.memory_space<vmem>>)
    %add3A_208 = arith.constant 128 : i32
    %add3A_209 = arith.addi %mul3A_2, %add3A_208 : i32
    "tpu.region"() ({
      %run_scoped3A = tpu.sem_alloc : memref<!tpu.dma_semaphore, #tpu.memory_space<semaphore_mem>>
      %dma_start3A_385 = arith.constant 0 : i32
      %dma_start3A_386 = tpu.memref_slice %arg4[%add3A_209, %dma_start3A_385] : memref<8192x4096xf32, #tpu.memory_space<hbm>> -> memref<8x4096xf32, #tpu.memory_space<hbm>>
      %dma_start3A_387 = arith.constant 0 : i32
      %dma_start3A_388 = tpu.memref_slice %arg4[%add3A_209, %dma_start3A_387] : memref<8192x4096xf32, #tpu.memory_space<hbm>> -> memref<8x4096xf32, #tpu.memory_space<hbm>>
      tpu.enqueue_dma source(%arg6 : memref<8x4096xf32, #tpu.memory_space<vmem>>) target(%dma_start3A_388 : memref<8x4096xf32, #tpu.memory_space<hbm>>) target_semaphore(%run_scoped3A : memref<!tpu.dma_semaphore, #tpu.memory_space<semaphore_mem>>)
      %dma_wait3A_389 = arith.constant 0 : i32
      %dma_wait3A_390 = tpu.memref_slice %arg4[%add3A_209, %dma_wait3A_389] : memref<8192x4096xf32, #tpu.memory_space<hbm>> -> memref<8x4096xf32, #tpu.memory_space<hbm>>
      %dma_wait3A_391 = arith.constant 0 : i32
      %dma_wait3A_392 = tpu.memref_slice %arg4[%add3A_209, %dma_wait3A_391] : memref<8192x4096xf32, #tpu.memory_space<hbm>> -> memref<8x4096xf32, #tpu.memory_space<hbm>>
      tpu.wait_dma2 semaphore(%run_scoped3A : memref<!tpu.dma_semaphore, #tpu.memory_space<semaphore_mem>>) src(%arg6 : memref<8x4096xf32, #tpu.memory_space<vmem>>) dst(%dma_wait3A_392 : memref<8x4096xf32, #tpu.memory_space<hbm>>)
      tpu.yield
    }) : () -> ()
    %dma_start3A_210 = arith.constant 144 : i32
    %dma_start3A_211 = tpu.memref_slice %arg5[%dma_start3A_210] : memref<256xi32, #tpu.memory_space<vmem>> -> memref<8xi32, #tpu.memory_space<vmem>>
    %dma_start3A_212 = arith.constant 0 : i32
    %dma_start3A_213 = arith.constant 0 : i32
    %dma_start3A_214 = tpu.memref_slice %arg2[%dma_start3A_212, %dma_start3A_213] : memref<1024x4096xf32, #tpu.memory_space<hbm>> -> memref<1024x4096xf32, #tpu.memory_space<hbm>>
    tpu.enqueue_indirect_dma source(%dma_start3A_214 : memref<1024x4096xf32, #tpu.memory_space<hbm>>) target(%arg6 : memref<8x4096xf32, #tpu.memory_space<vmem>>) offsets(%dma_start3A_211 : memref<8xi32, #tpu.memory_space<vmem>>) semaphore(%arg8 : memref<!tpu.dma_semaphore, #tpu.memory_space<semaphore_mem>>)
    %dma_wait3A_215 = arith.constant 136 : i32
    %dma_wait3A_216 = tpu.memref_slice %arg5[%dma_wait3A_215] : memref<256xi32, #tpu.memory_space<vmem>> -> memref<8xi32, #tpu.memory_space<vmem>>
    %dma_wait3A_217 = arith.constant 0 : i32
    %dma_wait3A_218 = arith.constant 0 : i32
    %dma_wait3A_219 = tpu.memref_slice %arg2[%dma_wait3A_217, %dma_wait3A_218] : memref<1024x4096xf32, #tpu.memory_space<hbm>> -> memref<1024x4096xf32, #tpu.memory_space<hbm>>
    tpu.wait_indirect_dma semaphore(%arg9 : memref<!tpu.dma_semaphore, #tpu.memory_space<semaphore_mem>>) src(%dma_wait3A_219 : memref<1024x4096xf32, #tpu.memory_space<hbm>>) dst(%arg7 : memref<8x4096xf32, #tpu.memory_space<vmem>>)
    %add3A_220 = arith.constant 136 : i32
    %add3A_221 = arith.addi %mul3A_2, %add3A_220 : i32
    "tpu.region"() ({
      %run_scoped3A = tpu.sem_alloc : memref<!tpu.dma_semaphore, #tpu.memory_space<semaphore_mem>>
      %dma_start3A_385 = arith.constant 0 : i32
      %dma_start3A_386 = tpu.memref_slice %arg4[%add3A_221, %dma_start3A_385] : memref<8192x4096xf32, #tpu.memory_space<hbm>> -> memref<8x4096xf32, #tpu.memory_space<hbm>>
      %dma_start3A_387 = arith.constant 0 : i32
      %dma_start3A_388 = tpu.memref_slice %arg4[%add3A_221, %dma_start3A_387] : memref<8192x4096xf32, #tpu.memory_space<hbm>> -> memref<8x4096xf32, #tpu.memory_space<hbm>>
      tpu.enqueue_dma source(%arg7 : memref<8x4096xf32, #tpu.memory_space<vmem>>) target(%dma_start3A_388 : memref<8x4096xf32, #tpu.memory_space<hbm>>) target_semaphore(%run_scoped3A : memref<!tpu.dma_semaphore, #tpu.memory_space<semaphore_mem>>)
      %dma_wait3A_389 = arith.constant 0 : i32
      %dma_wait3A_390 = tpu.memref_slice %arg4[%add3A_221, %dma_wait3A_389] : memref<8192x4096xf32, #tpu.memory_space<hbm>> -> memref<8x4096xf32, #tpu.memory_space<hbm>>
      %dma_wait3A_391 = arith.constant 0 : i32
      %dma_wait3A_392 = tpu.memref_slice %arg4[%add3A_221, %dma_wait3A_391] : memref<8192x4096xf32, #tpu.memory_space<hbm>> -> memref<8x4096xf32, #tpu.memory_space<hbm>>
      tpu.wait_dma2 semaphore(%run_scoped3A : memref<!tpu.dma_semaphore, #tpu.memory_space<semaphore_mem>>) src(%arg7 : memref<8x4096xf32, #tpu.memory_space<vmem>>) dst(%dma_wait3A_392 : memref<8x4096xf32, #tpu.memory_space<hbm>>)
      tpu.yield
    }) : () -> ()
    %dma_start3A_222 = arith.constant 152 : i32
    %dma_start3A_223 = tpu.memref_slice %arg5[%dma_start3A_222] : memref<256xi32, #tpu.memory_space<vmem>> -> memref<8xi32, #tpu.memory_space<vmem>>
    %dma_start3A_224 = arith.constant 0 : i32
    %dma_start3A_225 = arith.constant 0 : i32
    %dma_start3A_226 = tpu.memref_slice %arg2[%dma_start3A_224, %dma_start3A_225] : memref<1024x4096xf32, #tpu.memory_space<hbm>> -> memref<1024x4096xf32, #tpu.memory_space<hbm>>
    tpu.enqueue_indirect_dma source(%dma_start3A_226 : memref<1024x4096xf32, #tpu.memory_space<hbm>>) target(%arg7 : memref<8x4096xf32, #tpu.memory_space<vmem>>) offsets(%dma_start3A_223 : memref<8xi32, #tpu.memory_space<vmem>>) semaphore(%arg9 : memref<!tpu.dma_semaphore, #tpu.memory_space<semaphore_mem>>)
    %dma_wait3A_227 = arith.constant 144 : i32
    %dma_wait3A_228 = tpu.memref_slice %arg5[%dma_wait3A_227] : memref<256xi32, #tpu.memory_space<vmem>> -> memref<8xi32, #tpu.memory_space<vmem>>
    %dma_wait3A_229 = arith.constant 0 : i32
    %dma_wait3A_230 = arith.constant 0 : i32
    %dma_wait3A_231 = tpu.memref_slice %arg2[%dma_wait3A_229, %dma_wait3A_230] : memref<1024x4096xf32, #tpu.memory_space<hbm>> -> memref<1024x4096xf32, #tpu.memory_space<hbm>>
    tpu.wait_indirect_dma semaphore(%arg8 : memref<!tpu.dma_semaphore, #tpu.memory_space<semaphore_mem>>) src(%dma_wait3A_231 : memref<1024x4096xf32, #tpu.memory_space<hbm>>) dst(%arg6 : memref<8x4096xf32, #tpu.memory_space<vmem>>)
    %add3A_232 = arith.constant 144 : i32
    %add3A_233 = arith.addi %mul3A_2, %add3A_232 : i32
    "tpu.region"() ({
      %run_scoped3A = tpu.sem_alloc : memref<!tpu.dma_semaphore, #tpu.memory_space<semaphore_mem>>
      %dma_start3A_385 = arith.constant 0 : i32
      %dma_start3A_386 = tpu.memref_slice %arg4[%add3A_233, %dma_start3A_385] : memref<8192x4096xf32, #tpu.memory_space<hbm>> -> memref<8x4096xf32, #tpu.memory_space<hbm>>
      %dma_start3A_387 = arith.constant 0 : i32
      %dma_start3A_388 = tpu.memref_slice %arg4[%add3A_233, %dma_start3A_387] : memref<8192x4096xf32, #tpu.memory_space<hbm>> -> memref<8x4096xf32, #tpu.memory_space<hbm>>
      tpu.enqueue_dma source(%arg6 : memref<8x4096xf32, #tpu.memory_space<vmem>>) target(%dma_start3A_388 : memref<8x4096xf32, #tpu.memory_space<hbm>>) target_semaphore(%run_scoped3A : memref<!tpu.dma_semaphore, #tpu.memory_space<semaphore_mem>>)
      %dma_wait3A_389 = arith.constant 0 : i32
      %dma_wait3A_390 = tpu.memref_slice %arg4[%add3A_233, %dma_wait3A_389] : memref<8192x4096xf32, #tpu.memory_space<hbm>> -> memref<8x4096xf32, #tpu.memory_space<hbm>>
      %dma_wait3A_391 = arith.constant 0 : i32
      %dma_wait3A_392 = tpu.memref_slice %arg4[%add3A_233, %dma_wait3A_391] : memref<8192x4096xf32, #tpu.memory_space<hbm>> -> memref<8x4096xf32, #tpu.memory_space<hbm>>
      tpu.wait_dma2 semaphore(%run_scoped3A : memref<!tpu.dma_semaphore, #tpu.memory_space<semaphore_mem>>) src(%arg6 : memref<8x4096xf32, #tpu.memory_space<vmem>>) dst(%dma_wait3A_392 : memref<8x4096xf32, #tpu.memory_space<hbm>>)
      tpu.yield
    }) : () -> ()
    %dma_start3A_234 = arith.constant 160 : i32
    %dma_start3A_235 = tpu.memref_slice %arg5[%dma_start3A_234] : memref<256xi32, #tpu.memory_space<vmem>> -> memref<8xi32, #tpu.memory_space<vmem>>
    %dma_start3A_236 = arith.constant 0 : i32
    %dma_start3A_237 = arith.constant 0 : i32
    %dma_start3A_238 = tpu.memref_slice %arg2[%dma_start3A_236, %dma_start3A_237] : memref<1024x4096xf32, #tpu.memory_space<hbm>> -> memref<1024x4096xf32, #tpu.memory_space<hbm>>
    tpu.enqueue_indirect_dma source(%dma_start3A_238 : memref<1024x4096xf32, #tpu.memory_space<hbm>>) target(%arg6 : memref<8x4096xf32, #tpu.memory_space<vmem>>) offsets(%dma_start3A_235 : memref<8xi32, #tpu.memory_space<vmem>>) semaphore(%arg8 : memref<!tpu.dma_semaphore, #tpu.memory_space<semaphore_mem>>)
    %dma_wait3A_239 = arith.constant 152 : i32
    %dma_wait3A_240 = tpu.memref_slice %arg5[%dma_wait3A_239] : memref<256xi32, #tpu.memory_space<vmem>> -> memref<8xi32, #tpu.memory_space<vmem>>
    %dma_wait3A_241 = arith.constant 0 : i32
    %dma_wait3A_242 = arith.constant 0 : i32
    %dma_wait3A_243 = tpu.memref_slice %arg2[%dma_wait3A_241, %dma_wait3A_242] : memref<1024x4096xf32, #tpu.memory_space<hbm>> -> memref<1024x4096xf32, #tpu.memory_space<hbm>>
    tpu.wait_indirect_dma semaphore(%arg9 : memref<!tpu.dma_semaphore, #tpu.memory_space<semaphore_mem>>) src(%dma_wait3A_243 : memref<1024x4096xf32, #tpu.memory_space<hbm>>) dst(%arg7 : memref<8x4096xf32, #tpu.memory_space<vmem>>)
    %add3A_244 = arith.constant 152 : i32
    %add3A_245 = arith.addi %mul3A_2, %add3A_244 : i32
    "tpu.region"() ({
      %run_scoped3A = tpu.sem_alloc : memref<!tpu.dma_semaphore, #tpu.memory_space<semaphore_mem>>
      %dma_start3A_385 = arith.constant 0 : i32
      %dma_start3A_386 = tpu.memref_slice %arg4[%add3A_245, %dma_start3A_385] : memref<8192x4096xf32, #tpu.memory_space<hbm>> -> memref<8x4096xf32, #tpu.memory_space<hbm>>
      %dma_start3A_387 = arith.constant 0 : i32
      %dma_start3A_388 = tpu.memref_slice %arg4[%add3A_245, %dma_start3A_387] : memref<8192x4096xf32, #tpu.memory_space<hbm>> -> memref<8x4096xf32, #tpu.memory_space<hbm>>
      tpu.enqueue_dma source(%arg7 : memref<8x4096xf32, #tpu.memory_space<vmem>>) target(%dma_start3A_388 : memref<8x4096xf32, #tpu.memory_space<hbm>>) target_semaphore(%run_scoped3A : memref<!tpu.dma_semaphore, #tpu.memory_space<semaphore_mem>>)
      %dma_wait3A_389 = arith.constant 0 : i32
      %dma_wait3A_390 = tpu.memref_slice %arg4[%add3A_245, %dma_wait3A_389] : memref<8192x4096xf32, #tpu.memory_space<hbm>> -> memref<8x4096xf32, #tpu.memory_space<hbm>>
      %dma_wait3A_391 = arith.constant 0 : i32
      %dma_wait3A_392 = tpu.memref_slice %arg4[%add3A_245, %dma_wait3A_391] : memref<8192x4096xf32, #tpu.memory_space<hbm>> -> memref<8x4096xf32, #tpu.memory_space<hbm>>
      tpu.wait_dma2 semaphore(%run_scoped3A : memref<!tpu.dma_semaphore, #tpu.memory_space<semaphore_mem>>) src(%arg7 : memref<8x4096xf32, #tpu.memory_space<vmem>>) dst(%dma_wait3A_392 : memref<8x4096xf32, #tpu.memory_space<hbm>>)
      tpu.yield
    }) : () -> ()
    %dma_start3A_246 = arith.constant 168 : i32
    %dma_start3A_247 = tpu.memref_slice %arg5[%dma_start3A_246] : memref<256xi32, #tpu.memory_space<vmem>> -> memref<8xi32, #tpu.memory_space<vmem>>
    %dma_start3A_248 = arith.constant 0 : i32
    %dma_start3A_249 = arith.constant 0 : i32
    %dma_start3A_250 = tpu.memref_slice %arg2[%dma_start3A_248, %dma_start3A_249] : memref<1024x4096xf32, #tpu.memory_space<hbm>> -> memref<1024x4096xf32, #tpu.memory_space<hbm>>
    tpu.enqueue_indirect_dma source(%dma_start3A_250 : memref<1024x4096xf32, #tpu.memory_space<hbm>>) target(%arg7 : memref<8x4096xf32, #tpu.memory_space<vmem>>) offsets(%dma_start3A_247 : memref<8xi32, #tpu.memory_space<vmem>>) semaphore(%arg9 : memref<!tpu.dma_semaphore, #tpu.memory_space<semaphore_mem>>)
    %dma_wait3A_251 = arith.constant 160 : i32
    %dma_wait3A_252 = tpu.memref_slice %arg5[%dma_wait3A_251] : memref<256xi32, #tpu.memory_space<vmem>> -> memref<8xi32, #tpu.memory_space<vmem>>
    %dma_wait3A_253 = arith.constant 0 : i32
    %dma_wait3A_254 = arith.constant 0 : i32
    %dma_wait3A_255 = tpu.memref_slice %arg2[%dma_wait3A_253, %dma_wait3A_254] : memref<1024x4096xf32, #tpu.memory_space<hbm>> -> memref<1024x4096xf32, #tpu.memory_space<hbm>>
    tpu.wait_indirect_dma semaphore(%arg8 : memref<!tpu.dma_semaphore, #tpu.memory_space<semaphore_mem>>) src(%dma_wait3A_255 : memref<1024x4096xf32, #tpu.memory_space<hbm>>) dst(%arg6 : memref<8x4096xf32, #tpu.memory_space<vmem>>)
    %add3A_256 = arith.constant 160 : i32
    %add3A_257 = arith.addi %mul3A_2, %add3A_256 : i32
    "tpu.region"() ({
      %run_scoped3A = tpu.sem_alloc : memref<!tpu.dma_semaphore, #tpu.memory_space<semaphore_mem>>
      %dma_start3A_385 = arith.constant 0 : i32
      %dma_start3A_386 = tpu.memref_slice %arg4[%add3A_257, %dma_start3A_385] : memref<8192x4096xf32, #tpu.memory_space<hbm>> -> memref<8x4096xf32, #tpu.memory_space<hbm>>
      %dma_start3A_387 = arith.constant 0 : i32
      %dma_start3A_388 = tpu.memref_slice %arg4[%add3A_257, %dma_start3A_387] : memref<8192x4096xf32, #tpu.memory_space<hbm>> -> memref<8x4096xf32, #tpu.memory_space<hbm>>
      tpu.enqueue_dma source(%arg6 : memref<8x4096xf32, #tpu.memory_space<vmem>>) target(%dma_start3A_388 : memref<8x4096xf32, #tpu.memory_space<hbm>>) target_semaphore(%run_scoped3A : memref<!tpu.dma_semaphore, #tpu.memory_space<semaphore_mem>>)
      %dma_wait3A_389 = arith.constant 0 : i32
      %dma_wait3A_390 = tpu.memref_slice %arg4[%add3A_257, %dma_wait3A_389] : memref<8192x4096xf32, #tpu.memory_space<hbm>> -> memref<8x4096xf32, #tpu.memory_space<hbm>>
      %dma_wait3A_391 = arith.constant 0 : i32
      %dma_wait3A_392 = tpu.memref_slice %arg4[%add3A_257, %dma_wait3A_391] : memref<8192x4096xf32, #tpu.memory_space<hbm>> -> memref<8x4096xf32, #tpu.memory_space<hbm>>
      tpu.wait_dma2 semaphore(%run_scoped3A : memref<!tpu.dma_semaphore, #tpu.memory_space<semaphore_mem>>) src(%arg6 : memref<8x4096xf32, #tpu.memory_space<vmem>>) dst(%dma_wait3A_392 : memref<8x4096xf32, #tpu.memory_space<hbm>>)
      tpu.yield
    }) : () -> ()
    %dma_start3A_258 = arith.constant 176 : i32
    %dma_start3A_259 = tpu.memref_slice %arg5[%dma_start3A_258] : memref<256xi32, #tpu.memory_space<vmem>> -> memref<8xi32, #tpu.memory_space<vmem>>
    %dma_start3A_260 = arith.constant 0 : i32
    %dma_start3A_261 = arith.constant 0 : i32
    %dma_start3A_262 = tpu.memref_slice %arg2[%dma_start3A_260, %dma_start3A_261] : memref<1024x4096xf32, #tpu.memory_space<hbm>> -> memref<1024x4096xf32, #tpu.memory_space<hbm>>
    tpu.enqueue_indirect_dma source(%dma_start3A_262 : memref<1024x4096xf32, #tpu.memory_space<hbm>>) target(%arg6 : memref<8x4096xf32, #tpu.memory_space<vmem>>) offsets(%dma_start3A_259 : memref<8xi32, #tpu.memory_space<vmem>>) semaphore(%arg8 : memref<!tpu.dma_semaphore, #tpu.memory_space<semaphore_mem>>)
    %dma_wait3A_263 = arith.constant 168 : i32
    %dma_wait3A_264 = tpu.memref_slice %arg5[%dma_wait3A_263] : memref<256xi32, #tpu.memory_space<vmem>> -> memref<8xi32, #tpu.memory_space<vmem>>
    %dma_wait3A_265 = arith.constant 0 : i32
    %dma_wait3A_266 = arith.constant 0 : i32
    %dma_wait3A_267 = tpu.memref_slice %arg2[%dma_wait3A_265, %dma_wait3A_266] : memref<1024x4096xf32, #tpu.memory_space<hbm>> -> memref<1024x4096xf32, #tpu.memory_space<hbm>>
    tpu.wait_indirect_dma semaphore(%arg9 : memref<!tpu.dma_semaphore, #tpu.memory_space<semaphore_mem>>) src(%dma_wait3A_267 : memref<1024x4096xf32, #tpu.memory_space<hbm>>) dst(%arg7 : memref<8x4096xf32, #tpu.memory_space<vmem>>)
    %add3A_268 = arith.constant 168 : i32
    %add3A_269 = arith.addi %mul3A_2, %add3A_268 : i32
    "tpu.region"() ({
      %run_scoped3A = tpu.sem_alloc : memref<!tpu.dma_semaphore, #tpu.memory_space<semaphore_mem>>
      %dma_start3A_385 = arith.constant 0 : i32
      %dma_start3A_386 = tpu.memref_slice %arg4[%add3A_269, %dma_start3A_385] : memref<8192x4096xf32, #tpu.memory_space<hbm>> -> memref<8x4096xf32, #tpu.memory_space<hbm>>
      %dma_start3A_387 = arith.constant 0 : i32
      %dma_start3A_388 = tpu.memref_slice %arg4[%add3A_269, %dma_start3A_387] : memref<8192x4096xf32, #tpu.memory_space<hbm>> -> memref<8x4096xf32, #tpu.memory_space<hbm>>
      tpu.enqueue_dma source(%arg7 : memref<8x4096xf32, #tpu.memory_space<vmem>>) target(%dma_start3A_388 : memref<8x4096xf32, #tpu.memory_space<hbm>>) target_semaphore(%run_scoped3A : memref<!tpu.dma_semaphore, #tpu.memory_space<semaphore_mem>>)
      %dma_wait3A_389 = arith.constant 0 : i32
      %dma_wait3A_390 = tpu.memref_slice %arg4[%add3A_269, %dma_wait3A_389] : memref<8192x4096xf32, #tpu.memory_space<hbm>> -> memref<8x4096xf32, #tpu.memory_space<hbm>>
      %dma_wait3A_391 = arith.constant 0 : i32
      %dma_wait3A_392 = tpu.memref_slice %arg4[%add3A_269, %dma_wait3A_391] : memref<8192x4096xf32, #tpu.memory_space<hbm>> -> memref<8x4096xf32, #tpu.memory_space<hbm>>
      tpu.wait_dma2 semaphore(%run_scoped3A : memref<!tpu.dma_semaphore, #tpu.memory_space<semaphore_mem>>) src(%arg7 : memref<8x4096xf32, #tpu.memory_space<vmem>>) dst(%dma_wait3A_392 : memref<8x4096xf32, #tpu.memory_space<hbm>>)
      tpu.yield
    }) : () -> ()
    %dma_start3A_270 = arith.constant 184 : i32
    %dma_start3A_271 = tpu.memref_slice %arg5[%dma_start3A_270] : memref<256xi32, #tpu.memory_space<vmem>> -> memref<8xi32, #tpu.memory_space<vmem>>
    %dma_start3A_272 = arith.constant 0 : i32
    %dma_start3A_273 = arith.constant 0 : i32
    %dma_start3A_274 = tpu.memref_slice %arg2[%dma_start3A_272, %dma_start3A_273] : memref<1024x4096xf32, #tpu.memory_space<hbm>> -> memref<1024x4096xf32, #tpu.memory_space<hbm>>
    tpu.enqueue_indirect_dma source(%dma_start3A_274 : memref<1024x4096xf32, #tpu.memory_space<hbm>>) target(%arg7 : memref<8x4096xf32, #tpu.memory_space<vmem>>) offsets(%dma_start3A_271 : memref<8xi32, #tpu.memory_space<vmem>>) semaphore(%arg9 : memref<!tpu.dma_semaphore, #tpu.memory_space<semaphore_mem>>)
    %dma_wait3A_275 = arith.constant 176 : i32
    %dma_wait3A_276 = tpu.memref_slice %arg5[%dma_wait3A_275] : memref<256xi32, #tpu.memory_space<vmem>> -> memref<8xi32, #tpu.memory_space<vmem>>
    %dma_wait3A_277 = arith.constant 0 : i32
    %dma_wait3A_278 = arith.constant 0 : i32
    %dma_wait3A_279 = tpu.memref_slice %arg2[%dma_wait3A_277, %dma_wait3A_278] : memref<1024x4096xf32, #tpu.memory_space<hbm>> -> memref<1024x4096xf32, #tpu.memory_space<hbm>>
    tpu.wait_indirect_dma semaphore(%arg8 : memref<!tpu.dma_semaphore, #tpu.memory_space<semaphore_mem>>) src(%dma_wait3A_279 : memref<1024x4096xf32, #tpu.memory_space<hbm>>) dst(%arg6 : memref<8x4096xf32, #tpu.memory_space<vmem>>)
    %add3A_280 = arith.constant 176 : i32
    %add3A_281 = arith.addi %mul3A_2, %add3A_280 : i32
    "tpu.region"() ({
      %run_scoped3A = tpu.sem_alloc : memref<!tpu.dma_semaphore, #tpu.memory_space<semaphore_mem>>
      %dma_start3A_385 = arith.constant 0 : i32
      %dma_start3A_386 = tpu.memref_slice %arg4[%add3A_281, %dma_start3A_385] : memref<8192x4096xf32, #tpu.memory_space<hbm>> -> memref<8x4096xf32, #tpu.memory_space<hbm>>
      %dma_start3A_387 = arith.constant 0 : i32
      %dma_start3A_388 = tpu.memref_slice %arg4[%add3A_281, %dma_start3A_387] : memref<8192x4096xf32, #tpu.memory_space<hbm>> -> memref<8x4096xf32, #tpu.memory_space<hbm>>
      tpu.enqueue_dma source(%arg6 : memref<8x4096xf32, #tpu.memory_space<vmem>>) target(%dma_start3A_388 : memref<8x4096xf32, #tpu.memory_space<hbm>>) target_semaphore(%run_scoped3A : memref<!tpu.dma_semaphore, #tpu.memory_space<semaphore_mem>>)
      %dma_wait3A_389 = arith.constant 0 : i32
      %dma_wait3A_390 = tpu.memref_slice %arg4[%add3A_281, %dma_wait3A_389] : memref<8192x4096xf32, #tpu.memory_space<hbm>> -> memref<8x4096xf32, #tpu.memory_space<hbm>>
      %dma_wait3A_391 = arith.constant 0 : i32
      %dma_wait3A_392 = tpu.memref_slice %arg4[%add3A_281, %dma_wait3A_391] : memref<8192x4096xf32, #tpu.memory_space<hbm>> -> memref<8x4096xf32, #tpu.memory_space<hbm>>
      tpu.wait_dma2 semaphore(%run_scoped3A : memref<!tpu.dma_semaphore, #tpu.memory_space<semaphore_mem>>) src(%arg6 : memref<8x4096xf32, #tpu.memory_space<vmem>>) dst(%dma_wait3A_392 : memref<8x4096xf32, #tpu.memory_space<hbm>>)
      tpu.yield
    }) : () -> ()
    %dma_start3A_282 = arith.constant 192 : i32
    %dma_start3A_283 = tpu.memref_slice %arg5[%dma_start3A_282] : memref<256xi32, #tpu.memory_space<vmem>> -> memref<8xi32, #tpu.memory_space<vmem>>
    %dma_start3A_284 = arith.constant 0 : i32
    %dma_start3A_285 = arith.constant 0 : i32
    %dma_start3A_286 = tpu.memref_slice %arg2[%dma_start3A_284, %dma_start3A_285] : memref<1024x4096xf32, #tpu.memory_space<hbm>> -> memref<1024x4096xf32, #tpu.memory_space<hbm>>
    tpu.enqueue_indirect_dma source(%dma_start3A_286 : memref<1024x4096xf32, #tpu.memory_space<hbm>>) target(%arg6 : memref<8x4096xf32, #tpu.memory_space<vmem>>) offsets(%dma_start3A_283 : memref<8xi32, #tpu.memory_space<vmem>>) semaphore(%arg8 : memref<!tpu.dma_semaphore, #tpu.memory_space<semaphore_mem>>)
    %dma_wait3A_287 = arith.constant 184 : i32
    %dma_wait3A_288 = tpu.memref_slice %arg5[%dma_wait3A_287] : memref<256xi32, #tpu.memory_space<vmem>> -> memref<8xi32, #tpu.memory_space<vmem>>
    %dma_wait3A_289 = arith.constant 0 : i32
    %dma_wait3A_290 = arith.constant 0 : i32
    %dma_wait3A_291 = tpu.memref_slice %arg2[%dma_wait3A_289, %dma_wait3A_290] : memref<1024x4096xf32, #tpu.memory_space<hbm>> -> memref<1024x4096xf32, #tpu.memory_space<hbm>>
    tpu.wait_indirect_dma semaphore(%arg9 : memref<!tpu.dma_semaphore, #tpu.memory_space<semaphore_mem>>) src(%dma_wait3A_291 : memref<1024x4096xf32, #tpu.memory_space<hbm>>) dst(%arg7 : memref<8x4096xf32, #tpu.memory_space<vmem>>)
    %add3A_292 = arith.constant 184 : i32
    %add3A_293 = arith.addi %mul3A_2, %add3A_292 : i32
    "tpu.region"() ({
      %run_scoped3A = tpu.sem_alloc : memref<!tpu.dma_semaphore, #tpu.memory_space<semaphore_mem>>
      %dma_start3A_385 = arith.constant 0 : i32
      %dma_start3A_386 = tpu.memref_slice %arg4[%add3A_293, %dma_start3A_385] : memref<8192x4096xf32, #tpu.memory_space<hbm>> -> memref<8x4096xf32, #tpu.memory_space<hbm>>
      %dma_start3A_387 = arith.constant 0 : i32
      %dma_start3A_388 = tpu.memref_slice %arg4[%add3A_293, %dma_start3A_387] : memref<8192x4096xf32, #tpu.memory_space<hbm>> -> memref<8x4096xf32, #tpu.memory_space<hbm>>
      tpu.enqueue_dma source(%arg7 : memref<8x4096xf32, #tpu.memory_space<vmem>>) target(%dma_start3A_388 : memref<8x4096xf32, #tpu.memory_space<hbm>>) target_semaphore(%run_scoped3A : memref<!tpu.dma_semaphore, #tpu.memory_space<semaphore_mem>>)
      %dma_wait3A_389 = arith.constant 0 : i32
      %dma_wait3A_390 = tpu.memref_slice %arg4[%add3A_293, %dma_wait3A_389] : memref<8192x4096xf32, #tpu.memory_space<hbm>> -> memref<8x4096xf32, #tpu.memory_space<hbm>>
      %dma_wait3A_391 = arith.constant 0 : i32
      %dma_wait3A_392 = tpu.memref_slice %arg4[%add3A_293, %dma_wait3A_391] : memref<8192x4096xf32, #tpu.memory_space<hbm>> -> memref<8x4096xf32, #tpu.memory_space<hbm>>
      tpu.wait_dma2 semaphore(%run_scoped3A : memref<!tpu.dma_semaphore, #tpu.memory_space<semaphore_mem>>) src(%arg7 : memref<8x4096xf32, #tpu.memory_space<vmem>>) dst(%dma_wait3A_392 : memref<8x4096xf32, #tpu.memory_space<hbm>>)
      tpu.yield
    }) : () -> ()
    %dma_start3A_294 = arith.constant 200 : i32
    %dma_start3A_295 = tpu.memref_slice %arg5[%dma_start3A_294] : memref<256xi32, #tpu.memory_space<vmem>> -> memref<8xi32, #tpu.memory_space<vmem>>
    %dma_start3A_296 = arith.constant 0 : i32
    %dma_start3A_297 = arith.constant 0 : i32
    %dma_start3A_298 = tpu.memref_slice %arg2[%dma_start3A_296, %dma_start3A_297] : memref<1024x4096xf32, #tpu.memory_space<hbm>> -> memref<1024x4096xf32, #tpu.memory_space<hbm>>
    tpu.enqueue_indirect_dma source(%dma_start3A_298 : memref<1024x4096xf32, #tpu.memory_space<hbm>>) target(%arg7 : memref<8x4096xf32, #tpu.memory_space<vmem>>) offsets(%dma_start3A_295 : memref<8xi32, #tpu.memory_space<vmem>>) semaphore(%arg9 : memref<!tpu.dma_semaphore, #tpu.memory_space<semaphore_mem>>)
    %dma_wait3A_299 = arith.constant 192 : i32
    %dma_wait3A_300 = tpu.memref_slice %arg5[%dma_wait3A_299] : memref<256xi32, #tpu.memory_space<vmem>> -> memref<8xi32, #tpu.memory_space<vmem>>
    %dma_wait3A_301 = arith.constant 0 : i32
    %dma_wait3A_302 = arith.constant 0 : i32
    %dma_wait3A_303 = tpu.memref_slice %arg2[%dma_wait3A_301, %dma_wait3A_302] : memref<1024x4096xf32, #tpu.memory_space<hbm>> -> memref<1024x4096xf32, #tpu.memory_space<hbm>>
    tpu.wait_indirect_dma semaphore(%arg8 : memref<!tpu.dma_semaphore, #tpu.memory_space<semaphore_mem>>) src(%dma_wait3A_303 : memref<1024x4096xf32, #tpu.memory_space<hbm>>) dst(%arg6 : memref<8x4096xf32, #tpu.memory_space<vmem>>)
    %add3A_304 = arith.constant 192 : i32
    %add3A_305 = arith.addi %mul3A_2, %add3A_304 : i32
    "tpu.region"() ({
      %run_scoped3A = tpu.sem_alloc : memref<!tpu.dma_semaphore, #tpu.memory_space<semaphore_mem>>
      %dma_start3A_385 = arith.constant 0 : i32
      %dma_start3A_386 = tpu.memref_slice %arg4[%add3A_305, %dma_start3A_385] : memref<8192x4096xf32, #tpu.memory_space<hbm>> -> memref<8x4096xf32, #tpu.memory_space<hbm>>
      %dma_start3A_387 = arith.constant 0 : i32
      %dma_start3A_388 = tpu.memref_slice %arg4[%add3A_305, %dma_start3A_387] : memref<8192x4096xf32, #tpu.memory_space<hbm>> -> memref<8x4096xf32, #tpu.memory_space<hbm>>
      tpu.enqueue_dma source(%arg6 : memref<8x4096xf32, #tpu.memory_space<vmem>>) target(%dma_start3A_388 : memref<8x4096xf32, #tpu.memory_space<hbm>>) target_semaphore(%run_scoped3A : memref<!tpu.dma_semaphore, #tpu.memory_space<semaphore_mem>>)
      %dma_wait3A_389 = arith.constant 0 : i32
      %dma_wait3A_390 = tpu.memref_slice %arg4[%add3A_305, %dma_wait3A_389] : memref<8192x4096xf32, #tpu.memory_space<hbm>> -> memref<8x4096xf32, #tpu.memory_space<hbm>>
      %dma_wait3A_391 = arith.constant 0 : i32
      %dma_wait3A_392 = tpu.memref_slice %arg4[%add3A_305, %dma_wait3A_391] : memref<8192x4096xf32, #tpu.memory_space<hbm>> -> memref<8x4096xf32, #tpu.memory_space<hbm>>
      tpu.wait_dma2 semaphore(%run_scoped3A : memref<!tpu.dma_semaphore, #tpu.memory_space<semaphore_mem>>) src(%arg6 : memref<8x4096xf32, #tpu.memory_space<vmem>>) dst(%dma_wait3A_392 : memref<8x4096xf32, #tpu.memory_space<hbm>>)
      tpu.yield
    }) : () -> ()
    %dma_start3A_306 = arith.constant 208 : i32
    %dma_start3A_307 = tpu.memref_slice %arg5[%dma_start3A_306] : memref<256xi32, #tpu.memory_space<vmem>> -> memref<8xi32, #tpu.memory_space<vmem>>
    %dma_start3A_308 = arith.constant 0 : i32
    %dma_start3A_309 = arith.constant 0 : i32
    %dma_start3A_310 = tpu.memref_slice %arg2[%dma_start3A_308, %dma_start3A_309] : memref<1024x4096xf32, #tpu.memory_space<hbm>> -> memref<1024x4096xf32, #tpu.memory_space<hbm>>
    tpu.enqueue_indirect_dma source(%dma_start3A_310 : memref<1024x4096xf32, #tpu.memory_space<hbm>>) target(%arg6 : memref<8x4096xf32, #tpu.memory_space<vmem>>) offsets(%dma_start3A_307 : memref<8xi32, #tpu.memory_space<vmem>>) semaphore(%arg8 : memref<!tpu.dma_semaphore, #tpu.memory_space<semaphore_mem>>)
    %dma_wait3A_311 = arith.constant 200 : i32
    %dma_wait3A_312 = tpu.memref_slice %arg5[%dma_wait3A_311] : memref<256xi32, #tpu.memory_space<vmem>> -> memref<8xi32, #tpu.memory_space<vmem>>
    %dma_wait3A_313 = arith.constant 0 : i32
    %dma_wait3A_314 = arith.constant 0 : i32
    %dma_wait3A_315 = tpu.memref_slice %arg2[%dma_wait3A_313, %dma_wait3A_314] : memref<1024x4096xf32, #tpu.memory_space<hbm>> -> memref<1024x4096xf32, #tpu.memory_space<hbm>>
    tpu.wait_indirect_dma semaphore(%arg9 : memref<!tpu.dma_semaphore, #tpu.memory_space<semaphore_mem>>) src(%dma_wait3A_315 : memref<1024x4096xf32, #tpu.memory_space<hbm>>) dst(%arg7 : memref<8x4096xf32, #tpu.memory_space<vmem>>)
    %add3A_316 = arith.constant 200 : i32
    %add3A_317 = arith.addi %mul3A_2, %add3A_316 : i32
    "tpu.region"() ({
      %run_scoped3A = tpu.sem_alloc : memref<!tpu.dma_semaphore, #tpu.memory_space<semaphore_mem>>
      %dma_start3A_385 = arith.constant 0 : i32
      %dma_start3A_386 = tpu.memref_slice %arg4[%add3A_317, %dma_start3A_385] : memref<8192x4096xf32, #tpu.memory_space<hbm>> -> memref<8x4096xf32, #tpu.memory_space<hbm>>
      %dma_start3A_387 = arith.constant 0 : i32
      %dma_start3A_388 = tpu.memref_slice %arg4[%add3A_317, %dma_start3A_387] : memref<8192x4096xf32, #tpu.memory_space<hbm>> -> memref<8x4096xf32, #tpu.memory_space<hbm>>
      tpu.enqueue_dma source(%arg7 : memref<8x4096xf32, #tpu.memory_space<vmem>>) target(%dma_start3A_388 : memref<8x4096xf32, #tpu.memory_space<hbm>>) target_semaphore(%run_scoped3A : memref<!tpu.dma_semaphore, #tpu.memory_space<semaphore_mem>>)
      %dma_wait3A_389 = arith.constant 0 : i32
      %dma_wait3A_390 = tpu.memref_slice %arg4[%add3A_317, %dma_wait3A_389] : memref<8192x4096xf32, #tpu.memory_space<hbm>> -> memref<8x4096xf32, #tpu.memory_space<hbm>>
      %dma_wait3A_391 = arith.constant 0 : i32
      %dma_wait3A_392 = tpu.memref_slice %arg4[%add3A_317, %dma_wait3A_391] : memref<8192x4096xf32, #tpu.memory_space<hbm>> -> memref<8x4096xf32, #tpu.memory_space<hbm>>
      tpu.wait_dma2 semaphore(%run_scoped3A : memref<!tpu.dma_semaphore, #tpu.memory_space<semaphore_mem>>) src(%arg7 : memref<8x4096xf32, #tpu.memory_space<vmem>>) dst(%dma_wait3A_392 : memref<8x4096xf32, #tpu.memory_space<hbm>>)
      tpu.yield
    }) : () -> ()
    %dma_start3A_318 = arith.constant 216 : i32
    %dma_start3A_319 = tpu.memref_slice %arg5[%dma_start3A_318] : memref<256xi32, #tpu.memory_space<vmem>> -> memref<8xi32, #tpu.memory_space<vmem>>
    %dma_start3A_320 = arith.constant 0 : i32
    %dma_start3A_321 = arith.constant 0 : i32
    %dma_start3A_322 = tpu.memref_slice %arg2[%dma_start3A_320, %dma_start3A_321] : memref<1024x4096xf32, #tpu.memory_space<hbm>> -> memref<1024x4096xf32, #tpu.memory_space<hbm>>
    tpu.enqueue_indirect_dma source(%dma_start3A_322 : memref<1024x4096xf32, #tpu.memory_space<hbm>>) target(%arg7 : memref<8x4096xf32, #tpu.memory_space<vmem>>) offsets(%dma_start3A_319 : memref<8xi32, #tpu.memory_space<vmem>>) semaphore(%arg9 : memref<!tpu.dma_semaphore, #tpu.memory_space<semaphore_mem>>)
    %dma_wait3A_323 = arith.constant 208 : i32
    %dma_wait3A_324 = tpu.memref_slice %arg5[%dma_wait3A_323] : memref<256xi32, #tpu.memory_space<vmem>> -> memref<8xi32, #tpu.memory_space<vmem>>
    %dma_wait3A_325 = arith.constant 0 : i32
    %dma_wait3A_326 = arith.constant 0 : i32
    %dma_wait3A_327 = tpu.memref_slice %arg2[%dma_wait3A_325, %dma_wait3A_326] : memref<1024x4096xf32, #tpu.memory_space<hbm>> -> memref<1024x4096xf32, #tpu.memory_space<hbm>>
    tpu.wait_indirect_dma semaphore(%arg8 : memref<!tpu.dma_semaphore, #tpu.memory_space<semaphore_mem>>) src(%dma_wait3A_327 : memref<1024x4096xf32, #tpu.memory_space<hbm>>) dst(%arg6 : memref<8x4096xf32, #tpu.memory_space<vmem>>)
    %add3A_328 = arith.constant 208 : i32
    %add3A_329 = arith.addi %mul3A_2, %add3A_328 : i32
    "tpu.region"() ({
      %run_scoped3A = tpu.sem_alloc : memref<!tpu.dma_semaphore, #tpu.memory_space<semaphore_mem>>
      %dma_start3A_385 = arith.constant 0 : i32
      %dma_start3A_386 = tpu.memref_slice %arg4[%add3A_329, %dma_start3A_385] : memref<8192x4096xf32, #tpu.memory_space<hbm>> -> memref<8x4096xf32, #tpu.memory_space<hbm>>
      %dma_start3A_387 = arith.constant 0 : i32
      %dma_start3A_388 = tpu.memref_slice %arg4[%add3A_329, %dma_start3A_387] : memref<8192x4096xf32, #tpu.memory_space<hbm>> -> memref<8x4096xf32, #tpu.memory_space<hbm>>
      tpu.enqueue_dma source(%arg6 : memref<8x4096xf32, #tpu.memory_space<vmem>>) target(%dma_start3A_388 : memref<8x4096xf32, #tpu.memory_space<hbm>>) target_semaphore(%run_scoped3A : memref<!tpu.dma_semaphore, #tpu.memory_space<semaphore_mem>>)
      %dma_wait3A_389 = arith.constant 0 : i32
      %dma_wait3A_390 = tpu.memref_slice %arg4[%add3A_329, %dma_wait3A_389] : memref<8192x4096xf32, #tpu.memory_space<hbm>> -> memref<8x4096xf32, #tpu.memory_space<hbm>>
      %dma_wait3A_391 = arith.constant 0 : i32
      %dma_wait3A_392 = tpu.memref_slice %arg4[%add3A_329, %dma_wait3A_391] : memref<8192x4096xf32, #tpu.memory_space<hbm>> -> memref<8x4096xf32, #tpu.memory_space<hbm>>
      tpu.wait_dma2 semaphore(%run_scoped3A : memref<!tpu.dma_semaphore, #tpu.memory_space<semaphore_mem>>) src(%arg6 : memref<8x4096xf32, #tpu.memory_space<vmem>>) dst(%dma_wait3A_392 : memref<8x4096xf32, #tpu.memory_space<hbm>>)
      tpu.yield
    }) : () -> ()
    %dma_start3A_330 = arith.constant 224 : i32
    %dma_start3A_331 = tpu.memref_slice %arg5[%dma_start3A_330] : memref<256xi32, #tpu.memory_space<vmem>> -> memref<8xi32, #tpu.memory_space<vmem>>
    %dma_start3A_332 = arith.constant 0 : i32
    %dma_start3A_333 = arith.constant 0 : i32
    %dma_start3A_334 = tpu.memref_slice %arg2[%dma_start3A_332, %dma_start3A_333] : memref<1024x4096xf32, #tpu.memory_space<hbm>> -> memref<1024x4096xf32, #tpu.memory_space<hbm>>
    tpu.enqueue_indirect_dma source(%dma_start3A_334 : memref<1024x4096xf32, #tpu.memory_space<hbm>>) target(%arg6 : memref<8x4096xf32, #tpu.memory_space<vmem>>) offsets(%dma_start3A_331 : memref<8xi32, #tpu.memory_space<vmem>>) semaphore(%arg8 : memref<!tpu.dma_semaphore, #tpu.memory_space<semaphore_mem>>)
    %dma_wait3A_335 = arith.constant 216 : i32
    %dma_wait3A_336 = tpu.memref_slice %arg5[%dma_wait3A_335] : memref<256xi32, #tpu.memory_space<vmem>> -> memref<8xi32, #tpu.memory_space<vmem>>
    %dma_wait3A_337 = arith.constant 0 : i32
    %dma_wait3A_338 = arith.constant 0 : i32
    %dma_wait3A_339 = tpu.memref_slice %arg2[%dma_wait3A_337, %dma_wait3A_338] : memref<1024x4096xf32, #tpu.memory_space<hbm>> -> memref<1024x4096xf32, #tpu.memory_space<hbm>>
    tpu.wait_indirect_dma semaphore(%arg9 : memref<!tpu.dma_semaphore, #tpu.memory_space<semaphore_mem>>) src(%dma_wait3A_339 : memref<1024x4096xf32, #tpu.memory_space<hbm>>) dst(%arg7 : memref<8x4096xf32, #tpu.memory_space<vmem>>)
    %add3A_340 = arith.constant 216 : i32
    %add3A_341 = arith.addi %mul3A_2, %add3A_340 : i32
    "tpu.region"() ({
      %run_scoped3A = tpu.sem_alloc : memref<!tpu.dma_semaphore, #tpu.memory_space<semaphore_mem>>
      %dma_start3A_385 = arith.constant 0 : i32
      %dma_start3A_386 = tpu.memref_slice %arg4[%add3A_341, %dma_start3A_385] : memref<8192x4096xf32, #tpu.memory_space<hbm>> -> memref<8x4096xf32, #tpu.memory_space<hbm>>
      %dma_start3A_387 = arith.constant 0 : i32
      %dma_start3A_388 = tpu.memref_slice %arg4[%add3A_341, %dma_start3A_387] : memref<8192x4096xf32, #tpu.memory_space<hbm>> -> memref<8x4096xf32, #tpu.memory_space<hbm>>
      tpu.enqueue_dma source(%arg7 : memref<8x4096xf32, #tpu.memory_space<vmem>>) target(%dma_start3A_388 : memref<8x4096xf32, #tpu.memory_space<hbm>>) target_semaphore(%run_scoped3A : memref<!tpu.dma_semaphore, #tpu.memory_space<semaphore_mem>>)
      %dma_wait3A_389 = arith.constant 0 : i32
      %dma_wait3A_390 = tpu.memref_slice %arg4[%add3A_341, %dma_wait3A_389] : memref<8192x4096xf32, #tpu.memory_space<hbm>> -> memref<8x4096xf32, #tpu.memory_space<hbm>>
      %dma_wait3A_391 = arith.constant 0 : i32
      %dma_wait3A_392 = tpu.memref_slice %arg4[%add3A_341, %dma_wait3A_391] : memref<8192x4096xf32, #tpu.memory_space<hbm>> -> memref<8x4096xf32, #tpu.memory_space<hbm>>
      tpu.wait_dma2 semaphore(%run_scoped3A : memref<!tpu.dma_semaphore, #tpu.memory_space<semaphore_mem>>) src(%arg7 : memref<8x4096xf32, #tpu.memory_space<vmem>>) dst(%dma_wait3A_392 : memref<8x4096xf32, #tpu.memory_space<hbm>>)
      tpu.yield
    }) : () -> ()
    %dma_start3A_342 = arith.constant 232 : i32
    %dma_start3A_343 = tpu.memref_slice %arg5[%dma_start3A_342] : memref<256xi32, #tpu.memory_space<vmem>> -> memref<8xi32, #tpu.memory_space<vmem>>
    %dma_start3A_344 = arith.constant 0 : i32
    %dma_start3A_345 = arith.constant 0 : i32
    %dma_start3A_346 = tpu.memref_slice %arg2[%dma_start3A_344, %dma_start3A_345] : memref<1024x4096xf32, #tpu.memory_space<hbm>> -> memref<1024x4096xf32, #tpu.memory_space<hbm>>
    tpu.enqueue_indirect_dma source(%dma_start3A_346 : memref<1024x4096xf32, #tpu.memory_space<hbm>>) target(%arg7 : memref<8x4096xf32, #tpu.memory_space<vmem>>) offsets(%dma_start3A_343 : memref<8xi32, #tpu.memory_space<vmem>>) semaphore(%arg9 : memref<!tpu.dma_semaphore, #tpu.memory_space<semaphore_mem>>)
    %dma_wait3A_347 = arith.constant 224 : i32
    %dma_wait3A_348 = tpu.memref_slice %arg5[%dma_wait3A_347] : memref<256xi32, #tpu.memory_space<vmem>> -> memref<8xi32, #tpu.memory_space<vmem>>
    %dma_wait3A_349 = arith.constant 0 : i32
    %dma_wait3A_350 = arith.constant 0 : i32
    %dma_wait3A_351 = tpu.memref_slice %arg2[%dma_wait3A_349, %dma_wait3A_350] : memref<1024x4096xf32, #tpu.memory_space<hbm>> -> memref<1024x4096xf32, #tpu.memory_space<hbm>>
    tpu.wait_indirect_dma semaphore(%arg8 : memref<!tpu.dma_semaphore, #tpu.memory_space<semaphore_mem>>) src(%dma_wait3A_351 : memref<1024x4096xf32, #tpu.memory_space<hbm>>) dst(%arg6 : memref<8x4096xf32, #tpu.memory_space<vmem>>)
    %add3A_352 = arith.constant 224 : i32
    %add3A_353 = arith.addi %mul3A_2, %add3A_352 : i32
    "tpu.region"() ({
      %run_scoped3A = tpu.sem_alloc : memref<!tpu.dma_semaphore, #tpu.memory_space<semaphore_mem>>
      %dma_start3A_385 = arith.constant 0 : i32
      %dma_start3A_386 = tpu.memref_slice %arg4[%add3A_353, %dma_start3A_385] : memref<8192x4096xf32, #tpu.memory_space<hbm>> -> memref<8x4096xf32, #tpu.memory_space<hbm>>
      %dma_start3A_387 = arith.constant 0 : i32
      %dma_start3A_388 = tpu.memref_slice %arg4[%add3A_353, %dma_start3A_387] : memref<8192x4096xf32, #tpu.memory_space<hbm>> -> memref<8x4096xf32, #tpu.memory_space<hbm>>
      tpu.enqueue_dma source(%arg6 : memref<8x4096xf32, #tpu.memory_space<vmem>>) target(%dma_start3A_388 : memref<8x4096xf32, #tpu.memory_space<hbm>>) target_semaphore(%run_scoped3A : memref<!tpu.dma_semaphore, #tpu.memory_space<semaphore_mem>>)
      %dma_wait3A_389 = arith.constant 0 : i32
      %dma_wait3A_390 = tpu.memref_slice %arg4[%add3A_353, %dma_wait3A_389] : memref<8192x4096xf32, #tpu.memory_space<hbm>> -> memref<8x4096xf32, #tpu.memory_space<hbm>>
      %dma_wait3A_391 = arith.constant 0 : i32
      %dma_wait3A_392 = tpu.memref_slice %arg4[%add3A_353, %dma_wait3A_391] : memref<8192x4096xf32, #tpu.memory_space<hbm>> -> memref<8x4096xf32, #tpu.memory_space<hbm>>
      tpu.wait_dma2 semaphore(%run_scoped3A : memref<!tpu.dma_semaphore, #tpu.memory_space<semaphore_mem>>) src(%arg6 : memref<8x4096xf32, #tpu.memory_space<vmem>>) dst(%dma_wait3A_392 : memref<8x4096xf32, #tpu.memory_space<hbm>>)
      tpu.yield
    }) : () -> ()
    %dma_start3A_354 = arith.constant 240 : i32
    %dma_start3A_355 = tpu.memref_slice %arg5[%dma_start3A_354] : memref<256xi32, #tpu.memory_space<vmem>> -> memref<8xi32, #tpu.memory_space<vmem>>
    %dma_start3A_356 = arith.constant 0 : i32
    %dma_start3A_357 = arith.constant 0 : i32
    %dma_start3A_358 = tpu.memref_slice %arg2[%dma_start3A_356, %dma_start3A_357] : memref<1024x4096xf32, #tpu.memory_space<hbm>> -> memref<1024x4096xf32, #tpu.memory_space<hbm>>
    tpu.enqueue_indirect_dma source(%dma_start3A_358 : memref<1024x4096xf32, #tpu.memory_space<hbm>>) target(%arg6 : memref<8x4096xf32, #tpu.memory_space<vmem>>) offsets(%dma_start3A_355 : memref<8xi32, #tpu.memory_space<vmem>>) semaphore(%arg8 : memref<!tpu.dma_semaphore, #tpu.memory_space<semaphore_mem>>)
    %dma_wait3A_359 = arith.constant 232 : i32
    %dma_wait3A_360 = tpu.memref_slice %arg5[%dma_wait3A_359] : memref<256xi32, #tpu.memory_space<vmem>> -> memref<8xi32, #tpu.memory_space<vmem>>
    %dma_wait3A_361 = arith.constant 0 : i32
    %dma_wait3A_362 = arith.constant 0 : i32
    %dma_wait3A_363 = tpu.memref_slice %arg2[%dma_wait3A_361, %dma_wait3A_362] : memref<1024x4096xf32, #tpu.memory_space<hbm>> -> memref<1024x4096xf32, #tpu.memory_space<hbm>>
    tpu.wait_indirect_dma semaphore(%arg9 : memref<!tpu.dma_semaphore, #tpu.memory_space<semaphore_mem>>) src(%dma_wait3A_363 : memref<1024x4096xf32, #tpu.memory_space<hbm>>) dst(%arg7 : memref<8x4096xf32, #tpu.memory_space<vmem>>)
    %add3A_364 = arith.constant 232 : i32
    %add3A_365 = arith.addi %mul3A_2, %add3A_364 : i32
    "tpu.region"() ({
      %run_scoped3A = tpu.sem_alloc : memref<!tpu.dma_semaphore, #tpu.memory_space<semaphore_mem>>
      %dma_start3A_385 = arith.constant 0 : i32
      %dma_start3A_386 = tpu.memref_slice %arg4[%add3A_365, %dma_start3A_385] : memref<8192x4096xf32, #tpu.memory_space<hbm>> -> memref<8x4096xf32, #tpu.memory_space<hbm>>
      %dma_start3A_387 = arith.constant 0 : i32
      %dma_start3A_388 = tpu.memref_slice %arg4[%add3A_365, %dma_start3A_387] : memref<8192x4096xf32, #tpu.memory_space<hbm>> -> memref<8x4096xf32, #tpu.memory_space<hbm>>
      tpu.enqueue_dma source(%arg7 : memref<8x4096xf32, #tpu.memory_space<vmem>>) target(%dma_start3A_388 : memref<8x4096xf32, #tpu.memory_space<hbm>>) target_semaphore(%run_scoped3A : memref<!tpu.dma_semaphore, #tpu.memory_space<semaphore_mem>>)
      %dma_wait3A_389 = arith.constant 0 : i32
      %dma_wait3A_390 = tpu.memref_slice %arg4[%add3A_365, %dma_wait3A_389] : memref<8192x4096xf32, #tpu.memory_space<hbm>> -> memref<8x4096xf32, #tpu.memory_space<hbm>>
      %dma_wait3A_391 = arith.constant 0 : i32
      %dma_wait3A_392 = tpu.memref_slice %arg4[%add3A_365, %dma_wait3A_391] : memref<8192x4096xf32, #tpu.memory_space<hbm>> -> memref<8x4096xf32, #tpu.memory_space<hbm>>
      tpu.wait_dma2 semaphore(%run_scoped3A : memref<!tpu.dma_semaphore, #tpu.memory_space<semaphore_mem>>) src(%arg7 : memref<8x4096xf32, #tpu.memory_space<vmem>>) dst(%dma_wait3A_392 : memref<8x4096xf32, #tpu.memory_space<hbm>>)
      tpu.yield
    }) : () -> ()
    %dma_start3A_366 = arith.constant 248 : i32
    %dma_start3A_367 = tpu.memref_slice %arg5[%dma_start3A_366] : memref<256xi32, #tpu.memory_space<vmem>> -> memref<8xi32, #tpu.memory_space<vmem>>
    %dma_start3A_368 = arith.constant 0 : i32
    %dma_start3A_369 = arith.constant 0 : i32
    %dma_start3A_370 = tpu.memref_slice %arg2[%dma_start3A_368, %dma_start3A_369] : memref<1024x4096xf32, #tpu.memory_space<hbm>> -> memref<1024x4096xf32, #tpu.memory_space<hbm>>
    tpu.enqueue_indirect_dma source(%dma_start3A_370 : memref<1024x4096xf32, #tpu.memory_space<hbm>>) target(%arg7 : memref<8x4096xf32, #tpu.memory_space<vmem>>) offsets(%dma_start3A_367 : memref<8xi32, #tpu.memory_space<vmem>>) semaphore(%arg9 : memref<!tpu.dma_semaphore, #tpu.memory_space<semaphore_mem>>)
    %dma_wait3A_371 = arith.constant 240 : i32
    %dma_wait3A_372 = tpu.memref_slice %arg5[%dma_wait3A_371] : memref<256xi32, #tpu.memory_space<vmem>> -> memref<8xi32, #tpu.memory_space<vmem>>
    %dma_wait3A_373 = arith.constant 0 : i32
    %dma_wait3A_374 = arith.constant 0 : i32
    %dma_wait3A_375 = tpu.memref_slice %arg2[%dma_wait3A_373, %dma_wait3A_374] : memref<1024x4096xf32, #tpu.memory_space<hbm>> -> memref<1024x4096xf32, #tpu.memory_space<hbm>>
    tpu.wait_indirect_dma semaphore(%arg8 : memref<!tpu.dma_semaphore, #tpu.memory_space<semaphore_mem>>) src(%dma_wait3A_375 : memref<1024x4096xf32, #tpu.memory_space<hbm>>) dst(%arg6 : memref<8x4096xf32, #tpu.memory_space<vmem>>)
    %add3A_376 = arith.constant 240 : i32
    %add3A_377 = arith.addi %mul3A_2, %add3A_376 : i32
    "tpu.region"() ({
      %run_scoped3A = tpu.sem_alloc : memref<!tpu.dma_semaphore, #tpu.memory_space<semaphore_mem>>
      %dma_start3A_385 = arith.constant 0 : i32
      %dma_start3A_386 = tpu.memref_slice %arg4[%add3A_377, %dma_start3A_385] : memref<8192x4096xf32, #tpu.memory_space<hbm>> -> memref<8x4096xf32, #tpu.memory_space<hbm>>
      %dma_start3A_387 = arith.constant 0 : i32
      %dma_start3A_388 = tpu.memref_slice %arg4[%add3A_377, %dma_start3A_387] : memref<8192x4096xf32, #tpu.memory_space<hbm>> -> memref<8x4096xf32, #tpu.memory_space<hbm>>
      tpu.enqueue_dma source(%arg6 : memref<8x4096xf32, #tpu.memory_space<vmem>>) target(%dma_start3A_388 : memref<8x4096xf32, #tpu.memory_space<hbm>>) target_semaphore(%run_scoped3A : memref<!tpu.dma_semaphore, #tpu.memory_space<semaphore_mem>>)
      %dma_wait3A_389 = arith.constant 0 : i32
      %dma_wait3A_390 = tpu.memref_slice %arg4[%add3A_377, %dma_wait3A_389] : memref<8192x4096xf32, #tpu.memory_space<hbm>> -> memref<8x4096xf32, #tpu.memory_space<hbm>>
      %dma_wait3A_391 = arith.constant 0 : i32
      %dma_wait3A_392 = tpu.memref_slice %arg4[%add3A_377, %dma_wait3A_391] : memref<8192x4096xf32, #tpu.memory_space<hbm>> -> memref<8x4096xf32, #tpu.memory_space<hbm>>
      tpu.wait_dma2 semaphore(%run_scoped3A : memref<!tpu.dma_semaphore, #tpu.memory_space<semaphore_mem>>) src(%arg6 : memref<8x4096xf32, #tpu.memory_space<vmem>>) dst(%dma_wait3A_392 : memref<8x4096xf32, #tpu.memory_space<hbm>>)
      tpu.yield
    }) : () -> ()
    %dma_wait3A_378 = arith.constant 248 : i32
    %dma_wait3A_379 = tpu.memref_slice %arg5[%dma_wait3A_378] : memref<256xi32, #tpu.memory_space<vmem>> -> memref<8xi32, #tpu.memory_space<vmem>>
    %dma_wait3A_380 = arith.constant 0 : i32
    %dma_wait3A_381 = arith.constant 0 : i32
    %dma_wait3A_382 = tpu.memref_slice %arg2[%dma_wait3A_380, %dma_wait3A_381] : memref<1024x4096xf32, #tpu.memory_space<hbm>> -> memref<1024x4096xf32, #tpu.memory_space<hbm>>
    tpu.wait_indirect_dma semaphore(%arg9 : memref<!tpu.dma_semaphore, #tpu.memory_space<semaphore_mem>>) src(%dma_wait3A_382 : memref<1024x4096xf32, #tpu.memory_space<hbm>>) dst(%arg7 : memref<8x4096xf32, #tpu.memory_space<vmem>>)
    %add3A_383 = arith.constant 248 : i32
    %add3A_384 = arith.addi %mul3A_2, %add3A_383 : i32
    "tpu.region"() ({
      %run_scoped3A = tpu.sem_alloc : memref<!tpu.dma_semaphore, #tpu.memory_space<semaphore_mem>>
      %dma_start3A_385 = arith.constant 0 : i32
      %dma_start3A_386 = tpu.memref_slice %arg4[%add3A_384, %dma_start3A_385] : memref<8192x4096xf32, #tpu.memory_space<hbm>> -> memref<8x4096xf32, #tpu.memory_space<hbm>>
      %dma_start3A_387 = arith.constant 0 : i32
      %dma_start3A_388 = tpu.memref_slice %arg4[%add3A_384, %dma_start3A_387] : memref<8192x4096xf32, #tpu.memory_space<hbm>> -> memref<8x4096xf32, #tpu.memory_space<hbm>>
      tpu.enqueue_dma source(%arg7 : memref<8x4096xf32, #tpu.memory_space<vmem>>) target(%dma_start3A_388 : memref<8x4096xf32, #tpu.memory_space<hbm>>) target_semaphore(%run_scoped3A : memref<!tpu.dma_semaphore, #tpu.memory_space<semaphore_mem>>)
      %dma_wait3A_389 = arith.constant 0 : i32
      %dma_wait3A_390 = tpu.memref_slice %arg4[%add3A_384, %dma_wait3A_389] : memref<8192x4096xf32, #tpu.memory_space<hbm>> -> memref<8x4096xf32, #tpu.memory_space<hbm>>
      %dma_wait3A_391 = arith.constant 0 : i32
      %dma_wait3A_392 = tpu.memref_slice %arg4[%add3A_384, %dma_wait3A_391] : memref<8192x4096xf32, #tpu.memory_space<hbm>> -> memref<8x4096xf32, #tpu.memory_space<hbm>>
      tpu.wait_dma2 semaphore(%run_scoped3A : memref<!tpu.dma_semaphore, #tpu.memory_space<semaphore_mem>>) src(%arg7 : memref<8x4096xf32, #tpu.memory_space<vmem>>) dst(%dma_wait3A_392 : memref<8x4096xf32, #tpu.memory_space<hbm>>)
      tpu.yield
    }) : () -> ()
    return
  }
}

module attributes {stable_mosaic.version = 14 : i64} {
  func.func @_proj_body(%arg0: i32, %arg1: memref<128x256xf32, #tpu.memory_space<vmem>>, %arg2: memref<256x8192xf32, #tpu.memory_space<vmem>>, %arg3: memref<2x4096xf32, #tpu.memory_space<vmem>>, %arg4: memref<128x4096xf32, #tpu.memory_space<vmem>>) attributes {dimension_semantics = [#tpu.dimension_semantics<arbitrary>], iteration_bounds = array<i64: 8>, scalar_prefetch = 0 : i64, scratch_operands = 0 : i64, tpu.core_type = #tpu.core_type<tc>, window_params = [{transform_indices = @transform_0, window_bounds = array<i64: 128, 256>}, {pipeline_mode = #tpu.pipeline_mode<synchronous>, transform_indices = @transform_1, window_bounds = array<i64: 256, 8192>}, {pipeline_mode = #tpu.pipeline_mode<synchronous>, transform_indices = @transform_2, window_bounds = array<i64: 2, 4096>}, {transform_indices = @transform_3, window_bounds = array<i64: 128, 4096>}]} {
    %get3A = arith.constant 0 : index
    %get3A_0 = arith.constant 0 : index
    %get3A_1 = vector.load %arg1[%get3A, %get3A_0] : memref<128x256xf32, #tpu.memory_space<vmem>>, vector<128x256xf32>
    %get3A_2 = arith.constant 0 : index
    %get3A_3 = arith.constant 0 : index
    %get3A_4 = vector.load %arg2[%get3A_2, %get3A_3] : memref<256x8192xf32, #tpu.memory_space<vmem>>, vector<256x8192xf32>
    %dot_general3A = arith.constant dense<0.000000e+00> : vector<128x8192xf32>
    %dot_general3A_5 = tpu.matmul %get3A_1, %get3A_4, %dot_general3A {dimension_numbers = #tpu.dot_dimension_numbers<[1], [0], [0], [1], [0, 0, 1, 1], [], []>, transpose_lhs_hint = false} : vector<128x256xf32>, vector<256x8192xf32>, vector<128x8192xf32> -> vector<128x8192xf32>
    %iota3A = tpu.iota {dimensions = array<i32: 0>} : vector<128x1xi32>
    %jit3A = arith.constant 2 : i32
    %eq3A = arith.constant 0 : i32
    %eq3A_6 = arith.cmpi eq, %jit3A, %eq3A : i32
    %jit3A_7 = arith.constant 1 : i32
    %select_n3A = arith.select %eq3A_6, %jit3A_7, %jit3A : i32
    %rem3A = vector.broadcast %select_n3A : i32 to vector<128x1xi32>
    %rem3A_8 = arith.remsi %iota3A, %rem3A : vector<128x1xi32>
    %ne3A = arith.constant 0 : i32
    %ne3A_9 = vector.broadcast %ne3A : i32 to vector<128x1xi32>
    %ne3A_10 = arith.cmpi ne, %rem3A_8, %ne3A_9 : vector<128x1xi32>
    %lt3A = arith.constant 0 : i32
    %lt3A_11 = vector.broadcast %lt3A : i32 to vector<128x1xi32>
    %lt3A_12 = arith.cmpi slt, %rem3A_8, %lt3A_11 : vector<128x1xi32>
    %lt3A_13 = arith.constant 0 : i32
    %lt3A_14 = arith.cmpi slt, %select_n3A, %lt3A_13 : i32
    %ne3A_15 = vector.broadcast %lt3A_14 : i1 to vector<128x1xi1>
    %ne3A_16 = vector.broadcast %ne3A_15 : vector<128x1xi1> to vector<128x1xi1>
    %ne3A_17 = arith.xori %lt3A_12, %ne3A_16 : vector<128x1xi1>
    %and3A = arith.andi %ne3A_17, %ne3A_10 : vector<128x1xi1>
    %add3A = vector.broadcast %select_n3A : i32 to vector<128x1xi32>
    %add3A_18 = arith.addi %rem3A_8, %add3A : vector<128x1xi32>
    %select_n3A_19 = arith.select %and3A, %add3A_18, %rem3A_8 : vector<128x1xi1>, vector<128x1xi32>
    %slice3A = vector.extract_strided_slice %dot_general3A_5 {offsets = [0, 0], sizes = [128, 4096], strides = [1, 1]} : vector<128x8192xf32> to vector<128x4096xf32>
    %get3A_20 = arith.constant 0 : index
    %get3A_21 = arith.constant 0 : index
    %get3A_22 = vector.load %arg3[%get3A_20, %get3A_21] : memref<2x4096xf32, #tpu.memory_space<vmem>>, vector<1x4096xf32>
    %add3A_23 = vector.broadcast %get3A_22 : vector<1x4096xf32> to vector<128x4096xf32>
    %add3A_24 = arith.addf %slice3A, %add3A_23 : vector<128x4096xf32>
    %slice3A_25 = vector.extract_strided_slice %dot_general3A_5 {offsets = [0, 4096], sizes = [128, 4096], strides = [1, 1]} : vector<128x8192xf32> to vector<128x4096xf32>
    %get3A_26 = arith.constant 1 : index
    %get3A_27 = arith.constant 0 : index
    %get3A_28 = vector.load %arg3[%get3A_26, %get3A_27] : memref<2x4096xf32, #tpu.memory_space<vmem>>, vector<1x4096xf32>
    %add3A_29 = vector.broadcast %get3A_28 : vector<1x4096xf32> to vector<128x4096xf32>
    %add3A_30 = arith.addf %slice3A_25, %add3A_29 : vector<128x4096xf32>
    %eq3A_31 = arith.constant 0 : i32
    %eq3A_32 = vector.broadcast %eq3A_31 : i32 to vector<128x1xi32>
    %eq3A_33 = arith.cmpi eq, %select_n3A_19, %eq3A_32 : vector<128x1xi32>
    %broadcast_in_dim3A = vector.shape_cast %eq3A_33 : vector<128x1xi1> to vector<128x1xi1>
    %broadcast_in_dim3A_34 = vector.broadcast %broadcast_in_dim3A : vector<128x1xi1> to vector<128x4096xi1>
    %select_n3A_35 = arith.select %broadcast_in_dim3A_34, %add3A_24, %add3A_30 : vector<128x4096xi1>, vector<128x4096xf32>
    %swap3A = arith.constant 0 : index
    %swap3A_36 = arith.constant 0 : index
    %swap3A_37 = vector.load %arg4[%swap3A, %swap3A_36] : memref<128x4096xf32, #tpu.memory_space<vmem>>, vector<128x4096xf32>
    tpu.vector_store %arg4[%swap3A, %swap3A_36], %select_n3A_35 {strides = array<i32>} : memref<128x4096xf32, #tpu.memory_space<vmem>>, vector<128x4096xf32>,
    return
  }
  func.func @transform_0(%arg0: i32) -> (i32, i32) {
    %c0_i32 = arith.constant 0 : i32
    %c0_i32_0 = arith.constant 0 : i32
    return %arg0, %c0_i32 : i32, i32
  }
  func.func @transform_1(%arg0: i32) -> (i32, i32) {
    %c0_i32 = arith.constant 0 : i32
    %c0_i32_0 = arith.constant 0 : i32
    %c0_i32_1 = arith.constant 0 : i32
    return %c0_i32, %c0_i32_0 : i32, i32
  }
  func.func @transform_2(%arg0: i32) -> (i32, i32) {
    %c0_i32 = arith.constant 0 : i32
    %c0_i32_0 = arith.constant 0 : i32
    %c0_i32_1 = arith.constant 0 : i32
    return %c0_i32, %c0_i32_0 : i32, i32
  }
  func.func @transform_3(%arg0: i32) -> (i32, i32) {
    %c0_i32 = arith.constant 0 : i32
    %c0_i32_0 = arith.constant 0 : i32
    return %arg0, %c0_i32 : i32, i32
  }
}

module attributes {stable_mosaic.version = 14 : i64} {
  func.func @_rec_body(%arg0: i32, %arg1: memref<128x4x1xf32, #tpu.memory_space<vmem>>, %arg2: memref<128x4x4096xf32, #tpu.memory_space<vmem>>, %arg3: memref<1024x8192xbf16, #tpu.memory_space<vmem>>, %arg4: memref<128x4x1024xbf16, #tpu.memory_space<vmem>>, %arg5: memref<4x1024xf32, #tpu.memory_space<vmem>>, %arg6: memref<4x1024xf32, #tpu.memory_space<vmem>>) attributes {dimension_semantics = [#tpu.dimension_semantics<arbitrary>], iteration_bounds = array<i64: 16>, scalar_prefetch = 0 : i64, scratch_operands = 2 : i64, tpu.core_type = #tpu.core_type<tc>, window_params = [{transform_indices = @transform_0, window_bounds = array<i64: 128, 4, 1>}, {transform_indices = @transform_1, window_bounds = array<i64: 128, 4, 4096>}, {pipeline_mode = #tpu.pipeline_mode<synchronous>, transform_indices = @transform_2, window_bounds = array<i64: 1024, 8192>}, {transform_indices = @transform_3, window_bounds = array<i64: 128, 4, 1024>}]} {
    %eq3A = arith.constant 0 : i32
    %eq3A_0 = arith.cmpi eq, %arg0, %eq3A : i32
    %convert_element_type3A = arith.extui %eq3A_0 : i1 to i32
    %cond3A = arith.constant 0 : i32
    %cond3A_1 = arith.cmpi ne, %convert_element_type3A, %cond3A : i32
    scf.if %cond3A_1 {
      %broadcast_in_dim3A = arith.constant 0.000000e+00 : f32
      %broadcast_in_dim3A_17 = vector.broadcast %broadcast_in_dim3A : f32 to vector<4x1024xf32>
      %swap3A_18 = arith.constant 0 : index
      %swap3A_19 = arith.constant 0 : index
      %swap3A_20 = vector.load %arg5[%swap3A_18, %swap3A_19] : memref<4x1024xf32, #tpu.memory_space<vmem>>, vector<4x1024xf32>
      tpu.vector_store %arg5[%swap3A_18, %swap3A_19], %broadcast_in_dim3A_17 {strides = array<i32>} : memref<4x1024xf32, #tpu.memory_space<vmem>>, vector<4x1024xf32>,
      %broadcast_in_dim3A_21 = arith.constant 0.000000e+00 : f32
      %broadcast_in_dim3A_22 = vector.broadcast %broadcast_in_dim3A_21 : f32 to vector<4x1024xf32>
      %swap3A_23 = arith.constant 0 : index
      %swap3A_24 = arith.constant 0 : index
      %swap3A_25 = vector.load %arg6[%swap3A_23, %swap3A_24] : memref<4x1024xf32, #tpu.memory_space<vmem>>, vector<4x1024xf32>
      tpu.vector_store %arg6[%swap3A_23, %swap3A_24], %broadcast_in_dim3A_22 {strides = array<i32>} : memref<4x1024xf32, #tpu.memory_space<vmem>>, vector<4x1024xf32>,
    } else {
    }
    %get3A = arith.constant 0 : index
    %get3A_2 = arith.constant 0 : index
    %get3A_3 = vector.load %arg5[%get3A, %get3A_2] : memref<4x1024xf32, #tpu.memory_space<vmem>>, vector<4x1024xf32>
    %get3A_4 = arith.constant 0 : index
    %get3A_5 = arith.constant 0 : index
    %get3A_6 = vector.load %arg6[%get3A_4, %get3A_5] : memref<4x1024xf32, #tpu.memory_space<vmem>>, vector<4x1024xf32>
    %scan3A = arith.constant 0 : i32
    %scan3A_7 = arith.constant 16 : i32
    %scan3A_8 = arith.addi %scan3A, %scan3A_7 : i32
    %scan3A_9 = arith.constant 1 : i32
    %scan3A_10:2 = scf.for %scan3A_17 = %scan3A to %scan3A_8 step %scan3A_9 iter_args(%scan3A_18 = %get3A_3, %scan3A_19 = %get3A_6) -> (vector<4x1024xf32>, vector<4x1024xf32>)  : i32 {
      %mul3A = arith.constant 8 : i32
      %mul3A_20 = arith.muli %mul3A, %scan3A_17 : i32
      %add3A = arith.constant 0 : i32
      %add3A_21 = arith.addi %mul3A_20, %add3A : i32
      %get3A_22 = arith.index_cast %add3A_21 : i32 to index
      %get3A_23 = arith.constant 0 : index
      %get3A_24 = arith.constant 0 : index
      %get3A_25 = vector.load %arg2[%get3A_22, %get3A_23, %get3A_24] : memref<128x4x4096xf32, #tpu.memory_space<vmem>>, vector<1x4x4096xf32>
      %get3A_26 = vector.shape_cast %get3A_25 : vector<1x4x4096xf32> to vector<4x4096xf32>
      %convert_element_type3A_27 = arith.truncf %scan3A_18 : vector<4x1024xf32> to vector<4x1024xbf16>
      %get3A_28 = arith.constant 0 : index
      %get3A_29 = arith.constant 0 : index
      %get3A_30 = vector.load %arg3[%get3A_28, %get3A_29] : memref<1024x8192xbf16, #tpu.memory_space<vmem>>, vector<1024x8192xbf16>
      %dot_general3A = arith.constant dense<0.000000e+00> : vector<4x8192xf32>
      %dot_general3A_31 = tpu.matmul %convert_element_type3A_27, %get3A_30, %dot_general3A {dimension_numbers = #tpu.dot_dimension_numbers<[1], [0], [0], [1], [0, 0, 1, 1], [], []>, transpose_lhs_hint = false} : vector<4x1024xbf16>, vector<1024x8192xbf16>, vector<4x8192xf32> -> vector<4x8192xf32>
      %get3A_32 = arith.index_cast %add3A_21 : i32 to index
      %get3A_33 = arith.constant 0 : index
      %get3A_34 = arith.constant 0 : index
      %get3A_35 = vector.load %arg1[%get3A_32, %get3A_33, %get3A_34] : memref<128x4x1xf32, #tpu.memory_space<vmem>>, vector<1x4x1xf32>
      %get3A_36 = vector.shape_cast %get3A_35 : vector<1x4x1xf32> to vector<4x1xf32>
      %gt3A = arith.constant 5.000000e-01 : f32
      %gt3A_37 = vector.broadcast %gt3A : f32 to vector<4x1xf32>
      %gt3A_38 = arith.cmpf ogt, %get3A_36, %gt3A_37 : vector<4x1xf32>
      %slice3A = vector.extract_strided_slice %dot_general3A_31 {offsets = [0, 4096], sizes = [4, 4096], strides = [1, 1]} : vector<4x8192xf32> to vector<4x4096xf32>
      %slice3A_39 = vector.extract_strided_slice %dot_general3A_31 {offsets = [0, 0], sizes = [4, 4096], strides = [1, 1]} : vector<4x8192xf32> to vector<4x4096xf32>
      %broadcast_in_dim3A = vector.shape_cast %gt3A_38 : vector<4x1xi1> to vector<4x1xi1>
      %broadcast_in_dim3A_40 = vector.broadcast %broadcast_in_dim3A : vector<4x1xi1> to vector<4x4096xi1>
      %select_n3A = arith.select %broadcast_in_dim3A_40, %slice3A, %slice3A_39 : vector<4x4096xi1>, vector<4x4096xf32>
      %add3A_41 = arith.addf %get3A_26, %select_n3A : vector<4x4096xf32>
      %slice3A_42 = vector.extract_strided_slice %add3A_41 {offsets = [0, 0], sizes = [4, 1024], strides = [1, 1]} : vector<4x4096xf32> to vector<4x1024xf32>
      %logistic3A = arith.negf %slice3A_42 : vector<4x1024xf32>
      %logistic3A_43 = math.exp %logistic3A : vector<4x1024xf32>
      %logistic3A_44 = arith.constant 1.000000e+00 : f32
      %logistic3A_45 = vector.broadcast %logistic3A_44 : f32 to vector<4x1024xf32>
      %logistic3A_46 = arith.addf %logistic3A_45, %logistic3A_43 : vector<4x1024xf32>
      %logistic3A_47 = arith.divf %logistic3A_45, %logistic3A_46 : vector<4x1024xf32>
      %slice3A_48 = vector.extract_strided_slice %add3A_41 {offsets = [0, 1024], sizes = [4, 1024], strides = [1, 1]} : vector<4x4096xf32> to vector<4x1024xf32>
      %logistic3A_49 = arith.negf %slice3A_48 : vector<4x1024xf32>
      %logistic3A_50 = math.exp %logistic3A_49 : vector<4x1024xf32>
      %logistic3A_51 = arith.constant 1.000000e+00 : f32
      %logistic3A_52 = vector.broadcast %logistic3A_51 : f32 to vector<4x1024xf32>
      %logistic3A_53 = arith.addf %logistic3A_52, %logistic3A_50 : vector<4x1024xf32>
      %logistic3A_54 = arith.divf %logistic3A_52, %logistic3A_53 : vector<4x1024xf32>
      %slice3A_55 = vector.extract_strided_slice %add3A_41 {offsets = [0, 2048], sizes = [4, 1024], strides = [1, 1]} : vector<4x4096xf32> to vector<4x1024xf32>
      %tanh3A = math.tanh %slice3A_55 : vector<4x1024xf32>
      %slice3A_56 = vector.extract_strided_slice %add3A_41 {offsets = [0, 3072], sizes = [4, 1024], strides = [1, 1]} : vector<4x4096xf32> to vector<4x1024xf32>
      %logistic3A_57 = arith.negf %slice3A_56 : vector<4x1024xf32>
      %logistic3A_58 = math.exp %logistic3A_57 : vector<4x1024xf32>
      %logistic3A_59 = arith.constant 1.000000e+00 : f32
      %logistic3A_60 = vector.broadcast %logistic3A_59 : f32 to vector<4x1024xf32>
      %logistic3A_61 = arith.addf %logistic3A_60, %logistic3A_58 : vector<4x1024xf32>
      %logistic3A_62 = arith.divf %logistic3A_60, %logistic3A_61 : vector<4x1024xf32>
      %mul3A_63 = arith.mulf %logistic3A_54, %scan3A_19 : vector<4x1024xf32>
      %mul3A_64 = arith.mulf %logistic3A_47, %tanh3A : vector<4x1024xf32>
      %add3A_65 = arith.addf %mul3A_63, %mul3A_64 : vector<4x1024xf32>
      %tanh3A_66 = math.tanh %add3A_65 : vector<4x1024xf32>
      %mul3A_67 = arith.mulf %logistic3A_62, %tanh3A_66 : vector<4x1024xf32>
      %convert_element_type3A_68 = arith.truncf %mul3A_67 : vector<4x1024xf32> to vector<4x1024xbf16>
      %swap3A_69 = arith.index_cast %add3A_21 : i32 to index
      %swap3A_70 = arith.constant 0 : index
      %swap3A_71 = arith.constant 0 : index
      %swap3A_72 = vector.load %arg4[%swap3A_69, %swap3A_70, %swap3A_71] : memref<128x4x1024xbf16, #tpu.memory_space<vmem>>, vector<1x4x1024xbf16>
      %swap3A_73 = vector.shape_cast %swap3A_72 : vector<1x4x1024xbf16> to vector<4x1024xbf16>
      %swap3A_74 = vector.shape_cast %convert_element_type3A_68 : vector<4x1024xbf16> to vector<1x4x1024xbf16>
      tpu.vector_store %arg4[%swap3A_69, %swap3A_70, %swap3A_71], %swap3A_74 {strides = array<i32>} : memref<128x4x1024xbf16, #tpu.memory_space<vmem>>, vector<1x4x1024xbf16>,
      %mul3A_75 = arith.constant 8 : i32
      %mul3A_76 = arith.muli %mul3A_75, %scan3A_17 : i32
      %add3A_77 = arith.constant 1 : i32
      %add3A_78 = arith.addi %mul3A_76, %add3A_77 : i32
      %get3A_79 = arith.index_cast %add3A_78 : i32 to index
      %get3A_80 = arith.constant 0 : index
      %get3A_81 = arith.constant 0 : index
      %get3A_82 = vector.load %arg2[%get3A_79, %get3A_80, %get3A_81] : memref<128x4x4096xf32, #tpu.memory_space<vmem>>, vector<1x4x4096xf32>
      %get3A_83 = vector.shape_cast %get3A_82 : vector<1x4x4096xf32> to vector<4x4096xf32>
      %convert_element_type3A_84 = arith.truncf %mul3A_67 : vector<4x1024xf32> to vector<4x1024xbf16>
      %get3A_85 = arith.constant 0 : index
      %get3A_86 = arith.constant 0 : index
      %get3A_87 = vector.load %arg3[%get3A_85, %get3A_86] : memref<1024x8192xbf16, #tpu.memory_space<vmem>>, vector<1024x8192xbf16>
      %dot_general3A_88 = arith.constant dense<0.000000e+00> : vector<4x8192xf32>
      %dot_general3A_89 = tpu.matmul %convert_element_type3A_84, %get3A_87, %dot_general3A_88 {dimension_numbers = #tpu.dot_dimension_numbers<[1], [0], [0], [1], [0, 0, 1, 1], [], []>, transpose_lhs_hint = false} : vector<4x1024xbf16>, vector<1024x8192xbf16>, vector<4x8192xf32> -> vector<4x8192xf32>
      %get3A_90 = arith.index_cast %add3A_78 : i32 to index
      %get3A_91 = arith.constant 0 : index
      %get3A_92 = arith.constant 0 : index
      %get3A_93 = vector.load %arg1[%get3A_90, %get3A_91, %get3A_92] : memref<128x4x1xf32, #tpu.memory_space<vmem>>, vector<1x4x1xf32>
      %get3A_94 = vector.shape_cast %get3A_93 : vector<1x4x1xf32> to vector<4x1xf32>
      %gt3A_95 = arith.constant 5.000000e-01 : f32
      %gt3A_96 = vector.broadcast %gt3A_95 : f32 to vector<4x1xf32>
      %gt3A_97 = arith.cmpf ogt, %get3A_94, %gt3A_96 : vector<4x1xf32>
      %slice3A_98 = vector.extract_strided_slice %dot_general3A_89 {offsets = [0, 4096], sizes = [4, 4096], strides = [1, 1]} : vector<4x8192xf32> to vector<4x4096xf32>
      %slice3A_99 = vector.extract_strided_slice %dot_general3A_89 {offsets = [0, 0], sizes = [4, 4096], strides = [1, 1]} : vector<4x8192xf32> to vector<4x4096xf32>
      %broadcast_in_dim3A_100 = vector.shape_cast %gt3A_97 : vector<4x1xi1> to vector<4x1xi1>
      %broadcast_in_dim3A_101 = vector.broadcast %broadcast_in_dim3A_100 : vector<4x1xi1> to vector<4x4096xi1>
      %select_n3A_102 = arith.select %broadcast_in_dim3A_101, %slice3A_98, %slice3A_99 : vector<4x4096xi1>, vector<4x4096xf32>
      %add3A_103 = arith.addf %get3A_83, %select_n3A_102 : vector<4x4096xf32>
      %slice3A_104 = vector.extract_strided_slice %add3A_103 {offsets = [0, 0], sizes = [4, 1024], strides = [1, 1]} : vector<4x4096xf32> to vector<4x1024xf32>
      %logistic3A_105 = arith.negf %slice3A_104 : vector<4x1024xf32>
      %logistic3A_106 = math.exp %logistic3A_105 : vector<4x1024xf32>
      %logistic3A_107 = arith.constant 1.000000e+00 : f32
      %logistic3A_108 = vector.broadcast %logistic3A_107 : f32 to vector<4x1024xf32>
      %logistic3A_109 = arith.addf %logistic3A_108, %logistic3A_106 : vector<4x1024xf32>
      %logistic3A_110 = arith.divf %logistic3A_108, %logistic3A_109 : vector<4x1024xf32>
      %slice3A_111 = vector.extract_strided_slice %add3A_103 {offsets = [0, 1024], sizes = [4, 1024], strides = [1, 1]} : vector<4x4096xf32> to vector<4x1024xf32>
      %logistic3A_112 = arith.negf %slice3A_111 : vector<4x1024xf32>
      %logistic3A_113 = math.exp %logistic3A_112 : vector<4x1024xf32>
      %logistic3A_114 = arith.constant 1.000000e+00 : f32
      %logistic3A_115 = vector.broadcast %logistic3A_114 : f32 to vector<4x1024xf32>
      %logistic3A_116 = arith.addf %logistic3A_115, %logistic3A_113 : vector<4x1024xf32>
      %logistic3A_117 = arith.divf %logistic3A_115, %logistic3A_116 : vector<4x1024xf32>
      %slice3A_118 = vector.extract_strided_slice %add3A_103 {offsets = [0, 2048], sizes = [4, 1024], strides = [1, 1]} : vector<4x4096xf32> to vector<4x1024xf32>
      %tanh3A_119 = math.tanh %slice3A_118 : vector<4x1024xf32>
      %slice3A_120 = vector.extract_strided_slice %add3A_103 {offsets = [0, 3072], sizes = [4, 1024], strides = [1, 1]} : vector<4x4096xf32> to vector<4x1024xf32>
      %logistic3A_121 = arith.negf %slice3A_120 : vector<4x1024xf32>
      %logistic3A_122 = math.exp %logistic3A_121 : vector<4x1024xf32>
      %logistic3A_123 = arith.constant 1.000000e+00 : f32
      %logistic3A_124 = vector.broadcast %logistic3A_123 : f32 to vector<4x1024xf32>
      %logistic3A_125 = arith.addf %logistic3A_124, %logistic3A_122 : vector<4x1024xf32>
      %logistic3A_126 = arith.divf %logistic3A_124, %logistic3A_125 : vector<4x1024xf32>
      %mul3A_127 = arith.mulf %logistic3A_117, %add3A_65 : vector<4x1024xf32>
      %mul3A_128 = arith.mulf %logistic3A_110, %tanh3A_119 : vector<4x1024xf32>
      %add3A_129 = arith.addf %mul3A_127, %mul3A_128 : vector<4x1024xf32>
      %tanh3A_130 = math.tanh %add3A_129 : vector<4x1024xf32>
      %mul3A_131 = arith.mulf %logistic3A_126, %tanh3A_130 : vector<4x1024xf32>
      %convert_element_type3A_132 = arith.truncf %mul3A_131 : vector<4x1024xf32> to vector<4x1024xbf16>
      %swap3A_133 = arith.index_cast %add3A_78 : i32 to index
      %swap3A_134 = arith.constant 0 : index
      %swap3A_135 = arith.constant 0 : index
      %swap3A_136 = vector.load %arg4[%swap3A_133, %swap3A_134, %swap3A_135] : memref<128x4x1024xbf16, #tpu.memory_space<vmem>>, vector<1x4x1024xbf16>
      %swap3A_137 = vector.shape_cast %swap3A_136 : vector<1x4x1024xbf16> to vector<4x1024xbf16>
      %swap3A_138 = vector.shape_cast %convert_element_type3A_132 : vector<4x1024xbf16> to vector<1x4x1024xbf16>
      tpu.vector_store %arg4[%swap3A_133, %swap3A_134, %swap3A_135], %swap3A_138 {strides = array<i32>} : memref<128x4x1024xbf16, #tpu.memory_space<vmem>>, vector<1x4x1024xbf16>,
      %mul3A_139 = arith.constant 8 : i32
      %mul3A_140 = arith.muli %mul3A_139, %scan3A_17 : i32
      %add3A_141 = arith.constant 2 : i32
      %add3A_142 = arith.addi %mul3A_140, %add3A_141 : i32
      %get3A_143 = arith.index_cast %add3A_142 : i32 to index
      %get3A_144 = arith.constant 0 : index
      %get3A_145 = arith.constant 0 : index
      %get3A_146 = vector.load %arg2[%get3A_143, %get3A_144, %get3A_145] : memref<128x4x4096xf32, #tpu.memory_space<vmem>>, vector<1x4x4096xf32>
      %get3A_147 = vector.shape_cast %get3A_146 : vector<1x4x4096xf32> to vector<4x4096xf32>
      %convert_element_type3A_148 = arith.truncf %mul3A_131 : vector<4x1024xf32> to vector<4x1024xbf16>
      %get3A_149 = arith.constant 0 : index
      %get3A_150 = arith.constant 0 : index
      %get3A_151 = vector.load %arg3[%get3A_149, %get3A_150] : memref<1024x8192xbf16, #tpu.memory_space<vmem>>, vector<1024x8192xbf16>
      %dot_general3A_152 = arith.constant dense<0.000000e+00> : vector<4x8192xf32>
      %dot_general3A_153 = tpu.matmul %convert_element_type3A_148, %get3A_151, %dot_general3A_152 {dimension_numbers = #tpu.dot_dimension_numbers<[1], [0], [0], [1], [0, 0, 1, 1], [], []>, transpose_lhs_hint = false} : vector<4x1024xbf16>, vector<1024x8192xbf16>, vector<4x8192xf32> -> vector<4x8192xf32>
      %get3A_154 = arith.index_cast %add3A_142 : i32 to index
      %get3A_155 = arith.constant 0 : index
      %get3A_156 = arith.constant 0 : index
      %get3A_157 = vector.load %arg1[%get3A_154, %get3A_155, %get3A_156] : memref<128x4x1xf32, #tpu.memory_space<vmem>>, vector<1x4x1xf32>
      %get3A_158 = vector.shape_cast %get3A_157 : vector<1x4x1xf32> to vector<4x1xf32>
      %gt3A_159 = arith.constant 5.000000e-01 : f32
      %gt3A_160 = vector.broadcast %gt3A_159 : f32 to vector<4x1xf32>
      %gt3A_161 = arith.cmpf ogt, %get3A_158, %gt3A_160 : vector<4x1xf32>
      %slice3A_162 = vector.extract_strided_slice %dot_general3A_153 {offsets = [0, 4096], sizes = [4, 4096], strides = [1, 1]} : vector<4x8192xf32> to vector<4x4096xf32>
      %slice3A_163 = vector.extract_strided_slice %dot_general3A_153 {offsets = [0, 0], sizes = [4, 4096], strides = [1, 1]} : vector<4x8192xf32> to vector<4x4096xf32>
      %broadcast_in_dim3A_164 = vector.shape_cast %gt3A_161 : vector<4x1xi1> to vector<4x1xi1>
      %broadcast_in_dim3A_165 = vector.broadcast %broadcast_in_dim3A_164 : vector<4x1xi1> to vector<4x4096xi1>
      %select_n3A_166 = arith.select %broadcast_in_dim3A_165, %slice3A_162, %slice3A_163 : vector<4x4096xi1>, vector<4x4096xf32>
      %add3A_167 = arith.addf %get3A_147, %select_n3A_166 : vector<4x4096xf32>
      %slice3A_168 = vector.extract_strided_slice %add3A_167 {offsets = [0, 0], sizes = [4, 1024], strides = [1, 1]} : vector<4x4096xf32> to vector<4x1024xf32>
      %logistic3A_169 = arith.negf %slice3A_168 : vector<4x1024xf32>
      %logistic3A_170 = math.exp %logistic3A_169 : vector<4x1024xf32>
      %logistic3A_171 = arith.constant 1.000000e+00 : f32
      %logistic3A_172 = vector.broadcast %logistic3A_171 : f32 to vector<4x1024xf32>
      %logistic3A_173 = arith.addf %logistic3A_172, %logistic3A_170 : vector<4x1024xf32>
      %logistic3A_174 = arith.divf %logistic3A_172, %logistic3A_173 : vector<4x1024xf32>
      %slice3A_175 = vector.extract_strided_slice %add3A_167 {offsets = [0, 1024], sizes = [4, 1024], strides = [1, 1]} : vector<4x4096xf32> to vector<4x1024xf32>
      %logistic3A_176 = arith.negf %slice3A_175 : vector<4x1024xf32>
      %logistic3A_177 = math.exp %logistic3A_176 : vector<4x1024xf32>
      %logistic3A_178 = arith.constant 1.000000e+00 : f32
      %logistic3A_179 = vector.broadcast %logistic3A_178 : f32 to vector<4x1024xf32>
      %logistic3A_180 = arith.addf %logistic3A_179, %logistic3A_177 : vector<4x1024xf32>
      %logistic3A_181 = arith.divf %logistic3A_179, %logistic3A_180 : vector<4x1024xf32>
      %slice3A_182 = vector.extract_strided_slice %add3A_167 {offsets = [0, 2048], sizes = [4, 1024], strides = [1, 1]} : vector<4x4096xf32> to vector<4x1024xf32>
      %tanh3A_183 = math.tanh %slice3A_182 : vector<4x1024xf32>
      %slice3A_184 = vector.extract_strided_slice %add3A_167 {offsets = [0, 3072], sizes = [4, 1024], strides = [1, 1]} : vector<4x4096xf32> to vector<4x1024xf32>
      %logistic3A_185 = arith.negf %slice3A_184 : vector<4x1024xf32>
      %logistic3A_186 = math.exp %logistic3A_185 : vector<4x1024xf32>
      %logistic3A_187 = arith.constant 1.000000e+00 : f32
      %logistic3A_188 = vector.broadcast %logistic3A_187 : f32 to vector<4x1024xf32>
      %logistic3A_189 = arith.addf %logistic3A_188, %logistic3A_186 : vector<4x1024xf32>
      %logistic3A_190 = arith.divf %logistic3A_188, %logistic3A_189 : vector<4x1024xf32>
      %mul3A_191 = arith.mulf %logistic3A_181, %add3A_129 : vector<4x1024xf32>
      %mul3A_192 = arith.mulf %logistic3A_174, %tanh3A_183 : vector<4x1024xf32>
      %add3A_193 = arith.addf %mul3A_191, %mul3A_192 : vector<4x1024xf32>
      %tanh3A_194 = math.tanh %add3A_193 : vector<4x1024xf32>
      %mul3A_195 = arith.mulf %logistic3A_190, %tanh3A_194 : vector<4x1024xf32>
      %convert_element_type3A_196 = arith.truncf %mul3A_195 : vector<4x1024xf32> to vector<4x1024xbf16>
      %swap3A_197 = arith.index_cast %add3A_142 : i32 to index
      %swap3A_198 = arith.constant 0 : index
      %swap3A_199 = arith.constant 0 : index
      %swap3A_200 = vector.load %arg4[%swap3A_197, %swap3A_198, %swap3A_199] : memref<128x4x1024xbf16, #tpu.memory_space<vmem>>, vector<1x4x1024xbf16>
      %swap3A_201 = vector.shape_cast %swap3A_200 : vector<1x4x1024xbf16> to vector<4x1024xbf16>
      %swap3A_202 = vector.shape_cast %convert_element_type3A_196 : vector<4x1024xbf16> to vector<1x4x1024xbf16>
      tpu.vector_store %arg4[%swap3A_197, %swap3A_198, %swap3A_199], %swap3A_202 {strides = array<i32>} : memref<128x4x1024xbf16, #tpu.memory_space<vmem>>, vector<1x4x1024xbf16>,
      %mul3A_203 = arith.constant 8 : i32
      %mul3A_204 = arith.muli %mul3A_203, %scan3A_17 : i32
      %add3A_205 = arith.constant 3 : i32
      %add3A_206 = arith.addi %mul3A_204, %add3A_205 : i32
      %get3A_207 = arith.index_cast %add3A_206 : i32 to index
      %get3A_208 = arith.constant 0 : index
      %get3A_209 = arith.constant 0 : index
      %get3A_210 = vector.load %arg2[%get3A_207, %get3A_208, %get3A_209] : memref<128x4x4096xf32, #tpu.memory_space<vmem>>, vector<1x4x4096xf32>
      %get3A_211 = vector.shape_cast %get3A_210 : vector<1x4x4096xf32> to vector<4x4096xf32>
      %convert_element_type3A_212 = arith.truncf %mul3A_195 : vector<4x1024xf32> to vector<4x1024xbf16>
      %get3A_213 = arith.constant 0 : index
      %get3A_214 = arith.constant 0 : index
      %get3A_215 = vector.load %arg3[%get3A_213, %get3A_214] : memref<1024x8192xbf16, #tpu.memory_space<vmem>>, vector<1024x8192xbf16>
      %dot_general3A_216 = arith.constant dense<0.000000e+00> : vector<4x8192xf32>
      %dot_general3A_217 = tpu.matmul %convert_element_type3A_212, %get3A_215, %dot_general3A_216 {dimension_numbers = #tpu.dot_dimension_numbers<[1], [0], [0], [1], [0, 0, 1, 1], [], []>, transpose_lhs_hint = false} : vector<4x1024xbf16>, vector<1024x8192xbf16>, vector<4x8192xf32> -> vector<4x8192xf32>
      %get3A_218 = arith.index_cast %add3A_206 : i32 to index
      %get3A_219 = arith.constant 0 : index
      %get3A_220 = arith.constant 0 : index
      %get3A_221 = vector.load %arg1[%get3A_218, %get3A_219, %get3A_220] : memref<128x4x1xf32, #tpu.memory_space<vmem>>, vector<1x4x1xf32>
      %get3A_222 = vector.shape_cast %get3A_221 : vector<1x4x1xf32> to vector<4x1xf32>
      %gt3A_223 = arith.constant 5.000000e-01 : f32
      %gt3A_224 = vector.broadcast %gt3A_223 : f32 to vector<4x1xf32>
      %gt3A_225 = arith.cmpf ogt, %get3A_222, %gt3A_224 : vector<4x1xf32>
      %slice3A_226 = vector.extract_strided_slice %dot_general3A_217 {offsets = [0, 4096], sizes = [4, 4096], strides = [1, 1]} : vector<4x8192xf32> to vector<4x4096xf32>
      %slice3A_227 = vector.extract_strided_slice %dot_general3A_217 {offsets = [0, 0], sizes = [4, 4096], strides = [1, 1]} : vector<4x8192xf32> to vector<4x4096xf32>
      %broadcast_in_dim3A_228 = vector.shape_cast %gt3A_225 : vector<4x1xi1> to vector<4x1xi1>
      %broadcast_in_dim3A_229 = vector.broadcast %broadcast_in_dim3A_228 : vector<4x1xi1> to vector<4x4096xi1>
      %select_n3A_230 = arith.select %broadcast_in_dim3A_229, %slice3A_226, %slice3A_227 : vector<4x4096xi1>, vector<4x4096xf32>
      %add3A_231 = arith.addf %get3A_211, %select_n3A_230 : vector<4x4096xf32>
      %slice3A_232 = vector.extract_strided_slice %add3A_231 {offsets = [0, 0], sizes = [4, 1024], strides = [1, 1]} : vector<4x4096xf32> to vector<4x1024xf32>
      %logistic3A_233 = arith.negf %slice3A_232 : vector<4x1024xf32>
      %logistic3A_234 = math.exp %logistic3A_233 : vector<4x1024xf32>
      %logistic3A_235 = arith.constant 1.000000e+00 : f32
      %logistic3A_236 = vector.broadcast %logistic3A_235 : f32 to vector<4x1024xf32>
      %logistic3A_237 = arith.addf %logistic3A_236, %logistic3A_234 : vector<4x1024xf32>
      %logistic3A_238 = arith.divf %logistic3A_236, %logistic3A_237 : vector<4x1024xf32>
      %slice3A_239 = vector.extract_strided_slice %add3A_231 {offsets = [0, 1024], sizes = [4, 1024], strides = [1, 1]} : vector<4x4096xf32> to vector<4x1024xf32>
      %logistic3A_240 = arith.negf %slice3A_239 : vector<4x1024xf32>
      %logistic3A_241 = math.exp %logistic3A_240 : vector<4x1024xf32>
      %logistic3A_242 = arith.constant 1.000000e+00 : f32
      %logistic3A_243 = vector.broadcast %logistic3A_242 : f32 to vector<4x1024xf32>
      %logistic3A_244 = arith.addf %logistic3A_243, %logistic3A_241 : vector<4x1024xf32>
      %logistic3A_245 = arith.divf %logistic3A_243, %logistic3A_244 : vector<4x1024xf32>
      %slice3A_246 = vector.extract_strided_slice %add3A_231 {offsets = [0, 2048], sizes = [4, 1024], strides = [1, 1]} : vector<4x4096xf32> to vector<4x1024xf32>
      %tanh3A_247 = math.tanh %slice3A_246 : vector<4x1024xf32>
      %slice3A_248 = vector.extract_strided_slice %add3A_231 {offsets = [0, 3072], sizes = [4, 1024], strides = [1, 1]} : vector<4x4096xf32> to vector<4x1024xf32>
      %logistic3A_249 = arith.negf %slice3A_248 : vector<4x1024xf32>
      %logistic3A_250 = math.exp %logistic3A_249 : vector<4x1024xf32>
      %logistic3A_251 = arith.constant 1.000000e+00 : f32
      %logistic3A_252 = vector.broadcast %logistic3A_251 : f32 to vector<4x1024xf32>
      %logistic3A_253 = arith.addf %logistic3A_252, %logistic3A_250 : vector<4x1024xf32>
      %logistic3A_254 = arith.divf %logistic3A_252, %logistic3A_253 : vector<4x1024xf32>
      %mul3A_255 = arith.mulf %logistic3A_245, %add3A_193 : vector<4x1024xf32>
      %mul3A_256 = arith.mulf %logistic3A_238, %tanh3A_247 : vector<4x1024xf32>
      %add3A_257 = arith.addf %mul3A_255, %mul3A_256 : vector<4x1024xf32>
      %tanh3A_258 = math.tanh %add3A_257 : vector<4x1024xf32>
      %mul3A_259 = arith.mulf %logistic3A_254, %tanh3A_258 : vector<4x1024xf32>
      %convert_element_type3A_260 = arith.truncf %mul3A_259 : vector<4x1024xf32> to vector<4x1024xbf16>
      %swap3A_261 = arith.index_cast %add3A_206 : i32 to index
      %swap3A_262 = arith.constant 0 : index
      %swap3A_263 = arith.constant 0 : index
      %swap3A_264 = vector.load %arg4[%swap3A_261, %swap3A_262, %swap3A_263] : memref<128x4x1024xbf16, #tpu.memory_space<vmem>>, vector<1x4x1024xbf16>
      %swap3A_265 = vector.shape_cast %swap3A_264 : vector<1x4x1024xbf16> to vector<4x1024xbf16>
      %swap3A_266 = vector.shape_cast %convert_element_type3A_260 : vector<4x1024xbf16> to vector<1x4x1024xbf16>
      tpu.vector_store %arg4[%swap3A_261, %swap3A_262, %swap3A_263], %swap3A_266 {strides = array<i32>} : memref<128x4x1024xbf16, #tpu.memory_space<vmem>>, vector<1x4x1024xbf16>,
      %mul3A_267 = arith.constant 8 : i32
      %mul3A_268 = arith.muli %mul3A_267, %scan3A_17 : i32
      %add3A_269 = arith.constant 4 : i32
      %add3A_270 = arith.addi %mul3A_268, %add3A_269 : i32
      %get3A_271 = arith.index_cast %add3A_270 : i32 to index
      %get3A_272 = arith.constant 0 : index
      %get3A_273 = arith.constant 0 : index
      %get3A_274 = vector.load %arg2[%get3A_271, %get3A_272, %get3A_273] : memref<128x4x4096xf32, #tpu.memory_space<vmem>>, vector<1x4x4096xf32>
      %get3A_275 = vector.shape_cast %get3A_274 : vector<1x4x4096xf32> to vector<4x4096xf32>
      %convert_element_type3A_276 = arith.truncf %mul3A_259 : vector<4x1024xf32> to vector<4x1024xbf16>
      %get3A_277 = arith.constant 0 : index
      %get3A_278 = arith.constant 0 : index
      %get3A_279 = vector.load %arg3[%get3A_277, %get3A_278] : memref<1024x8192xbf16, #tpu.memory_space<vmem>>, vector<1024x8192xbf16>
      %dot_general3A_280 = arith.constant dense<0.000000e+00> : vector<4x8192xf32>
      %dot_general3A_281 = tpu.matmul %convert_element_type3A_276, %get3A_279, %dot_general3A_280 {dimension_numbers = #tpu.dot_dimension_numbers<[1], [0], [0], [1], [0, 0, 1, 1], [], []>, transpose_lhs_hint = false} : vector<4x1024xbf16>, vector<1024x8192xbf16>, vector<4x8192xf32> -> vector<4x8192xf32>
      %get3A_282 = arith.index_cast %add3A_270 : i32 to index
      %get3A_283 = arith.constant 0 : index
      %get3A_284 = arith.constant 0 : index
      %get3A_285 = vector.load %arg1[%get3A_282, %get3A_283, %get3A_284] : memref<128x4x1xf32, #tpu.memory_space<vmem>>, vector<1x4x1xf32>
      %get3A_286 = vector.shape_cast %get3A_285 : vector<1x4x1xf32> to vector<4x1xf32>
      %gt3A_287 = arith.constant 5.000000e-01 : f32
      %gt3A_288 = vector.broadcast %gt3A_287 : f32 to vector<4x1xf32>
      %gt3A_289 = arith.cmpf ogt, %get3A_286, %gt3A_288 : vector<4x1xf32>
      %slice3A_290 = vector.extract_strided_slice %dot_general3A_281 {offsets = [0, 4096], sizes = [4, 4096], strides = [1, 1]} : vector<4x8192xf32> to vector<4x4096xf32>
      %slice3A_291 = vector.extract_strided_slice %dot_general3A_281 {offsets = [0, 0], sizes = [4, 4096], strides = [1, 1]} : vector<4x8192xf32> to vector<4x4096xf32>
      %broadcast_in_dim3A_292 = vector.shape_cast %gt3A_289 : vector<4x1xi1> to vector<4x1xi1>
      %broadcast_in_dim3A_293 = vector.broadcast %broadcast_in_dim3A_292 : vector<4x1xi1> to vector<4x4096xi1>
      %select_n3A_294 = arith.select %broadcast_in_dim3A_293, %slice3A_290, %slice3A_291 : vector<4x4096xi1>, vector<4x4096xf32>
      %add3A_295 = arith.addf %get3A_275, %select_n3A_294 : vector<4x4096xf32>
      %slice3A_296 = vector.extract_strided_slice %add3A_295 {offsets = [0, 0], sizes = [4, 1024], strides = [1, 1]} : vector<4x4096xf32> to vector<4x1024xf32>
      %logistic3A_297 = arith.negf %slice3A_296 : vector<4x1024xf32>
      %logistic3A_298 = math.exp %logistic3A_297 : vector<4x1024xf32>
      %logistic3A_299 = arith.constant 1.000000e+00 : f32
      %logistic3A_300 = vector.broadcast %logistic3A_299 : f32 to vector<4x1024xf32>
      %logistic3A_301 = arith.addf %logistic3A_300, %logistic3A_298 : vector<4x1024xf32>
      %logistic3A_302 = arith.divf %logistic3A_300, %logistic3A_301 : vector<4x1024xf32>
      %slice3A_303 = vector.extract_strided_slice %add3A_295 {offsets = [0, 1024], sizes = [4, 1024], strides = [1, 1]} : vector<4x4096xf32> to vector<4x1024xf32>
      %logistic3A_304 = arith.negf %slice3A_303 : vector<4x1024xf32>
      %logistic3A_305 = math.exp %logistic3A_304 : vector<4x1024xf32>
      %logistic3A_306 = arith.constant 1.000000e+00 : f32
      %logistic3A_307 = vector.broadcast %logistic3A_306 : f32 to vector<4x1024xf32>
      %logistic3A_308 = arith.addf %logistic3A_307, %logistic3A_305 : vector<4x1024xf32>
      %logistic3A_309 = arith.divf %logistic3A_307, %logistic3A_308 : vector<4x1024xf32>
      %slice3A_310 = vector.extract_strided_slice %add3A_295 {offsets = [0, 2048], sizes = [4, 1024], strides = [1, 1]} : vector<4x4096xf32> to vector<4x1024xf32>
      %tanh3A_311 = math.tanh %slice3A_310 : vector<4x1024xf32>
      %slice3A_312 = vector.extract_strided_slice %add3A_295 {offsets = [0, 3072], sizes = [4, 1024], strides = [1, 1]} : vector<4x4096xf32> to vector<4x1024xf32>
      %logistic3A_313 = arith.negf %slice3A_312 : vector<4x1024xf32>
      %logistic3A_314 = math.exp %logistic3A_313 : vector<4x1024xf32>
      %logistic3A_315 = arith.constant 1.000000e+00 : f32
      %logistic3A_316 = vector.broadcast %logistic3A_315 : f32 to vector<4x1024xf32>
      %logistic3A_317 = arith.addf %logistic3A_316, %logistic3A_314 : vector<4x1024xf32>
      %logistic3A_318 = arith.divf %logistic3A_316, %logistic3A_317 : vector<4x1024xf32>
      %mul3A_319 = arith.mulf %logistic3A_309, %add3A_257 : vector<4x1024xf32>
      %mul3A_320 = arith.mulf %logistic3A_302, %tanh3A_311 : vector<4x1024xf32>
      %add3A_321 = arith.addf %mul3A_319, %mul3A_320 : vector<4x1024xf32>
      %tanh3A_322 = math.tanh %add3A_321 : vector<4x1024xf32>
      %mul3A_323 = arith.mulf %logistic3A_318, %tanh3A_322 : vector<4x1024xf32>
      %convert_element_type3A_324 = arith.truncf %mul3A_323 : vector<4x1024xf32> to vector<4x1024xbf16>
      %swap3A_325 = arith.index_cast %add3A_270 : i32 to index
      %swap3A_326 = arith.constant 0 : index
      %swap3A_327 = arith.constant 0 : index
      %swap3A_328 = vector.load %arg4[%swap3A_325, %swap3A_326, %swap3A_327] : memref<128x4x1024xbf16, #tpu.memory_space<vmem>>, vector<1x4x1024xbf16>
      %swap3A_329 = vector.shape_cast %swap3A_328 : vector<1x4x1024xbf16> to vector<4x1024xbf16>
      %swap3A_330 = vector.shape_cast %convert_element_type3A_324 : vector<4x1024xbf16> to vector<1x4x1024xbf16>
      tpu.vector_store %arg4[%swap3A_325, %swap3A_326, %swap3A_327], %swap3A_330 {strides = array<i32>} : memref<128x4x1024xbf16, #tpu.memory_space<vmem>>, vector<1x4x1024xbf16>,
      %mul3A_331 = arith.constant 8 : i32
      %mul3A_332 = arith.muli %mul3A_331, %scan3A_17 : i32
      %add3A_333 = arith.constant 5 : i32
      %add3A_334 = arith.addi %mul3A_332, %add3A_333 : i32
      %get3A_335 = arith.index_cast %add3A_334 : i32 to index
      %get3A_336 = arith.constant 0 : index
      %get3A_337 = arith.constant 0 : index
      %get3A_338 = vector.load %arg2[%get3A_335, %get3A_336, %get3A_337] : memref<128x4x4096xf32, #tpu.memory_space<vmem>>, vector<1x4x4096xf32>
      %get3A_339 = vector.shape_cast %get3A_338 : vector<1x4x4096xf32> to vector<4x4096xf32>
      %convert_element_type3A_340 = arith.truncf %mul3A_323 : vector<4x1024xf32> to vector<4x1024xbf16>
      %get3A_341 = arith.constant 0 : index
      %get3A_342 = arith.constant 0 : index
      %get3A_343 = vector.load %arg3[%get3A_341, %get3A_342] : memref<1024x8192xbf16, #tpu.memory_space<vmem>>, vector<1024x8192xbf16>
      %dot_general3A_344 = arith.constant dense<0.000000e+00> : vector<4x8192xf32>
      %dot_general3A_345 = tpu.matmul %convert_element_type3A_340, %get3A_343, %dot_general3A_344 {dimension_numbers = #tpu.dot_dimension_numbers<[1], [0], [0], [1], [0, 0, 1, 1], [], []>, transpose_lhs_hint = false} : vector<4x1024xbf16>, vector<1024x8192xbf16>, vector<4x8192xf32> -> vector<4x8192xf32>
      %get3A_346 = arith.index_cast %add3A_334 : i32 to index
      %get3A_347 = arith.constant 0 : index
      %get3A_348 = arith.constant 0 : index
      %get3A_349 = vector.load %arg1[%get3A_346, %get3A_347, %get3A_348] : memref<128x4x1xf32, #tpu.memory_space<vmem>>, vector<1x4x1xf32>
      %get3A_350 = vector.shape_cast %get3A_349 : vector<1x4x1xf32> to vector<4x1xf32>
      %gt3A_351 = arith.constant 5.000000e-01 : f32
      %gt3A_352 = vector.broadcast %gt3A_351 : f32 to vector<4x1xf32>
      %gt3A_353 = arith.cmpf ogt, %get3A_350, %gt3A_352 : vector<4x1xf32>
      %slice3A_354 = vector.extract_strided_slice %dot_general3A_345 {offsets = [0, 4096], sizes = [4, 4096], strides = [1, 1]} : vector<4x8192xf32> to vector<4x4096xf32>
      %slice3A_355 = vector.extract_strided_slice %dot_general3A_345 {offsets = [0, 0], sizes = [4, 4096], strides = [1, 1]} : vector<4x8192xf32> to vector<4x4096xf32>
      %broadcast_in_dim3A_356 = vector.shape_cast %gt3A_353 : vector<4x1xi1> to vector<4x1xi1>
      %broadcast_in_dim3A_357 = vector.broadcast %broadcast_in_dim3A_356 : vector<4x1xi1> to vector<4x4096xi1>
      %select_n3A_358 = arith.select %broadcast_in_dim3A_357, %slice3A_354, %slice3A_355 : vector<4x4096xi1>, vector<4x4096xf32>
      %add3A_359 = arith.addf %get3A_339, %select_n3A_358 : vector<4x4096xf32>
      %slice3A_360 = vector.extract_strided_slice %add3A_359 {offsets = [0, 0], sizes = [4, 1024], strides = [1, 1]} : vector<4x4096xf32> to vector<4x1024xf32>
      %logistic3A_361 = arith.negf %slice3A_360 : vector<4x1024xf32>
      %logistic3A_362 = math.exp %logistic3A_361 : vector<4x1024xf32>
      %logistic3A_363 = arith.constant 1.000000e+00 : f32
      %logistic3A_364 = vector.broadcast %logistic3A_363 : f32 to vector<4x1024xf32>
      %logistic3A_365 = arith.addf %logistic3A_364, %logistic3A_362 : vector<4x1024xf32>
      %logistic3A_366 = arith.divf %logistic3A_364, %logistic3A_365 : vector<4x1024xf32>
      %slice3A_367 = vector.extract_strided_slice %add3A_359 {offsets = [0, 1024], sizes = [4, 1024], strides = [1, 1]} : vector<4x4096xf32> to vector<4x1024xf32>
      %logistic3A_368 = arith.negf %slice3A_367 : vector<4x1024xf32>
      %logistic3A_369 = math.exp %logistic3A_368 : vector<4x1024xf32>
      %logistic3A_370 = arith.constant 1.000000e+00 : f32
      %logistic3A_371 = vector.broadcast %logistic3A_370 : f32 to vector<4x1024xf32>
      %logistic3A_372 = arith.addf %logistic3A_371, %logistic3A_369 : vector<4x1024xf32>
      %logistic3A_373 = arith.divf %logistic3A_371, %logistic3A_372 : vector<4x1024xf32>
      %slice3A_374 = vector.extract_strided_slice %add3A_359 {offsets = [0, 2048], sizes = [4, 1024], strides = [1, 1]} : vector<4x4096xf32> to vector<4x1024xf32>
      %tanh3A_375 = math.tanh %slice3A_374 : vector<4x1024xf32>
      %slice3A_376 = vector.extract_strided_slice %add3A_359 {offsets = [0, 3072], sizes = [4, 1024], strides = [1, 1]} : vector<4x4096xf32> to vector<4x1024xf32>
      %logistic3A_377 = arith.negf %slice3A_376 : vector<4x1024xf32>
      %logistic3A_378 = math.exp %logistic3A_377 : vector<4x1024xf32>
      %logistic3A_379 = arith.constant 1.000000e+00 : f32
      %logistic3A_380 = vector.broadcast %logistic3A_379 : f32 to vector<4x1024xf32>
      %logistic3A_381 = arith.addf %logistic3A_380, %logistic3A_378 : vector<4x1024xf32>
      %logistic3A_382 = arith.divf %logistic3A_380, %logistic3A_381 : vector<4x1024xf32>
      %mul3A_383 = arith.mulf %logistic3A_373, %add3A_321 : vector<4x1024xf32>
      %mul3A_384 = arith.mulf %logistic3A_366, %tanh3A_375 : vector<4x1024xf32>
      %add3A_385 = arith.addf %mul3A_383, %mul3A_384 : vector<4x1024xf32>
      %tanh3A_386 = math.tanh %add3A_385 : vector<4x1024xf32>
      %mul3A_387 = arith.mulf %logistic3A_382, %tanh3A_386 : vector<4x1024xf32>
      %convert_element_type3A_388 = arith.truncf %mul3A_387 : vector<4x1024xf32> to vector<4x1024xbf16>
      %swap3A_389 = arith.index_cast %add3A_334 : i32 to index
      %swap3A_390 = arith.constant 0 : index
      %swap3A_391 = arith.constant 0 : index
      %swap3A_392 = vector.load %arg4[%swap3A_389, %swap3A_390, %swap3A_391] : memref<128x4x1024xbf16, #tpu.memory_space<vmem>>, vector<1x4x1024xbf16>
      %swap3A_393 = vector.shape_cast %swap3A_392 : vector<1x4x1024xbf16> to vector<4x1024xbf16>
      %swap3A_394 = vector.shape_cast %convert_element_type3A_388 : vector<4x1024xbf16> to vector<1x4x1024xbf16>
      tpu.vector_store %arg4[%swap3A_389, %swap3A_390, %swap3A_391], %swap3A_394 {strides = array<i32>} : memref<128x4x1024xbf16, #tpu.memory_space<vmem>>, vector<1x4x1024xbf16>,
      %mul3A_395 = arith.constant 8 : i32
      %mul3A_396 = arith.muli %mul3A_395, %scan3A_17 : i32
      %add3A_397 = arith.constant 6 : i32
      %add3A_398 = arith.addi %mul3A_396, %add3A_397 : i32
      %get3A_399 = arith.index_cast %add3A_398 : i32 to index
      %get3A_400 = arith.constant 0 : index
      %get3A_401 = arith.constant 0 : index
      %get3A_402 = vector.load %arg2[%get3A_399, %get3A_400, %get3A_401] : memref<128x4x4096xf32, #tpu.memory_space<vmem>>, vector<1x4x4096xf32>
      %get3A_403 = vector.shape_cast %get3A_402 : vector<1x4x4096xf32> to vector<4x4096xf32>
      %convert_element_type3A_404 = arith.truncf %mul3A_387 : vector<4x1024xf32> to vector<4x1024xbf16>
      %get3A_405 = arith.constant 0 : index
      %get3A_406 = arith.constant 0 : index
      %get3A_407 = vector.load %arg3[%get3A_405, %get3A_406] : memref<1024x8192xbf16, #tpu.memory_space<vmem>>, vector<1024x8192xbf16>
      %dot_general3A_408 = arith.constant dense<0.000000e+00> : vector<4x8192xf32>
      %dot_general3A_409 = tpu.matmul %convert_element_type3A_404, %get3A_407, %dot_general3A_408 {dimension_numbers = #tpu.dot_dimension_numbers<[1], [0], [0], [1], [0, 0, 1, 1], [], []>, transpose_lhs_hint = false} : vector<4x1024xbf16>, vector<1024x8192xbf16>, vector<4x8192xf32> -> vector<4x8192xf32>
      %get3A_410 = arith.index_cast %add3A_398 : i32 to index
      %get3A_411 = arith.constant 0 : index
      %get3A_412 = arith.constant 0 : index
      %get3A_413 = vector.load %arg1[%get3A_410, %get3A_411, %get3A_412] : memref<128x4x1xf32, #tpu.memory_space<vmem>>, vector<1x4x1xf32>
      %get3A_414 = vector.shape_cast %get3A_413 : vector<1x4x1xf32> to vector<4x1xf32>
      %gt3A_415 = arith.constant 5.000000e-01 : f32
      %gt3A_416 = vector.broadcast %gt3A_415 : f32 to vector<4x1xf32>
      %gt3A_417 = arith.cmpf ogt, %get3A_414, %gt3A_416 : vector<4x1xf32>
      %slice3A_418 = vector.extract_strided_slice %dot_general3A_409 {offsets = [0, 4096], sizes = [4, 4096], strides = [1, 1]} : vector<4x8192xf32> to vector<4x4096xf32>
      %slice3A_419 = vector.extract_strided_slice %dot_general3A_409 {offsets = [0, 0], sizes = [4, 4096], strides = [1, 1]} : vector<4x8192xf32> to vector<4x4096xf32>
      %broadcast_in_dim3A_420 = vector.shape_cast %gt3A_417 : vector<4x1xi1> to vector<4x1xi1>
      %broadcast_in_dim3A_421 = vector.broadcast %broadcast_in_dim3A_420 : vector<4x1xi1> to vector<4x4096xi1>
      %select_n3A_422 = arith.select %broadcast_in_dim3A_421, %slice3A_418, %slice3A_419 : vector<4x4096xi1>, vector<4x4096xf32>
      %add3A_423 = arith.addf %get3A_403, %select_n3A_422 : vector<4x4096xf32>
      %slice3A_424 = vector.extract_strided_slice %add3A_423 {offsets = [0, 0], sizes = [4, 1024], strides = [1, 1]} : vector<4x4096xf32> to vector<4x1024xf32>
      %logistic3A_425 = arith.negf %slice3A_424 : vector<4x1024xf32>
      %logistic3A_426 = math.exp %logistic3A_425 : vector<4x1024xf32>
      %logistic3A_427 = arith.constant 1.000000e+00 : f32
      %logistic3A_428 = vector.broadcast %logistic3A_427 : f32 to vector<4x1024xf32>
      %logistic3A_429 = arith.addf %logistic3A_428, %logistic3A_426 : vector<4x1024xf32>
      %logistic3A_430 = arith.divf %logistic3A_428, %logistic3A_429 : vector<4x1024xf32>
      %slice3A_431 = vector.extract_strided_slice %add3A_423 {offsets = [0, 1024], sizes = [4, 1024], strides = [1, 1]} : vector<4x4096xf32> to vector<4x1024xf32>
      %logistic3A_432 = arith.negf %slice3A_431 : vector<4x1024xf32>
      %logistic3A_433 = math.exp %logistic3A_432 : vector<4x1024xf32>
      %logistic3A_434 = arith.constant 1.000000e+00 : f32
      %logistic3A_435 = vector.broadcast %logistic3A_434 : f32 to vector<4x1024xf32>
      %logistic3A_436 = arith.addf %logistic3A_435, %logistic3A_433 : vector<4x1024xf32>
      %logistic3A_437 = arith.divf %logistic3A_435, %logistic3A_436 : vector<4x1024xf32>
      %slice3A_438 = vector.extract_strided_slice %add3A_423 {offsets = [0, 2048], sizes = [4, 1024], strides = [1, 1]} : vector<4x4096xf32> to vector<4x1024xf32>
      %tanh3A_439 = math.tanh %slice3A_438 : vector<4x1024xf32>
      %slice3A_440 = vector.extract_strided_slice %add3A_423 {offsets = [0, 3072], sizes = [4, 1024], strides = [1, 1]} : vector<4x4096xf32> to vector<4x1024xf32>
      %logistic3A_441 = arith.negf %slice3A_440 : vector<4x1024xf32>
      %logistic3A_442 = math.exp %logistic3A_441 : vector<4x1024xf32>
      %logistic3A_443 = arith.constant 1.000000e+00 : f32
      %logistic3A_444 = vector.broadcast %logistic3A_443 : f32 to vector<4x1024xf32>
      %logistic3A_445 = arith.addf %logistic3A_444, %logistic3A_442 : vector<4x1024xf32>
      %logistic3A_446 = arith.divf %logistic3A_444, %logistic3A_445 : vector<4x1024xf32>
      %mul3A_447 = arith.mulf %logistic3A_437, %add3A_385 : vector<4x1024xf32>
      %mul3A_448 = arith.mulf %logistic3A_430, %tanh3A_439 : vector<4x1024xf32>
      %add3A_449 = arith.addf %mul3A_447, %mul3A_448 : vector<4x1024xf32>
      %tanh3A_450 = math.tanh %add3A_449 : vector<4x1024xf32>
      %mul3A_451 = arith.mulf %logistic3A_446, %tanh3A_450 : vector<4x1024xf32>
      %convert_element_type3A_452 = arith.truncf %mul3A_451 : vector<4x1024xf32> to vector<4x1024xbf16>
      %swap3A_453 = arith.index_cast %add3A_398 : i32 to index
      %swap3A_454 = arith.constant 0 : index
      %swap3A_455 = arith.constant 0 : index
      %swap3A_456 = vector.load %arg4[%swap3A_453, %swap3A_454, %swap3A_455] : memref<128x4x1024xbf16, #tpu.memory_space<vmem>>, vector<1x4x1024xbf16>
      %swap3A_457 = vector.shape_cast %swap3A_456 : vector<1x4x1024xbf16> to vector<4x1024xbf16>
      %swap3A_458 = vector.shape_cast %convert_element_type3A_452 : vector<4x1024xbf16> to vector<1x4x1024xbf16>
      tpu.vector_store %arg4[%swap3A_453, %swap3A_454, %swap3A_455], %swap3A_458 {strides = array<i32>} : memref<128x4x1024xbf16, #tpu.memory_space<vmem>>, vector<1x4x1024xbf16>,
      %mul3A_459 = arith.constant 8 : i32
      %mul3A_460 = arith.muli %mul3A_459, %scan3A_17 : i32
      %add3A_461 = arith.constant 7 : i32
      %add3A_462 = arith.addi %mul3A_460, %add3A_461 : i32
      %get3A_463 = arith.index_cast %add3A_462 : i32 to index
      %get3A_464 = arith.constant 0 : index
      %get3A_465 = arith.constant 0 : index
      %get3A_466 = vector.load %arg2[%get3A_463, %get3A_464, %get3A_465] : memref<128x4x4096xf32, #tpu.memory_space<vmem>>, vector<1x4x4096xf32>
      %get3A_467 = vector.shape_cast %get3A_466 : vector<1x4x4096xf32> to vector<4x4096xf32>
      %convert_element_type3A_468 = arith.truncf %mul3A_451 : vector<4x1024xf32> to vector<4x1024xbf16>
      %get3A_469 = arith.constant 0 : index
      %get3A_470 = arith.constant 0 : index
      %get3A_471 = vector.load %arg3[%get3A_469, %get3A_470] : memref<1024x8192xbf16, #tpu.memory_space<vmem>>, vector<1024x8192xbf16>
      %dot_general3A_472 = arith.constant dense<0.000000e+00> : vector<4x8192xf32>
      %dot_general3A_473 = tpu.matmul %convert_element_type3A_468, %get3A_471, %dot_general3A_472 {dimension_numbers = #tpu.dot_dimension_numbers<[1], [0], [0], [1], [0, 0, 1, 1], [], []>, transpose_lhs_hint = false} : vector<4x1024xbf16>, vector<1024x8192xbf16>, vector<4x8192xf32> -> vector<4x8192xf32>
      %get3A_474 = arith.index_cast %add3A_462 : i32 to index
      %get3A_475 = arith.constant 0 : index
      %get3A_476 = arith.constant 0 : index
      %get3A_477 = vector.load %arg1[%get3A_474, %get3A_475, %get3A_476] : memref<128x4x1xf32, #tpu.memory_space<vmem>>, vector<1x4x1xf32>
      %get3A_478 = vector.shape_cast %get3A_477 : vector<1x4x1xf32> to vector<4x1xf32>
      %gt3A_479 = arith.constant 5.000000e-01 : f32
      %gt3A_480 = vector.broadcast %gt3A_479 : f32 to vector<4x1xf32>
      %gt3A_481 = arith.cmpf ogt, %get3A_478, %gt3A_480 : vector<4x1xf32>
      %slice3A_482 = vector.extract_strided_slice %dot_general3A_473 {offsets = [0, 4096], sizes = [4, 4096], strides = [1, 1]} : vector<4x8192xf32> to vector<4x4096xf32>
      %slice3A_483 = vector.extract_strided_slice %dot_general3A_473 {offsets = [0, 0], sizes = [4, 4096], strides = [1, 1]} : vector<4x8192xf32> to vector<4x4096xf32>
      %broadcast_in_dim3A_484 = vector.shape_cast %gt3A_481 : vector<4x1xi1> to vector<4x1xi1>
      %broadcast_in_dim3A_485 = vector.broadcast %broadcast_in_dim3A_484 : vector<4x1xi1> to vector<4x4096xi1>
      %select_n3A_486 = arith.select %broadcast_in_dim3A_485, %slice3A_482, %slice3A_483 : vector<4x4096xi1>, vector<4x4096xf32>
      %add3A_487 = arith.addf %get3A_467, %select_n3A_486 : vector<4x4096xf32>
      %slice3A_488 = vector.extract_strided_slice %add3A_487 {offsets = [0, 0], sizes = [4, 1024], strides = [1, 1]} : vector<4x4096xf32> to vector<4x1024xf32>
      %logistic3A_489 = arith.negf %slice3A_488 : vector<4x1024xf32>
      %logistic3A_490 = math.exp %logistic3A_489 : vector<4x1024xf32>
      %logistic3A_491 = arith.constant 1.000000e+00 : f32
      %logistic3A_492 = vector.broadcast %logistic3A_491 : f32 to vector<4x1024xf32>
      %logistic3A_493 = arith.addf %logistic3A_492, %logistic3A_490 : vector<4x1024xf32>
      %logistic3A_494 = arith.divf %logistic3A_492, %logistic3A_493 : vector<4x1024xf32>
      %slice3A_495 = vector.extract_strided_slice %add3A_487 {offsets = [0, 1024], sizes = [4, 1024], strides = [1, 1]} : vector<4x4096xf32> to vector<4x1024xf32>
      %logistic3A_496 = arith.negf %slice3A_495 : vector<4x1024xf32>
      %logistic3A_497 = math.exp %logistic3A_496 : vector<4x1024xf32>
      %logistic3A_498 = arith.constant 1.000000e+00 : f32
      %logistic3A_499 = vector.broadcast %logistic3A_498 : f32 to vector<4x1024xf32>
      %logistic3A_500 = arith.addf %logistic3A_499, %logistic3A_497 : vector<4x1024xf32>
      %logistic3A_501 = arith.divf %logistic3A_499, %logistic3A_500 : vector<4x1024xf32>
      %slice3A_502 = vector.extract_strided_slice %add3A_487 {offsets = [0, 2048], sizes = [4, 1024], strides = [1, 1]} : vector<4x4096xf32> to vector<4x1024xf32>
      %tanh3A_503 = math.tanh %slice3A_502 : vector<4x1024xf32>
      %slice3A_504 = vector.extract_strided_slice %add3A_487 {offsets = [0, 3072], sizes = [4, 1024], strides = [1, 1]} : vector<4x4096xf32> to vector<4x1024xf32>
      %logistic3A_505 = arith.negf %slice3A_504 : vector<4x1024xf32>
      %logistic3A_506 = math.exp %logistic3A_505 : vector<4x1024xf32>
      %logistic3A_507 = arith.constant 1.000000e+00 : f32
      %logistic3A_508 = vector.broadcast %logistic3A_507 : f32 to vector<4x1024xf32>
      %logistic3A_509 = arith.addf %logistic3A_508, %logistic3A_506 : vector<4x1024xf32>
      %logistic3A_510 = arith.divf %logistic3A_508, %logistic3A_509 : vector<4x1024xf32>
      %mul3A_511 = arith.mulf %logistic3A_501, %add3A_449 : vector<4x1024xf32>
      %mul3A_512 = arith.mulf %logistic3A_494, %tanh3A_503 : vector<4x1024xf32>
      %add3A_513 = arith.addf %mul3A_511, %mul3A_512 : vector<4x1024xf32>
      %tanh3A_514 = math.tanh %add3A_513 : vector<4x1024xf32>
      %mul3A_515 = arith.mulf %logistic3A_510, %tanh3A_514 : vector<4x1024xf32>
      %convert_element_type3A_516 = arith.truncf %mul3A_515 : vector<4x1024xf32> to vector<4x1024xbf16>
      %swap3A_517 = arith.index_cast %add3A_462 : i32 to index
      %swap3A_518 = arith.constant 0 : index
      %swap3A_519 = arith.constant 0 : index
      %swap3A_520 = vector.load %arg4[%swap3A_517, %swap3A_518, %swap3A_519] : memref<128x4x1024xbf16, #tpu.memory_space<vmem>>, vector<1x4x1024xbf16>
      %swap3A_521 = vector.shape_cast %swap3A_520 : vector<1x4x1024xbf16> to vector<4x1024xbf16>
      %swap3A_522 = vector.shape_cast %convert_element_type3A_516 : vector<4x1024xbf16> to vector<1x4x1024xbf16>
      tpu.vector_store %arg4[%swap3A_517, %swap3A_518, %swap3A_519], %swap3A_522 {strides = array<i32>} : memref<128x4x1024xbf16, #tpu.memory_space<vmem>>, vector<1x4x1024xbf16>,
      scf.yield %mul3A_515, %add3A_513 : vector<4x1024xf32>, vector<4x1024xf32>
    }
    %scan3A_11 = arith.constant 16 : i32
    %swap3A = arith.constant 0 : index
    %swap3A_12 = arith.constant 0 : index
    %swap3A_13 = vector.load %arg5[%swap3A, %swap3A_12] : memref<4x1024xf32, #tpu.memory_space<vmem>>, vector<4x1024xf32>
    tpu.vector_store %arg5[%swap3A, %swap3A_12], %scan3A_10#0 {strides = array<i32>} : memref<4x1024xf32, #tpu.memory_space<vmem>>, vector<4x1024xf32>,
    %swap3A_14 = arith.constant 0 : index
    %swap3A_15 = arith.constant 0 : index
    %swap3A_16 = vector.load %arg6[%swap3A_14, %swap3A_15] : memref<4x1024xf32, #tpu.memory_space<vmem>>, vector<4x1024xf32>
    tpu.vector_store %arg6[%swap3A_14, %swap3A_15], %scan3A_10#1 {strides = array<i32>} : memref<4x1024xf32, #tpu.memory_space<vmem>>, vector<4x1024xf32>,
    return
  }
  func.func @transform_0(%arg0: i32) -> (i32, i32, i32) {
    %c0_i32 = arith.constant 0 : i32
    %c0_i32_0 = arith.constant 0 : i32
    %c0_i32_1 = arith.constant 0 : i32
    return %arg0, %c0_i32, %c0_i32_0 : i32, i32, i32
  }
  func.func @transform_1(%arg0: i32) -> (i32, i32, i32) {
    %c0_i32 = arith.constant 0 : i32
    %c0_i32_0 = arith.constant 0 : i32
    %c0_i32_1 = arith.constant 0 : i32
    return %arg0, %c0_i32, %c0_i32_0 : i32, i32, i32
  }
  func.func @transform_2(%arg0: i32) -> (i32, i32) {
    %c0_i32 = arith.constant 0 : i32
    %c0_i32_0 = arith.constant 0 : i32
    %c0_i32_1 = arith.constant 0 : i32
    return %c0_i32, %c0_i32_0 : i32, i32
  }
  func.func @transform_3(%arg0: i32) -> (i32, i32, i32) {
    %c0_i32 = arith.constant 0 : i32
    %c0_i32_0 = arith.constant 0 : i32
    %c0_i32_1 = arith.constant 0 : i32
    return %arg0, %c0_i32, %c0_i32_0 : i32, i32, i32
  }
}

module attributes {stable_mosaic.version = 14 : i64} {
  func.func @_dec_body(%arg0: i32, %arg1: memref<512x1024xbf16, #tpu.memory_space<vmem>>, %arg2: memref<1024x1024xbf16, #tpu.memory_space<vmem>>, %arg3: memref<1x1024xf32, #tpu.memory_space<vmem>>, %arg4: memref<512x1000xf32, #tpu.memory_space<vmem>>) attributes {dimension_semantics = [#tpu.dimension_semantics<arbitrary>], iteration_bounds = array<i64: 16>, scalar_prefetch = 0 : i64, scratch_operands = 0 : i64, tpu.core_type = #tpu.core_type<tc>, window_params = [{transform_indices = @transform_0, window_bounds = array<i64: 512, 1024>}, {pipeline_mode = #tpu.pipeline_mode<synchronous>, transform_indices = @transform_1, window_bounds = array<i64: 1024, 1024>}, {pipeline_mode = #tpu.pipeline_mode<synchronous>, transform_indices = @transform_2, window_bounds = array<i64: 1, 1024>}, {transform_indices = @transform_3, window_bounds = array<i64: 512, 1000>}]} {
    %get3A = arith.constant 0 : index
    %get3A_0 = arith.constant 0 : index
    %get3A_1 = vector.load %arg1[%get3A, %get3A_0] : memref<512x1024xbf16, #tpu.memory_space<vmem>>, vector<512x1024xbf16>
    %get3A_2 = arith.constant 0 : index
    %get3A_3 = arith.constant 0 : index
    %get3A_4 = vector.load %arg2[%get3A_2, %get3A_3] : memref<1024x1024xbf16, #tpu.memory_space<vmem>>, vector<1024x1024xbf16>
    %dot_general3A = arith.constant dense<0.000000e+00> : vector<512x1024xf32>
    %dot_general3A_5 = tpu.matmul %get3A_1, %get3A_4, %dot_general3A {dimension_numbers = #tpu.dot_dimension_numbers<[1], [0], [0], [1], [0, 0, 1, 1], [], []>, transpose_lhs_hint = false} : vector<512x1024xbf16>, vector<1024x1024xbf16>, vector<512x1024xf32> -> vector<512x1024xf32>
    %get3A_6 = arith.constant 0 : index
    %get3A_7 = arith.constant 0 : index
    %get3A_8 = vector.load %arg3[%get3A_6, %get3A_7] : memref<1x1024xf32, #tpu.memory_space<vmem>>, vector<1x1024xf32>
    %add3A = vector.broadcast %get3A_8 : vector<1x1024xf32> to vector<512x1024xf32>
    %add3A_9 = arith.addf %dot_general3A_5, %add3A : vector<512x1024xf32>
    %reduce_max3A = arith.constant dense<0xFF800000> : vector<512xf32>
    %reduce_max3A_10 = vector.multi_reduction <maximumf>, %add3A_9, %reduce_max3A [1] : vector<512x1024xf32> to vector<512xf32>
    %broadcast_in_dim3A = vector.shape_cast %reduce_max3A_10 : vector<512xf32> to vector<512x1xf32>
    %sub3A = vector.broadcast %broadcast_in_dim3A : vector<512x1xf32> to vector<512x1024xf32>
    %sub3A_11 = arith.subf %add3A_9, %sub3A : vector<512x1024xf32>
    %exp3A = math.exp %sub3A_11 : vector<512x1024xf32>
    %reduce_sum3A = arith.constant dense<0.000000e+00> : vector<512xf32>
    %reduce_sum3A_12 = vector.multi_reduction <add>, %exp3A, %reduce_sum3A [1] : vector<512x1024xf32> to vector<512xf32>
    %broadcast_in_dim3A_13 = vector.shape_cast %reduce_sum3A_12 : vector<512xf32> to vector<512x1xf32>
    %log3A = math.log %broadcast_in_dim3A_13 : vector<512x1xf32>
    %sub3A_14 = vector.broadcast %log3A : vector<512x1xf32> to vector<512x1024xf32>
    %sub3A_15 = arith.subf %sub3A_11, %sub3A_14 : vector<512x1024xf32>
    %slice3A = vector.extract_strided_slice %sub3A_15 {offsets = [0, 0], sizes = [512, 1000], strides = [1, 1]} : vector<512x1024xf32> to vector<512x1000xf32>
    %swap3A = arith.constant 0 : index
    %swap3A_16 = arith.constant 0 : index
    %swap3A_17 = vector.load %arg4[%swap3A, %swap3A_16] : memref<512x1000xf32, #tpu.memory_space<vmem>>, vector<512x1000xf32>
    tpu.vector_store %arg4[%swap3A, %swap3A_16], %slice3A {strides = array<i32>} : memref<512x1000xf32, #tpu.memory_space<vmem>>, vector<512x1000xf32>,
    return
  }
  func.func @transform_0(%arg0: i32) -> (i32, i32) {
    %c0_i32 = arith.constant 0 : i32
    %c0_i32_0 = arith.constant 0 : i32
    return %arg0, %c0_i32 : i32, i32
  }
  func.func @transform_1(%arg0: i32) -> (i32, i32) {
    %c0_i32 = arith.constant 0 : i32
    %c0_i32_0 = arith.constant 0 : i32
    %c0_i32_1 = arith.constant 0 : i32
    return %c0_i32, %c0_i32_0 : i32, i32
  }
  func.func @transform_2(%arg0: i32) -> (i32, i32) {
    %c0_i32 = arith.constant 0 : i32
    %c0_i32_0 = arith.constant 0 : i32
    %c0_i32_1 = arith.constant 0 : i32
    return %c0_i32, %c0_i32_0 : i32, i32
  }
  func.func @transform_3(%arg0: i32) -> (i32, i32) {
    %c0_i32 = arith.constant 0 : i32
    %c0_i32_0 = arith.constant 0 : i32
    return %arg0, %c0_i32 : i32, i32
  }
}

</mosaic_0001>

<sc_bundles>
// kernel: kernel.6.cloned.1.call-start
scs
__scs_entry_jumppad:
0x0: {  	(pc) =	sbr.rel $0x88, $3  }
0x1: {  	(tag) =	ssettag $0x0;
	lr =	simm.s32 $0x1  }
0x2: {  	[smem:$0x3F99] =	sst lr;
	_ =	strace $0xD0000000  }
0x3: {  	_ = 	snop  }
0x4: {  	_ = 	snop  }
0x5: {  	_ = 	snop  }
0x6: {  	_ = 	snop  }
0x7: {  	_ = 	snop  }
__scs_overlays_trampoline_lowered:
0x8: {  	[smem:$0x3FA8] =	sst s0  }
0x9: {  	[smem:$0x3FA9] =	sst s1  }
0xa: {  	[smem:$0x3FAA] =	sst s2  }
0xb: {  	[smem:$0x3FAB] =	sst s3  }
0xc: {  	[smem:$0x3FAC] =	sst s4  }
0xd: {  	[smem:$0x3FAD] =	sst s5  }
0xe: {  	[smem:$0x3FAE] =	sst s6  }
0xf: {  	[smem:$0x3FAF] =	sst s7  }
0x10: {  	[smem:$0x3FB0] =	sst s8  }
0x11: {  	[smem:$0x3FB1] =	sst s9;
	s0 =	simm.s32 @!p0 $0x0  }
0x12: {  	s1 =	sld [smem:$0x3F97];
	s0 =	simm.s32 @p0 $0x1  }
0x13: {  	[smem:$0x3FB2] =	sst s0;
	s0 =	simm.s32 @!p1 $0x0  }
0x14: {  	s2 =	sld [smem:$0x3F96];
	s0 =	simm.s32 @p1 $0x1  }
0x15: {  	[smem:$0x3FB3] =	sst s0;
	s0 =	simm.s32 @!p2 $0x0  }
0x16: {  	s3 =	sld [smem:$0x3FDB];
	s0 =	simm.s32 @p2 $0x1  }
0x17: {  	s4 =	simm.s32 $0x1BF5;
	[smem:$0x3FB5] =	sst s0  }
0x18: {  	s0 =	sld [smem:$0x3F98];
	_ =	swait.ge [sflag:s4], $0x0  }
0x19: {  	s7 =	sld [smem:$0x3F99]  }
0x1a: {  	s8 =	sadd.s32 $0xFFFFE003, lr  }
0x1b: {  	s9 =	sadd.s32 $0xFFFFFEF7, lr;
	s5 =	simm.s32 $0xFFFFFFFF;
	p2 =	slt.u32 s8, $0xFFFFF086  }
0x1c: {  	p1 =	slt.u32 s9, $0xF7A;
	s5 =	simm.s32 @!p2 $0x0  }
0x1d: {  	s5 =	simm.s32 @p1 $0x1;
	p0 =	seq.s32 s7, s2  }
0x1e: {  	s7 =	smul.u32 @!p0 $0xF7A, s2;
	p2 =	seq.s32 @!p0 s5, $0x0  }
0x1f: {  	s9 =	smul.u32 $0xF7A, s1;
	s8 =	simm.s32 @!p0 $0x1BF5;
	p2 =	por !p2, p0  }
0x20: {  	[sflag:s8] =	ssyncset.s32 @!p0 $0xFFFFF086;
	s6 =	sadd.s32 @!p0 s3, s7;
	s7 =	simm.s32 @!p0 $0x108  }
0x21: {  	s3 =	sadd.s32 s3, s9;
	s6 =	sadd.s32 @!p0 $0x88, s6;
	s7 =	simm.s32 @p2 $0x1082  }
0x22: {  	[simem:s7], [sflag:s8] =	dma.local @!p0 [hbm:s6], $0xF7A  }
0x23: {  	s9 =	sor.u32 $0xD0000000, s2;
	s6 =	simm.s32 $0x108;
	_ =	swait.ge @!p0 [sflag:s8], $0x0  }
0x24: {  	s3 =	sadd.s32 $0x88, s3;
	s6 =	simm.s32 @!p1 $0x1082;
	[sflag:s4] =	ssyncset.s32 $0xFFFFF086  }
0x25: {  	[simem:s6], [sflag:s4] =	dma.local [hbm:s3], $0xF7A  }
0x26: {  	[smem:$0x3F99] =	sst s1;
	(tag) =	ssettag s2;
	_ =	strace s9  }
0x27: {  	s1 =	sld [smem:$0x3FA9]  }
0x28: {  	s2 =	sld [smem:$0x3FAA]  }
0x29: {  	s4 =	sld [smem:$0x3FAC]  }
0x2a: {  	p0 =	seq.s32 s5, $0x0;
	s5 =	sld [smem:$0x3FAD]  }
0x2b: {  	s6 =	sld [smem:$0x3FAE]  }
0x2c: {  	s7 =	sld [smem:$0x3FAF]  }
0x2d: {  	s3 =	simm.s32 $0x108;
	s8 =	sld [smem:$0x3FB0]  }
0x2e: {  	s3 =	simm.s32 @!p0 $0x1082;
	s9 =	sld [smem:$0x3FB1]  }
0x2f: {  	lr =	sadd.s32 s0, s3;
	s0 =	sld [smem:$0x3FA8]  }
0x30: {  	s3 =	sld [smem:$0x3FAB]  }
0x31: {  	[smem:$0x3FB4] =	sst s10  }
0x32: {  	s10 =	sld [smem:$0x3FB2];
	_ =	sdelay $0x3  }
0x33: {  	p0 =	seq.s32 s10, $0x1;
	s10 =	sld [smem:$0x3FB4];
	_ =	sdelay $0x3  }
0x34: {  	[smem:$0x3FB4] =	sst s10  }
0x35: {  	s10 =	sld [smem:$0x3FB3];
	_ =	sdelay $0x3  }
0x36: {  	p1 =	seq.s32 s10, $0x1;
	s10 =	sld [smem:$0x3FB4];
	_ =	sdelay $0x3  }
0x37: {  	[smem:$0x3FB4] =	sst s10  }
0x38: {  	s10 =	sld [smem:$0x3FB5]  }
0x39: {  	_ = 	snop;
	(pc) =	sbr.ind lr, $3  }
0x3a: {  	_ = 	snop  }
0x3b: {  	_ = 	snop  }
0x3c: {  	p2 =	seq.s32 s10, $0x1;
	s10 =	sld [smem:$0x3FB4]  }
0x3d: {  	_ =	shalt  }
0x3e: {  	_ =	shalt  }
0x3f: {  	_ =	shalt  }
0x40: {  	_ =	shalt  }
0x41: {  	_ =	shalt  }
0x42: {  	_ =	shalt  }
0x43: {  	_ =	shalt  }
0x44: {  	_ =	shalt  }
0x45: {  	_ =	shalt  }
0x46: {  	_ =	shalt  }
0x47: {  	_ =	shalt  }
0x48: {  	_ =	shalt  }
0x49: {  	_ =	shalt  }
0x4a: {  	_ =	shalt  }
0x4b: {  	_ =	shalt  }
0x4c: {  	_ =	shalt  }
0x4d: {  	_ =	shalt  }
0x4e: {  	_ =	shalt  }
0x4f: {  	_ =	shalt  }
0x50: {  	_ =	shalt  }
0x51: {  	_ =	shalt  }
0x52: {  	_ =	shalt  }
0x53: {  	_ =	shalt  }
0x54: {  	_ =	shalt  }
0x55: {  	_ =	shalt  }
0x56: {  	_ =	shalt  }
0x57: {  	_ =	shalt  }
0x58: {  	_ =	shalt  }
0x59: {  	_ =	shalt  }
0x5a: {  	_ =	shalt  }
0x5b: {  	_ =	shalt  }
0x5c: {  	_ =	shalt  }
0x5d: {  	_ =	shalt  }
0x5e: {  	_ =	shalt  }
0x5f: {  	_ =	shalt  }
0x60: {  	_ =	shalt  }
0x61: {  	_ =	shalt  }
0x62: {  	_ =	shalt  }
0x63: {  	_ =	shalt  }
0x64: {  	_ =	shalt  }
0x65: {  	_ =	shalt  }
0x66: {  	_ =	shalt  }
0x67: {  	_ =	shalt  }
0x68: {  	_ =	shalt  }
0x69: {  	_ =	shalt  }
0x6a: {  	_ =	shalt  }
0x6b: {  	_ =	shalt  }
0x6c: {  	_ =	shalt  }
0x6d: {  	_ =	shalt  }
0x6e: {  	_ =	shalt  }
0x6f: {  	_ =	shalt  }
0x70: {  	_ =	shalt  }
0x71: {  	_ =	shalt  }
0x72: {  	_ =	shalt  }
0x73: {  	_ =	shalt  }
0x74: {  	_ =	shalt  }
0x75: {  	_ =	shalt  }
0x76: {  	_ =	shalt  }
0x77: {  	_ =	shalt  }
0x78: {  	_ =	shalt  }
0x79: {  	_ =	shalt  }
0x7a: {  	_ =	shalt  }
0x7b: {  	_ =	shalt  }
0x7c: {  	_ =	shalt  }
0x7d: {  	_ =	shalt  }
0x7e: {  	_ =	shalt  }
0x7f: {  	_ =	shalt  }
0x80: {  	_ =	shalt  }
0x81: {  	_ =	shalt  }
0x82: {  	_ =	shalt  }
0x83: {  	_ =	shalt  }
0x84: {  	_ =	shalt  }
0x85: {  	_ =	shalt  }
0x86: {  	_ =	shalt  }
0x87: {  	_ =	shalt  }
.Lfunc_end0:
.L_simem_size_0:
called_computation_lowered:
.L_overlay_start_0:
0x88: {  	s2 =	sld [smem:$0x3FD9]  }
0x89: {  	s3 =	sld [smem:$0x3FFE];
	_ =	sdelay $0x1  }
0x8a: {  	s1 =	srdreg.scid  }
0x8b: {  	s0 =	sand.u32 $0x1, s1  }
0x8c: {  	s17 =	sshll.u32 s0, $0xA;
	s2 =	sadd.s32 s3, s2  }
0x8d: {  	s2 =	sadd.s32 s2, s17  }
0x8e: {  	[smem:$0x3FC0] =	sst s2  }
0x8f: {  	_ = 	snop  }
0x90: {  	s2 =	sld [smem:$0x3FD0];
	(tm) =	ssettm $0x1  }
0x91: {  	s18 =	sld [smem:$0x3FFB];
	_ =	sdelay $0x3  }
0x92: {  	_ =	strace s18  }
0x93: {  	s3 =	sld [smem:$0x3FFC];
	_ =	sdelay $0x3  }
0x94: {  	_ =	strace s3  }
0x95: {  	s3 =	sld [smem:$0x3FFD];
	_ =	sdelay $0x3  }
0x96: {  	_ =	strace s3  }
0x97: {  	_ =	strace $0x8FFFFFFF  }
0x98: {  	s19 =	sld [smem:$0x3FDB];
	_ =	sdelay $0x1  }
0x99: {  	s4 =	simm.s32 $_scs_section_size  }
0x9a: {  	s5 =	simm.s32 $_size__tile_overlayer_lowered;
	s6 =	simm.s32 $_tile_overlayer_lowered  }
0x9b: {  	s22 =	simm.s32 $0x1BFF;
	s21 =	sshll.u32 s6, $0x1;
	s3 =	sadd.s32 s4, s19  }
0x9c: {  	s7 =	simm.s32 $0x0;
	s20 =	sshll.u32 s5, $0x1;
	s5 =	sadd.s32 s21, s3  }
0x9d: {  	[timem:s7], [sflag:s22] =	dma.local [hbm:s5], s20  }
0x9e: {  	_ =	swait.ge [sflag:s22], s20  }
0x9f: {  	s4 =	ssub.s32 $0x0, s20;
	[sflag:s22] =	ssyncset.done $0x0  }
0xa0: {  	[sflag:s22] =	ssyncadd.s32 s4;
	_ =	sdelay $0x1  }
0xa1: {  	s23 =	simm.s32 $0x1B8B  }
0xa2: {  	_ =	swait.ge [sflag:s23], $0x1  }
0xa3: {  	[sflag:s23] =	ssyncset.done $0x0  }
0xa4: {  	s25 =	simm.s32 $0x1B8E;
	s24 =	sld [smem:$0x3FFE];
	[sflag:s23] =	ssyncadd.s32 $0xFFFFFFFF  }
0xa5: {  	s26 =	simm.s32 $execute0_lowered;
	[smem:$0x3FD2] =	sst s25  }
0xa6: {  	s5 =	sshll.u32 s26, $0x1;
	_ =	strace $0x80000046;
	[dreg:$0x1] =	wrdreg $0xFFFFFFFF  }
0xa7: {  	s28 =	simm.s32 $_size_execute0_lowered;
	s3 =	sadd.s32 s3, s5;
	[dreg:$0x0] =	wrdreg $0x0  }
0xa8: {  	s5 =	sshll.u32 s28, $0x1;
	[dreg:$0x2] =	wrdreg s3  }
0xa9: {  	[dreg:$0x3] =	wrdreg s5  }
0xaa: {  	[dreg:$0x4] =	wrdreg $0xC0  }
0xab: {  	_ =	task [dreg:s7], $0x5FFFF  }
0xac: {  	[dreg:$0x1] =	wrdreg $0xFFFFFFFF  }
0xad: {  	[dreg:$0x0] =	wrdreg $0x60  }
0xae: {  	[dreg:$0x2] =	wrdreg s2  }
0xaf: {  	[dreg:$0x3] =	wrdreg s24  }
0xb0: {  	[dreg:$0x4] =	wrdreg $0x9  }
0xb1: {  	_ =	task.clear_ibuf [dreg:s7], $0x5FFFF;
	_ =	strace $0x90000046  }
0xb2: {  	s29 =	simm.s32 $0x9;
	_ =	strace $0x80000048  }
0xb3: {  	_ =	swait.ge [sflag:s29], $0x1  }
0xb4: {  	[sflag:s29] =	ssyncadd.s32 $0xFFFFFFFF  }
0xb5: {  	_ =	strace $0x90000048  }
0xb6: {  	_ =	sfence  }
0xb7: {  	s30 =	sld [smem:$0x0];
	_ =	sdelay $0x2  }
0xb8: {  	s31 =	sshll.u32 s1, $0xD;
	s1 =	sshrl.u32 s1, $0x2  }
0xb9: {  	s3 =	sand.u32 $0x4000, s31;
	s1 =	sadd.s32 s1, s30  }
0xba: {  	s0 =	sor.u32 s3, s0;
	s1 =	sshll.u32 s1, $0x11  }
0xbb: {  	s0 =	sor.u32 s1, s0  }
0xbc: {  	s0 =	sadd.s32 $0x8F2B, s0  }
0xbd: {  	[sflag:s0] =	ssyncadd.remote.s32 $0x1  }
0xbe: {  	_ =	sfence.sel $0xFFFF  }
0xbf: {  	[dreg:$0x0] =	wrdreg $0xFFFFFFFF;
	(pc) =	sbr.abs _section_cstart, $3  }
0xc0: {  	[dreg:$0x1] =	wrdreg $0xFFFFFFFF  }
0xc1: {  	_ =	task.clear_ibuf [dreg:s7], $0x2FFFF;
	_ =	strace $0x9FFFFFFF  }
0xc2: {  	(tm) =	ssettm $0x7FFFFFFF  }
0xc3: {  	_ =	shalt  }
tec
execute0_lowered:
.L_overlay_start_1:
0x0: {  	(tag) =	ssettag $0x1  }
0x1: {  	s0 =	srdreg.scid  }
0x2: {  	s3 =	stileid.u32;
	s1 =	sand.u32 $0x1, s0  }
0x3: {  	s7 =	sshll.u32 s3, $0x9;
	s8 =	sshll.u32 s1, $0x8  }
0x4: {  	s2 =	rddreg [dreg:$0x0];
	s0 =	sor.u32 s8, s7  }
0x5: {  	s4 =	rddreg [dreg:$0x1];
	s5 =	sshrl.u32 s0, $0x3  }
0x6: {  	s3 =	simm.s32 $0x0;
	s0 =	sshll.u32 s0, $0x9;
	s5 =	sadd.s32 s5, s4  }
0x7: {  	[smem:$0x7FF] =	sst s3;
	s0 =	sadd.s32 s0, s4;
	s9 =	sadd.s32 $0x1A00, s5  }
0x8: {  	_ =	strace $0x80000047;
	s10 =	sadd.s32 $0x1E00, s0;
	[dreg:$0x3] =	wrdreg s9  }
0x9: {  	s11 =	sadd.s32 $0x2E00, s0;
	[dreg:$0x4] =	wrdreg s10  }
0xa: {  	s12 =	sadd.s32 $0x3E00, s0;
	[dreg:$0x5] =	wrdreg s11  }
0xb: {  	s13 =	sadd.s32 $0x4E00, s0;
	[dreg:$0x6] =	wrdreg s12  }
0xc: {  	s14 =	sadd.s32 $0x5E00, s0;
	[dreg:$0x7] =	wrdreg s13  }
0xd: {  	s15 =	sadd.s32 $0x6E00, s0;
	[dreg:$0x8] =	wrdreg s14  }
0xe: {  	s16 =	sadd.s32 $0x7E00, s0;
	[dreg:$0x9] =	wrdreg s15  }
0xf: {  	s17 =	sadd.s32 $0x8E00, s0;
	[dreg:$0xa] =	wrdreg s16  }
0x10: {  	s18 =	sadd.s32 $0x9E00, s0;
	[dreg:$0xb] =	wrdreg s17  }
0x11: {  	s19 =	sadd.s32 $0xAE00, s0;
	[dreg:$0xc] =	wrdreg s18  }
0x12: {  	s20 =	sadd.s32 $0xBE00, s0;
	[dreg:$0xd] =	wrdreg s19  }
0x13: {  	s21 =	sadd.s32 $0xCE00, s0;
	[dreg:$0xe] =	wrdreg s20  }
0x14: {  	s22 =	sadd.s32 $0xDE00, s0;
	[dreg:$0xf] =	wrdreg s21  }
0x15: {  	s23 =	sadd.s32 $0xEE00, s0;
	[dreg:$0x10] =	wrdreg s22  }
0x16: {  	s24 =	sadd.s32 $0xFE00, s0;
	[dreg:$0x11] =	wrdreg s23  }
0x17: {  	s25 =	sadd.s32 $0x10E00, s0;
	[dreg:$0x12] =	wrdreg s24  }
0x18: {  	s31 =	simm.s32 $0x1;
	s26 =	sadd.s32 $0x11E00, s0;
	[dreg:$0x13] =	wrdreg s25  }
0x19: {  	s1 =	ssub.s32 $0x2, s1;
	s29 =	sadd.s32 $0x12E00, s0;
	[dreg:$0x14] =	wrdreg s26  }
0x1a: {  	s28 =	sshrl.u32 s1, $0x1;
	s30 =	sadd.s32 $0x13E00, s0;
	[dreg:$0x15] =	wrdreg s29  }
0x1b: {  	s1 =	ssub.s32 s1, s28;
	s6 =	sadd.s32 $0x14E00, s0;
	[dreg:$0x16] =	wrdreg s30  }
0x1c: {  	s4 =	sadd.s32 $0x100, s2;
	s7 =	sadd.s32 $0x15E00, s0;
	[dreg:$0x17] =	wrdreg s6  }
0x1d: {  	s5 =	sadd.s32 $0x200, s2;
	s8 =	sadd.s32 $0x16E00, s0;
	[dreg:$0x18] =	wrdreg s7  }
0x1e: {  	s6 =	sadd.s32 $0x300, s2;
	s7 =	sadd.s32 $0x400, s2;
	[dreg:$0x19] =	wrdreg s8  }
0x1f: {  	s9 =	sadd.s32 $0x17E00, s0;
	s8 =	sadd.s32 $0x500, s2;
	s10 =	sadd.s32 $0x18E00, s0  }
0x20: {  	s11 =	sadd.s32 $0x19E00, s0;
	s12 =	sadd.s32 $0x1AE00, s0;
	s13 =	sadd.s32 $0x1BE00, s0  }
0x21: {  	s14 =	sadd.s32 $0x1CE00, s0;
	s15 =	sadd.s32 $0x1DE00, s0;
	[dreg:$0x1a] =	wrdreg s9  }
0x22: {  	s16 =	sadd.s32 $0x1EE00, s0;
	s17 =	sadd.s32 $0x1FE00, s0;
	[dreg:$0x1b] =	wrdreg s10  }
0x23: {  	s0 =	sadd.s32 $0x20E00, s0;
	s18 =	sadd.s32 $0xF00, s2;
	[dreg:$0x1c] =	wrdreg s11  }
0x24: {  	s20 =	simm.s32 $0x3;
	s21 =	simm.s32 $0x100;
	[dreg:$0x1d] =	wrdreg s12  }
0x25: {  	s25 =	simm.s32 $0x8100;
	s9 =	sadd.s32 $0x600, s2;
	[dreg:$0x1e] =	wrdreg s13  }
0x26: {  	s10 =	sadd.s32 $0x700, s2;
	s11 =	sadd.s32 $0x800, s2;
	[dreg:$0x1f] =	wrdreg s14  }
0x27: {  	s12 =	sadd.s32 $0x900, s2;
	s13 =	sadd.s32 $0xA00, s2;
	[smem:$0x7FA] =	sst s15  }
0x28: {  	v0 =	vlaneseq.u32;
	s14 =	sadd.s32 $0xB00, s2;
	s15 =	sadd.s32 $0xC00, s2;
	[smem:$0x7FB] =	sst s16  }
0x29: {  	v1 =	vshrl.u32 v0, $0x3;
	s16 =	sadd.s32 $0xD00, s2;
	[smem:$0x7FC] =	sst s17;
	s17 =	sadd.s32 $0xE00, s2  }
0x2a: {  	vm0 =	vmmov $0xffff;
	v0 =	vand.u32 $0x7, v0;
	v1 =	vmul.u32 $0x8, v1;
	[smem:$0x7FD] =	sst s0;
	s0 =	smax.u32 s1, $0x1;
	s1 =	simm.s32 $0x2  }
.LBB2_1:
0x2b: {  	[smem:$0x7F9] =	sst s0  }
0x2c: {  	s30 =	rddreg [dreg:$0x3]  }
0x2d: {  	[tilespmem:s3], [sflag:$0x3] =	stream.linear.gather [hbm4b:s30+s3], $0x100, $0x38;
	[tilespmem:$0x10100] =	vst v63  }
0x2e: {  	_ =	swait.ge [sflag:s20], $0x100  }
0x2f: {  	[sflag:s20] =	ssyncset.done $0x0  }
0x30: {  	[sflag:s20] =	ssyncadd.s32 $0xFFFFFF00  }
0x31: {  	v2 =	vld.msk [tilespmem:$0x0], $0xff;
	_ =	sdelay $0x4  }
0x32: {  	v3 =	vshll.u32 v2, $0x5  }
0x33: {  	v2 =	vand.u32 $0x7, v2;
	v3 =	vand.u32 $0xFFFFFF00, v3  }
0x34: {  	v2 =	vor.u32 v2, v3  }
0x35: {  	v2 =	vperm.xlane v2, v0;
	_ =	sdelay $0x1  }
0x36: {  	v2 =	vadd.s32 v1, v2;
	_ =	sdelay $0x4  }
0x37: {  	[tilespmem:s21], [sflag:$0x1] =	stream.indirect_vreg.gather [hbm4b:s2+s3], $0x80, v2, vm0, $0xb8;
	[tilespmem:$0x10100] =	vst v63  }
0x38: {  	s19 =	simm.s32 $0x900  }
0x39: {  	[tilespmem:s19], [sflag:$0x1] =	stream.indirect_vreg.gather [hbm4b:s4+s3], $0x80, v2, vm0, $0xb8;
	[tilespmem:$0x10100] =	vst v63  }
0x3a: {  	s22 =	simm.s32 $0x1100  }
0x3b: {  	[tilespmem:s22], [sflag:$0x1] =	stream.indirect_vreg.gather [hbm4b:s5+s3], $0x80, v2, vm0, $0xb8;
	[tilespmem:$0x10100] =	vst v63  }
0x3c: {  	s23 =	simm.s32 $0x1900  }
0x3d: {  	[tilespmem:s23], [sflag:$0x1] =	stream.indirect_vreg.gather [hbm4b:s6+s3], $0x80, v2, vm0, $0xb8;
	[tilespmem:$0x10100] =	vst v63  }
0x3e: {  	s24 =	simm.s32 $0x2100  }
0x3f: {  	[tilespmem:s24], [sflag:$0x1] =	stream.indirect_vreg.gather [hbm4b:s7+s3], $0x80, v2, vm0, $0xb8;
	[tilespmem:$0x10100] =	vst v63  }
0x40: {  	s26 =	simm.s32 $0x2900  }
0x41: {  	[tilespmem:s26], [sflag:$0x1] =	stream.indirect_vreg.gather [hbm4b:s8+s3], $0x80, v2, vm0, $0xb8;
	[tilespmem:$0x10100] =	vst v63  }
0x42: {  	s28 =	simm.s32 $0x3100  }
0x43: {  	[tilespmem:s28], [sflag:$0x1] =	stream.indirect_vreg.gather [hbm4b:s9+s3], $0x80, v2, vm0, $0xb8;
	[tilespmem:$0x10100] =	vst v63  }
0x44: {  	s29 =	simm.s32 $0x3900  }
0x45: {  	[tilespmem:s29], [sflag:$0x1] =	stream.indirect_vreg.gather [hbm4b:s10+s3], $0x80, v2, vm0, $0xb8;
	[tilespmem:$0x10100] =	vst v63  }
0x46: {  	s30 =	simm.s32 $0x4100  }
0x47: {  	[tilespmem:s30], [sflag:$0x1] =	stream.indirect_vreg.gather [hbm4b:s11+s3], $0x80, v2, vm0, $0xb8;
	[tilespmem:$0x10100] =	vst v63  }
0x48: {  	s19 =	simm.s32 $0x4900  }
0x49: {  	[tilespmem:s19], [sflag:$0x1] =	stream.indirect_vreg.gather [hbm4b:s12+s3], $0x80, v2, vm0, $0xb8;
	[tilespmem:$0x10100] =	vst v63  }
0x4a: {  	s19 =	simm.s32 $0x5100  }
0x4b: {  	[tilespmem:s19], [sflag:$0x1] =	stream.indirect_vreg.gather [hbm4b:s13+s3], $0x80, v2, vm0, $0xb8;
	[tilespmem:$0x10100] =	vst v63  }
0x4c: {  	s19 =	simm.s32 $0x5900  }
0x4d: {  	[tilespmem:s19], [sflag:$0x1] =	stream.indirect_vreg.gather [hbm4b:s14+s3], $0x80, v2, vm0, $0xb8;
	[tilespmem:$0x10100] =	vst v63  }
0x4e: {  	s19 =	simm.s32 $0x6100  }
0x4f: {  	[tilespmem:s19], [sflag:$0x1] =	stream.indirect_vreg.gather [hbm4b:s15+s3], $0x80, v2, vm0, $0xb8;
	[tilespmem:$0x10100] =	vst v63  }
0x50: {  	s19 =	simm.s32 $0x6900  }
0x51: {  	[tilespmem:s19], [sflag:$0x1] =	stream.indirect_vreg.gather [hbm4b:s16+s3], $0x80, v2, vm0, $0xb8;
	[tilespmem:$0x10100] =	vst v63  }
0x52: {  	s19 =	simm.s32 $0x7100  }
0x53: {  	[tilespmem:s19], [sflag:$0x1] =	stream.indirect_vreg.gather [hbm4b:s17+s3], $0x80, v2, vm0, $0xb8;
	[tilespmem:$0x10100] =	vst v63  }
0x54: {  	s19 =	simm.s32 $0x7900  }
0x55: {  	[tilespmem:s19], [sflag:$0x1] =	stream.indirect_vreg.gather [hbm4b:s18+s3], $0x80, v2, vm0, $0xb8;
	[tilespmem:$0x10100] =	vst v63  }
0x56: {  	v2 =	vld.msk [tilespmem:$0x8], $0xff;
	_ =	sdelay $0x4  }
0x57: {  	v3 =	vshll.u32 v2, $0x5  }
0x58: {  	v2 =	vand.u32 $0x7, v2;
	v3 =	vand.u32 $0xFFFFFF00, v3  }
0x59: {  	v2 =	vor.u32 v2, v3  }
0x5a: {  	v2 =	vperm.xlane v2, v0;
	_ =	sdelay $0x1  }
0x5b: {  	v2 =	vadd.s32 v1, v2;
	_ =	sdelay $0x4  }
0x5c: {  	[tilespmem:s25], [sflag:$0x2] =	stream.indirect_vreg.gather [hbm4b:s2+s3], $0x80, v2, vm0, $0xb8;
	[tilespmem:$0x10100] =	vst v63  }
0x5d: {  	s0 =	simm.s32 $0x8900  }
0x5e: {  	[tilespmem:s0], [sflag:$0x2] =	stream.indirect_vreg.gather [hbm4b:s4+s3], $0x80, v2, vm0, $0xb8;
	[tilespmem:$0x10100] =	vst v63  }
0x5f: {  	s0 =	simm.s32 $0x9100  }
0x60: {  	[tilespmem:s0], [sflag:$0x2] =	stream.indirect_vreg.gather [hbm4b:s5+s3], $0x80, v2, vm0, $0xb8;
	[tilespmem:$0x10100] =	vst v63  }
0x61: {  	s0 =	simm.s32 $0x9900  }
0x62: {  	[tilespmem:s0], [sflag:$0x2] =	stream.indirect_vreg.gather [hbm4b:s6+s3], $0x80, v2, vm0, $0xb8;
	[tilespmem:$0x10100] =	vst v63  }
0x63: {  	s0 =	simm.s32 $0xA100  }
0x64: {  	[tilespmem:s0], [sflag:$0x2] =	stream.indirect_vreg.gather [hbm4b:s7+s3], $0x80, v2, vm0, $0xb8;
	[tilespmem:$0x10100] =	vst v63  }
0x65: {  	s0 =	simm.s32 $0xA900  }
0x66: {  	[tilespmem:s0], [sflag:$0x2] =	stream.indirect_vreg.gather [hbm4b:s8+s3], $0x80, v2, vm0, $0xb8;
	[tilespmem:$0x10100] =	vst v63  }
0x67: {  	s0 =	simm.s32 $0xB100  }
0x68: {  	[tilespmem:s0], [sflag:$0x2] =	stream.indirect_vreg.gather [hbm4b:s9+s3], $0x80, v2, vm0, $0xb8;
	[tilespmem:$0x10100] =	vst v63  }
0x69: {  	s0 =	simm.s32 $0xB900  }
0x6a: {  	[tilespmem:s0], [sflag:$0x2] =	stream.indirect_vreg.gather [hbm4b:s10+s3], $0x80, v2, vm0, $0xb8;
	[tilespmem:$0x10100] =	vst v63  }
0x6b: {  	s0 =	simm.s32 $0xC100  }
0x6c: {  	[tilespmem:s0], [sflag:$0x2] =	stream.indirect_vreg.gather [hbm4b:s11+s3], $0x80, v2, vm0, $0xb8;
	[tilespmem:$0x10100] =	vst v63  }
0x6d: {  	s0 =	simm.s32 $0xC900  }
0x6e: {  	[tilespmem:s0], [sflag:$0x2] =	stream.indirect_vreg.gather [hbm4b:s12+s3], $0x80, v2, vm0, $0xb8;
	[tilespmem:$0x10100] =	vst v63  }
0x6f: {  	s0 =	simm.s32 $0xD100  }
0x70: {  	[tilespmem:s0], [sflag:$0x2] =	stream.indirect_vreg.gather [hbm4b:s13+s3], $0x80, v2, vm0, $0xb8;
	[tilespmem:$0x10100] =	vst v63  }
0x71: {  	s0 =	simm.s32 $0xD900  }
0x72: {  	[tilespmem:s0], [sflag:$0x2] =	stream.indirect_vreg.gather [hbm4b:s14+s3], $0x80, v2, vm0, $0xb8;
	[tilespmem:$0x10100] =	vst v63  }
0x73: {  	s0 =	simm.s32 $0xE100  }
0x74: {  	[tilespmem:s0], [sflag:$0x2] =	stream.indirect_vreg.gather [hbm4b:s15+s3], $0x80, v2, vm0, $0xb8;
	[tilespmem:$0x10100] =	vst v63  }
0x75: {  	s0 =	simm.s32 $0xE900  }
0x76: {  	[tilespmem:s0], [sflag:$0x2] =	stream.indirect_vreg.gather [hbm4b:s16+s3], $0x80, v2, vm0, $0xb8;
	[tilespmem:$0x10100] =	vst v63  }
0x77: {  	s0 =	simm.s32 $0xF100  }
0x78: {  	[tilespmem:s0], [sflag:$0x2] =	stream.indirect_vreg.gather [hbm4b:s17+s3], $0x80, v2, vm0, $0xb8;
	[tilespmem:$0x10100] =	vst v63  }
0x79: {  	s0 =	simm.s32 $0xF900  }
0x7a: {  	[tilespmem:s0], [sflag:$0x2] =	stream.indirect_vreg.gather [hbm4b:s18+s3], $0x80, v2, vm0, $0xb8;
	[tilespmem:$0x10100] =	vst v63  }
0x7b: {  	_ =	swait.ge [sflag:s31], $0x8000  }
0x7c: {  	[sflag:s31] =	ssyncset.done $0x0  }
0x7d: {  	s0 =	rddreg [dreg:$0x4];
	[sflag:s31] =	ssyncadd.s32 $0xFFFF8000  }
0x7e: {  	[hbm4b:s0+s3] =	stream.linear.scatter [tilespmem:s21], [sflag:$0x3], $0x8000, $0x38;
	[tilespmem:$0x10100] =	vst v63  }
0x7f: {  	_ =	swait.ge [sflag:s20], $0x8000  }
0x80: {  	[sflag:s20] =	ssyncset.done $0x0  }
0x81: {  	[sflag:s20] =	ssyncadd.s32 $0xFFFF8000  }
0x82: {  	v2 =	vld.msk [tilespmem:$0x10], $0xff;
	_ =	sdelay $0x4  }
0x83: {  	v3 =	vshll.u32 v2, $0x5  }
0x84: {  	v2 =	vand.u32 $0x7, v2;
	v3 =	vand.u32 $0xFFFFFF00, v3  }
0x85: {  	v2 =	vor.u32 v2, v3  }
0x86: {  	v2 =	vperm.xlane v2, v0;
	_ =	sdelay $0x1  }
0x87: {  	v2 =	vadd.s32 v1, v2;
	_ =	sdelay $0x4  }
0x88: {  	[tilespmem:s21], [sflag:$0x1] =	stream.indirect_vreg.gather [hbm4b:s2+s3], $0x80, v2, vm0, $0xb8;
	[tilespmem:$0x10100] =	vst v63  }
0x89: {  	s0 =	simm.s32 $0x900  }
0x8a: {  	[tilespmem:s0], [sflag:$0x1] =	stream.indirect_vreg.gather [hbm4b:s4+s3], $0x80, v2, vm0, $0xb8;
	[tilespmem:$0x10100] =	vst v63  }
0x8b: {  	s22 =	simm.s32 $0x1100  }
0x8c: {  	[tilespmem:s22], [sflag:$0x1] =	stream.indirect_vreg.gather [hbm4b:s5+s3], $0x80, v2, vm0, $0xb8;
	[tilespmem:$0x10100] =	vst v63  }
0x8d: {  	s23 =	simm.s32 $0x1900  }
0x8e: {  	[tilespmem:s23], [sflag:$0x1] =	stream.indirect_vreg.gather [hbm4b:s6+s3], $0x80, v2, vm0, $0xb8;
	[tilespmem:$0x10100] =	vst v63  }
0x8f: {  	s24 =	simm.s32 $0x2100  }
0x90: {  	[tilespmem:s24], [sflag:$0x1] =	stream.indirect_vreg.gather [hbm4b:s7+s3], $0x80, v2, vm0, $0xb8;
	[tilespmem:$0x10100] =	vst v63  }
0x91: {  	s26 =	simm.s32 $0x2900  }
0x92: {  	[tilespmem:s26], [sflag:$0x1] =	stream.indirect_vreg.gather [hbm4b:s8+s3], $0x80, v2, vm0, $0xb8;
	[tilespmem:$0x10100] =	vst v63  }
0x93: {  	s28 =	simm.s32 $0x3100  }
0x94: {  	[tilespmem:s28], [sflag:$0x1] =	stream.indirect_vreg.gather [hbm4b:s9+s3], $0x80, v2, vm0, $0xb8;
	[tilespmem:$0x10100] =	vst v63  }
0x95: {  	s29 =	simm.s32 $0x3900  }
0x96: {  	[tilespmem:s29], [sflag:$0x1] =	stream.indirect_vreg.gather [hbm4b:s10+s3], $0x80, v2, vm0, $0xb8;
	[tilespmem:$0x10100] =	vst v63  }
0x97: {  	s30 =	simm.s32 $0x4100  }
0x98: {  	[tilespmem:s30], [sflag:$0x1] =	stream.indirect_vreg.gather [hbm4b:s11+s3], $0x80, v2, vm0, $0xb8;
	[tilespmem:$0x10100] =	vst v63  }
0x99: {  	s22 =	simm.s32 $0x4900  }
0x9a: {  	[tilespmem:s22], [sflag:$0x1] =	stream.indirect_vreg.gather [hbm4b:s12+s3], $0x80, v2, vm0, $0xb8;
	[tilespmem:$0x10100] =	vst v63  }
0x9b: {  	s23 =	simm.s32 $0x5100  }
0x9c: {  	[tilespmem:s23], [sflag:$0x1] =	stream.indirect_vreg.gather [hbm4b:s13+s3], $0x80, v2, vm0, $0xb8;
	[tilespmem:$0x10100] =	vst v63  }
0x9d: {  	s24 =	simm.s32 $0x5900  }
0x9e: {  	[tilespmem:s24], [sflag:$0x1] =	stream.indirect_vreg.gather [hbm4b:s14+s3], $0x80, v2, vm0, $0xb8;
	[tilespmem:$0x10100] =	vst v63  }
0x9f: {  	s26 =	simm.s32 $0x6100  }
0xa0: {  	[tilespmem:s26], [sflag:$0x1] =	stream.indirect_vreg.gather [hbm4b:s15+s3], $0x80, v2, vm0, $0xb8;
	[tilespmem:$0x10100] =	vst v63  }
0xa1: {  	s28 =	simm.s32 $0x6900  }
0xa2: {  	[tilespmem:s28], [sflag:$0x1] =	stream.indirect_vreg.gather [hbm4b:s16+s3], $0x80, v2, vm0, $0xb8;
	[tilespmem:$0x10100] =	vst v63  }
0xa3: {  	s29 =	simm.s32 $0x7100  }
0xa4: {  	[tilespmem:s29], [sflag:$0x1] =	stream.indirect_vreg.gather [hbm4b:s17+s3], $0x80, v2, vm0, $0xb8;
	[tilespmem:$0x10100] =	vst v63  }
0xa5: {  	s19 =	simm.s32 $0x7900  }
0xa6: {  	[tilespmem:s19], [sflag:$0x1] =	stream.indirect_vreg.gather [hbm4b:s18+s3], $0x80, v2, vm0, $0xb8;
	[tilespmem:$0x10100] =	vst v63  }
0xa7: {  	_ =	swait.ge [sflag:s1], $0x8000  }
0xa8: {  	[sflag:s1] =	ssyncset.done $0x0  }
0xa9: {  	s30 =	rddreg [dreg:$0x5];
	[sflag:s1] =	ssyncadd.s32 $0xFFFF8000  }
0xaa: {  	[hbm4b:s30+s3] =	stream.linear.scatter [tilespmem:s25], [sflag:$0x3], $0x8000, $0x38;
	[tilespmem:$0x10100] =	vst v63  }
0xab: {  	_ =	swait.ge [sflag:s20], $0x8000  }
0xac: {  	[sflag:s20] =	ssyncset.done $0x0  }
0xad: {  	[sflag:s20] =	ssyncadd.s32 $0xFFFF8000  }
0xae: {  	v2 =	vld.msk [tilespmem:$0x18], $0xff;
	_ =	sdelay $0x4  }
0xaf: {  	v3 =	vshll.u32 v2, $0x5  }
0xb0: {  	v2 =	vand.u32 $0x7, v2;
	v3 =	vand.u32 $0xFFFFFF00, v3  }
0xb1: {  	v2 =	vor.u32 v2, v3  }
0xb2: {  	v2 =	vperm.xlane v2, v0;
	_ =	sdelay $0x1  }
0xb3: {  	v2 =	vadd.s32 v1, v2;
	_ =	sdelay $0x4  }
0xb4: {  	[tilespmem:s25], [sflag:$0x2] =	stream.indirect_vreg.gather [hbm4b:s2+s3], $0x80, v2, vm0, $0xb8;
	[tilespmem:$0x10100] =	vst v63  }
0xb5: {  	s19 =	simm.s32 $0x8900  }
0xb6: {  	[tilespmem:s19], [sflag:$0x2] =	stream.indirect_vreg.gather [hbm4b:s4+s3], $0x80, v2, vm0, $0xb8;
	[tilespmem:$0x10100] =	vst v63  }
0xb7: {  	s22 =	simm.s32 $0x9100  }
0xb8: {  	[tilespmem:s22], [sflag:$0x2] =	stream.indirect_vreg.gather [hbm4b:s5+s3], $0x80, v2, vm0, $0xb8;
	[tilespmem:$0x10100] =	vst v63  }
0xb9: {  	s23 =	simm.s32 $0x9900  }
0xba: {  	[tilespmem:s23], [sflag:$0x2] =	stream.indirect_vreg.gather [hbm4b:s6+s3], $0x80, v2, vm0, $0xb8;
	[tilespmem:$0x10100] =	vst v63  }
0xbb: {  	s24 =	simm.s32 $0xA100  }
0xbc: {  	[tilespmem:s24], [sflag:$0x2] =	stream.indirect_vreg.gather [hbm4b:s7+s3], $0x80, v2, vm0, $0xb8;
	[tilespmem:$0x10100] =	vst v63  }
0xbd: {  	s26 =	simm.s32 $0xA900  }
0xbe: {  	[tilespmem:s26], [sflag:$0x2] =	stream.indirect_vreg.gather [hbm4b:s8+s3], $0x80, v2, vm0, $0xb8;
	[tilespmem:$0x10100] =	vst v63  }
0xbf: {  	s28 =	simm.s32 $0xB100  }
0xc0: {  	[tilespmem:s28], [sflag:$0x2] =	stream.indirect_vreg.gather [hbm4b:s9+s3], $0x80, v2, vm0, $0xb8;
	[tilespmem:$0x10100] =	vst v63  }
0xc1: {  	s29 =	simm.s32 $0xB900  }
0xc2: {  	[tilespmem:s29], [sflag:$0x2] =	stream.indirect_vreg.gather [hbm4b:s10+s3], $0x80, v2, vm0, $0xb8;
	[tilespmem:$0x10100] =	vst v63  }
0xc3: {  	s30 =	simm.s32 $0xC100  }
0xc4: {  	[tilespmem:s30], [sflag:$0x2] =	stream.indirect_vreg.gather [hbm4b:s11+s3], $0x80, v2, vm0, $0xb8;
	[tilespmem:$0x10100] =	vst v63  }
0xc5: {  	s0 =	simm.s32 $0xC900  }
0xc6: {  	[tilespmem:s0], [sflag:$0x2] =	stream.indirect_vreg.gather [hbm4b:s12+s3], $0x80, v2, vm0, $0xb8;
	[tilespmem:$0x10100] =	vst v63  }
0xc7: {  	s0 =	simm.s32 $0xD100  }
0xc8: {  	[tilespmem:s0], [sflag:$0x2] =	stream.indirect_vreg.gather [hbm4b:s13+s3], $0x80, v2, vm0, $0xb8;
	[tilespmem:$0x10100] =	vst v63  }
0xc9: {  	s0 =	simm.s32 $0xD900  }
0xca: {  	[tilespmem:s0], [sflag:$0x2] =	stream.indirect_vreg.gather [hbm4b:s14+s3], $0x80, v2, vm0, $0xb8;
	[tilespmem:$0x10100] =	vst v63  }
0xcb: {  	s0 =	simm.s32 $0xE100  }
0xcc: {  	[tilespmem:s0], [sflag:$0x2] =	stream.indirect_vreg.gather [hbm4b:s15+s3], $0x80, v2, vm0, $0xb8;
	[tilespmem:$0x10100] =	vst v63  }
0xcd: {  	s0 =	simm.s32 $0xE900  }
0xce: {  	[tilespmem:s0], [sflag:$0x2] =	stream.indirect_vreg.gather [hbm4b:s16+s3], $0x80, v2, vm0, $0xb8;
	[tilespmem:$0x10100] =	vst v63  }
0xcf: {  	s0 =	simm.s32 $0xF100  }
0xd0: {  	[tilespmem:s0], [sflag:$0x2] =	stream.indirect_vreg.gather [hbm4b:s17+s3], $0x80, v2, vm0, $0xb8;
	[tilespmem:$0x10100] =	vst v63  }
0xd1: {  	s0 =	simm.s32 $0xF900  }
0xd2: {  	[tilespmem:s0], [sflag:$0x2] =	stream.indirect_vreg.gather [hbm4b:s18+s3], $0x80, v2, vm0, $0xb8;
	[tilespmem:$0x10100] =	vst v63  }
0xd3: {  	_ =	swait.ge [sflag:s31], $0x8000  }
0xd4: {  	[sflag:s31] =	ssyncset.done $0x0  }
0xd5: {  	s0 =	rddreg [dreg:$0x6];
	[sflag:s31] =	ssyncadd.s32 $0xFFFF8000  }
0xd6: {  	[hbm4b:s0+s3] =	stream.linear.scatter [tilespmem:s21], [sflag:$0x3], $0x8000, $0x38;
	[tilespmem:$0x10100] =	vst v63  }
0xd7: {  	_ =	swait.ge [sflag:s20], $0x8000  }
0xd8: {  	[sflag:s20] =	ssyncset.done $0x0  }
0xd9: {  	[sflag:s20] =	ssyncadd.s32 $0xFFFF8000  }
0xda: {  	v2 =	vld.msk [tilespmem:$0x20], $0xff;
	_ =	sdelay $0x4  }
0xdb: {  	v3 =	vshll.u32 v2, $0x5  }
0xdc: {  	v2 =	vand.u32 $0x7, v2;
	v3 =	vand.u32 $0xFFFFFF00, v3  }
0xdd: {  	v2 =	vor.u32 v2, v3  }
0xde: {  	v2 =	vperm.xlane v2, v0;
	_ =	sdelay $0x1  }
0xdf: {  	v2 =	vadd.s32 v1, v2;
	_ =	sdelay $0x4  }
0xe0: {  	[tilespmem:s21], [sflag:$0x1] =	stream.indirect_vreg.gather [hbm4b:s2+s3], $0x80, v2, vm0, $0xb8;
	[tilespmem:$0x10100] =	vst v63  }
0xe1: {  	s0 =	simm.s32 $0x900  }
0xe2: {  	[tilespmem:s0], [sflag:$0x1] =	stream.indirect_vreg.gather [hbm4b:s4+s3], $0x80, v2, vm0, $0xb8;
	[tilespmem:$0x10100] =	vst v63  }
0xe3: {  	s0 =	simm.s32 $0x1100  }
0xe4: {  	[tilespmem:s0], [sflag:$0x1] =	stream.indirect_vreg.gather [hbm4b:s5+s3], $0x80, v2, vm0, $0xb8;
	[tilespmem:$0x10100] =	vst v63  }
0xe5: {  	s0 =	simm.s32 $0x1900  }
0xe6: {  	[tilespmem:s0], [sflag:$0x1] =	stream.indirect_vreg.gather [hbm4b:s6+s3], $0x80, v2, vm0, $0xb8;
	[tilespmem:$0x10100] =	vst v63  }
0xe7: {  	s0 =	simm.s32 $0x2100  }
0xe8: {  	[tilespmem:s0], [sflag:$0x1] =	stream.indirect_vreg.gather [hbm4b:s7+s3], $0x80, v2, vm0, $0xb8;
	[tilespmem:$0x10100] =	vst v63  }
0xe9: {  	s0 =	simm.s32 $0x2900  }
0xea: {  	[tilespmem:s0], [sflag:$0x1] =	stream.indirect_vreg.gather [hbm4b:s8+s3], $0x80, v2, vm0, $0xb8;
	[tilespmem:$0x10100] =	vst v63  }
0xeb: {  	s0 =	simm.s32 $0x3100  }
0xec: {  	[tilespmem:s0], [sflag:$0x1] =	stream.indirect_vreg.gather [hbm4b:s9+s3], $0x80, v2, vm0, $0xb8;
	[tilespmem:$0x10100] =	vst v63  }
0xed: {  	s0 =	simm.s32 $0x3900  }
0xee: {  	[tilespmem:s0], [sflag:$0x1] =	stream.indirect_vreg.gather [hbm4b:s10+s3], $0x80, v2, vm0, $0xb8;
	[tilespmem:$0x10100] =	vst v63  }
0xef: {  	s0 =	simm.s32 $0x4100  }
0xf0: {  	[tilespmem:s0], [sflag:$0x1] =	stream.indirect_vreg.gather [hbm4b:s11+s3], $0x80, v2, vm0, $0xb8;
	[tilespmem:$0x10100] =	vst v63  }
0xf1: {  	s0 =	simm.s32 $0x4900  }
0xf2: {  	[tilespmem:s0], [sflag:$0x1] =	stream.indirect_vreg.gather [hbm4b:s12+s3], $0x80, v2, vm0, $0xb8;
	[tilespmem:$0x10100] =	vst v63  }
0xf3: {  	s0 =	simm.s32 $0x5100  }
0xf4: {  	[tilespmem:s0], [sflag:$0x1] =	stream.indirect_vreg.gather [hbm4b:s13+s3], $0x80, v2, vm0, $0xb8;
	[tilespmem:$0x10100] =	vst v63  }
0xf5: {  	s0 =	simm.s32 $0x5900  }
0xf6: {  	[tilespmem:s0], [sflag:$0x1] =	stream.indirect_vreg.gather [hbm4b:s14+s3], $0x80, v2, vm0, $0xb8;
	[tilespmem:$0x10100] =	vst v63  }
0xf7: {  	s0 =	simm.s32 $0x6100  }
0xf8: {  	[tilespmem:s0], [sflag:$0x1] =	stream.indirect_vreg.gather [hbm4b:s15+s3], $0x80, v2, vm0, $0xb8;
	[tilespmem:$0x10100] =	vst v63  }
0xf9: {  	s0 =	simm.s32 $0x6900  }
0xfa: {  	[tilespmem:s0], [sflag:$0x1] =	stream.indirect_vreg.gather [hbm4b:s16+s3], $0x80, v2, vm0, $0xb8;
	[tilespmem:$0x10100] =	vst v63  }
0xfb: {  	s0 =	simm.s32 $0x7100  }
0xfc: {  	[tilespmem:s0], [sflag:$0x1] =	stream.indirect_vreg.gather [hbm4b:s17+s3], $0x80, v2, vm0, $0xb8;
	[tilespmem:$0x10100] =	vst v63  }
0xfd: {  	s0 =	simm.s32 $0x7900  }
0xfe: {  	[tilespmem:s0], [sflag:$0x1] =	stream.indirect_vreg.gather [hbm4b:s18+s3], $0x80, v2, vm0, $0xb8;
	[tilespmem:$0x10100] =	vst v63  }
0xff: {  	_ =	swait.ge [sflag:s1], $0x8000  }
0x100: {  	[sflag:s1] =	ssyncset.done $0x0  }
0x101: {  	s0 =	rddreg [dreg:$0x7];
	[sflag:s1] =	ssyncadd.s32 $0xFFFF8000  }
0x102: {  	[hbm4b:s0+s3] =	stream.linear.scatter [tilespmem:s25], [sflag:$0x3], $0x8000, $0x38;
	[tilespmem:$0x10100] =	vst v63  }
0x103: {  	_ =	swait.ge [sflag:s20], $0x8000  }
0x104: {  	[sflag:s20] =	ssyncset.done $0x0  }
0x105: {  	[sflag:s20] =	ssyncadd.s32 $0xFFFF8000  }
0x106: {  	v2 =	vld.msk [tilespmem:$0x28], $0xff;
	_ =	sdelay $0x4  }
0x107: {  	v3 =	vshll.u32 v2, $0x5  }
0x108: {  	v2 =	vand.u32 $0x7, v2;
	v3 =	vand.u32 $0xFFFFFF00, v3  }
0x109: {  	v2 =	vor.u32 v2, v3  }
0x10a: {  	v2 =	vperm.xlane v2, v0;
	_ =	sdelay $0x1  }
0x10b: {  	v2 =	vadd.s32 v1, v2;
	_ =	sdelay $0x4  }
0x10c: {  	[tilespmem:s25], [sflag:$0x2] =	stream.indirect_vreg.gather [hbm4b:s2+s3], $0x80, v2, vm0, $0xb8;
	[tilespmem:$0x10100] =	vst v63  }
0x10d: {  	s19 =	simm.s32 $0x8900  }
0x10e: {  	[tilespmem:s19], [sflag:$0x2] =	stream.indirect_vreg.gather [hbm4b:s4+s3], $0x80, v2, vm0, $0xb8;
	[tilespmem:$0x10100] =	vst v63  }
0x10f: {  	s22 =	simm.s32 $0x9100  }
0x110: {  	[tilespmem:s22], [sflag:$0x2] =	stream.indirect_vreg.gather [hbm4b:s5+s3], $0x80, v2, vm0, $0xb8;
	[tilespmem:$0x10100] =	vst v63  }
0x111: {  	s23 =	simm.s32 $0x9900  }
0x112: {  	[tilespmem:s23], [sflag:$0x2] =	stream.indirect_vreg.gather [hbm4b:s6+s3], $0x80, v2, vm0, $0xb8;
	[tilespmem:$0x10100] =	vst v63  }
0x113: {  	s24 =	simm.s32 $0xA100  }
0x114: {  	[tilespmem:s24], [sflag:$0x2] =	stream.indirect_vreg.gather [hbm4b:s7+s3], $0x80, v2, vm0, $0xb8;
	[tilespmem:$0x10100] =	vst v63  }
0x115: {  	s26 =	simm.s32 $0xA900  }
0x116: {  	[tilespmem:s26], [sflag:$0x2] =	stream.indirect_vreg.gather [hbm4b:s8+s3], $0x80, v2, vm0, $0xb8;
	[tilespmem:$0x10100] =	vst v63  }
0x117: {  	s28 =	simm.s32 $0xB100  }
0x118: {  	[tilespmem:s28], [sflag:$0x2] =	stream.indirect_vreg.gather [hbm4b:s9+s3], $0x80, v2, vm0, $0xb8;
	[tilespmem:$0x10100] =	vst v63  }
0x119: {  	s29 =	simm.s32 $0xB900  }
0x11a: {  	[tilespmem:s29], [sflag:$0x2] =	stream.indirect_vreg.gather [hbm4b:s10+s3], $0x80, v2, vm0, $0xb8;
	[tilespmem:$0x10100] =	vst v63  }
0x11b: {  	s30 =	simm.s32 $0xC100  }
0x11c: {  	[tilespmem:s30], [sflag:$0x2] =	stream.indirect_vreg.gather [hbm4b:s11+s3], $0x80, v2, vm0, $0xb8;
	[tilespmem:$0x10100] =	vst v63  }
0x11d: {  	s19 =	simm.s32 $0xC900  }
0x11e: {  	[tilespmem:s19], [sflag:$0x2] =	stream.indirect_vreg.gather [hbm4b:s12+s3], $0x80, v2, vm0, $0xb8;
	[tilespmem:$0x10100] =	vst v63  }
0x11f: {  	s0 =	simm.s32 $0xD100  }
0x120: {  	[tilespmem:s0], [sflag:$0x2] =	stream.indirect_vreg.gather [hbm4b:s13+s3], $0x80, v2, vm0, $0xb8;
	[tilespmem:$0x10100] =	vst v63  }
0x121: {  	s0 =	simm.s32 $0xD900  }
0x122: {  	[tilespmem:s0], [sflag:$0x2] =	stream.indirect_vreg.gather [hbm4b:s14+s3], $0x80, v2, vm0, $0xb8;
	[tilespmem:$0x10100] =	vst v63  }
0x123: {  	s0 =	simm.s32 $0xE100  }
0x124: {  	[tilespmem:s0], [sflag:$0x2] =	stream.indirect_vreg.gather [hbm4b:s15+s3], $0x80, v2, vm0, $0xb8;
	[tilespmem:$0x10100] =	vst v63  }
0x125: {  	s0 =	simm.s32 $0xE900  }
0x126: {  	[tilespmem:s0], [sflag:$0x2] =	stream.indirect_vreg.gather [hbm4b:s16+s3], $0x80, v2, vm0, $0xb8;
	[tilespmem:$0x10100] =	vst v63  }
0x127: {  	s0 =	simm.s32 $0xF100  }
0x128: {  	[tilespmem:s0], [sflag:$0x2] =	stream.indirect_vreg.gather [hbm4b:s17+s3], $0x80, v2, vm0, $0xb8;
	[tilespmem:$0x10100] =	vst v63  }
0x129: {  	s0 =	simm.s32 $0xF900  }
0x12a: {  	[tilespmem:s0], [sflag:$0x2] =	stream.indirect_vreg.gather [hbm4b:s18+s3], $0x80, v2, vm0, $0xb8;
	[tilespmem:$0x10100] =	vst v63  }
0x12b: {  	_ =	swait.ge [sflag:s31], $0x8000  }
0x12c: {  	[sflag:s31] =	ssyncset.done $0x0  }
0x12d: {  	s0 =	rddreg [dreg:$0x8];
	[sflag:s31] =	ssyncadd.s32 $0xFFFF8000  }
0x12e: {  	[hbm4b:s0+s3] =	stream.linear.scatter [tilespmem:s21], [sflag:$0x3], $0x8000, $0x38;
	[tilespmem:$0x10100] =	vst v63  }
0x12f: {  	_ =	swait.ge [sflag:s20], $0x8000  }
0x130: {  	[sflag:s20] =	ssyncset.done $0x0  }
0x131: {  	[sflag:s20] =	ssyncadd.s32 $0xFFFF8000  }
0x132: {  	v2 =	vld.msk [tilespmem:$0x30], $0xff;
	_ =	sdelay $0x4  }
0x133: {  	v3 =	vshll.u32 v2, $0x5  }
0x134: {  	v2 =	vand.u32 $0x7, v2;
	v3 =	vand.u32 $0xFFFFFF00, v3  }
0x135: {  	v2 =	vor.u32 v2, v3  }
0x136: {  	v2 =	vperm.xlane v2, v0;
	_ =	sdelay $0x1  }
0x137: {  	v2 =	vadd.s32 v1, v2;
	_ =	sdelay $0x4  }
0x138: {  	[tilespmem:s21], [sflag:$0x1] =	stream.indirect_vreg.gather [hbm4b:s2+s3], $0x80, v2, vm0, $0xb8;
	[tilespmem:$0x10100] =	vst v63  }
0x139: {  	s0 =	simm.s32 $0x900  }
0x13a: {  	[tilespmem:s0], [sflag:$0x1] =	stream.indirect_vreg.gather [hbm4b:s4+s3], $0x80, v2, vm0, $0xb8;
	[tilespmem:$0x10100] =	vst v63  }
0x13b: {  	s0 =	simm.s32 $0x1100  }
0x13c: {  	[tilespmem:s0], [sflag:$0x1] =	stream.indirect_vreg.gather [hbm4b:s5+s3], $0x80, v2, vm0, $0xb8;
	[tilespmem:$0x10100] =	vst v63  }
0x13d: {  	s0 =	simm.s32 $0x1900  }
0x13e: {  	[tilespmem:s0], [sflag:$0x1] =	stream.indirect_vreg.gather [hbm4b:s6+s3], $0x80, v2, vm0, $0xb8;
	[tilespmem:$0x10100] =	vst v63  }
0x13f: {  	s0 =	simm.s32 $0x2100  }
0x140: {  	[tilespmem:s0], [sflag:$0x1] =	stream.indirect_vreg.gather [hbm4b:s7+s3], $0x80, v2, vm0, $0xb8;
	[tilespmem:$0x10100] =	vst v63  }
0x141: {  	s0 =	simm.s32 $0x2900  }
0x142: {  	[tilespmem:s0], [sflag:$0x1] =	stream.indirect_vreg.gather [hbm4b:s8+s3], $0x80, v2, vm0, $0xb8;
	[tilespmem:$0x10100] =	vst v63  }
0x143: {  	s0 =	simm.s32 $0x3100  }
0x144: {  	[tilespmem:s0], [sflag:$0x1] =	stream.indirect_vreg.gather [hbm4b:s9+s3], $0x80, v2, vm0, $0xb8;
	[tilespmem:$0x10100] =	vst v63  }
0x145: {  	s0 =	simm.s32 $0x3900  }
0x146: {  	[tilespmem:s0], [sflag:$0x1] =	stream.indirect_vreg.gather [hbm4b:s10+s3], $0x80, v2, vm0, $0xb8;
	[tilespmem:$0x10100] =	vst v63  }
0x147: {  	s0 =	simm.s32 $0x4100  }
0x148: {  	[tilespmem:s0], [sflag:$0x1] =	stream.indirect_vreg.gather [hbm4b:s11+s3], $0x80, v2, vm0, $0xb8;
	[tilespmem:$0x10100] =	vst v63  }
0x149: {  	s0 =	simm.s32 $0x4900  }
0x14a: {  	[tilespmem:s0], [sflag:$0x1] =	stream.indirect_vreg.gather [hbm4b:s12+s3], $0x80, v2, vm0, $0xb8;
	[tilespmem:$0x10100] =	vst v63  }
0x14b: {  	s0 =	simm.s32 $0x5100  }
0x14c: {  	[tilespmem:s0], [sflag:$0x1] =	stream.indirect_vreg.gather [hbm4b:s13+s3], $0x80, v2, vm0, $0xb8;
	[tilespmem:$0x10100] =	vst v63  }
0x14d: {  	s0 =	simm.s32 $0x5900  }
0x14e: {  	[tilespmem:s0], [sflag:$0x1] =	stream.indirect_vreg.gather [hbm4b:s14+s3], $0x80, v2, vm0, $0xb8;
	[tilespmem:$0x10100] =	vst v63  }
0x14f: {  	s0 =	simm.s32 $0x6100  }
0x150: {  	[tilespmem:s0], [sflag:$0x1] =	stream.indirect_vreg.gather [hbm4b:s15+s3], $0x80, v2, vm0, $0xb8;
	[tilespmem:$0x10100] =	vst v63  }
0x151: {  	s0 =	simm.s32 $0x6900  }
0x152: {  	[tilespmem:s0], [sflag:$0x1] =	stream.indirect_vreg.gather [hbm4b:s16+s3], $0x80, v2, vm0, $0xb8;
	[tilespmem:$0x10100] =	vst v63  }
0x153: {  	s0 =	simm.s32 $0x7100  }
0x154: {  	[tilespmem:s0], [sflag:$0x1] =	stream.indirect_vreg.gather [hbm4b:s17+s3], $0x80, v2, vm0, $0xb8;
	[tilespmem:$0x10100] =	vst v63  }
0x155: {  	s0 =	simm.s32 $0x7900  }
0x156: {  	[tilespmem:s0], [sflag:$0x1] =	stream.indirect_vreg.gather [hbm4b:s18+s3], $0x80, v2, vm0, $0xb8;
	[tilespmem:$0x10100] =	vst v63  }
0x157: {  	_ =	swait.ge [sflag:s1], $0x8000  }
0x158: {  	[sflag:s1] =	ssyncset.done $0x0  }
0x159: {  	s0 =	rddreg [dreg:$0x9];
	[sflag:s1] =	ssyncadd.s32 $0xFFFF8000  }
0x15a: {  	[hbm4b:s0+s3] =	stream.linear.scatter [tilespmem:s25], [sflag:$0x3], $0x8000, $0x38;
	[tilespmem:$0x10100] =	vst v63  }
0x15b: {  	_ =	swait.ge [sflag:s20], $0x8000  }
0x15c: {  	[sflag:s20] =	ssyncset.done $0x0  }
0x15d: {  	[sflag:s20] =	ssyncadd.s32 $0xFFFF8000  }
0x15e: {  	v2 =	vld.msk [tilespmem:$0x38], $0xff;
	_ =	sdelay $0x4  }
0x15f: {  	v3 =	vshll.u32 v2, $0x5  }
0x160: {  	v2 =	vand.u32 $0x7, v2;
	v3 =	vand.u32 $0xFFFFFF00, v3  }
0x161: {  	v2 =	vor.u32 v2, v3  }
0x162: {  	v2 =	vperm.xlane v2, v0;
	_ =	sdelay $0x1  }
0x163: {  	v2 =	vadd.s32 v1, v2;
	_ =	sdelay $0x4  }
0x164: {  	[tilespmem:s25], [sflag:$0x2] =	stream.indirect_vreg.gather [hbm4b:s2+s3], $0x80, v2, vm0, $0xb8;
	[tilespmem:$0x10100] =	vst v63  }
0x165: {  	s0 =	simm.s32 $0x8900  }
0x166: {  	[tilespmem:s0], [sflag:$0x2] =	stream.indirect_vreg.gather [hbm4b:s4+s3], $0x80, v2, vm0, $0xb8;
	[tilespmem:$0x10100] =	vst v63  }
0x167: {  	s22 =	simm.s32 $0x9100  }
0x168: {  	[tilespmem:s22], [sflag:$0x2] =	stream.indirect_vreg.gather [hbm4b:s5+s3], $0x80, v2, vm0, $0xb8;
	[tilespmem:$0x10100] =	vst v63  }
0x169: {  	s23 =	simm.s32 $0x9900  }
0x16a: {  	[tilespmem:s23], [sflag:$0x2] =	stream.indirect_vreg.gather [hbm4b:s6+s3], $0x80, v2, vm0, $0xb8;
	[tilespmem:$0x10100] =	vst v63  }
0x16b: {  	s24 =	simm.s32 $0xA100  }
0x16c: {  	[tilespmem:s24], [sflag:$0x2] =	stream.indirect_vreg.gather [hbm4b:s7+s3], $0x80, v2, vm0, $0xb8;
	[tilespmem:$0x10100] =	vst v63  }
0x16d: {  	s26 =	simm.s32 $0xA900  }
0x16e: {  	[tilespmem:s26], [sflag:$0x2] =	stream.indirect_vreg.gather [hbm4b:s8+s3], $0x80, v2, vm0, $0xb8;
	[tilespmem:$0x10100] =	vst v63  }
0x16f: {  	s28 =	simm.s32 $0xB100  }
0x170: {  	[tilespmem:s28], [sflag:$0x2] =	stream.indirect_vreg.gather [hbm4b:s9+s3], $0x80, v2, vm0, $0xb8;
	[tilespmem:$0x10100] =	vst v63  }
0x171: {  	s29 =	simm.s32 $0xB900  }
0x172: {  	[tilespmem:s29], [sflag:$0x2] =	stream.indirect_vreg.gather [hbm4b:s10+s3], $0x80, v2, vm0, $0xb8;
	[tilespmem:$0x10100] =	vst v63  }
0x173: {  	s30 =	simm.s32 $0xC100  }
0x174: {  	[tilespmem:s30], [sflag:$0x2] =	stream.indirect_vreg.gather [hbm4b:s11+s3], $0x80, v2, vm0, $0xb8;
	[tilespmem:$0x10100] =	vst v63  }
0x175: {  	s19 =	simm.s32 $0xC900  }
0x176: {  	[tilespmem:s19], [sflag:$0x2] =	stream.indirect_vreg.gather [hbm4b:s12+s3], $0x80, v2, vm0, $0xb8;
	[tilespmem:$0x10100] =	vst v63  }
0x177: {  	s19 =	simm.s32 $0xD100  }
0x178: {  	[tilespmem:s19], [sflag:$0x2] =	stream.indirect_vreg.gather [hbm4b:s13+s3], $0x80, v2, vm0, $0xb8;
	[tilespmem:$0x10100] =	vst v63  }
0x179: {  	s0 =	simm.s32 $0xD900  }
0x17a: {  	[tilespmem:s0], [sflag:$0x2] =	stream.indirect_vreg.gather [hbm4b:s14+s3], $0x80, v2, vm0, $0xb8;
	[tilespmem:$0x10100] =	vst v63  }
0x17b: {  	s0 =	simm.s32 $0xE100  }
0x17c: {  	[tilespmem:s0], [sflag:$0x2] =	stream.indirect_vreg.gather [hbm4b:s15+s3], $0x80, v2, vm0, $0xb8;
	[tilespmem:$0x10100] =	vst v63  }
0x17d: {  	s0 =	simm.s32 $0xE900  }
0x17e: {  	[tilespmem:s0], [sflag:$0x2] =	stream.indirect_vreg.gather [hbm4b:s16+s3], $0x80, v2, vm0, $0xb8;
	[tilespmem:$0x10100] =	vst v63  }
0x17f: {  	s0 =	simm.s32 $0xF100  }
0x180: {  	[tilespmem:s0], [sflag:$0x2] =	stream.indirect_vreg.gather [hbm4b:s17+s3], $0x80, v2, vm0, $0xb8;
	[tilespmem:$0x10100] =	vst v63  }
0x181: {  	s0 =	simm.s32 $0xF900  }
0x182: {  	[tilespmem:s0], [sflag:$0x2] =	stream.indirect_vreg.gather [hbm4b:s18+s3], $0x80, v2, vm0, $0xb8;
	[tilespmem:$0x10100] =	vst v63  }
0x183: {  	_ =	swait.ge [sflag:s31], $0x8000  }
0x184: {  	[sflag:s31] =	ssyncset.done $0x0  }
0x185: {  	s0 =	rddreg [dreg:$0xa];
	[sflag:s31] =	ssyncadd.s32 $0xFFFF8000  }
0x186: {  	[hbm4b:s0+s3] =	stream.linear.scatter [tilespmem:s21], [sflag:$0x3], $0x8000, $0x38;
	[tilespmem:$0x10100] =	vst v63  }
0x187: {  	_ =	swait.ge [sflag:s20], $0x8000  }
0x188: {  	[sflag:s20] =	ssyncset.done $0x0  }
0x189: {  	[sflag:s20] =	ssyncadd.s32 $0xFFFF8000  }
0x18a: {  	v2 =	vld.msk [tilespmem:$0x40], $0xff;
	_ =	sdelay $0x4  }
0x18b: {  	v3 =	vshll.u32 v2, $0x5  }
0x18c: {  	v2 =	vand.u32 $0x7, v2;
	v3 =	vand.u32 $0xFFFFFF00, v3  }
0x18d: {  	v2 =	vor.u32 v2, v3  }
0x18e: {  	v2 =	vperm.xlane v2, v0;
	_ =	sdelay $0x1  }
0x18f: {  	v2 =	vadd.s32 v1, v2;
	_ =	sdelay $0x4  }
0x190: {  	[tilespmem:s21], [sflag:$0x1] =	stream.indirect_vreg.gather [hbm4b:s2+s3], $0x80, v2, vm0, $0xb8;
	[tilespmem:$0x10100] =	vst v63  }
0x191: {  	s0 =	simm.s32 $0x900  }
0x192: {  	[tilespmem:s0], [sflag:$0x1] =	stream.indirect_vreg.gather [hbm4b:s4+s3], $0x80, v2, vm0, $0xb8;
	[tilespmem:$0x10100] =	vst v63  }
0x193: {  	s0 =	simm.s32 $0x1100  }
0x194: {  	[tilespmem:s0], [sflag:$0x1] =	stream.indirect_vreg.gather [hbm4b:s5+s3], $0x80, v2, vm0, $0xb8;
	[tilespmem:$0x10100] =	vst v63  }
0x195: {  	s0 =	simm.s32 $0x1900  }
0x196: {  	[tilespmem:s0], [sflag:$0x1] =	stream.indirect_vreg.gather [hbm4b:s6+s3], $0x80, v2, vm0, $0xb8;
	[tilespmem:$0x10100] =	vst v63  }
0x197: {  	s0 =	simm.s32 $0x2100  }
0x198: {  	[tilespmem:s0], [sflag:$0x1] =	stream.indirect_vreg.gather [hbm4b:s7+s3], $0x80, v2, vm0, $0xb8;
	[tilespmem:$0x10100] =	vst v63  }
0x199: {  	s0 =	simm.s32 $0x2900  }
0x19a: {  	[tilespmem:s0], [sflag:$0x1] =	stream.indirect_vreg.gather [hbm4b:s8+s3], $0x80, v2, vm0, $0xb8;
	[tilespmem:$0x10100] =	vst v63  }
0x19b: {  	s0 =	simm.s32 $0x3100  }
0x19c: {  	[tilespmem:s0], [sflag:$0x1] =	stream.indirect_vreg.gather [hbm4b:s9+s3], $0x80, v2, vm0, $0xb8;
	[tilespmem:$0x10100] =	vst v63  }
0x19d: {  	s0 =	simm.s32 $0x3900  }
0x19e: {  	[tilespmem:s0], [sflag:$0x1] =	stream.indirect_vreg.gather [hbm4b:s10+s3], $0x80, v2, vm0, $0xb8;
	[tilespmem:$0x10100] =	vst v63  }
0x19f: {  	s0 =	simm.s32 $0x4100  }
0x1a0: {  	[tilespmem:s0], [sflag:$0x1] =	stream.indirect_vreg.gather [hbm4b:s11+s3], $0x80, v2, vm0, $0xb8;
	[tilespmem:$0x10100] =	vst v63  }
0x1a1: {  	s0 =	simm.s32 $0x4900  }
0x1a2: {  	[tilespmem:s0], [sflag:$0x1] =	stream.indirect_vreg.gather [hbm4b:s12+s3], $0x80, v2, vm0, $0xb8;
	[tilespmem:$0x10100] =	vst v63  }
0x1a3: {  	s0 =	simm.s32 $0x5100  }
0x1a4: {  	[tilespmem:s0], [sflag:$0x1] =	stream.indirect_vreg.gather [hbm4b:s13+s3], $0x80, v2, vm0, $0xb8;
	[tilespmem:$0x10100] =	vst v63  }
0x1a5: {  	s0 =	simm.s32 $0x5900  }
0x1a6: {  	[tilespmem:s0], [sflag:$0x1] =	stream.indirect_vreg.gather [hbm4b:s14+s3], $0x80, v2, vm0, $0xb8;
	[tilespmem:$0x10100] =	vst v63  }
0x1a7: {  	s0 =	simm.s32 $0x6100  }
0x1a8: {  	[tilespmem:s0], [sflag:$0x1] =	stream.indirect_vreg.gather [hbm4b:s15+s3], $0x80, v2, vm0, $0xb8;
	[tilespmem:$0x10100] =	vst v63  }
0x1a9: {  	s0 =	simm.s32 $0x6900  }
0x1aa: {  	[tilespmem:s0], [sflag:$0x1] =	stream.indirect_vreg.gather [hbm4b:s16+s3], $0x80, v2, vm0, $0xb8;
	[tilespmem:$0x10100] =	vst v63  }
0x1ab: {  	s0 =	simm.s32 $0x7100  }
0x1ac: {  	[tilespmem:s0], [sflag:$0x1] =	stream.indirect_vreg.gather [hbm4b:s17+s3], $0x80, v2, vm0, $0xb8;
	[tilespmem:$0x10100] =	vst v63  }
0x1ad: {  	s0 =	simm.s32 $0x7900  }
0x1ae: {  	[tilespmem:s0], [sflag:$0x1] =	stream.indirect_vreg.gather [hbm4b:s18+s3], $0x80, v2, vm0, $0xb8;
	[tilespmem:$0x10100] =	vst v63  }
0x1af: {  	_ =	swait.ge [sflag:s1], $0x8000  }
0x1b0: {  	[sflag:s1] =	ssyncset.done $0x0  }
0x1b1: {  	s0 =	rddreg [dreg:$0xb];
	[sflag:s1] =	ssyncadd.s32 $0xFFFF8000  }
0x1b2: {  	[hbm4b:s0+s3] =	stream.linear.scatter [tilespmem:s25], [sflag:$0x3], $0x8000, $0x38;
	[tilespmem:$0x10100] =	vst v63  }
0x1b3: {  	_ =	swait.ge [sflag:s20], $0x8000  }
0x1b4: {  	[sflag:s20] =	ssyncset.done $0x0  }
0x1b5: {  	[sflag:s20] =	ssyncadd.s32 $0xFFFF8000  }
0x1b6: {  	v2 =	vld.msk [tilespmem:$0x48], $0xff;
	_ =	sdelay $0x4  }
0x1b7: {  	v3 =	vshll.u32 v2, $0x5  }
0x1b8: {  	v2 =	vand.u32 $0x7, v2;
	v3 =	vand.u32 $0xFFFFFF00, v3  }
0x1b9: {  	v2 =	vor.u32 v2, v3  }
0x1ba: {  	v2 =	vperm.xlane v2, v0;
	_ =	sdelay $0x1  }
0x1bb: {  	v2 =	vadd.s32 v1, v2;
	_ =	sdelay $0x4  }
0x1bc: {  	[tilespmem:s25], [sflag:$0x2] =	stream.indirect_vreg.gather [hbm4b:s2+s3], $0x80, v2, vm0, $0xb8;
	[tilespmem:$0x10100] =	vst v63  }
0x1bd: {  	s0 =	simm.s32 $0x8900  }
0x1be: {  	[tilespmem:s0], [sflag:$0x2] =	stream.indirect_vreg.gather [hbm4b:s4+s3], $0x80, v2, vm0, $0xb8;
	[tilespmem:$0x10100] =	vst v63  }
0x1bf: {  	s0 =	simm.s32 $0x9100  }
0x1c0: {  	[tilespmem:s0], [sflag:$0x2] =	stream.indirect_vreg.gather [hbm4b:s5+s3], $0x80, v2, vm0, $0xb8;
	[tilespmem:$0x10100] =	vst v63  }
0x1c1: {  	s23 =	simm.s32 $0x9900  }
0x1c2: {  	[tilespmem:s23], [sflag:$0x2] =	stream.indirect_vreg.gather [hbm4b:s6+s3], $0x80, v2, vm0, $0xb8;
	[tilespmem:$0x10100] =	vst v63  }
0x1c3: {  	s24 =	simm.s32 $0xA100  }
0x1c4: {  	[tilespmem:s24], [sflag:$0x2] =	stream.indirect_vreg.gather [hbm4b:s7+s3], $0x80, v2, vm0, $0xb8;
	[tilespmem:$0x10100] =	vst v63  }
0x1c5: {  	s26 =	simm.s32 $0xA900  }
0x1c6: {  	[tilespmem:s26], [sflag:$0x2] =	stream.indirect_vreg.gather [hbm4b:s8+s3], $0x80, v2, vm0, $0xb8;
	[tilespmem:$0x10100] =	vst v63  }
0x1c7: {  	s28 =	simm.s32 $0xB100  }
0x1c8: {  	[tilespmem:s28], [sflag:$0x2] =	stream.indirect_vreg.gather [hbm4b:s9+s3], $0x80, v2, vm0, $0xb8;
	[tilespmem:$0x10100] =	vst v63  }
0x1c9: {  	s29 =	simm.s32 $0xB900  }
0x1ca: {  	[tilespmem:s29], [sflag:$0x2] =	stream.indirect_vreg.gather [hbm4b:s10+s3], $0x80, v2, vm0, $0xb8;
	[tilespmem:$0x10100] =	vst v63  }
0x1cb: {  	s30 =	simm.s32 $0xC100  }
0x1cc: {  	[tilespmem:s30], [sflag:$0x2] =	stream.indirect_vreg.gather [hbm4b:s11+s3], $0x80, v2, vm0, $0xb8;
	[tilespmem:$0x10100] =	vst v63  }
0x1cd: {  	s22 =	simm.s32 $0xC900  }
0x1ce: {  	[tilespmem:s22], [sflag:$0x2] =	stream.indirect_vreg.gather [hbm4b:s12+s3], $0x80, v2, vm0, $0xb8;
	[tilespmem:$0x10100] =	vst v63  }
0x1cf: {  	s19 =	simm.s32 $0xD100  }
0x1d0: {  	[tilespmem:s19], [sflag:$0x2] =	stream.indirect_vreg.gather [hbm4b:s13+s3], $0x80, v2, vm0, $0xb8;
	[tilespmem:$0x10100] =	vst v63  }
0x1d1: {  	s22 =	simm.s32 $0xD900  }
0x1d2: {  	[tilespmem:s22], [sflag:$0x2] =	stream.indirect_vreg.gather [hbm4b:s14+s3], $0x80, v2, vm0, $0xb8;
	[tilespmem:$0x10100] =	vst v63  }
0x1d3: {  	s0 =	simm.s32 $0xE100  }
0x1d4: {  	[tilespmem:s0], [sflag:$0x2] =	stream.indirect_vreg.gather [hbm4b:s15+s3], $0x80, v2, vm0, $0xb8;
	[tilespmem:$0x10100] =	vst v63  }
0x1d5: {  	s0 =	simm.s32 $0xE900  }
0x1d6: {  	[tilespmem:s0], [sflag:$0x2] =	stream.indirect_vreg.gather [hbm4b:s16+s3], $0x80, v2, vm0, $0xb8;
	[tilespmem:$0x10100] =	vst v63  }
0x1d7: {  	s0 =	simm.s32 $0xF100  }
0x1d8: {  	[tilespmem:s0], [sflag:$0x2] =	stream.indirect_vreg.gather [hbm4b:s17+s3], $0x80, v2, vm0, $0xb8;
	[tilespmem:$0x10100] =	vst v63  }
0x1d9: {  	s0 =	simm.s32 $0xF900  }
0x1da: {  	[tilespmem:s0], [sflag:$0x2] =	stream.indirect_vreg.gather [hbm4b:s18+s3], $0x80, v2, vm0, $0xb8;
	[tilespmem:$0x10100] =	vst v63  }
0x1db: {  	_ =	swait.ge [sflag:s31], $0x8000  }
0x1dc: {  	[sflag:s31] =	ssyncset.done $0x0  }
0x1dd: {  	s0 =	rddreg [dreg:$0xc];
	[sflag:s31] =	ssyncadd.s32 $0xFFFF8000  }
0x1de: {  	[hbm4b:s0+s3] =	stream.linear.scatter [tilespmem:s21], [sflag:$0x3], $0x8000, $0x38;
	[tilespmem:$0x10100] =	vst v63  }
0x1df: {  	_ =	swait.ge [sflag:s20], $0x8000  }
0x1e0: {  	[sflag:s20] =	ssyncset.done $0x0  }
0x1e1: {  	[sflag:s20] =	ssyncadd.s32 $0xFFFF8000  }
0x1e2: {  	v2 =	vld.msk [tilespmem:$0x50], $0xff;
	_ =	sdelay $0x4  }
0x1e3: {  	v3 =	vshll.u32 v2, $0x5  }
0x1e4: {  	v2 =	vand.u32 $0x7, v2;
	v3 =	vand.u32 $0xFFFFFF00, v3  }
0x1e5: {  	v2 =	vor.u32 v2, v3  }
0x1e6: {  	v2 =	vperm.xlane v2, v0;
	_ =	sdelay $0x1  }
0x1e7: {  	v2 =	vadd.s32 v1, v2;
	_ =	sdelay $0x4  }
0x1e8: {  	[tilespmem:s21], [sflag:$0x1] =	stream.indirect_vreg.gather [hbm4b:s2+s3], $0x80, v2, vm0, $0xb8;
	[tilespmem:$0x10100] =	vst v63  }
0x1e9: {  	s0 =	simm.s32 $0x900  }
0x1ea: {  	[tilespmem:s0], [sflag:$0x1] =	stream.indirect_vreg.gather [hbm4b:s4+s3], $0x80, v2, vm0, $0xb8;
	[tilespmem:$0x10100] =	vst v63  }
0x1eb: {  	s0 =	simm.s32 $0x1100  }
0x1ec: {  	[tilespmem:s0], [sflag:$0x1] =	stream.indirect_vreg.gather [hbm4b:s5+s3], $0x80, v2, vm0, $0xb8;
	[tilespmem:$0x10100] =	vst v63  }
0x1ed: {  	s0 =	simm.s32 $0x1900  }
0x1ee: {  	[tilespmem:s0], [sflag:$0x1] =	stream.indirect_vreg.gather [hbm4b:s6+s3], $0x80, v2, vm0, $0xb8;
	[tilespmem:$0x10100] =	vst v63  }
0x1ef: {  	s0 =	simm.s32 $0x2100  }
0x1f0: {  	[tilespmem:s0], [sflag:$0x1] =	stream.indirect_vreg.gather [hbm4b:s7+s3], $0x80, v2, vm0, $0xb8;
	[tilespmem:$0x10100] =	vst v63  }
0x1f1: {  	s0 =	simm.s32 $0x2900  }
0x1f2: {  	[tilespmem:s0], [sflag:$0x1] =	stream.indirect_vreg.gather [hbm4b:s8+s3], $0x80, v2, vm0, $0xb8;
	[tilespmem:$0x10100] =	vst v63  }
0x1f3: {  	s0 =	simm.s32 $0x3100  }
0x1f4: {  	[tilespmem:s0], [sflag:$0x1] =	stream.indirect_vreg.gather [hbm4b:s9+s3], $0x80, v2, vm0, $0xb8;
	[tilespmem:$0x10100] =	vst v63  }
0x1f5: {  	s0 =	simm.s32 $0x3900  }
0x1f6: {  	[tilespmem:s0], [sflag:$0x1] =	stream.indirect_vreg.gather [hbm4b:s10+s3], $0x80, v2, vm0, $0xb8;
	[tilespmem:$0x10100] =	vst v63  }
0x1f7: {  	s0 =	simm.s32 $0x4100  }
0x1f8: {  	[tilespmem:s0], [sflag:$0x1] =	stream.indirect_vreg.gather [hbm4b:s11+s3], $0x80, v2, vm0, $0xb8;
	[tilespmem:$0x10100] =	vst v63  }
0x1f9: {  	s0 =	simm.s32 $0x4900  }
0x1fa: {  	[tilespmem:s0], [sflag:$0x1] =	stream.indirect_vreg.gather [hbm4b:s12+s3], $0x80, v2, vm0, $0xb8;
	[tilespmem:$0x10100] =	vst v63  }
0x1fb: {  	s0 =	simm.s32 $0x5100  }
0x1fc: {  	[tilespmem:s0], [sflag:$0x1] =	stream.indirect_vreg.gather [hbm4b:s13+s3], $0x80, v2, vm0, $0xb8;
	[tilespmem:$0x10100] =	vst v63  }
0x1fd: {  	s0 =	simm.s32 $0x5900  }
0x1fe: {  	[tilespmem:s0], [sflag:$0x1] =	stream.indirect_vreg.gather [hbm4b:s14+s3], $0x80, v2, vm0, $0xb8;
	[tilespmem:$0x10100] =	vst v63  }
0x1ff: {  	s0 =	simm.s32 $0x6100  }
0x200: {  	[tilespmem:s0], [sflag:$0x1] =	stream.indirect_vreg.gather [hbm4b:s15+s3], $0x80, v2, vm0, $0xb8;
	[tilespmem:$0x10100] =	vst v63  }
0x201: {  	s0 =	simm.s32 $0x6900  }
0x202: {  	[tilespmem:s0], [sflag:$0x1] =	stream.indirect_vreg.gather [hbm4b:s16+s3], $0x80, v2, vm0, $0xb8;
	[tilespmem:$0x10100] =	vst v63  }
0x203: {  	s0 =	simm.s32 $0x7100  }
0x204: {  	[tilespmem:s0], [sflag:$0x1] =	stream.indirect_vreg.gather [hbm4b:s17+s3], $0x80, v2, vm0, $0xb8;
	[tilespmem:$0x10100] =	vst v63  }
0x205: {  	s0 =	simm.s32 $0x7900  }
0x206: {  	[tilespmem:s0], [sflag:$0x1] =	stream.indirect_vreg.gather [hbm4b:s18+s3], $0x80, v2, vm0, $0xb8;
	[tilespmem:$0x10100] =	vst v63  }
0x207: {  	_ =	swait.ge [sflag:s1], $0x8000  }
0x208: {  	[sflag:s1] =	ssyncset.done $0x0  }
0x209: {  	s0 =	rddreg [dreg:$0xd];
	[sflag:s1] =	ssyncadd.s32 $0xFFFF8000  }
0x20a: {  	[hbm4b:s0+s3] =	stream.linear.scatter [tilespmem:s25], [sflag:$0x3], $0x8000, $0x38;
	[tilespmem:$0x10100] =	vst v63  }
0x20b: {  	_ =	swait.ge [sflag:s20], $0x8000  }
0x20c: {  	[sflag:s20] =	ssyncset.done $0x0  }
0x20d: {  	[sflag:s20] =	ssyncadd.s32 $0xFFFF8000  }
0x20e: {  	v2 =	vld.msk [tilespmem:$0x58], $0xff;
	_ =	sdelay $0x4  }
0x20f: {  	v3 =	vshll.u32 v2, $0x5  }
0x210: {  	v2 =	vand.u32 $0x7, v2;
	v3 =	vand.u32 $0xFFFFFF00, v3  }
0x211: {  	v2 =	vor.u32 v2, v3  }
0x212: {  	v2 =	vperm.xlane v2, v0;
	_ =	sdelay $0x1  }
0x213: {  	v2 =	vadd.s32 v1, v2;
	_ =	sdelay $0x4  }
0x214: {  	[tilespmem:s25], [sflag:$0x2] =	stream.indirect_vreg.gather [hbm4b:s2+s3], $0x80, v2, vm0, $0xb8;
	[tilespmem:$0x10100] =	vst v63  }
0x215: {  	s0 =	simm.s32 $0x8900  }
0x216: {  	[tilespmem:s0], [sflag:$0x2] =	stream.indirect_vreg.gather [hbm4b:s4+s3], $0x80, v2, vm0, $0xb8;
	[tilespmem:$0x10100] =	vst v63  }
0x217: {  	s0 =	simm.s32 $0x9100  }
0x218: {  	[tilespmem:s0], [sflag:$0x2] =	stream.indirect_vreg.gather [hbm4b:s5+s3], $0x80, v2, vm0, $0xb8;
	[tilespmem:$0x10100] =	vst v63  }
0x219: {  	s0 =	simm.s32 $0x9900  }
0x21a: {  	[tilespmem:s0], [sflag:$0x2] =	stream.indirect_vreg.gather [hbm4b:s6+s3], $0x80, v2, vm0, $0xb8;
	[tilespmem:$0x10100] =	vst v63  }
0x21b: {  	s24 =	simm.s32 $0xA100  }
0x21c: {  	[tilespmem:s24], [sflag:$0x2] =	stream.indirect_vreg.gather [hbm4b:s7+s3], $0x80, v2, vm0, $0xb8;
	[tilespmem:$0x10100] =	vst v63  }
0x21d: {  	s26 =	simm.s32 $0xA900  }
0x21e: {  	[tilespmem:s26], [sflag:$0x2] =	stream.indirect_vreg.gather [hbm4b:s8+s3], $0x80, v2, vm0, $0xb8;
	[tilespmem:$0x10100] =	vst v63  }
0x21f: {  	s28 =	simm.s32 $0xB100  }
0x220: {  	[tilespmem:s28], [sflag:$0x2] =	stream.indirect_vreg.gather [hbm4b:s9+s3], $0x80, v2, vm0, $0xb8;
	[tilespmem:$0x10100] =	vst v63  }
0x221: {  	s29 =	simm.s32 $0xB900  }
0x222: {  	[tilespmem:s29], [sflag:$0x2] =	stream.indirect_vreg.gather [hbm4b:s10+s3], $0x80, v2, vm0, $0xb8;
	[tilespmem:$0x10100] =	vst v63  }
0x223: {  	s30 =	simm.s32 $0xC100  }
0x224: {  	[tilespmem:s30], [sflag:$0x2] =	stream.indirect_vreg.gather [hbm4b:s11+s3], $0x80, v2, vm0, $0xb8;
	[tilespmem:$0x10100] =	vst v63  }
0x225: {  	s23 =	simm.s32 $0xC900  }
0x226: {  	[tilespmem:s23], [sflag:$0x2] =	stream.indirect_vreg.gather [hbm4b:s12+s3], $0x80, v2, vm0, $0xb8;
	[tilespmem:$0x10100] =	vst v63  }
0x227: {  	s19 =	simm.s32 $0xD100  }
0x228: {  	[tilespmem:s19], [sflag:$0x2] =	stream.indirect_vreg.gather [hbm4b:s13+s3], $0x80, v2, vm0, $0xb8;
	[tilespmem:$0x10100] =	vst v63  }
0x229: {  	s22 =	simm.s32 $0xD900  }
0x22a: {  	[tilespmem:s22], [sflag:$0x2] =	stream.indirect_vreg.gather [hbm4b:s14+s3], $0x80, v2, vm0, $0xb8;
	[tilespmem:$0x10100] =	vst v63  }
0x22b: {  	s23 =	simm.s32 $0xE100  }
0x22c: {  	[tilespmem:s23], [sflag:$0x2] =	stream.indirect_vreg.gather [hbm4b:s15+s3], $0x80, v2, vm0, $0xb8;
	[tilespmem:$0x10100] =	vst v63  }
0x22d: {  	s0 =	simm.s32 $0xE900  }
0x22e: {  	[tilespmem:s0], [sflag:$0x2] =	stream.indirect_vreg.gather [hbm4b:s16+s3], $0x80, v2, vm0, $0xb8;
	[tilespmem:$0x10100] =	vst v63  }
0x22f: {  	s0 =	simm.s32 $0xF100  }
0x230: {  	[tilespmem:s0], [sflag:$0x2] =	stream.indirect_vreg.gather [hbm4b:s17+s3], $0x80, v2, vm0, $0xb8;
	[tilespmem:$0x10100] =	vst v63  }
0x231: {  	s0 =	simm.s32 $0xF900  }
0x232: {  	[tilespmem:s0], [sflag:$0x2] =	stream.indirect_vreg.gather [hbm4b:s18+s3], $0x80, v2, vm0, $0xb8;
	[tilespmem:$0x10100] =	vst v63  }
0x233: {  	_ =	swait.ge [sflag:s31], $0x8000  }
0x234: {  	[sflag:s31] =	ssyncset.done $0x0  }
0x235: {  	s0 =	rddreg [dreg:$0xe];
	[sflag:s31] =	ssyncadd.s32 $0xFFFF8000  }
0x236: {  	[hbm4b:s0+s3] =	stream.linear.scatter [tilespmem:s21], [sflag:$0x3], $0x8000, $0x38;
	[tilespmem:$0x10100] =	vst v63  }
0x237: {  	_ =	swait.ge [sflag:s20], $0x8000  }
0x238: {  	[sflag:s20] =	ssyncset.done $0x0  }
0x239: {  	[sflag:s20] =	ssyncadd.s32 $0xFFFF8000  }
0x23a: {  	v2 =	vld.msk [tilespmem:$0x60], $0xff;
	_ =	sdelay $0x4  }
0x23b: {  	v3 =	vshll.u32 v2, $0x5  }
0x23c: {  	v2 =	vand.u32 $0x7, v2;
	v3 =	vand.u32 $0xFFFFFF00, v3  }
0x23d: {  	v2 =	vor.u32 v2, v3  }
0x23e: {  	v2 =	vperm.xlane v2, v0;
	_ =	sdelay $0x1  }
0x23f: {  	v2 =	vadd.s32 v1, v2;
	_ =	sdelay $0x4  }
0x240: {  	[tilespmem:s21], [sflag:$0x1] =	stream.indirect_vreg.gather [hbm4b:s2+s3], $0x80, v2, vm0, $0xb8;
	[tilespmem:$0x10100] =	vst v63  }
0x241: {  	s0 =	simm.s32 $0x900  }
0x242: {  	[tilespmem:s0], [sflag:$0x1] =	stream.indirect_vreg.gather [hbm4b:s4+s3], $0x80, v2, vm0, $0xb8;
	[tilespmem:$0x10100] =	vst v63  }
0x243: {  	s0 =	simm.s32 $0x1100  }
0x244: {  	[tilespmem:s0], [sflag:$0x1] =	stream.indirect_vreg.gather [hbm4b:s5+s3], $0x80, v2, vm0, $0xb8;
	[tilespmem:$0x10100] =	vst v63  }
0x245: {  	s0 =	simm.s32 $0x1900  }
0x246: {  	[tilespmem:s0], [sflag:$0x1] =	stream.indirect_vreg.gather [hbm4b:s6+s3], $0x80, v2, vm0, $0xb8;
	[tilespmem:$0x10100] =	vst v63  }
0x247: {  	s0 =	simm.s32 $0x2100  }
0x248: {  	[tilespmem:s0], [sflag:$0x1] =	stream.indirect_vreg.gather [hbm4b:s7+s3], $0x80, v2, vm0, $0xb8;
	[tilespmem:$0x10100] =	vst v63  }
0x249: {  	s0 =	simm.s32 $0x2900  }
0x24a: {  	[tilespmem:s0], [sflag:$0x1] =	stream.indirect_vreg.gather [hbm4b:s8+s3], $0x80, v2, vm0, $0xb8;
	[tilespmem:$0x10100] =	vst v63  }
0x24b: {  	s0 =	simm.s32 $0x3100  }
0x24c: {  	[tilespmem:s0], [sflag:$0x1] =	stream.indirect_vreg.gather [hbm4b:s9+s3], $0x80, v2, vm0, $0xb8;
	[tilespmem:$0x10100] =	vst v63  }
0x24d: {  	s0 =	simm.s32 $0x3900  }
0x24e: {  	[tilespmem:s0], [sflag:$0x1] =	stream.indirect_vreg.gather [hbm4b:s10+s3], $0x80, v2, vm0, $0xb8;
	[tilespmem:$0x10100] =	vst v63  }
0x24f: {  	s0 =	simm.s32 $0x4100  }
0x250: {  	[tilespmem:s0], [sflag:$0x1] =	stream.indirect_vreg.gather [hbm4b:s11+s3], $0x80, v2, vm0, $0xb8;
	[tilespmem:$0x10100] =	vst v63  }
0x251: {  	s0 =	simm.s32 $0x4900  }
0x252: {  	[tilespmem:s0], [sflag:$0x1] =	stream.indirect_vreg.gather [hbm4b:s12+s3], $0x80, v2, vm0, $0xb8;
	[tilespmem:$0x10100] =	vst v63  }
0x253: {  	s0 =	simm.s32 $0x5100  }
0x254: {  	[tilespmem:s0], [sflag:$0x1] =	stream.indirect_vreg.gather [hbm4b:s13+s3], $0x80, v2, vm0, $0xb8;
	[tilespmem:$0x10100] =	vst v63  }
0x255: {  	s0 =	simm.s32 $0x5900  }
0x256: {  	[tilespmem:s0], [sflag:$0x1] =	stream.indirect_vreg.gather [hbm4b:s14+s3], $0x80, v2, vm0, $0xb8;
	[tilespmem:$0x10100] =	vst v63  }
0x257: {  	s0 =	simm.s32 $0x6100  }
0x258: {  	[tilespmem:s0], [sflag:$0x1] =	stream.indirect_vreg.gather [hbm4b:s15+s3], $0x80, v2, vm0, $0xb8;
	[tilespmem:$0x10100] =	vst v63  }
0x259: {  	s0 =	simm.s32 $0x6900  }
0x25a: {  	[tilespmem:s0], [sflag:$0x1] =	stream.indirect_vreg.gather [hbm4b:s16+s3], $0x80, v2, vm0, $0xb8;
	[tilespmem:$0x10100] =	vst v63  }
0x25b: {  	s0 =	simm.s32 $0x7100  }
0x25c: {  	[tilespmem:s0], [sflag:$0x1] =	stream.indirect_vreg.gather [hbm4b:s17+s3], $0x80, v2, vm0, $0xb8;
	[tilespmem:$0x10100] =	vst v63  }
0x25d: {  	s0 =	simm.s32 $0x7900  }
0x25e: {  	[tilespmem:s0], [sflag:$0x1] =	stream.indirect_vreg.gather [hbm4b:s18+s3], $0x80, v2, vm0, $0xb8;
	[tilespmem:$0x10100] =	vst v63  }
0x25f: {  	_ =	swait.ge [sflag:s1], $0x8000  }
0x260: {  	[sflag:s1] =	ssyncset.done $0x0  }
0x261: {  	s0 =	rddreg [dreg:$0xf];
	[sflag:s1] =	ssyncadd.s32 $0xFFFF8000  }
0x262: {  	[hbm4b:s0+s3] =	stream.linear.scatter [tilespmem:s25], [sflag:$0x3], $0x8000, $0x38;
	[tilespmem:$0x10100] =	vst v63  }
0x263: {  	_ =	swait.ge [sflag:s20], $0x8000  }
0x264: {  	[sflag:s20] =	ssyncset.done $0x0  }
0x265: {  	[sflag:s20] =	ssyncadd.s32 $0xFFFF8000  }
0x266: {  	v2 =	vld.msk [tilespmem:$0x68], $0xff;
	_ =	sdelay $0x4  }
0x267: {  	v3 =	vshll.u32 v2, $0x5  }
0x268: {  	v2 =	vand.u32 $0x7, v2;
	v3 =	vand.u32 $0xFFFFFF00, v3  }
0x269: {  	v2 =	vor.u32 v2, v3  }
0x26a: {  	v2 =	vperm.xlane v2, v0;
	_ =	sdelay $0x1  }
0x26b: {  	v2 =	vadd.s32 v1, v2;
	_ =	sdelay $0x4  }
0x26c: {  	[tilespmem:s25], [sflag:$0x2] =	stream.indirect_vreg.gather [hbm4b:s2+s3], $0x80, v2, vm0, $0xb8;
	[tilespmem:$0x10100] =	vst v63  }
0x26d: {  	s0 =	simm.s32 $0x8900  }
0x26e: {  	[tilespmem:s0], [sflag:$0x2] =	stream.indirect_vreg.gather [hbm4b:s4+s3], $0x80, v2, vm0, $0xb8;
	[tilespmem:$0x10100] =	vst v63  }
0x26f: {  	s0 =	simm.s32 $0x9100  }
0x270: {  	[tilespmem:s0], [sflag:$0x2] =	stream.indirect_vreg.gather [hbm4b:s5+s3], $0x80, v2, vm0, $0xb8;
	[tilespmem:$0x10100] =	vst v63  }
0x271: {  	s0 =	simm.s32 $0x9900  }
0x272: {  	[tilespmem:s0], [sflag:$0x2] =	stream.indirect_vreg.gather [hbm4b:s6+s3], $0x80, v2, vm0, $0xb8;
	[tilespmem:$0x10100] =	vst v63  }
0x273: {  	s0 =	simm.s32 $0xA100  }
0x274: {  	[tilespmem:s0], [sflag:$0x2] =	stream.indirect_vreg.gather [hbm4b:s7+s3], $0x80, v2, vm0, $0xb8;
	[tilespmem:$0x10100] =	vst v63  }
0x275: {  	s26 =	simm.s32 $0xA900  }
0x276: {  	[tilespmem:s26], [sflag:$0x2] =	stream.indirect_vreg.gather [hbm4b:s8+s3], $0x80, v2, vm0, $0xb8;
	[tilespmem:$0x10100] =	vst v63  }
0x277: {  	s28 =	simm.s32 $0xB100  }
0x278: {  	[tilespmem:s28], [sflag:$0x2] =	stream.indirect_vreg.gather [hbm4b:s9+s3], $0x80, v2, vm0, $0xb8;
	[tilespmem:$0x10100] =	vst v63  }
0x279: {  	s29 =	simm.s32 $0xB900  }
0x27a: {  	[tilespmem:s29], [sflag:$0x2] =	stream.indirect_vreg.gather [hbm4b:s10+s3], $0x80, v2, vm0, $0xb8;
	[tilespmem:$0x10100] =	vst v63  }
0x27b: {  	s30 =	simm.s32 $0xC100  }
0x27c: {  	[tilespmem:s30], [sflag:$0x2] =	stream.indirect_vreg.gather [hbm4b:s11+s3], $0x80, v2, vm0, $0xb8;
	[tilespmem:$0x10100] =	vst v63  }
0x27d: {  	s24 =	simm.s32 $0xC900  }
0x27e: {  	[tilespmem:s24], [sflag:$0x2] =	stream.indirect_vreg.gather [hbm4b:s12+s3], $0x80, v2, vm0, $0xb8;
	[tilespmem:$0x10100] =	vst v63  }
0x27f: {  	s19 =	simm.s32 $0xD100  }
0x280: {  	[tilespmem:s19], [sflag:$0x2] =	stream.indirect_vreg.gather [hbm4b:s13+s3], $0x80, v2, vm0, $0xb8;
	[tilespmem:$0x10100] =	vst v63  }
0x281: {  	s22 =	simm.s32 $0xD900  }
0x282: {  	[tilespmem:s22], [sflag:$0x2] =	stream.indirect_vreg.gather [hbm4b:s14+s3], $0x80, v2, vm0, $0xb8;
	[tilespmem:$0x10100] =	vst v63  }
0x283: {  	s23 =	simm.s32 $0xE100  }
0x284: {  	[tilespmem:s23], [sflag:$0x2] =	stream.indirect_vreg.gather [hbm4b:s15+s3], $0x80, v2, vm0, $0xb8;
	[tilespmem:$0x10100] =	vst v63  }
0x285: {  	s24 =	simm.s32 $0xE900  }
0x286: {  	[tilespmem:s24], [sflag:$0x2] =	stream.indirect_vreg.gather [hbm4b:s16+s3], $0x80, v2, vm0, $0xb8;
	[tilespmem:$0x10100] =	vst v63  }
0x287: {  	s0 =	simm.s32 $0xF100  }
0x288: {  	[tilespmem:s0], [sflag:$0x2] =	stream.indirect_vreg.gather [hbm4b:s17+s3], $0x80, v2, vm0, $0xb8;
	[tilespmem:$0x10100] =	vst v63  }
0x289: {  	s0 =	simm.s32 $0xF900  }
0x28a: {  	[tilespmem:s0], [sflag:$0x2] =	stream.indirect_vreg.gather [hbm4b:s18+s3], $0x80, v2, vm0, $0xb8;
	[tilespmem:$0x10100] =	vst v63  }
0x28b: {  	_ =	swait.ge [sflag:s31], $0x8000  }
0x28c: {  	[sflag:s31] =	ssyncset.done $0x0  }
0x28d: {  	s0 =	rddreg [dreg:$0x10];
	[sflag:s31] =	ssyncadd.s32 $0xFFFF8000  }
0x28e: {  	[hbm4b:s0+s3] =	stream.linear.scatter [tilespmem:s21], [sflag:$0x3], $0x8000, $0x38;
	[tilespmem:$0x10100] =	vst v63  }
0x28f: {  	_ =	swait.ge [sflag:s20], $0x8000  }
0x290: {  	[sflag:s20] =	ssyncset.done $0x0  }
0x291: {  	[sflag:s20] =	ssyncadd.s32 $0xFFFF8000  }
0x292: {  	v2 =	vld.msk [tilespmem:$0x70], $0xff;
	_ =	sdelay $0x4  }
0x293: {  	v3 =	vshll.u32 v2, $0x5  }
0x294: {  	v2 =	vand.u32 $0x7, v2;
	v3 =	vand.u32 $0xFFFFFF00, v3  }
0x295: {  	v2 =	vor.u32 v2, v3  }
0x296: {  	v2 =	vperm.xlane v2, v0;
	_ =	sdelay $0x1  }
0x297: {  	v2 =	vadd.s32 v1, v2;
	_ =	sdelay $0x4  }
0x298: {  	[tilespmem:s21], [sflag:$0x1] =	stream.indirect_vreg.gather [hbm4b:s2+s3], $0x80, v2, vm0, $0xb8;
	[tilespmem:$0x10100] =	vst v63  }
0x299: {  	s0 =	simm.s32 $0x900  }
0x29a: {  	[tilespmem:s0], [sflag:$0x1] =	stream.indirect_vreg.gather [hbm4b:s4+s3], $0x80, v2, vm0, $0xb8;
	[tilespmem:$0x10100] =	vst v63  }
0x29b: {  	s0 =	simm.s32 $0x1100  }
0x29c: {  	[tilespmem:s0], [sflag:$0x1] =	stream.indirect_vreg.gather [hbm4b:s5+s3], $0x80, v2, vm0, $0xb8;
	[tilespmem:$0x10100] =	vst v63  }
0x29d: {  	s0 =	simm.s32 $0x1900  }
0x29e: {  	[tilespmem:s0], [sflag:$0x1] =	stream.indirect_vreg.gather [hbm4b:s6+s3], $0x80, v2, vm0, $0xb8;
	[tilespmem:$0x10100] =	vst v63  }
0x29f: {  	s0 =	simm.s32 $0x2100  }
0x2a0: {  	[tilespmem:s0], [sflag:$0x1] =	stream.indirect_vreg.gather [hbm4b:s7+s3], $0x80, v2, vm0, $0xb8;
	[tilespmem:$0x10100] =	vst v63  }
0x2a1: {  	s0 =	simm.s32 $0x2900  }
0x2a2: {  	[tilespmem:s0], [sflag:$0x1] =	stream.indirect_vreg.gather [hbm4b:s8+s3], $0x80, v2, vm0, $0xb8;
	[tilespmem:$0x10100] =	vst v63  }
0x2a3: {  	s0 =	simm.s32 $0x3100  }
0x2a4: {  	[tilespmem:s0], [sflag:$0x1] =	stream.indirect_vreg.gather [hbm4b:s9+s3], $0x80, v2, vm0, $0xb8;
	[tilespmem:$0x10100] =	vst v63  }
0x2a5: {  	s0 =	simm.s32 $0x3900  }
0x2a6: {  	[tilespmem:s0], [sflag:$0x1] =	stream.indirect_vreg.gather [hbm4b:s10+s3], $0x80, v2, vm0, $0xb8;
	[tilespmem:$0x10100] =	vst v63  }
0x2a7: {  	s0 =	simm.s32 $0x4100  }
0x2a8: {  	[tilespmem:s0], [sflag:$0x1] =	stream.indirect_vreg.gather [hbm4b:s11+s3], $0x80, v2, vm0, $0xb8;
	[tilespmem:$0x10100] =	vst v63  }
0x2a9: {  	s0 =	simm.s32 $0x4900  }
0x2aa: {  	[tilespmem:s0], [sflag:$0x1] =	stream.indirect_vreg.gather [hbm4b:s12+s3], $0x80, v2, vm0, $0xb8;
	[tilespmem:$0x10100] =	vst v63  }
0x2ab: {  	s0 =	simm.s32 $0x5100  }
0x2ac: {  	[tilespmem:s0], [sflag:$0x1] =	stream.indirect_vreg.gather [hbm4b:s13+s3], $0x80, v2, vm0, $0xb8;
	[tilespmem:$0x10100] =	vst v63  }
0x2ad: {  	s0 =	simm.s32 $0x5900  }
0x2ae: {  	[tilespmem:s0], [sflag:$0x1] =	stream.indirect_vreg.gather [hbm4b:s14+s3], $0x80, v2, vm0, $0xb8;
	[tilespmem:$0x10100] =	vst v63  }
0x2af: {  	s0 =	simm.s32 $0x6100  }
0x2b0: {  	[tilespmem:s0], [sflag:$0x1] =	stream.indirect_vreg.gather [hbm4b:s15+s3], $0x80, v2, vm0, $0xb8;
	[tilespmem:$0x10100] =	vst v63  }
0x2b1: {  	s0 =	simm.s32 $0x6900  }
0x2b2: {  	[tilespmem:s0], [sflag:$0x1] =	stream.indirect_vreg.gather [hbm4b:s16+s3], $0x80, v2, vm0, $0xb8;
	[tilespmem:$0x10100] =	vst v63  }
0x2b3: {  	s0 =	simm.s32 $0x7100  }
0x2b4: {  	[tilespmem:s0], [sflag:$0x1] =	stream.indirect_vreg.gather [hbm4b:s17+s3], $0x80, v2, vm0, $0xb8;
	[tilespmem:$0x10100] =	vst v63  }
0x2b5: {  	s0 =	simm.s32 $0x7900  }
0x2b6: {  	[tilespmem:s0], [sflag:$0x1] =	stream.indirect_vreg.gather [hbm4b:s18+s3], $0x80, v2, vm0, $0xb8;
	[tilespmem:$0x10100] =	vst v63  }
0x2b7: {  	_ =	swait.ge [sflag:s1], $0x8000  }
0x2b8: {  	[sflag:s1] =	ssyncset.done $0x0  }
0x2b9: {  	s0 =	rddreg [dreg:$0x11];
	[sflag:s1] =	ssyncadd.s32 $0xFFFF8000  }
0x2ba: {  	[hbm4b:s0+s3] =	stream.linear.scatter [tilespmem:s25], [sflag:$0x3], $0x8000, $0x38;
	[tilespmem:$0x10100] =	vst v63  }
0x2bb: {  	_ =	swait.ge [sflag:s20], $0x8000  }
0x2bc: {  	[sflag:s20] =	ssyncset.done $0x0  }
0x2bd: {  	[sflag:s20] =	ssyncadd.s32 $0xFFFF8000  }
0x2be: {  	v2 =	vld.msk [tilespmem:$0x78], $0xff;
	_ =	sdelay $0x4  }
0x2bf: {  	v3 =	vshll.u32 v2, $0x5  }
0x2c0: {  	v2 =	vand.u32 $0x7, v2;
	v3 =	vand.u32 $0xFFFFFF00, v3  }
0x2c1: {  	v2 =	vor.u32 v2, v3  }
0x2c2: {  	v2 =	vperm.xlane v2, v0;
	_ =	sdelay $0x1  }
0x2c3: {  	v2 =	vadd.s32 v1, v2;
	_ =	sdelay $0x4  }
0x2c4: {  	[tilespmem:s25], [sflag:$0x2] =	stream.indirect_vreg.gather [hbm4b:s2+s3], $0x80, v2, vm0, $0xb8;
	[tilespmem:$0x10100] =	vst v63  }
0x2c5: {  	s0 =	simm.s32 $0x8900  }
0x2c6: {  	[tilespmem:s0], [sflag:$0x2] =	stream.indirect_vreg.gather [hbm4b:s4+s3], $0x80, v2, vm0, $0xb8;
	[tilespmem:$0x10100] =	vst v63  }
0x2c7: {  	s0 =	simm.s32 $0x9100  }
0x2c8: {  	[tilespmem:s0], [sflag:$0x2] =	stream.indirect_vreg.gather [hbm4b:s5+s3], $0x80, v2, vm0, $0xb8;
	[tilespmem:$0x10100] =	vst v63  }
0x2c9: {  	s0 =	simm.s32 $0x9900  }
0x2ca: {  	[tilespmem:s0], [sflag:$0x2] =	stream.indirect_vreg.gather [hbm4b:s6+s3], $0x80, v2, vm0, $0xb8;
	[tilespmem:$0x10100] =	vst v63  }
0x2cb: {  	s0 =	simm.s32 $0xA100  }
0x2cc: {  	[tilespmem:s0], [sflag:$0x2] =	stream.indirect_vreg.gather [hbm4b:s7+s3], $0x80, v2, vm0, $0xb8;
	[tilespmem:$0x10100] =	vst v63  }
0x2cd: {  	s0 =	simm.s32 $0xA900  }
0x2ce: {  	[tilespmem:s0], [sflag:$0x2] =	stream.indirect_vreg.gather [hbm4b:s8+s3], $0x80, v2, vm0, $0xb8;
	[tilespmem:$0x10100] =	vst v63  }
0x2cf: {  	s28 =	simm.s32 $0xB100  }
0x2d0: {  	[tilespmem:s28], [sflag:$0x2] =	stream.indirect_vreg.gather [hbm4b:s9+s3], $0x80, v2, vm0, $0xb8;
	[tilespmem:$0x10100] =	vst v63  }
0x2d1: {  	s29 =	simm.s32 $0xB900  }
0x2d2: {  	[tilespmem:s29], [sflag:$0x2] =	stream.indirect_vreg.gather [hbm4b:s10+s3], $0x80, v2, vm0, $0xb8;
	[tilespmem:$0x10100] =	vst v63  }
0x2d3: {  	s30 =	simm.s32 $0xC100  }
0x2d4: {  	[tilespmem:s30], [sflag:$0x2] =	stream.indirect_vreg.gather [hbm4b:s11+s3], $0x80, v2, vm0, $0xb8;
	[tilespmem:$0x10100] =	vst v63  }
0x2d5: {  	s26 =	simm.s32 $0xC900  }
0x2d6: {  	[tilespmem:s26], [sflag:$0x2] =	stream.indirect_vreg.gather [hbm4b:s12+s3], $0x80, v2, vm0, $0xb8;
	[tilespmem:$0x10100] =	vst v63  }
0x2d7: {  	s19 =	simm.s32 $0xD100  }
0x2d8: {  	[tilespmem:s19], [sflag:$0x2] =	stream.indirect_vreg.gather [hbm4b:s13+s3], $0x80, v2, vm0, $0xb8;
	[tilespmem:$0x10100] =	vst v63  }
0x2d9: {  	s22 =	simm.s32 $0xD900  }
0x2da: {  	[tilespmem:s22], [sflag:$0x2] =	stream.indirect_vreg.gather [hbm4b:s14+s3], $0x80, v2, vm0, $0xb8;
	[tilespmem:$0x10100] =	vst v63  }
0x2db: {  	s23 =	simm.s32 $0xE100  }
0x2dc: {  	[tilespmem:s23], [sflag:$0x2] =	stream.indirect_vreg.gather [hbm4b:s15+s3], $0x80, v2, vm0, $0xb8;
	[tilespmem:$0x10100] =	vst v63  }
0x2dd: {  	s24 =	simm.s32 $0xE900  }
0x2de: {  	[tilespmem:s24], [sflag:$0x2] =	stream.indirect_vreg.gather [hbm4b:s16+s3], $0x80, v2, vm0, $0xb8;
	[tilespmem:$0x10100] =	vst v63  }
0x2df: {  	s26 =	simm.s32 $0xF100  }
0x2e0: {  	[tilespmem:s26], [sflag:$0x2] =	stream.indirect_vreg.gather [hbm4b:s17+s3], $0x80, v2, vm0, $0xb8;
	[tilespmem:$0x10100] =	vst v63  }
0x2e1: {  	s0 =	simm.s32 $0xF900  }
0x2e2: {  	[tilespmem:s0], [sflag:$0x2] =	stream.indirect_vreg.gather [hbm4b:s18+s3], $0x80, v2, vm0, $0xb8;
	[tilespmem:$0x10100] =	vst v63  }
0x2e3: {  	_ =	swait.ge [sflag:s31], $0x8000  }
0x2e4: {  	[sflag:s31] =	ssyncset.done $0x0  }
0x2e5: {  	s0 =	rddreg [dreg:$0x12];
	[sflag:s31] =	ssyncadd.s32 $0xFFFF8000  }
0x2e6: {  	[hbm4b:s0+s3] =	stream.linear.scatter [tilespmem:s21], [sflag:$0x3], $0x8000, $0x38;
	[tilespmem:$0x10100] =	vst v63  }
0x2e7: {  	_ =	swait.ge [sflag:s20], $0x8000  }
0x2e8: {  	[sflag:s20] =	ssyncset.done $0x0  }
0x2e9: {  	[sflag:s20] =	ssyncadd.s32 $0xFFFF8000  }
0x2ea: {  	v2 =	vld.msk [tilespmem:$0x80], $0xff;
	_ =	sdelay $0x4  }
0x2eb: {  	v3 =	vshll.u32 v2, $0x5  }
0x2ec: {  	v2 =	vand.u32 $0x7, v2;
	v3 =	vand.u32 $0xFFFFFF00, v3  }
0x2ed: {  	v2 =	vor.u32 v2, v3  }
0x2ee: {  	v2 =	vperm.xlane v2, v0;
	_ =	sdelay $0x1  }
0x2ef: {  	v2 =	vadd.s32 v1, v2;
	_ =	sdelay $0x4  }
0x2f0: {  	[tilespmem:s21], [sflag:$0x1] =	stream.indirect_vreg.gather [hbm4b:s2+s3], $0x80, v2, vm0, $0xb8;
	[tilespmem:$0x10100] =	vst v63  }
0x2f1: {  	s0 =	simm.s32 $0x900  }
0x2f2: {  	[tilespmem:s0], [sflag:$0x1] =	stream.indirect_vreg.gather [hbm4b:s4+s3], $0x80, v2, vm0, $0xb8;
	[tilespmem:$0x10100] =	vst v63  }
0x2f3: {  	s0 =	simm.s32 $0x1100  }
0x2f4: {  	[tilespmem:s0], [sflag:$0x1] =	stream.indirect_vreg.gather [hbm4b:s5+s3], $0x80, v2, vm0, $0xb8;
	[tilespmem:$0x10100] =	vst v63  }
0x2f5: {  	s0 =	simm.s32 $0x1900  }
0x2f6: {  	[tilespmem:s0], [sflag:$0x1] =	stream.indirect_vreg.gather [hbm4b:s6+s3], $0x80, v2, vm0, $0xb8;
	[tilespmem:$0x10100] =	vst v63  }
0x2f7: {  	s0 =	simm.s32 $0x2100  }
0x2f8: {  	[tilespmem:s0], [sflag:$0x1] =	stream.indirect_vreg.gather [hbm4b:s7+s3], $0x80, v2, vm0, $0xb8;
	[tilespmem:$0x10100] =	vst v63  }
0x2f9: {  	s0 =	simm.s32 $0x2900  }
0x2fa: {  	[tilespmem:s0], [sflag:$0x1] =	stream.indirect_vreg.gather [hbm4b:s8+s3], $0x80, v2, vm0, $0xb8;
	[tilespmem:$0x10100] =	vst v63  }
0x2fb: {  	s0 =	simm.s32 $0x3100  }
0x2fc: {  	[tilespmem:s0], [sflag:$0x1] =	stream.indirect_vreg.gather [hbm4b:s9+s3], $0x80, v2, vm0, $0xb8;
	[tilespmem:$0x10100] =	vst v63  }
0x2fd: {  	s0 =	simm.s32 $0x3900  }
0x2fe: {  	[tilespmem:s0], [sflag:$0x1] =	stream.indirect_vreg.gather [hbm4b:s10+s3], $0x80, v2, vm0, $0xb8;
	[tilespmem:$0x10100] =	vst v63  }
0x2ff: {  	s0 =	simm.s32 $0x4100  }
0x300: {  	[tilespmem:s0], [sflag:$0x1] =	stream.indirect_vreg.gather [hbm4b:s11+s3], $0x80, v2, vm0, $0xb8;
	[tilespmem:$0x10100] =	vst v63  }
0x301: {  	s0 =	simm.s32 $0x4900  }
0x302: {  	[tilespmem:s0], [sflag:$0x1] =	stream.indirect_vreg.gather [hbm4b:s12+s3], $0x80, v2, vm0, $0xb8;
	[tilespmem:$0x10100] =	vst v63  }
0x303: {  	s0 =	simm.s32 $0x5100  }
0x304: {  	[tilespmem:s0], [sflag:$0x1] =	stream.indirect_vreg.gather [hbm4b:s13+s3], $0x80, v2, vm0, $0xb8;
	[tilespmem:$0x10100] =	vst v63  }
0x305: {  	s0 =	simm.s32 $0x5900  }
0x306: {  	[tilespmem:s0], [sflag:$0x1] =	stream.indirect_vreg.gather [hbm4b:s14+s3], $0x80, v2, vm0, $0xb8;
	[tilespmem:$0x10100] =	vst v63  }
0x307: {  	s0 =	simm.s32 $0x6100  }
0x308: {  	[tilespmem:s0], [sflag:$0x1] =	stream.indirect_vreg.gather [hbm4b:s15+s3], $0x80, v2, vm0, $0xb8;
	[tilespmem:$0x10100] =	vst v63  }
0x309: {  	s0 =	simm.s32 $0x6900  }
0x30a: {  	[tilespmem:s0], [sflag:$0x1] =	stream.indirect_vreg.gather [hbm4b:s16+s3], $0x80, v2, vm0, $0xb8;
	[tilespmem:$0x10100] =	vst v63  }
0x30b: {  	s0 =	simm.s32 $0x7100  }
0x30c: {  	[tilespmem:s0], [sflag:$0x1] =	stream.indirect_vreg.gather [hbm4b:s17+s3], $0x80, v2, vm0, $0xb8;
	[tilespmem:$0x10100] =	vst v63  }
0x30d: {  	s0 =	simm.s32 $0x7900  }
0x30e: {  	[tilespmem:s0], [sflag:$0x1] =	stream.indirect_vreg.gather [hbm4b:s18+s3], $0x80, v2, vm0, $0xb8;
	[tilespmem:$0x10100] =	vst v63  }
0x30f: {  	_ =	swait.ge [sflag:s1], $0x8000  }
0x310: {  	[sflag:s1] =	ssyncset.done $0x0  }
0x311: {  	s0 =	rddreg [dreg:$0x13];
	[sflag:s1] =	ssyncadd.s32 $0xFFFF8000  }
0x312: {  	[hbm4b:s0+s3] =	stream.linear.scatter [tilespmem:s25], [sflag:$0x3], $0x8000, $0x38;
	[tilespmem:$0x10100] =	vst v63  }
0x313: {  	_ =	swait.ge [sflag:s20], $0x8000  }
0x314: {  	[sflag:s20] =	ssyncset.done $0x0  }
0x315: {  	[sflag:s20] =	ssyncadd.s32 $0xFFFF8000  }
0x316: {  	v2 =	vld.msk [tilespmem:$0x88], $0xff;
	_ =	sdelay $0x4  }
0x317: {  	v3 =	vshll.u32 v2, $0x5  }
0x318: {  	v2 =	vand.u32 $0x7, v2;
	v3 =	vand.u32 $0xFFFFFF00, v3  }
0x319: {  	v2 =	vor.u32 v2, v3  }
0x31a: {  	v2 =	vperm.xlane v2, v0;
	_ =	sdelay $0x1  }
0x31b: {  	v2 =	vadd.s32 v1, v2;
	_ =	sdelay $0x4  }
0x31c: {  	[tilespmem:s25], [sflag:$0x2] =	stream.indirect_vreg.gather [hbm4b:s2+s3], $0x80, v2, vm0, $0xb8;
	[tilespmem:$0x10100] =	vst v63  }
0x31d: {  	s0 =	simm.s32 $0x8900  }
0x31e: {  	[tilespmem:s0], [sflag:$0x2] =	stream.indirect_vreg.gather [hbm4b:s4+s3], $0x80, v2, vm0, $0xb8;
	[tilespmem:$0x10100] =	vst v63  }
0x31f: {  	s0 =	simm.s32 $0x9100  }
0x320: {  	[tilespmem:s0], [sflag:$0x2] =	stream.indirect_vreg.gather [hbm4b:s5+s3], $0x80, v2, vm0, $0xb8;
	[tilespmem:$0x10100] =	vst v63  }
0x321: {  	s0 =	simm.s32 $0x9900  }
0x322: {  	[tilespmem:s0], [sflag:$0x2] =	stream.indirect_vreg.gather [hbm4b:s6+s3], $0x80, v2, vm0, $0xb8;
	[tilespmem:$0x10100] =	vst v63  }
0x323: {  	s0 =	simm.s32 $0xA100  }
0x324: {  	[tilespmem:s0], [sflag:$0x2] =	stream.indirect_vreg.gather [hbm4b:s7+s3], $0x80, v2, vm0, $0xb8;
	[tilespmem:$0x10100] =	vst v63  }
0x325: {  	s0 =	simm.s32 $0xA900  }
0x326: {  	[tilespmem:s0], [sflag:$0x2] =	stream.indirect_vreg.gather [hbm4b:s8+s3], $0x80, v2, vm0, $0xb8;
	[tilespmem:$0x10100] =	vst v63  }
0x327: {  	s0 =	simm.s32 $0xB100  }
0x328: {  	[tilespmem:s0], [sflag:$0x2] =	stream.indirect_vreg.gather [hbm4b:s9+s3], $0x80, v2, vm0, $0xb8;
	[tilespmem:$0x10100] =	vst v63  }
0x329: {  	s29 =	simm.s32 $0xB900  }
0x32a: {  	[tilespmem:s29], [sflag:$0x2] =	stream.indirect_vreg.gather [hbm4b:s10+s3], $0x80, v2, vm0, $0xb8;
	[tilespmem:$0x10100] =	vst v63  }
0x32b: {  	s30 =	simm.s32 $0xC100  }
0x32c: {  	[tilespmem:s30], [sflag:$0x2] =	stream.indirect_vreg.gather [hbm4b:s11+s3], $0x80, v2, vm0, $0xb8;
	[tilespmem:$0x10100] =	vst v63  }
0x32d: {  	s28 =	simm.s32 $0xC900  }
0x32e: {  	[tilespmem:s28], [sflag:$0x2] =	stream.indirect_vreg.gather [hbm4b:s12+s3], $0x80, v2, vm0, $0xb8;
	[tilespmem:$0x10100] =	vst v63  }
0x32f: {  	s19 =	simm.s32 $0xD100  }
0x330: {  	[tilespmem:s19], [sflag:$0x2] =	stream.indirect_vreg.gather [hbm4b:s13+s3], $0x80, v2, vm0, $0xb8;
	[tilespmem:$0x10100] =	vst v63  }
0x331: {  	s22 =	simm.s32 $0xD900  }
0x332: {  	[tilespmem:s22], [sflag:$0x2] =	stream.indirect_vreg.gather [hbm4b:s14+s3], $0x80, v2, vm0, $0xb8;
	[tilespmem:$0x10100] =	vst v63  }
0x333: {  	s23 =	simm.s32 $0xE100  }
0x334: {  	[tilespmem:s23], [sflag:$0x2] =	stream.indirect_vreg.gather [hbm4b:s15+s3], $0x80, v2, vm0, $0xb8;
	[tilespmem:$0x10100] =	vst v63  }
0x335: {  	s24 =	simm.s32 $0xE900  }
0x336: {  	[tilespmem:s24], [sflag:$0x2] =	stream.indirect_vreg.gather [hbm4b:s16+s3], $0x80, v2, vm0, $0xb8;
	[tilespmem:$0x10100] =	vst v63  }
0x337: {  	s26 =	simm.s32 $0xF100  }
0x338: {  	[tilespmem:s26], [sflag:$0x2] =	stream.indirect_vreg.gather [hbm4b:s17+s3], $0x80, v2, vm0, $0xb8;
	[tilespmem:$0x10100] =	vst v63  }
0x339: {  	s28 =	simm.s32 $0xF900  }
0x33a: {  	[tilespmem:s28], [sflag:$0x2] =	stream.indirect_vreg.gather [hbm4b:s18+s3], $0x80, v2, vm0, $0xb8;
	[tilespmem:$0x10100] =	vst v63  }
0x33b: {  	_ =	swait.ge [sflag:s31], $0x8000  }
0x33c: {  	[sflag:s31] =	ssyncset.done $0x0  }
0x33d: {  	s0 =	rddreg [dreg:$0x14];
	[sflag:s31] =	ssyncadd.s32 $0xFFFF8000  }
0x33e: {  	[hbm4b:s0+s3] =	stream.linear.scatter [tilespmem:s21], [sflag:$0x3], $0x8000, $0x38;
	[tilespmem:$0x10100] =	vst v63  }
0x33f: {  	_ =	swait.ge [sflag:s20], $0x8000  }
0x340: {  	[sflag:s20] =	ssyncset.done $0x0  }
0x341: {  	[sflag:s20] =	ssyncadd.s32 $0xFFFF8000  }
0x342: {  	v2 =	vld.msk [tilespmem:$0x90], $0xff;
	_ =	sdelay $0x4  }
0x343: {  	v3 =	vshll.u32 v2, $0x5  }
0x344: {  	v2 =	vand.u32 $0x7, v2;
	v3 =	vand.u32 $0xFFFFFF00, v3  }
0x345: {  	v2 =	vor.u32 v2, v3  }
0x346: {  	v2 =	vperm.xlane v2, v0;
	_ =	sdelay $0x1  }
0x347: {  	v2 =	vadd.s32 v1, v2;
	_ =	sdelay $0x4  }
0x348: {  	[tilespmem:s21], [sflag:$0x1] =	stream.indirect_vreg.gather [hbm4b:s2+s3], $0x80, v2, vm0, $0xb8;
	[tilespmem:$0x10100] =	vst v63  }
0x349: {  	s0 =	simm.s32 $0x900  }
0x34a: {  	[tilespmem:s0], [sflag:$0x1] =	stream.indirect_vreg.gather [hbm4b:s4+s3], $0x80, v2, vm0, $0xb8;
	[tilespmem:$0x10100] =	vst v63  }
0x34b: {  	s0 =	simm.s32 $0x1100  }
0x34c: {  	[tilespmem:s0], [sflag:$0x1] =	stream.indirect_vreg.gather [hbm4b:s5+s3], $0x80, v2, vm0, $0xb8;
	[tilespmem:$0x10100] =	vst v63  }
0x34d: {  	s0 =	simm.s32 $0x1900  }
0x34e: {  	[tilespmem:s0], [sflag:$0x1] =	stream.indirect_vreg.gather [hbm4b:s6+s3], $0x80, v2, vm0, $0xb8;
	[tilespmem:$0x10100] =	vst v63  }
0x34f: {  	s0 =	simm.s32 $0x2100  }
0x350: {  	[tilespmem:s0], [sflag:$0x1] =	stream.indirect_vreg.gather [hbm4b:s7+s3], $0x80, v2, vm0, $0xb8;
	[tilespmem:$0x10100] =	vst v63  }
0x351: {  	s0 =	simm.s32 $0x2900  }
0x352: {  	[tilespmem:s0], [sflag:$0x1] =	stream.indirect_vreg.gather [hbm4b:s8+s3], $0x80, v2, vm0, $0xb8;
	[tilespmem:$0x10100] =	vst v63  }
0x353: {  	s0 =	simm.s32 $0x3100  }
0x354: {  	[tilespmem:s0], [sflag:$0x1] =	stream.indirect_vreg.gather [hbm4b:s9+s3], $0x80, v2, vm0, $0xb8;
	[tilespmem:$0x10100] =	vst v63  }
0x355: {  	s0 =	simm.s32 $0x3900  }
0x356: {  	[tilespmem:s0], [sflag:$0x1] =	stream.indirect_vreg.gather [hbm4b:s10+s3], $0x80, v2, vm0, $0xb8;
	[tilespmem:$0x10100] =	vst v63  }
0x357: {  	s0 =	simm.s32 $0x4100  }
0x358: {  	[tilespmem:s0], [sflag:$0x1] =	stream.indirect_vreg.gather [hbm4b:s11+s3], $0x80, v2, vm0, $0xb8;
	[tilespmem:$0x10100] =	vst v63  }
0x359: {  	s0 =	simm.s32 $0x4900  }
0x35a: {  	[tilespmem:s0], [sflag:$0x1] =	stream.indirect_vreg.gather [hbm4b:s12+s3], $0x80, v2, vm0, $0xb8;
	[tilespmem:$0x10100] =	vst v63  }
0x35b: {  	s0 =	simm.s32 $0x5100  }
0x35c: {  	[tilespmem:s0], [sflag:$0x1] =	stream.indirect_vreg.gather [hbm4b:s13+s3], $0x80, v2, vm0, $0xb8;
	[tilespmem:$0x10100] =	vst v63  }
0x35d: {  	s0 =	simm.s32 $0x5900  }
0x35e: {  	[tilespmem:s0], [sflag:$0x1] =	stream.indirect_vreg.gather [hbm4b:s14+s3], $0x80, v2, vm0, $0xb8;
	[tilespmem:$0x10100] =	vst v63  }
0x35f: {  	s0 =	simm.s32 $0x6100  }
0x360: {  	[tilespmem:s0], [sflag:$0x1] =	stream.indirect_vreg.gather [hbm4b:s15+s3], $0x80, v2, vm0, $0xb8;
	[tilespmem:$0x10100] =	vst v63  }
0x361: {  	s0 =	simm.s32 $0x6900  }
0x362: {  	[tilespmem:s0], [sflag:$0x1] =	stream.indirect_vreg.gather [hbm4b:s16+s3], $0x80, v2, vm0, $0xb8;
	[tilespmem:$0x10100] =	vst v63  }
0x363: {  	s0 =	simm.s32 $0x7100  }
0x364: {  	[tilespmem:s0], [sflag:$0x1] =	stream.indirect_vreg.gather [hbm4b:s17+s3], $0x80, v2, vm0, $0xb8;
	[tilespmem:$0x10100] =	vst v63  }
0x365: {  	s0 =	simm.s32 $0x7900  }
0x366: {  	[tilespmem:s0], [sflag:$0x1] =	stream.indirect_vreg.gather [hbm4b:s18+s3], $0x80, v2, vm0, $0xb8;
	[tilespmem:$0x10100] =	vst v63  }
0x367: {  	_ =	swait.ge [sflag:s1], $0x8000  }
0x368: {  	[sflag:s1] =	ssyncset.done $0x0  }
0x369: {  	s0 =	rddreg [dreg:$0x15];
	[sflag:s1] =	ssyncadd.s32 $0xFFFF8000  }
0x36a: {  	[hbm4b:s0+s3] =	stream.linear.scatter [tilespmem:s25], [sflag:$0x3], $0x8000, $0x38;
	[tilespmem:$0x10100] =	vst v63  }
0x36b: {  	_ =	swait.ge [sflag:s20], $0x8000  }
0x36c: {  	[sflag:s20] =	ssyncset.done $0x0  }
0x36d: {  	[sflag:s20] =	ssyncadd.s32 $0xFFFF8000  }
0x36e: {  	v2 =	vld.msk [tilespmem:$0x98], $0xff;
	_ =	sdelay $0x4  }
0x36f: {  	v3 =	vshll.u32 v2, $0x5  }
0x370: {  	v2 =	vand.u32 $0x7, v2;
	v3 =	vand.u32 $0xFFFFFF00, v3  }
0x371: {  	v2 =	vor.u32 v2, v3  }
0x372: {  	v2 =	vperm.xlane v2, v0;
	_ =	sdelay $0x1  }
0x373: {  	v2 =	vadd.s32 v1, v2;
	_ =	sdelay $0x4  }
0x374: {  	[tilespmem:s25], [sflag:$0x2] =	stream.indirect_vreg.gather [hbm4b:s2+s3], $0x80, v2, vm0, $0xb8;
	[tilespmem:$0x10100] =	vst v63  }
0x375: {  	s0 =	simm.s32 $0x8900  }
0x376: {  	[tilespmem:s0], [sflag:$0x2] =	stream.indirect_vreg.gather [hbm4b:s4+s3], $0x80, v2, vm0, $0xb8;
	[tilespmem:$0x10100] =	vst v63  }
0x377: {  	s0 =	simm.s32 $0x9100  }
0x378: {  	[tilespmem:s0], [sflag:$0x2] =	stream.indirect_vreg.gather [hbm4b:s5+s3], $0x80, v2, vm0, $0xb8;
	[tilespmem:$0x10100] =	vst v63  }
0x379: {  	s0 =	simm.s32 $0x9900  }
0x37a: {  	[tilespmem:s0], [sflag:$0x2] =	stream.indirect_vreg.gather [hbm4b:s6+s3], $0x80, v2, vm0, $0xb8;
	[tilespmem:$0x10100] =	vst v63  }
0x37b: {  	s0 =	simm.s32 $0xA100  }
0x37c: {  	[tilespmem:s0], [sflag:$0x2] =	stream.indirect_vreg.gather [hbm4b:s7+s3], $0x80, v2, vm0, $0xb8;
	[tilespmem:$0x10100] =	vst v63  }
0x37d: {  	s0 =	simm.s32 $0xA900  }
0x37e: {  	[tilespmem:s0], [sflag:$0x2] =	stream.indirect_vreg.gather [hbm4b:s8+s3], $0x80, v2, vm0, $0xb8;
	[tilespmem:$0x10100] =	vst v63  }
0x37f: {  	s0 =	simm.s32 $0xB100  }
0x380: {  	[tilespmem:s0], [sflag:$0x2] =	stream.indirect_vreg.gather [hbm4b:s9+s3], $0x80, v2, vm0, $0xb8;
	[tilespmem:$0x10100] =	vst v63  }
0x381: {  	s0 =	simm.s32 $0xB900  }
0x382: {  	[tilespmem:s0], [sflag:$0x2] =	stream.indirect_vreg.gather [hbm4b:s10+s3], $0x80, v2, vm0, $0xb8;
	[tilespmem:$0x10100] =	vst v63  }
0x383: {  	s30 =	simm.s32 $0xC100  }
0x384: {  	[tilespmem:s30], [sflag:$0x2] =	stream.indirect_vreg.gather [hbm4b:s11+s3], $0x80, v2, vm0, $0xb8;
	[tilespmem:$0x10100] =	vst v63  }
0x385: {  	s29 =	simm.s32 $0xC900  }
0x386: {  	[tilespmem:s29], [sflag:$0x2] =	stream.indirect_vreg.gather [hbm4b:s12+s3], $0x80, v2, vm0, $0xb8;
	[tilespmem:$0x10100] =	vst v63  }
0x387: {  	s19 =	simm.s32 $0xD100  }
0x388: {  	[tilespmem:s19], [sflag:$0x2] =	stream.indirect_vreg.gather [hbm4b:s13+s3], $0x80, v2, vm0, $0xb8;
	[tilespmem:$0x10100] =	vst v63  }
0x389: {  	s22 =	simm.s32 $0xD900  }
0x38a: {  	[tilespmem:s22], [sflag:$0x2] =	stream.indirect_vreg.gather [hbm4b:s14+s3], $0x80, v2, vm0, $0xb8;
	[tilespmem:$0x10100] =	vst v63  }
0x38b: {  	s23 =	simm.s32 $0xE100  }
0x38c: {  	[tilespmem:s23], [sflag:$0x2] =	stream.indirect_vreg.gather [hbm4b:s15+s3], $0x80, v2, vm0, $0xb8;
	[tilespmem:$0x10100] =	vst v63  }
0x38d: {  	s24 =	simm.s32 $0xE900  }
0x38e: {  	[tilespmem:s24], [sflag:$0x2] =	stream.indirect_vreg.gather [hbm4b:s16+s3], $0x80, v2, vm0, $0xb8;
	[tilespmem:$0x10100] =	vst v63  }
0x38f: {  	s26 =	simm.s32 $0xF100  }
0x390: {  	[tilespmem:s26], [sflag:$0x2] =	stream.indirect_vreg.gather [hbm4b:s17+s3], $0x80, v2, vm0, $0xb8;
	[tilespmem:$0x10100] =	vst v63  }
0x391: {  	s28 =	simm.s32 $0xF900  }
0x392: {  	[tilespmem:s28], [sflag:$0x2] =	stream.indirect_vreg.gather [hbm4b:s18+s3], $0x80, v2, vm0, $0xb8;
	[tilespmem:$0x10100] =	vst v63  }
0x393: {  	_ =	swait.ge [sflag:s31], $0x8000  }
0x394: {  	[sflag:s31] =	ssyncset.done $0x0  }
0x395: {  	s29 =	rddreg [dreg:$0x16];
	[sflag:s31] =	ssyncadd.s32 $0xFFFF8000  }
0x396: {  	[hbm4b:s29+s3] =	stream.linear.scatter [tilespmem:s21], [sflag:$0x3], $0x8000, $0x38;
	[tilespmem:$0x10100] =	vst v63  }
0x397: {  	_ =	swait.ge [sflag:s20], $0x8000  }
0x398: {  	[sflag:s20] =	ssyncset.done $0x0  }
0x399: {  	[sflag:s20] =	ssyncadd.s32 $0xFFFF8000  }
0x39a: {  	v2 =	vld.msk [tilespmem:$0xA0], $0xff;
	_ =	sdelay $0x4  }
0x39b: {  	v3 =	vshll.u32 v2, $0x5  }
0x39c: {  	v2 =	vand.u32 $0x7, v2;
	v3 =	vand.u32 $0xFFFFFF00, v3  }
0x39d: {  	v2 =	vor.u32 v2, v3  }
0x39e: {  	v2 =	vperm.xlane v2, v0;
	_ =	sdelay $0x1  }
0x39f: {  	v2 =	vadd.s32 v1, v2;
	_ =	sdelay $0x4  }
0x3a0: {  	[tilespmem:s21], [sflag:$0x1] =	stream.indirect_vreg.gather [hbm4b:s2+s3], $0x80, v2, vm0, $0xb8;
	[tilespmem:$0x10100] =	vst v63  }
0x3a1: {  	s29 =	simm.s32 $0x900  }
0x3a2: {  	[tilespmem:s29], [sflag:$0x1] =	stream.indirect_vreg.gather [hbm4b:s4+s3], $0x80, v2, vm0, $0xb8;
	[tilespmem:$0x10100] =	vst v63  }
0x3a3: {  	s29 =	simm.s32 $0x1100  }
0x3a4: {  	[tilespmem:s29], [sflag:$0x1] =	stream.indirect_vreg.gather [hbm4b:s5+s3], $0x80, v2, vm0, $0xb8;
	[tilespmem:$0x10100] =	vst v63  }
0x3a5: {  	s29 =	simm.s32 $0x1900  }
0x3a6: {  	[tilespmem:s29], [sflag:$0x1] =	stream.indirect_vreg.gather [hbm4b:s6+s3], $0x80, v2, vm0, $0xb8;
	[tilespmem:$0x10100] =	vst v63  }
0x3a7: {  	s29 =	simm.s32 $0x2100  }
0x3a8: {  	[tilespmem:s29], [sflag:$0x1] =	stream.indirect_vreg.gather [hbm4b:s7+s3], $0x80, v2, vm0, $0xb8;
	[tilespmem:$0x10100] =	vst v63  }
0x3a9: {  	s29 =	simm.s32 $0x2900  }
0x3aa: {  	[tilespmem:s29], [sflag:$0x1] =	stream.indirect_vreg.gather [hbm4b:s8+s3], $0x80, v2, vm0, $0xb8;
	[tilespmem:$0x10100] =	vst v63  }
0x3ab: {  	s29 =	simm.s32 $0x3100  }
0x3ac: {  	[tilespmem:s29], [sflag:$0x1] =	stream.indirect_vreg.gather [hbm4b:s9+s3], $0x80, v2, vm0, $0xb8;
	[tilespmem:$0x10100] =	vst v63  }
0x3ad: {  	s29 =	simm.s32 $0x3900  }
0x3ae: {  	[tilespmem:s29], [sflag:$0x1] =	stream.indirect_vreg.gather [hbm4b:s10+s3], $0x80, v2, vm0, $0xb8;
	[tilespmem:$0x10100] =	vst v63  }
0x3af: {  	s29 =	simm.s32 $0x4100  }
0x3b0: {  	[tilespmem:s29], [sflag:$0x1] =	stream.indirect_vreg.gather [hbm4b:s11+s3], $0x80, v2, vm0, $0xb8;
	[tilespmem:$0x10100] =	vst v63  }
0x3b1: {  	s29 =	simm.s32 $0x4900  }
0x3b2: {  	[tilespmem:s29], [sflag:$0x1] =	stream.indirect_vreg.gather [hbm4b:s12+s3], $0x80, v2, vm0, $0xb8;
	[tilespmem:$0x10100] =	vst v63  }
0x3b3: {  	s29 =	simm.s32 $0x5100  }
0x3b4: {  	[tilespmem:s29], [sflag:$0x1] =	stream.indirect_vreg.gather [hbm4b:s13+s3], $0x80, v2, vm0, $0xb8;
	[tilespmem:$0x10100] =	vst v63  }
0x3b5: {  	s29 =	simm.s32 $0x5900  }
0x3b6: {  	[tilespmem:s29], [sflag:$0x1] =	stream.indirect_vreg.gather [hbm4b:s14+s3], $0x80, v2, vm0, $0xb8;
	[tilespmem:$0x10100] =	vst v63  }
0x3b7: {  	s29 =	simm.s32 $0x6100  }
0x3b8: {  	[tilespmem:s29], [sflag:$0x1] =	stream.indirect_vreg.gather [hbm4b:s15+s3], $0x80, v2, vm0, $0xb8;
	[tilespmem:$0x10100] =	vst v63  }
0x3b9: {  	s29 =	simm.s32 $0x6900  }
0x3ba: {  	[tilespmem:s29], [sflag:$0x1] =	stream.indirect_vreg.gather [hbm4b:s16+s3], $0x80, v2, vm0, $0xb8;
	[tilespmem:$0x10100] =	vst v63  }
0x3bb: {  	s29 =	simm.s32 $0x7100  }
0x3bc: {  	[tilespmem:s29], [sflag:$0x1] =	stream.indirect_vreg.gather [hbm4b:s17+s3], $0x80, v2, vm0, $0xb8;
	[tilespmem:$0x10100] =	vst v63  }
0x3bd: {  	s29 =	simm.s32 $0x7900  }
0x3be: {  	[tilespmem:s29], [sflag:$0x1] =	stream.indirect_vreg.gather [hbm4b:s18+s3], $0x80, v2, vm0, $0xb8;
	[tilespmem:$0x10100] =	vst v63  }
0x3bf: {  	_ =	swait.ge [sflag:s1], $0x8000  }
0x3c0: {  	[sflag:s1] =	ssyncset.done $0x0  }
0x3c1: {  	s29 =	rddreg [dreg:$0x17];
	[sflag:s1] =	ssyncadd.s32 $0xFFFF8000  }
0x3c2: {  	[hbm4b:s29+s3] =	stream.linear.scatter [tilespmem:s25], [sflag:$0x3], $0x8000, $0x38;
	[tilespmem:$0x10100] =	vst v63  }
0x3c3: {  	_ =	swait.ge [sflag:s20], $0x8000  }
0x3c4: {  	[sflag:s20] =	ssyncset.done $0x0  }
0x3c5: {  	[sflag:s20] =	ssyncadd.s32 $0xFFFF8000  }
0x3c6: {  	v2 =	vld.msk [tilespmem:$0xA8], $0xff;
	_ =	sdelay $0x4  }
0x3c7: {  	v3 =	vshll.u32 v2, $0x5  }
0x3c8: {  	v2 =	vand.u32 $0x7, v2;
	v3 =	vand.u32 $0xFFFFFF00, v3  }
0x3c9: {  	v2 =	vor.u32 v2, v3  }
0x3ca: {  	v2 =	vperm.xlane v2, v0;
	_ =	sdelay $0x1  }
0x3cb: {  	v2 =	vadd.s32 v1, v2;
	_ =	sdelay $0x4  }
0x3cc: {  	[tilespmem:s25], [sflag:$0x2] =	stream.indirect_vreg.gather [hbm4b:s2+s3], $0x80, v2, vm0, $0xb8;
	[tilespmem:$0x10100] =	vst v63  }
0x3cd: {  	s29 =	simm.s32 $0x8900  }
0x3ce: {  	[tilespmem:s29], [sflag:$0x2] =	stream.indirect_vreg.gather [hbm4b:s4+s3], $0x80, v2, vm0, $0xb8;
	[tilespmem:$0x10100] =	vst v63  }
0x3cf: {  	s0 =	simm.s32 $0x9100  }
0x3d0: {  	[tilespmem:s0], [sflag:$0x2] =	stream.indirect_vreg.gather [hbm4b:s5+s3], $0x80, v2, vm0, $0xb8;
	[tilespmem:$0x10100] =	vst v63  }
0x3d1: {  	s0 =	simm.s32 $0x9900  }
0x3d2: {  	[tilespmem:s0], [sflag:$0x2] =	stream.indirect_vreg.gather [hbm4b:s6+s3], $0x80, v2, vm0, $0xb8;
	[tilespmem:$0x10100] =	vst v63  }
0x3d3: {  	s0 =	simm.s32 $0xA100  }
0x3d4: {  	[tilespmem:s0], [sflag:$0x2] =	stream.indirect_vreg.gather [hbm4b:s7+s3], $0x80, v2, vm0, $0xb8;
	[tilespmem:$0x10100] =	vst v63  }
0x3d5: {  	s0 =	simm.s32 $0xA900  }
0x3d6: {  	[tilespmem:s0], [sflag:$0x2] =	stream.indirect_vreg.gather [hbm4b:s8+s3], $0x80, v2, vm0, $0xb8;
	[tilespmem:$0x10100] =	vst v63  }
0x3d7: {  	s0 =	simm.s32 $0xB100  }
0x3d8: {  	[tilespmem:s0], [sflag:$0x2] =	stream.indirect_vreg.gather [hbm4b:s9+s3], $0x80, v2, vm0, $0xb8;
	[tilespmem:$0x10100] =	vst v63  }
0x3d9: {  	s0 =	simm.s32 $0xB900  }
0x3da: {  	[tilespmem:s0], [sflag:$0x2] =	stream.indirect_vreg.gather [hbm4b:s10+s3], $0x80, v2, vm0, $0xb8;
	[tilespmem:$0x10100] =	vst v63  }
0x3db: {  	s0 =	simm.s32 $0xC100  }
0x3dc: {  	[tilespmem:s0], [sflag:$0x2] =	stream.indirect_vreg.gather [hbm4b:s11+s3], $0x80, v2, vm0, $0xb8;
	[tilespmem:$0x10100] =	vst v63  }
0x3dd: {  	s30 =	simm.s32 $0xC900  }
0x3de: {  	[tilespmem:s30], [sflag:$0x2] =	stream.indirect_vreg.gather [hbm4b:s12+s3], $0x80, v2, vm0, $0xb8;
	[tilespmem:$0x10100] =	vst v63  }
0x3df: {  	s19 =	simm.s32 $0xD100  }
0x3e0: {  	[tilespmem:s19], [sflag:$0x2] =	stream.indirect_vreg.gather [hbm4b:s13+s3], $0x80, v2, vm0, $0xb8;
	[tilespmem:$0x10100] =	vst v63  }
0x3e1: {  	s22 =	simm.s32 $0xD900  }
0x3e2: {  	[tilespmem:s22], [sflag:$0x2] =	stream.indirect_vreg.gather [hbm4b:s14+s3], $0x80, v2, vm0, $0xb8;
	[tilespmem:$0x10100] =	vst v63  }
0x3e3: {  	s23 =	simm.s32 $0xE100  }
0x3e4: {  	[tilespmem:s23], [sflag:$0x2] =	stream.indirect_vreg.gather [hbm4b:s15+s3], $0x80, v2, vm0, $0xb8;
	[tilespmem:$0x10100] =	vst v63  }
0x3e5: {  	s24 =	simm.s32 $0xE900  }
0x3e6: {  	[tilespmem:s24], [sflag:$0x2] =	stream.indirect_vreg.gather [hbm4b:s16+s3], $0x80, v2, vm0, $0xb8;
	[tilespmem:$0x10100] =	vst v63  }
0x3e7: {  	s26 =	simm.s32 $0xF100  }
0x3e8: {  	[tilespmem:s26], [sflag:$0x2] =	stream.indirect_vreg.gather [hbm4b:s17+s3], $0x80, v2, vm0, $0xb8;
	[tilespmem:$0x10100] =	vst v63  }
0x3e9: {  	s28 =	simm.s32 $0xF900  }
0x3ea: {  	[tilespmem:s28], [sflag:$0x2] =	stream.indirect_vreg.gather [hbm4b:s18+s3], $0x80, v2, vm0, $0xb8;
	[tilespmem:$0x10100] =	vst v63  }
0x3eb: {  	_ =	swait.ge [sflag:s31], $0x8000  }
0x3ec: {  	[sflag:s31] =	ssyncset.done $0x0  }
0x3ed: {  	s0 =	rddreg [dreg:$0x18];
	[sflag:s31] =	ssyncadd.s32 $0xFFFF8000  }
0x3ee: {  	[hbm4b:s0+s3] =	stream.linear.scatter [tilespmem:s21], [sflag:$0x3], $0x8000, $0x38;
	[tilespmem:$0x10100] =	vst v63  }
0x3ef: {  	_ =	swait.ge [sflag:s20], $0x8000  }
0x3f0: {  	[sflag:s20] =	ssyncset.done $0x0  }
0x3f1: {  	[sflag:s20] =	ssyncadd.s32 $0xFFFF8000  }
0x3f2: {  	v2 =	vld.msk [tilespmem:$0xB0], $0xff;
	_ =	sdelay $0x4  }
0x3f3: {  	v3 =	vshll.u32 v2, $0x5  }
0x3f4: {  	v2 =	vand.u32 $0x7, v2;
	v3 =	vand.u32 $0xFFFFFF00, v3  }
0x3f5: {  	v2 =	vor.u32 v2, v3  }
0x3f6: {  	v2 =	vperm.xlane v2, v0;
	_ =	sdelay $0x1  }
0x3f7: {  	v2 =	vadd.s32 v1, v2;
	_ =	sdelay $0x4  }
0x3f8: {  	[tilespmem:s21], [sflag:$0x1] =	stream.indirect_vreg.gather [hbm4b:s2+s3], $0x80, v2, vm0, $0xb8;
	[tilespmem:$0x10100] =	vst v63  }
0x3f9: {  	s0 =	simm.s32 $0x900  }
0x3fa: {  	[tilespmem:s0], [sflag:$0x1] =	stream.indirect_vreg.gather [hbm4b:s4+s3], $0x80, v2, vm0, $0xb8;
	[tilespmem:$0x10100] =	vst v63  }
0x3fb: {  	s0 =	simm.s32 $0x1100  }
0x3fc: {  	[tilespmem:s0], [sflag:$0x1] =	stream.indirect_vreg.gather [hbm4b:s5+s3], $0x80, v2, vm0, $0xb8;
	[tilespmem:$0x10100] =	vst v63  }
0x3fd: {  	s0 =	simm.s32 $0x1900  }
0x3fe: {  	[tilespmem:s0], [sflag:$0x1] =	stream.indirect_vreg.gather [hbm4b:s6+s3], $0x80, v2, vm0, $0xb8;
	[tilespmem:$0x10100] =	vst v63  }
0x3ff: {  	s0 =	simm.s32 $0x2100  }
0x400: {  	[tilespmem:s0], [sflag:$0x1] =	stream.indirect_vreg.gather [hbm4b:s7+s3], $0x80, v2, vm0, $0xb8;
	[tilespmem:$0x10100] =	vst v63  }
0x401: {  	s0 =	simm.s32 $0x2900  }
0x402: {  	[tilespmem:s0], [sflag:$0x1] =	stream.indirect_vreg.gather [hbm4b:s8+s3], $0x80, v2, vm0, $0xb8;
	[tilespmem:$0x10100] =	vst v63  }
0x403: {  	s0 =	simm.s32 $0x3100  }
0x404: {  	[tilespmem:s0], [sflag:$0x1] =	stream.indirect_vreg.gather [hbm4b:s9+s3], $0x80, v2, vm0, $0xb8;
	[tilespmem:$0x10100] =	vst v63  }
0x405: {  	s0 =	simm.s32 $0x3900  }
0x406: {  	[tilespmem:s0], [sflag:$0x1] =	stream.indirect_vreg.gather [hbm4b:s10+s3], $0x80, v2, vm0, $0xb8;
	[tilespmem:$0x10100] =	vst v63  }
0x407: {  	s0 =	simm.s32 $0x4100  }
0x408: {  	[tilespmem:s0], [sflag:$0x1] =	stream.indirect_vreg.gather [hbm4b:s11+s3], $0x80, v2, vm0, $0xb8;
	[tilespmem:$0x10100] =	vst v63  }
0x409: {  	s0 =	simm.s32 $0x4900  }
0x40a: {  	[tilespmem:s0], [sflag:$0x1] =	stream.indirect_vreg.gather [hbm4b:s12+s3], $0x80, v2, vm0, $0xb8;
	[tilespmem:$0x10100] =	vst v63  }
0x40b: {  	s0 =	simm.s32 $0x5100  }
0x40c: {  	[tilespmem:s0], [sflag:$0x1] =	stream.indirect_vreg.gather [hbm4b:s13+s3], $0x80, v2, vm0, $0xb8;
	[tilespmem:$0x10100] =	vst v63  }
0x40d: {  	s0 =	simm.s32 $0x5900  }
0x40e: {  	[tilespmem:s0], [sflag:$0x1] =	stream.indirect_vreg.gather [hbm4b:s14+s3], $0x80, v2, vm0, $0xb8;
	[tilespmem:$0x10100] =	vst v63  }
0x40f: {  	s0 =	simm.s32 $0x6100  }
0x410: {  	[tilespmem:s0], [sflag:$0x1] =	stream.indirect_vreg.gather [hbm4b:s15+s3], $0x80, v2, vm0, $0xb8;
	[tilespmem:$0x10100] =	vst v63  }
0x411: {  	s0 =	simm.s32 $0x6900  }
0x412: {  	[tilespmem:s0], [sflag:$0x1] =	stream.indirect_vreg.gather [hbm4b:s16+s3], $0x80, v2, vm0, $0xb8;
	[tilespmem:$0x10100] =	vst v63  }
0x413: {  	s0 =	simm.s32 $0x7100  }
0x414: {  	[tilespmem:s0], [sflag:$0x1] =	stream.indirect_vreg.gather [hbm4b:s17+s3], $0x80, v2, vm0, $0xb8;
	[tilespmem:$0x10100] =	vst v63  }
0x415: {  	s0 =	simm.s32 $0x7900  }
0x416: {  	[tilespmem:s0], [sflag:$0x1] =	stream.indirect_vreg.gather [hbm4b:s18+s3], $0x80, v2, vm0, $0xb8;
	[tilespmem:$0x10100] =	vst v63  }
0x417: {  	_ =	swait.ge [sflag:s1], $0x8000  }
0x418: {  	[sflag:s1] =	ssyncset.done $0x0  }
0x419: {  	s0 =	rddreg [dreg:$0x19];
	[sflag:s1] =	ssyncadd.s32 $0xFFFF8000  }
0x41a: {  	[hbm4b:s0+s3] =	stream.linear.scatter [tilespmem:s25], [sflag:$0x3], $0x8000, $0x38;
	[tilespmem:$0x10100] =	vst v63  }
0x41b: {  	_ =	swait.ge [sflag:s20], $0x8000  }
0x41c: {  	[sflag:s20] =	ssyncset.done $0x0  }
0x41d: {  	[sflag:s20] =	ssyncadd.s32 $0xFFFF8000  }
0x41e: {  	v2 =	vld.msk [tilespmem:$0xB8], $0xff;
	_ =	sdelay $0x4  }
0x41f: {  	v3 =	vshll.u32 v2, $0x5  }
0x420: {  	v2 =	vand.u32 $0x7, v2;
	v3 =	vand.u32 $0xFFFFFF00, v3  }
0x421: {  	v2 =	vor.u32 v2, v3  }
0x422: {  	v2 =	vperm.xlane v2, v0;
	_ =	sdelay $0x1  }
0x423: {  	v2 =	vadd.s32 v1, v2;
	_ =	sdelay $0x4  }
0x424: {  	[tilespmem:s25], [sflag:$0x2] =	stream.indirect_vreg.gather [hbm4b:s2+s3], $0x80, v2, vm0, $0xb8;
	[tilespmem:$0x10100] =	vst v63  }
0x425: {  	s29 =	simm.s32 $0x8900  }
0x426: {  	[tilespmem:s29], [sflag:$0x2] =	stream.indirect_vreg.gather [hbm4b:s4+s3], $0x80, v2, vm0, $0xb8;
	[tilespmem:$0x10100] =	vst v63  }
0x427: {  	s0 =	simm.s32 $0x9100  }
0x428: {  	[tilespmem:s0], [sflag:$0x2] =	stream.indirect_vreg.gather [hbm4b:s5+s3], $0x80, v2, vm0, $0xb8;
	[tilespmem:$0x10100] =	vst v63  }
0x429: {  	s0 =	simm.s32 $0x9900  }
0x42a: {  	[tilespmem:s0], [sflag:$0x2] =	stream.indirect_vreg.gather [hbm4b:s6+s3], $0x80, v2, vm0, $0xb8;
	[tilespmem:$0x10100] =	vst v63  }
0x42b: {  	s0 =	simm.s32 $0xA100  }
0x42c: {  	[tilespmem:s0], [sflag:$0x2] =	stream.indirect_vreg.gather [hbm4b:s7+s3], $0x80, v2, vm0, $0xb8;
	[tilespmem:$0x10100] =	vst v63  }
0x42d: {  	s0 =	simm.s32 $0xA900  }
0x42e: {  	[tilespmem:s0], [sflag:$0x2] =	stream.indirect_vreg.gather [hbm4b:s8+s3], $0x80, v2, vm0, $0xb8;
	[tilespmem:$0x10100] =	vst v63  }
0x42f: {  	s0 =	simm.s32 $0xB100  }
0x430: {  	[tilespmem:s0], [sflag:$0x2] =	stream.indirect_vreg.gather [hbm4b:s9+s3], $0x80, v2, vm0, $0xb8;
	[tilespmem:$0x10100] =	vst v63  }
0x431: {  	s0 =	simm.s32 $0xB900  }
0x432: {  	[tilespmem:s0], [sflag:$0x2] =	stream.indirect_vreg.gather [hbm4b:s10+s3], $0x80, v2, vm0, $0xb8;
	[tilespmem:$0x10100] =	vst v63  }
0x433: {  	s0 =	simm.s32 $0xC100  }
0x434: {  	[tilespmem:s0], [sflag:$0x2] =	stream.indirect_vreg.gather [hbm4b:s11+s3], $0x80, v2, vm0, $0xb8;
	[tilespmem:$0x10100] =	vst v63  }
0x435: {  	s30 =	simm.s32 $0xC900  }
0x436: {  	[tilespmem:s30], [sflag:$0x2] =	stream.indirect_vreg.gather [hbm4b:s12+s3], $0x80, v2, vm0, $0xb8;
	[tilespmem:$0x10100] =	vst v63  }
0x437: {  	s19 =	simm.s32 $0xD100  }
0x438: {  	[tilespmem:s19], [sflag:$0x2] =	stream.indirect_vreg.gather [hbm4b:s13+s3], $0x80, v2, vm0, $0xb8;
	[tilespmem:$0x10100] =	vst v63  }
0x439: {  	s22 =	simm.s32 $0xD900  }
0x43a: {  	[tilespmem:s22], [sflag:$0x2] =	stream.indirect_vreg.gather [hbm4b:s14+s3], $0x80, v2, vm0, $0xb8;
	[tilespmem:$0x10100] =	vst v63  }
0x43b: {  	s23 =	simm.s32 $0xE100  }
0x43c: {  	[tilespmem:s23], [sflag:$0x2] =	stream.indirect_vreg.gather [hbm4b:s15+s3], $0x80, v2, vm0, $0xb8;
	[tilespmem:$0x10100] =	vst v63  }
0x43d: {  	s24 =	simm.s32 $0xE900  }
0x43e: {  	[tilespmem:s24], [sflag:$0x2] =	stream.indirect_vreg.gather [hbm4b:s16+s3], $0x80, v2, vm0, $0xb8;
	[tilespmem:$0x10100] =	vst v63  }
0x43f: {  	s26 =	simm.s32 $0xF100  }
0x440: {  	[tilespmem:s26], [sflag:$0x2] =	stream.indirect_vreg.gather [hbm4b:s17+s3], $0x80, v2, vm0, $0xb8;
	[tilespmem:$0x10100] =	vst v63  }
0x441: {  	s28 =	simm.s32 $0xF900  }
0x442: {  	[tilespmem:s28], [sflag:$0x2] =	stream.indirect_vreg.gather [hbm4b:s18+s3], $0x80, v2, vm0, $0xb8;
	[tilespmem:$0x10100] =	vst v63  }
0x443: {  	_ =	swait.ge [sflag:s31], $0x8000  }
0x444: {  	[sflag:s31] =	ssyncset.done $0x0  }
0x445: {  	s0 =	rddreg [dreg:$0x1a];
	[sflag:s31] =	ssyncadd.s32 $0xFFFF8000  }
0x446: {  	[hbm4b:s0+s3] =	stream.linear.scatter [tilespmem:s21], [sflag:$0x3], $0x8000, $0x38;
	[tilespmem:$0x10100] =	vst v63  }
0x447: {  	_ =	swait.ge [sflag:s20], $0x8000  }
0x448: {  	[sflag:s20] =	ssyncset.done $0x0  }
0x449: {  	[sflag:s20] =	ssyncadd.s32 $0xFFFF8000  }
0x44a: {  	v2 =	vld.msk [tilespmem:$0xC0], $0xff;
	_ =	sdelay $0x4  }
0x44b: {  	v3 =	vshll.u32 v2, $0x5  }
0x44c: {  	v2 =	vand.u32 $0x7, v2;
	v3 =	vand.u32 $0xFFFFFF00, v3  }
0x44d: {  	v2 =	vor.u32 v2, v3  }
0x44e: {  	v2 =	vperm.xlane v2, v0;
	_ =	sdelay $0x1  }
0x44f: {  	v2 =	vadd.s32 v1, v2;
	_ =	sdelay $0x4  }
0x450: {  	[tilespmem:s21], [sflag:$0x1] =	stream.indirect_vreg.gather [hbm4b:s2+s3], $0x80, v2, vm0, $0xb8;
	[tilespmem:$0x10100] =	vst v63  }
0x451: {  	s0 =	simm.s32 $0x900  }
0x452: {  	[tilespmem:s0], [sflag:$0x1] =	stream.indirect_vreg.gather [hbm4b:s4+s3], $0x80, v2, vm0, $0xb8;
	[tilespmem:$0x10100] =	vst v63  }
0x453: {  	s0 =	simm.s32 $0x1100  }
0x454: {  	[tilespmem:s0], [sflag:$0x1] =	stream.indirect_vreg.gather [hbm4b:s5+s3], $0x80, v2, vm0, $0xb8;
	[tilespmem:$0x10100] =	vst v63  }
0x455: {  	s0 =	simm.s32 $0x1900  }
0x456: {  	[tilespmem:s0], [sflag:$0x1] =	stream.indirect_vreg.gather [hbm4b:s6+s3], $0x80, v2, vm0, $0xb8;
	[tilespmem:$0x10100] =	vst v63  }
0x457: {  	s0 =	simm.s32 $0x2100  }
0x458: {  	[tilespmem:s0], [sflag:$0x1] =	stream.indirect_vreg.gather [hbm4b:s7+s3], $0x80, v2, vm0, $0xb8;
	[tilespmem:$0x10100] =	vst v63  }
0x459: {  	s0 =	simm.s32 $0x2900  }
0x45a: {  	[tilespmem:s0], [sflag:$0x1] =	stream.indirect_vreg.gather [hbm4b:s8+s3], $0x80, v2, vm0, $0xb8;
	[tilespmem:$0x10100] =	vst v63  }
0x45b: {  	s0 =	simm.s32 $0x3100  }
0x45c: {  	[tilespmem:s0], [sflag:$0x1] =	stream.indirect_vreg.gather [hbm4b:s9+s3], $0x80, v2, vm0, $0xb8;
	[tilespmem:$0x10100] =	vst v63  }
0x45d: {  	s0 =	simm.s32 $0x3900  }
0x45e: {  	[tilespmem:s0], [sflag:$0x1] =	stream.indirect_vreg.gather [hbm4b:s10+s3], $0x80, v2, vm0, $0xb8;
	[tilespmem:$0x10100] =	vst v63  }
0x45f: {  	s0 =	simm.s32 $0x4100  }
0x460: {  	[tilespmem:s0], [sflag:$0x1] =	stream.indirect_vreg.gather [hbm4b:s11+s3], $0x80, v2, vm0, $0xb8;
	[tilespmem:$0x10100] =	vst v63  }
0x461: {  	s0 =	simm.s32 $0x4900  }
0x462: {  	[tilespmem:s0], [sflag:$0x1] =	stream.indirect_vreg.gather [hbm4b:s12+s3], $0x80, v2, vm0, $0xb8;
	[tilespmem:$0x10100] =	vst v63  }
0x463: {  	s0 =	simm.s32 $0x5100  }
0x464: {  	[tilespmem:s0], [sflag:$0x1] =	stream.indirect_vreg.gather [hbm4b:s13+s3], $0x80, v2, vm0, $0xb8;
	[tilespmem:$0x10100] =	vst v63  }
0x465: {  	s0 =	simm.s32 $0x5900  }
0x466: {  	[tilespmem:s0], [sflag:$0x1] =	stream.indirect_vreg.gather [hbm4b:s14+s3], $0x80, v2, vm0, $0xb8;
	[tilespmem:$0x10100] =	vst v63  }
0x467: {  	s0 =	simm.s32 $0x6100  }
0x468: {  	[tilespmem:s0], [sflag:$0x1] =	stream.indirect_vreg.gather [hbm4b:s15+s3], $0x80, v2, vm0, $0xb8;
	[tilespmem:$0x10100] =	vst v63  }
0x469: {  	s0 =	simm.s32 $0x6900  }
0x46a: {  	[tilespmem:s0], [sflag:$0x1] =	stream.indirect_vreg.gather [hbm4b:s16+s3], $0x80, v2, vm0, $0xb8;
	[tilespmem:$0x10100] =	vst v63  }
0x46b: {  	s0 =	simm.s32 $0x7100  }
0x46c: {  	[tilespmem:s0], [sflag:$0x1] =	stream.indirect_vreg.gather [hbm4b:s17+s3], $0x80, v2, vm0, $0xb8;
	[tilespmem:$0x10100] =	vst v63  }
0x46d: {  	s0 =	simm.s32 $0x7900  }
0x46e: {  	[tilespmem:s0], [sflag:$0x1] =	stream.indirect_vreg.gather [hbm4b:s18+s3], $0x80, v2, vm0, $0xb8;
	[tilespmem:$0x10100] =	vst v63  }
0x46f: {  	_ =	swait.ge [sflag:s1], $0x8000  }
0x470: {  	[sflag:s1] =	ssyncset.done $0x0  }
0x471: {  	s0 =	rddreg [dreg:$0x1b];
	[sflag:s1] =	ssyncadd.s32 $0xFFFF8000  }
0x472: {  	[hbm4b:s0+s3] =	stream.linear.scatter [tilespmem:s25], [sflag:$0x3], $0x8000, $0x38;
	[tilespmem:$0x10100] =	vst v63  }
0x473: {  	_ =	swait.ge [sflag:s20], $0x8000  }
0x474: {  	[sflag:s20] =	ssyncset.done $0x0  }
0x475: {  	[sflag:s20] =	ssyncadd.s32 $0xFFFF8000  }
0x476: {  	v2 =	vld.msk [tilespmem:$0xC8], $0xff;
	_ =	sdelay $0x4  }
0x477: {  	v3 =	vshll.u32 v2, $0x5  }
0x478: {  	v2 =	vand.u32 $0x7, v2;
	v3 =	vand.u32 $0xFFFFFF00, v3  }
0x479: {  	v2 =	vor.u32 v2, v3  }
0x47a: {  	v2 =	vperm.xlane v2, v0;
	_ =	sdelay $0x1  }
0x47b: {  	v2 =	vadd.s32 v1, v2;
	_ =	sdelay $0x4  }
0x47c: {  	[tilespmem:s25], [sflag:$0x2] =	stream.indirect_vreg.gather [hbm4b:s2+s3], $0x80, v2, vm0, $0xb8;
	[tilespmem:$0x10100] =	vst v63  }
0x47d: {  	s29 =	simm.s32 $0x8900  }
0x47e: {  	[tilespmem:s29], [sflag:$0x2] =	stream.indirect_vreg.gather [hbm4b:s4+s3], $0x80, v2, vm0, $0xb8;
	[tilespmem:$0x10100] =	vst v63  }
0x47f: {  	s0 =	simm.s32 $0x9100  }
0x480: {  	[tilespmem:s0], [sflag:$0x2] =	stream.indirect_vreg.gather [hbm4b:s5+s3], $0x80, v2, vm0, $0xb8;
	[tilespmem:$0x10100] =	vst v63  }
0x481: {  	s0 =	simm.s32 $0x9900  }
0x482: {  	[tilespmem:s0], [sflag:$0x2] =	stream.indirect_vreg.gather [hbm4b:s6+s3], $0x80, v2, vm0, $0xb8;
	[tilespmem:$0x10100] =	vst v63  }
0x483: {  	s0 =	simm.s32 $0xA100  }
0x484: {  	[tilespmem:s0], [sflag:$0x2] =	stream.indirect_vreg.gather [hbm4b:s7+s3], $0x80, v2, vm0, $0xb8;
	[tilespmem:$0x10100] =	vst v63  }
0x485: {  	s0 =	simm.s32 $0xA900  }
0x486: {  	[tilespmem:s0], [sflag:$0x2] =	stream.indirect_vreg.gather [hbm4b:s8+s3], $0x80, v2, vm0, $0xb8;
	[tilespmem:$0x10100] =	vst v63  }
0x487: {  	s0 =	simm.s32 $0xB100  }
0x488: {  	[tilespmem:s0], [sflag:$0x2] =	stream.indirect_vreg.gather [hbm4b:s9+s3], $0x80, v2, vm0, $0xb8;
	[tilespmem:$0x10100] =	vst v63  }
0x489: {  	s0 =	simm.s32 $0xB900  }
0x48a: {  	[tilespmem:s0], [sflag:$0x2] =	stream.indirect_vreg.gather [hbm4b:s10+s3], $0x80, v2, vm0, $0xb8;
	[tilespmem:$0x10100] =	vst v63  }
0x48b: {  	s0 =	simm.s32 $0xC100  }
0x48c: {  	[tilespmem:s0], [sflag:$0x2] =	stream.indirect_vreg.gather [hbm4b:s11+s3], $0x80, v2, vm0, $0xb8;
	[tilespmem:$0x10100] =	vst v63  }
0x48d: {  	s30 =	simm.s32 $0xC900  }
0x48e: {  	[tilespmem:s30], [sflag:$0x2] =	stream.indirect_vreg.gather [hbm4b:s12+s3], $0x80, v2, vm0, $0xb8;
	[tilespmem:$0x10100] =	vst v63  }
0x48f: {  	s19 =	simm.s32 $0xD100  }
0x490: {  	[tilespmem:s19], [sflag:$0x2] =	stream.indirect_vreg.gather [hbm4b:s13+s3], $0x80, v2, vm0, $0xb8;
	[tilespmem:$0x10100] =	vst v63  }
0x491: {  	s22 =	simm.s32 $0xD900  }
0x492: {  	[tilespmem:s22], [sflag:$0x2] =	stream.indirect_vreg.gather [hbm4b:s14+s3], $0x80, v2, vm0, $0xb8;
	[tilespmem:$0x10100] =	vst v63  }
0x493: {  	s23 =	simm.s32 $0xE100  }
0x494: {  	[tilespmem:s23], [sflag:$0x2] =	stream.indirect_vreg.gather [hbm4b:s15+s3], $0x80, v2, vm0, $0xb8;
	[tilespmem:$0x10100] =	vst v63  }
0x495: {  	s24 =	simm.s32 $0xE900  }
0x496: {  	[tilespmem:s24], [sflag:$0x2] =	stream.indirect_vreg.gather [hbm4b:s16+s3], $0x80, v2, vm0, $0xb8;
	[tilespmem:$0x10100] =	vst v63  }
0x497: {  	s26 =	simm.s32 $0xF100  }
0x498: {  	[tilespmem:s26], [sflag:$0x2] =	stream.indirect_vreg.gather [hbm4b:s17+s3], $0x80, v2, vm0, $0xb8;
	[tilespmem:$0x10100] =	vst v63  }
0x499: {  	s28 =	simm.s32 $0xF900  }
0x49a: {  	[tilespmem:s28], [sflag:$0x2] =	stream.indirect_vreg.gather [hbm4b:s18+s3], $0x80, v2, vm0, $0xb8;
	[tilespmem:$0x10100] =	vst v63  }
0x49b: {  	_ =	swait.ge [sflag:s31], $0x8000  }
0x49c: {  	[sflag:s31] =	ssyncset.done $0x0  }
0x49d: {  	s0 =	rddreg [dreg:$0x1c];
	[sflag:s31] =	ssyncadd.s32 $0xFFFF8000  }
0x49e: {  	[hbm4b:s0+s3] =	stream.linear.scatter [tilespmem:s21], [sflag:$0x3], $0x8000, $0x38;
	[tilespmem:$0x10100] =	vst v63  }
0x49f: {  	_ =	swait.ge [sflag:s20], $0x8000  }
0x4a0: {  	[sflag:s20] =	ssyncset.done $0x0  }
0x4a1: {  	[sflag:s20] =	ssyncadd.s32 $0xFFFF8000  }
0x4a2: {  	v2 =	vld.msk [tilespmem:$0xD0], $0xff;
	_ =	sdelay $0x4  }
0x4a3: {  	v3 =	vshll.u32 v2, $0x5  }
0x4a4: {  	v2 =	vand.u32 $0x7, v2;
	v3 =	vand.u32 $0xFFFFFF00, v3  }
0x4a5: {  	v2 =	vor.u32 v2, v3  }
0x4a6: {  	v2 =	vperm.xlane v2, v0;
	_ =	sdelay $0x1  }
0x4a7: {  	v2 =	vadd.s32 v1, v2;
	_ =	sdelay $0x4  }
0x4a8: {  	[tilespmem:s21], [sflag:$0x1] =	stream.indirect_vreg.gather [hbm4b:s2+s3], $0x80, v2, vm0, $0xb8;
	[tilespmem:$0x10100] =	vst v63  }
0x4a9: {  	s0 =	simm.s32 $0x900  }
0x4aa: {  	[tilespmem:s0], [sflag:$0x1] =	stream.indirect_vreg.gather [hbm4b:s4+s3], $0x80, v2, vm0, $0xb8;
	[tilespmem:$0x10100] =	vst v63  }
0x4ab: {  	s0 =	simm.s32 $0x1100  }
0x4ac: {  	[tilespmem:s0], [sflag:$0x1] =	stream.indirect_vreg.gather [hbm4b:s5+s3], $0x80, v2, vm0, $0xb8;
	[tilespmem:$0x10100] =	vst v63  }
0x4ad: {  	s0 =	simm.s32 $0x1900  }
0x4ae: {  	[tilespmem:s0], [sflag:$0x1] =	stream.indirect_vreg.gather [hbm4b:s6+s3], $0x80, v2, vm0, $0xb8;
	[tilespmem:$0x10100] =	vst v63  }
0x4af: {  	s0 =	simm.s32 $0x2100  }
0x4b0: {  	[tilespmem:s0], [sflag:$0x1] =	stream.indirect_vreg.gather [hbm4b:s7+s3], $0x80, v2, vm0, $0xb8;
	[tilespmem:$0x10100] =	vst v63  }
0x4b1: {  	s0 =	simm.s32 $0x2900  }
0x4b2: {  	[tilespmem:s0], [sflag:$0x1] =	stream.indirect_vreg.gather [hbm4b:s8+s3], $0x80, v2, vm0, $0xb8;
	[tilespmem:$0x10100] =	vst v63  }
0x4b3: {  	s0 =	simm.s32 $0x3100  }
0x4b4: {  	[tilespmem:s0], [sflag:$0x1] =	stream.indirect_vreg.gather [hbm4b:s9+s3], $0x80, v2, vm0, $0xb8;
	[tilespmem:$0x10100] =	vst v63  }
0x4b5: {  	s0 =	simm.s32 $0x3900  }
0x4b6: {  	[tilespmem:s0], [sflag:$0x1] =	stream.indirect_vreg.gather [hbm4b:s10+s3], $0x80, v2, vm0, $0xb8;
	[tilespmem:$0x10100] =	vst v63  }
0x4b7: {  	s0 =	simm.s32 $0x4100  }
0x4b8: {  	[tilespmem:s0], [sflag:$0x1] =	stream.indirect_vreg.gather [hbm4b:s11+s3], $0x80, v2, vm0, $0xb8;
	[tilespmem:$0x10100] =	vst v63  }
0x4b9: {  	s0 =	simm.s32 $0x4900  }
0x4ba: {  	[tilespmem:s0], [sflag:$0x1] =	stream.indirect_vreg.gather [hbm4b:s12+s3], $0x80, v2, vm0, $0xb8;
	[tilespmem:$0x10100] =	vst v63  }
0x4bb: {  	s0 =	simm.s32 $0x5100  }
0x4bc: {  	[tilespmem:s0], [sflag:$0x1] =	stream.indirect_vreg.gather [hbm4b:s13+s3], $0x80, v2, vm0, $0xb8;
	[tilespmem:$0x10100] =	vst v63  }
0x4bd: {  	s0 =	simm.s32 $0x5900  }
0x4be: {  	[tilespmem:s0], [sflag:$0x1] =	stream.indirect_vreg.gather [hbm4b:s14+s3], $0x80, v2, vm0, $0xb8;
	[tilespmem:$0x10100] =	vst v63  }
0x4bf: {  	s0 =	simm.s32 $0x6100  }
0x4c0: {  	[tilespmem:s0], [sflag:$0x1] =	stream.indirect_vreg.gather [hbm4b:s15+s3], $0x80, v2, vm0, $0xb8;
	[tilespmem:$0x10100] =	vst v63  }
0x4c1: {  	s0 =	simm.s32 $0x6900  }
0x4c2: {  	[tilespmem:s0], [sflag:$0x1] =	stream.indirect_vreg.gather [hbm4b:s16+s3], $0x80, v2, vm0, $0xb8;
	[tilespmem:$0x10100] =	vst v63  }
0x4c3: {  	s0 =	simm.s32 $0x7100  }
0x4c4: {  	[tilespmem:s0], [sflag:$0x1] =	stream.indirect_vreg.gather [hbm4b:s17+s3], $0x80, v2, vm0, $0xb8;
	[tilespmem:$0x10100] =	vst v63  }
0x4c5: {  	s0 =	simm.s32 $0x7900  }
0x4c6: {  	[tilespmem:s0], [sflag:$0x1] =	stream.indirect_vreg.gather [hbm4b:s18+s3], $0x80, v2, vm0, $0xb8;
	[tilespmem:$0x10100] =	vst v63  }
0x4c7: {  	_ =	swait.ge [sflag:s1], $0x8000  }
0x4c8: {  	[sflag:s1] =	ssyncset.done $0x0  }
0x4c9: {  	s0 =	rddreg [dreg:$0x1d];
	[sflag:s1] =	ssyncadd.s32 $0xFFFF8000  }
0x4ca: {  	[hbm4b:s0+s3] =	stream.linear.scatter [tilespmem:s25], [sflag:$0x3], $0x8000, $0x38;
	[tilespmem:$0x10100] =	vst v63  }
0x4cb: {  	_ =	swait.ge [sflag:s20], $0x8000  }
0x4cc: {  	[sflag:s20] =	ssyncset.done $0x0  }
0x4cd: {  	[sflag:s20] =	ssyncadd.s32 $0xFFFF8000  }
0x4ce: {  	v2 =	vld.msk [tilespmem:$0xD8], $0xff;
	_ =	sdelay $0x4  }
0x4cf: {  	v3 =	vshll.u32 v2, $0x5  }
0x4d0: {  	v2 =	vand.u32 $0x7, v2;
	v3 =	vand.u32 $0xFFFFFF00, v3  }
0x4d1: {  	v2 =	vor.u32 v2, v3  }
0x4d2: {  	v2 =	vperm.xlane v2, v0;
	_ =	sdelay $0x1  }
0x4d3: {  	v2 =	vadd.s32 v1, v2;
	_ =	sdelay $0x4  }
0x4d4: {  	[tilespmem:s25], [sflag:$0x2] =	stream.indirect_vreg.gather [hbm4b:s2+s3], $0x80, v2, vm0, $0xb8;
	[tilespmem:$0x10100] =	vst v63  }
0x4d5: {  	s29 =	simm.s32 $0x8900  }
0x4d6: {  	[tilespmem:s29], [sflag:$0x2] =	stream.indirect_vreg.gather [hbm4b:s4+s3], $0x80, v2, vm0, $0xb8;
	[tilespmem:$0x10100] =	vst v63  }
0x4d7: {  	s0 =	simm.s32 $0x9100  }
0x4d8: {  	[tilespmem:s0], [sflag:$0x2] =	stream.indirect_vreg.gather [hbm4b:s5+s3], $0x80, v2, vm0, $0xb8;
	[tilespmem:$0x10100] =	vst v63  }
0x4d9: {  	s0 =	simm.s32 $0x9900  }
0x4da: {  	[tilespmem:s0], [sflag:$0x2] =	stream.indirect_vreg.gather [hbm4b:s6+s3], $0x80, v2, vm0, $0xb8;
	[tilespmem:$0x10100] =	vst v63  }
0x4db: {  	s0 =	simm.s32 $0xA100  }
0x4dc: {  	[tilespmem:s0], [sflag:$0x2] =	stream.indirect_vreg.gather [hbm4b:s7+s3], $0x80, v2, vm0, $0xb8;
	[tilespmem:$0x10100] =	vst v63  }
0x4dd: {  	s0 =	simm.s32 $0xA900  }
0x4de: {  	[tilespmem:s0], [sflag:$0x2] =	stream.indirect_vreg.gather [hbm4b:s8+s3], $0x80, v2, vm0, $0xb8;
	[tilespmem:$0x10100] =	vst v63  }
0x4df: {  	s0 =	simm.s32 $0xB100  }
0x4e0: {  	[tilespmem:s0], [sflag:$0x2] =	stream.indirect_vreg.gather [hbm4b:s9+s3], $0x80, v2, vm0, $0xb8;
	[tilespmem:$0x10100] =	vst v63  }
0x4e1: {  	s0 =	simm.s32 $0xB900  }
0x4e2: {  	[tilespmem:s0], [sflag:$0x2] =	stream.indirect_vreg.gather [hbm4b:s10+s3], $0x80, v2, vm0, $0xb8;
	[tilespmem:$0x10100] =	vst v63  }
0x4e3: {  	s0 =	simm.s32 $0xC100  }
0x4e4: {  	[tilespmem:s0], [sflag:$0x2] =	stream.indirect_vreg.gather [hbm4b:s11+s3], $0x80, v2, vm0, $0xb8;
	[tilespmem:$0x10100] =	vst v63  }
0x4e5: {  	s30 =	simm.s32 $0xC900  }
0x4e6: {  	[tilespmem:s30], [sflag:$0x2] =	stream.indirect_vreg.gather [hbm4b:s12+s3], $0x80, v2, vm0, $0xb8;
	[tilespmem:$0x10100] =	vst v63  }
0x4e7: {  	s19 =	simm.s32 $0xD100  }
0x4e8: {  	[tilespmem:s19], [sflag:$0x2] =	stream.indirect_vreg.gather [hbm4b:s13+s3], $0x80, v2, vm0, $0xb8;
	[tilespmem:$0x10100] =	vst v63  }
0x4e9: {  	s22 =	simm.s32 $0xD900  }
0x4ea: {  	[tilespmem:s22], [sflag:$0x2] =	stream.indirect_vreg.gather [hbm4b:s14+s3], $0x80, v2, vm0, $0xb8;
	[tilespmem:$0x10100] =	vst v63  }
0x4eb: {  	s23 =	simm.s32 $0xE100  }
0x4ec: {  	[tilespmem:s23], [sflag:$0x2] =	stream.indirect_vreg.gather [hbm4b:s15+s3], $0x80, v2, vm0, $0xb8;
	[tilespmem:$0x10100] =	vst v63  }
0x4ed: {  	s24 =	simm.s32 $0xE900  }
0x4ee: {  	[tilespmem:s24], [sflag:$0x2] =	stream.indirect_vreg.gather [hbm4b:s16+s3], $0x80, v2, vm0, $0xb8;
	[tilespmem:$0x10100] =	vst v63  }
0x4ef: {  	s26 =	simm.s32 $0xF100  }
0x4f0: {  	[tilespmem:s26], [sflag:$0x2] =	stream.indirect_vreg.gather [hbm4b:s17+s3], $0x80, v2, vm0, $0xb8;
	[tilespmem:$0x10100] =	vst v63  }
0x4f1: {  	s28 =	simm.s32 $0xF900  }
0x4f2: {  	[tilespmem:s28], [sflag:$0x2] =	stream.indirect_vreg.gather [hbm4b:s18+s3], $0x80, v2, vm0, $0xb8;
	[tilespmem:$0x10100] =	vst v63  }
0x4f3: {  	_ =	swait.ge [sflag:s31], $0x8000  }
0x4f4: {  	[sflag:s31] =	ssyncset.done $0x0  }
0x4f5: {  	s24 =	rddreg [dreg:$0x1e];
	[sflag:s31] =	ssyncadd.s32 $0xFFFF8000  }
0x4f6: {  	[hbm4b:s24+s3] =	stream.linear.scatter [tilespmem:s21], [sflag:$0x3], $0x8000, $0x38;
	[tilespmem:$0x10100] =	vst v63  }
0x4f7: {  	_ =	swait.ge [sflag:s20], $0x8000  }
0x4f8: {  	[sflag:s20] =	ssyncset.done $0x0  }
0x4f9: {  	[sflag:s20] =	ssyncadd.s32 $0xFFFF8000  }
0x4fa: {  	v2 =	vld.msk [tilespmem:$0xE0], $0xff;
	_ =	sdelay $0x4  }
0x4fb: {  	v3 =	vshll.u32 v2, $0x5  }
0x4fc: {  	v2 =	vand.u32 $0x7, v2;
	v3 =	vand.u32 $0xFFFFFF00, v3  }
0x4fd: {  	v2 =	vor.u32 v2, v3  }
0x4fe: {  	v2 =	vperm.xlane v2, v0;
	_ =	sdelay $0x1  }
0x4ff: {  	v2 =	vadd.s32 v1, v2;
	_ =	sdelay $0x4  }
0x500: {  	[tilespmem:s21], [sflag:$0x1] =	stream.indirect_vreg.gather [hbm4b:s2+s3], $0x80, v2, vm0, $0xb8;
	[tilespmem:$0x10100] =	vst v63  }
0x501: {  	s26 =	simm.s32 $0x900  }
0x502: {  	[tilespmem:s26], [sflag:$0x1] =	stream.indirect_vreg.gather [hbm4b:s4+s3], $0x80, v2, vm0, $0xb8;
	[tilespmem:$0x10100] =	vst v63  }
0x503: {  	s28 =	simm.s32 $0x1100  }
0x504: {  	[tilespmem:s28], [sflag:$0x1] =	stream.indirect_vreg.gather [hbm4b:s5+s3], $0x80, v2, vm0, $0xb8;
	[tilespmem:$0x10100] =	vst v63  }
0x505: {  	s30 =	simm.s32 $0x1900  }
0x506: {  	[tilespmem:s30], [sflag:$0x1] =	stream.indirect_vreg.gather [hbm4b:s6+s3], $0x80, v2, vm0, $0xb8;
	[tilespmem:$0x10100] =	vst v63  }
0x507: {  	s19 =	simm.s32 $0x2100  }
0x508: {  	[tilespmem:s19], [sflag:$0x1] =	stream.indirect_vreg.gather [hbm4b:s7+s3], $0x80, v2, vm0, $0xb8;
	[tilespmem:$0x10100] =	vst v63  }
0x509: {  	s22 =	simm.s32 $0x2900  }
0x50a: {  	[tilespmem:s22], [sflag:$0x1] =	stream.indirect_vreg.gather [hbm4b:s8+s3], $0x80, v2, vm0, $0xb8;
	[tilespmem:$0x10100] =	vst v63  }
0x50b: {  	s23 =	simm.s32 $0x3100  }
0x50c: {  	[tilespmem:s23], [sflag:$0x1] =	stream.indirect_vreg.gather [hbm4b:s9+s3], $0x80, v2, vm0, $0xb8;
	[tilespmem:$0x10100] =	vst v63  }
0x50d: {  	s24 =	simm.s32 $0x3900  }
0x50e: {  	[tilespmem:s24], [sflag:$0x1] =	stream.indirect_vreg.gather [hbm4b:s10+s3], $0x80, v2, vm0, $0xb8;
	[tilespmem:$0x10100] =	vst v63  }
0x50f: {  	s26 =	simm.s32 $0x4100  }
0x510: {  	[tilespmem:s26], [sflag:$0x1] =	stream.indirect_vreg.gather [hbm4b:s11+s3], $0x80, v2, vm0, $0xb8;
	[tilespmem:$0x10100] =	vst v63  }
0x511: {  	s28 =	simm.s32 $0x4900  }
0x512: {  	[tilespmem:s28], [sflag:$0x1] =	stream.indirect_vreg.gather [hbm4b:s12+s3], $0x80, v2, vm0, $0xb8;
	[tilespmem:$0x10100] =	vst v63  }
0x513: {  	s30 =	simm.s32 $0x5100  }
0x514: {  	[tilespmem:s30], [sflag:$0x1] =	stream.indirect_vreg.gather [hbm4b:s13+s3], $0x80, v2, vm0, $0xb8;
	[tilespmem:$0x10100] =	vst v63  }
0x515: {  	s19 =	simm.s32 $0x5900  }
0x516: {  	[tilespmem:s19], [sflag:$0x1] =	stream.indirect_vreg.gather [hbm4b:s14+s3], $0x80, v2, vm0, $0xb8;
	[tilespmem:$0x10100] =	vst v63  }
0x517: {  	s22 =	simm.s32 $0x6100  }
0x518: {  	[tilespmem:s22], [sflag:$0x1] =	stream.indirect_vreg.gather [hbm4b:s15+s3], $0x80, v2, vm0, $0xb8;
	[tilespmem:$0x10100] =	vst v63  }
0x519: {  	s23 =	simm.s32 $0x6900  }
0x51a: {  	[tilespmem:s23], [sflag:$0x1] =	stream.indirect_vreg.gather [hbm4b:s16+s3], $0x80, v2, vm0, $0xb8;
	[tilespmem:$0x10100] =	vst v63  }
0x51b: {  	s24 =	simm.s32 $0x7100  }
0x51c: {  	[tilespmem:s24], [sflag:$0x1] =	stream.indirect_vreg.gather [hbm4b:s17+s3], $0x80, v2, vm0, $0xb8;
	[tilespmem:$0x10100] =	vst v63  }
0x51d: {  	s26 =	simm.s32 $0x7900  }
0x51e: {  	[tilespmem:s26], [sflag:$0x1] =	stream.indirect_vreg.gather [hbm4b:s18+s3], $0x80, v2, vm0, $0xb8;
	[tilespmem:$0x10100] =	vst v63  }
0x51f: {  	_ =	swait.ge [sflag:s1], $0x8000  }
0x520: {  	[sflag:s1] =	ssyncset.done $0x0  }
0x521: {  	s28 =	rddreg [dreg:$0x1f];
	[sflag:s1] =	ssyncadd.s32 $0xFFFF8000  }
0x522: {  	[hbm4b:s28+s3] =	stream.linear.scatter [tilespmem:s25], [sflag:$0x3], $0x8000, $0x38;
	[tilespmem:$0x10100] =	vst v63  }
0x523: {  	_ =	swait.ge [sflag:s20], $0x8000  }
0x524: {  	[sflag:s20] =	ssyncset.done $0x0  }
0x525: {  	[sflag:s20] =	ssyncadd.s32 $0xFFFF8000  }
0x526: {  	v2 =	vld.msk [tilespmem:$0xE8], $0xff;
	_ =	sdelay $0x4  }
0x527: {  	v3 =	vshll.u32 v2, $0x5  }
0x528: {  	v2 =	vand.u32 $0x7, v2;
	v3 =	vand.u32 $0xFFFFFF00, v3  }
0x529: {  	v2 =	vor.u32 v2, v3  }
0x52a: {  	v2 =	vperm.xlane v2, v0;
	_ =	sdelay $0x1  }
0x52b: {  	v2 =	vadd.s32 v1, v2;
	_ =	sdelay $0x4  }
0x52c: {  	[tilespmem:s25], [sflag:$0x2] =	stream.indirect_vreg.gather [hbm4b:s2+s3], $0x80, v2, vm0, $0xb8;
	[tilespmem:$0x10100] =	vst v63  }
0x52d: {  	s29 =	simm.s32 $0x8900  }
0x52e: {  	[tilespmem:s29], [sflag:$0x2] =	stream.indirect_vreg.gather [hbm4b:s4+s3], $0x80, v2, vm0, $0xb8;
	[tilespmem:$0x10100] =	vst v63  }
0x52f: {  	s30 =	simm.s32 $0x9100  }
0x530: {  	[tilespmem:s30], [sflag:$0x2] =	stream.indirect_vreg.gather [hbm4b:s5+s3], $0x80, v2, vm0, $0xb8;
	[tilespmem:$0x10100] =	vst v63  }
0x531: {  	s19 =	simm.s32 $0x9900  }
0x532: {  	[tilespmem:s19], [sflag:$0x2] =	stream.indirect_vreg.gather [hbm4b:s6+s3], $0x80, v2, vm0, $0xb8;
	[tilespmem:$0x10100] =	vst v63  }
0x533: {  	s22 =	simm.s32 $0xA100  }
0x534: {  	[tilespmem:s22], [sflag:$0x2] =	stream.indirect_vreg.gather [hbm4b:s7+s3], $0x80, v2, vm0, $0xb8;
	[tilespmem:$0x10100] =	vst v63  }
0x535: {  	s23 =	simm.s32 $0xA900  }
0x536: {  	[tilespmem:s23], [sflag:$0x2] =	stream.indirect_vreg.gather [hbm4b:s8+s3], $0x80, v2, vm0, $0xb8;
	[tilespmem:$0x10100] =	vst v63  }
0x537: {  	s24 =	simm.s32 $0xB100  }
0x538: {  	[tilespmem:s24], [sflag:$0x2] =	stream.indirect_vreg.gather [hbm4b:s9+s3], $0x80, v2, vm0, $0xb8;
	[tilespmem:$0x10100] =	vst v63  }
0x539: {  	s26 =	simm.s32 $0xB900  }
0x53a: {  	[tilespmem:s26], [sflag:$0x2] =	stream.indirect_vreg.gather [hbm4b:s10+s3], $0x80, v2, vm0, $0xb8;
	[tilespmem:$0x10100] =	vst v63  }
0x53b: {  	s30 =	simm.s32 $0xC100  }
0x53c: {  	[tilespmem:s30], [sflag:$0x2] =	stream.indirect_vreg.gather [hbm4b:s11+s3], $0x80, v2, vm0, $0xb8;
	[tilespmem:$0x10100] =	vst v63  }
0x53d: {  	s0 =	simm.s32 $0xC900  }
0x53e: {  	[tilespmem:s0], [sflag:$0x2] =	stream.indirect_vreg.gather [hbm4b:s12+s3], $0x80, v2, vm0, $0xb8;
	[tilespmem:$0x10100] =	vst v63  }
0x53f: {  	s0 =	simm.s32 $0xD100  }
0x540: {  	[tilespmem:s0], [sflag:$0x2] =	stream.indirect_vreg.gather [hbm4b:s13+s3], $0x80, v2, vm0, $0xb8;
	[tilespmem:$0x10100] =	vst v63  }
0x541: {  	s0 =	simm.s32 $0xD900  }
0x542: {  	[tilespmem:s0], [sflag:$0x2] =	stream.indirect_vreg.gather [hbm4b:s14+s3], $0x80, v2, vm0, $0xb8;
	[tilespmem:$0x10100] =	vst v63  }
0x543: {  	s0 =	simm.s32 $0xE100  }
0x544: {  	[tilespmem:s0], [sflag:$0x2] =	stream.indirect_vreg.gather [hbm4b:s15+s3], $0x80, v2, vm0, $0xb8;
	[tilespmem:$0x10100] =	vst v63  }
0x545: {  	s0 =	simm.s32 $0xE900  }
0x546: {  	[tilespmem:s0], [sflag:$0x2] =	stream.indirect_vreg.gather [hbm4b:s16+s3], $0x80, v2, vm0, $0xb8;
	[tilespmem:$0x10100] =	vst v63  }
0x547: {  	s0 =	simm.s32 $0xF100  }
0x548: {  	[tilespmem:s0], [sflag:$0x2] =	stream.indirect_vreg.gather [hbm4b:s17+s3], $0x80, v2, vm0, $0xb8;
	[tilespmem:$0x10100] =	vst v63  }
0x549: {  	s0 =	simm.s32 $0xF900  }
0x54a: {  	[tilespmem:s0], [sflag:$0x2] =	stream.indirect_vreg.gather [hbm4b:s18+s3], $0x80, v2, vm0, $0xb8;
	[tilespmem:$0x10100] =	vst v63  }
0x54b: {  	_ =	swait.ge [sflag:s31], $0x8000  }
0x54c: {  	s0 =	sld [smem:$0x7FA]  }
0x54d: {  	[sflag:s31] =	ssyncset.done $0x0  }
0x54e: {  	[sflag:s31] =	ssyncadd.s32 $0xFFFF8000  }
0x54f: {  	[hbm4b:s0+s3] =	stream.linear.scatter [tilespmem:s21], [sflag:$0x3], $0x8000, $0x38;
	[tilespmem:$0x10100] =	vst v63  }
0x550: {  	_ =	swait.ge [sflag:s20], $0x8000  }
0x551: {  	[sflag:s20] =	ssyncset.done $0x0  }
0x552: {  	[sflag:s20] =	ssyncadd.s32 $0xFFFF8000  }
0x553: {  	v2 =	vld.msk [tilespmem:$0xF0], $0xff;
	_ =	sdelay $0x4  }
0x554: {  	v3 =	vshll.u32 v2, $0x5  }
0x555: {  	v2 =	vand.u32 $0x7, v2;
	v3 =	vand.u32 $0xFFFFFF00, v3  }
0x556: {  	v2 =	vor.u32 v2, v3  }
0x557: {  	v2 =	vperm.xlane v2, v0;
	_ =	sdelay $0x1  }
0x558: {  	v2 =	vadd.s32 v1, v2;
	_ =	sdelay $0x4  }
0x559: {  	[tilespmem:s21], [sflag:$0x1] =	stream.indirect_vreg.gather [hbm4b:s2+s3], $0x80, v2, vm0, $0xb8;
	[tilespmem:$0x10100] =	vst v63  }
0x55a: {  	s0 =	simm.s32 $0x900  }
0x55b: {  	[tilespmem:s0], [sflag:$0x1] =	stream.indirect_vreg.gather [hbm4b:s4+s3], $0x80, v2, vm0, $0xb8;
	[tilespmem:$0x10100] =	vst v63  }
0x55c: {  	s0 =	simm.s32 $0x1100  }
0x55d: {  	[tilespmem:s0], [sflag:$0x1] =	stream.indirect_vreg.gather [hbm4b:s5+s3], $0x80, v2, vm0, $0xb8;
	[tilespmem:$0x10100] =	vst v63  }
0x55e: {  	s0 =	simm.s32 $0x1900  }
0x55f: {  	[tilespmem:s0], [sflag:$0x1] =	stream.indirect_vreg.gather [hbm4b:s6+s3], $0x80, v2, vm0, $0xb8;
	[tilespmem:$0x10100] =	vst v63  }
0x560: {  	s0 =	simm.s32 $0x2100  }
0x561: {  	[tilespmem:s0], [sflag:$0x1] =	stream.indirect_vreg.gather [hbm4b:s7+s3], $0x80, v2, vm0, $0xb8;
	[tilespmem:$0x10100] =	vst v63  }
0x562: {  	s0 =	simm.s32 $0x2900  }
0x563: {  	[tilespmem:s0], [sflag:$0x1] =	stream.indirect_vreg.gather [hbm4b:s8+s3], $0x80, v2, vm0, $0xb8;
	[tilespmem:$0x10100] =	vst v63  }
0x564: {  	s0 =	simm.s32 $0x3100  }
0x565: {  	[tilespmem:s0], [sflag:$0x1] =	stream.indirect_vreg.gather [hbm4b:s9+s3], $0x80, v2, vm0, $0xb8;
	[tilespmem:$0x10100] =	vst v63  }
0x566: {  	s0 =	simm.s32 $0x3900  }
0x567: {  	[tilespmem:s0], [sflag:$0x1] =	stream.indirect_vreg.gather [hbm4b:s10+s3], $0x80, v2, vm0, $0xb8;
	[tilespmem:$0x10100] =	vst v63  }
0x568: {  	s0 =	simm.s32 $0x4100  }
0x569: {  	[tilespmem:s0], [sflag:$0x1] =	stream.indirect_vreg.gather [hbm4b:s11+s3], $0x80, v2, vm0, $0xb8;
	[tilespmem:$0x10100] =	vst v63  }
0x56a: {  	s0 =	simm.s32 $0x4900  }
0x56b: {  	[tilespmem:s0], [sflag:$0x1] =	stream.indirect_vreg.gather [hbm4b:s12+s3], $0x80, v2, vm0, $0xb8;
	[tilespmem:$0x10100] =	vst v63  }
0x56c: {  	s0 =	simm.s32 $0x5100  }
0x56d: {  	[tilespmem:s0], [sflag:$0x1] =	stream.indirect_vreg.gather [hbm4b:s13+s3], $0x80, v2, vm0, $0xb8;
	[tilespmem:$0x10100] =	vst v63  }
0x56e: {  	s0 =	simm.s32 $0x5900  }
0x56f: {  	[tilespmem:s0], [sflag:$0x1] =	stream.indirect_vreg.gather [hbm4b:s14+s3], $0x80, v2, vm0, $0xb8;
	[tilespmem:$0x10100] =	vst v63  }
0x570: {  	s0 =	simm.s32 $0x6100  }
0x571: {  	[tilespmem:s0], [sflag:$0x1] =	stream.indirect_vreg.gather [hbm4b:s15+s3], $0x80, v2, vm0, $0xb8;
	[tilespmem:$0x10100] =	vst v63  }
0x572: {  	s0 =	simm.s32 $0x6900  }
0x573: {  	[tilespmem:s0], [sflag:$0x1] =	stream.indirect_vreg.gather [hbm4b:s16+s3], $0x80, v2, vm0, $0xb8;
	[tilespmem:$0x10100] =	vst v63  }
0x574: {  	s0 =	simm.s32 $0x7100  }
0x575: {  	[tilespmem:s0], [sflag:$0x1] =	stream.indirect_vreg.gather [hbm4b:s17+s3], $0x80, v2, vm0, $0xb8;
	[tilespmem:$0x10100] =	vst v63  }
0x576: {  	s0 =	simm.s32 $0x7900  }
0x577: {  	[tilespmem:s0], [sflag:$0x1] =	stream.indirect_vreg.gather [hbm4b:s18+s3], $0x80, v2, vm0, $0xb8;
	[tilespmem:$0x10100] =	vst v63  }
0x578: {  	_ =	swait.ge [sflag:s1], $0x8000  }
0x579: {  	s0 =	sld [smem:$0x7FB]  }
0x57a: {  	[sflag:s1] =	ssyncset.done $0x0  }
0x57b: {  	[sflag:s1] =	ssyncadd.s32 $0xFFFF8000  }
0x57c: {  	[hbm4b:s0+s3] =	stream.linear.scatter [tilespmem:s25], [sflag:$0x3], $0x8000, $0x38;
	[tilespmem:$0x10100] =	vst v63  }
0x57d: {  	_ =	swait.ge [sflag:s20], $0x8000  }
0x57e: {  	[sflag:s20] =	ssyncset.done $0x0  }
0x57f: {  	[sflag:s20] =	ssyncadd.s32 $0xFFFF8000  }
0x580: {  	v2 =	vld.msk [tilespmem:$0xF8], $0xff;
	_ =	sdelay $0x4  }
0x581: {  	v3 =	vshll.u32 v2, $0x5  }
0x582: {  	v2 =	vand.u32 $0x7, v2;
	v3 =	vand.u32 $0xFFFFFF00, v3  }
0x583: {  	v2 =	vor.u32 v2, v3  }
0x584: {  	v2 =	vperm.xlane v2, v0;
	_ =	sdelay $0x1  }
0x585: {  	v2 =	vadd.s32 v1, v2;
	_ =	sdelay $0x4  }
0x586: {  	[tilespmem:s25], [sflag:$0x2] =	stream.indirect_vreg.gather [hbm4b:s2+s3], $0x80, v2, vm0, $0xb8;
	[tilespmem:$0x10100] =	vst v63  }
0x587: {  	s28 =	simm.s32 $0x8900  }
0x588: {  	[tilespmem:s28], [sflag:$0x2] =	stream.indirect_vreg.gather [hbm4b:s4+s3], $0x80, v2, vm0, $0xb8;
	[tilespmem:$0x10100] =	vst v63  }
0x589: {  	s29 =	simm.s32 $0x9100  }
0x58a: {  	[tilespmem:s29], [sflag:$0x2] =	stream.indirect_vreg.gather [hbm4b:s5+s3], $0x80, v2, vm0, $0xb8;
	[tilespmem:$0x10100] =	vst v63  }
0x58b: {  	s19 =	simm.s32 $0x9900  }
0x58c: {  	[tilespmem:s19], [sflag:$0x2] =	stream.indirect_vreg.gather [hbm4b:s6+s3], $0x80, v2, vm0, $0xb8;
	[tilespmem:$0x10100] =	vst v63  }
0x58d: {  	s22 =	simm.s32 $0xA100  }
0x58e: {  	[tilespmem:s22], [sflag:$0x2] =	stream.indirect_vreg.gather [hbm4b:s7+s3], $0x80, v2, vm0, $0xb8;
	[tilespmem:$0x10100] =	vst v63  }
0x58f: {  	s23 =	simm.s32 $0xA900  }
0x590: {  	[tilespmem:s23], [sflag:$0x2] =	stream.indirect_vreg.gather [hbm4b:s8+s3], $0x80, v2, vm0, $0xb8;
	[tilespmem:$0x10100] =	vst v63  }
0x591: {  	s24 =	simm.s32 $0xB100  }
0x592: {  	[tilespmem:s24], [sflag:$0x2] =	stream.indirect_vreg.gather [hbm4b:s9+s3], $0x80, v2, vm0, $0xb8;
	[tilespmem:$0x10100] =	vst v63  }
0x593: {  	s26 =	simm.s32 $0xB900  }
0x594: {  	[tilespmem:s26], [sflag:$0x2] =	stream.indirect_vreg.gather [hbm4b:s10+s3], $0x80, v2, vm0, $0xb8;
	[tilespmem:$0x10100] =	vst v63  }
0x595: {  	s30 =	simm.s32 $0xC100  }
0x596: {  	[tilespmem:s30], [sflag:$0x2] =	stream.indirect_vreg.gather [hbm4b:s11+s3], $0x80, v2, vm0, $0xb8;
	[tilespmem:$0x10100] =	vst v63  }
0x597: {  	s29 =	simm.s32 $0xC900  }
0x598: {  	[tilespmem:s29], [sflag:$0x2] =	stream.indirect_vreg.gather [hbm4b:s12+s3], $0x80, v2, vm0, $0xb8;
	[tilespmem:$0x10100] =	vst v63  }
0x599: {  	s30 =	simm.s32 $0xD100  }
0x59a: {  	[tilespmem:s30], [sflag:$0x2] =	stream.indirect_vreg.gather [hbm4b:s13+s3], $0x80, v2, vm0, $0xb8;
	[tilespmem:$0x10100] =	vst v63  }
0x59b: {  	s19 =	simm.s32 $0xD900  }
0x59c: {  	[tilespmem:s19], [sflag:$0x2] =	stream.indirect_vreg.gather [hbm4b:s14+s3], $0x80, v2, vm0, $0xb8;
	[tilespmem:$0x10100] =	vst v63  }
0x59d: {  	s22 =	simm.s32 $0xE100  }
0x59e: {  	[tilespmem:s22], [sflag:$0x2] =	stream.indirect_vreg.gather [hbm4b:s15+s3], $0x80, v2, vm0, $0xb8;
	[tilespmem:$0x10100] =	vst v63  }
0x59f: {  	s23 =	simm.s32 $0xE900  }
0x5a0: {  	[tilespmem:s23], [sflag:$0x2] =	stream.indirect_vreg.gather [hbm4b:s16+s3], $0x80, v2, vm0, $0xb8;
	[tilespmem:$0x10100] =	vst v63  }
0x5a1: {  	s24 =	simm.s32 $0xF100  }
0x5a2: {  	[tilespmem:s24], [sflag:$0x2] =	stream.indirect_vreg.gather [hbm4b:s17+s3], $0x80, v2, vm0, $0xb8;
	[tilespmem:$0x10100] =	vst v63  }
0x5a3: {  	s26 =	simm.s32 $0xF900  }
0x5a4: {  	[tilespmem:s26], [sflag:$0x2] =	stream.indirect_vreg.gather [hbm4b:s18+s3], $0x80, v2, vm0, $0xb8;
	[tilespmem:$0x10100] =	vst v63  }
0x5a5: {  	_ =	swait.ge [sflag:s31], $0x8000  }
0x5a6: {  	s28 =	sld [smem:$0x7FC]  }
0x5a7: {  	[sflag:s31] =	ssyncset.done $0x0  }
0x5a8: {  	[sflag:s31] =	ssyncadd.s32 $0xFFFF8000  }
0x5a9: {  	[hbm4b:s28+s3] =	stream.linear.scatter [tilespmem:s21], [sflag:$0x3], $0x8000, $0x38;
	[tilespmem:$0x10100] =	vst v63  }
0x5aa: {  	_ =	swait.ge [sflag:s20], $0x8000  }
0x5ab: {  	[sflag:s20] =	ssyncset.done $0x0  }
0x5ac: {  	[sflag:s20] =	ssyncadd.s32 $0xFFFF8000  }
0x5ad: {  	_ =	swait.ge [sflag:s1], $0x8000  }
0x5ae: {  	s30 =	sld [smem:$0x7F9];
	_ =	sdelay $0x1  }
0x5af: {  	s29 =	sld [smem:$0x7FD]  }
0x5b0: {  	[sflag:s1] =	ssyncset.done $0x0;
	p0 =	sne.s32 s30, $0x1  }
.Ltmp0:
0x5b1: {  	[sflag:s1] =	ssyncadd.s32 $0xFFFF8000;
	(pc) =	sbr.rel @p0 .LBB2_1-.Ltmp0, $4  }
0x5b2: {  	[hbm4b:s29+s3] =	stream.linear.scatter [tilespmem:s25], [sflag:$0x3], $0x8000, $0x38;
	[tilespmem:$0x10100] =	vst v63  }
0x5b3: {  	_ =	swait.ge [sflag:s20], $0x8000  }
0x5b4: {  	[sflag:s20] =	ssyncset.done $0x0  }
0x5b5: {  	s0 =	sadd.s32 $0xFFFFFFFF, s30;
	[sflag:s20] =	ssyncadd.s32 $0xFFFF8000  }
0x5b6: {  	_ =	sfence.sel $0x180000  }
0x5b7: {  	[bflag:$0x0] =	sbarrier.arrive $0xFFFF  }
0x5b8: {  	_ =	strace $0x90000047  }
0x5b9: {  	s0 =	stileid.u32;
	[bflag:$0x2] =	sbarrier.arrive $0xFFFF  }
0x5ba: {  	p0 =	sne.s32 s0, $0x0;
	s0 =	rddreg [dreg:$0x2]  }
0x5bb: {  	s0 =	sadd.s32 @!p0 $0x100000, s0  }
0x5bc: {  	[sflag:s0] =	ssyncadd.tile.s32 @!p0 $0x1;
	_ =	shalt  }
.Lfunc_end2:
_tile_overlayer_lowered:
.L_overlay_start_2:
0x5bd: {  	(tag) =	ssettag $0x2  }
0x5be: {  	s0 =	rddreg [dreg:$0x0];
	s2 =	stileid.u32  }
0x5bf: {  	s1 =	rddreg [dreg:$0x1];
	p0 =	sne.s32 s2, $0x0  }
0x5c0: {  	s3 =	rddreg [dreg:$0x2];
	[bflag:$0x3] =	sbarrier.arrive $0xFFFF;
	s2 =	simm.s32 @!p0 $0x1C03  }
0x5c1: {  	[timem:s3], [sflag:s2] =	dma.local @!p0 [hbm:s0], s1  }
0x5c2: {  	s0 =	simm.s32 @!p0 $0x3  }
0x5c3: {  	_ =	swait.ge @!p0 [sflag:s0], s1  }
0x5c4: {  	s1 =	ssub.s32 @!p0 $0x0, s1;
	[sflag:s0] =	ssyncset.done @!p0 $0x0  }
0x5c5: {  	[sflag:s0] =	ssyncadd.s32 @!p0 s1  }
0x5c6: {  	[bflag:$0x3] =	sbarrier.arrive $0xFFFF  }
0x5c7: {  	_ =	shalt  }

</sc_bundles>
